<compile_context>
chip_gen: v7x
topology: tpu7x:2x2x1
jax: 0.10.2.dev20260603
libtpu: 0.0.44.dev20260713+nightly
codegen_flags: <defaults>
</compile_context>

<pallas_src>
import functools

import jax
import jax.numpy as jnp
from jax import lax
from jax.experimental import pallas as pl
from jax.experimental.pallas import tpu as pltpu
from jax.experimental.pallas import tpu_sc as plsc

N = 10000
E = 320000
D = 128

NS = 16
NP = 10112
ROWS_PT = NP // NS
CHUNK = 64
IDXBLK = 32
NCHUNK = 320
DEPTH = 8
EPT = CHUNK * NCHUNK
EPAD = EPT * NS

_mesh2 = plsc.VectorSubcoreMesh(core_axis_name="c", subcore_axis_name="s")
_mesh1 = plsc.VectorSubcoreMesh(core_axis_name="c", subcore_axis_name="s",
                                num_cores=1)


@functools.partial(
    pl.kernel,
    mesh=_mesh2,
    compiler_params=pltpu.CompilerParams(use_tc_tiling_on_sc=False),
    out_type=jax.ShapeDtypeStruct((2, NP, 16), jnp.float32),
    scratch_types=[
        pltpu.VMEM_SHARED((NP, 16), jnp.float32),
        pltpu.VMEM((IDXBLK, CHUNK), jnp.int32),
        pltpu.VMEM((CHUNK, 16), jnp.float32),
        pltpu.SemaphoreType.DMA,
    ],
)
def _deg_kernel(dst_hbm, zeros_hbm, deg_out, deg_sh, dst_v, ones_v, dsem):
    c = lax.axis_index("c")
    s = lax.axis_index("s")
    pltpu.sync_copy(zeros_hbm, deg_sh.at[pl.ds(s * ROWS_PT, ROWS_PT)])

    @pl.loop(0, CHUNK)
    def _(j):
        ones_v.at[j][...] = jnp.full((16,), 1.0, jnp.float32)

    plsc.subcore_barrier()

    @pl.loop(0, NCHUNK, step=IDXBLK)
    def _(r):
        pltpu.sync_copy(dst_hbm.at[c, s, pl.ds(r, IDXBLK)], dst_v)
        sc = [pltpu.async_copy(ones_v, deg_sh.at[dst_v.at[j]], dsem, add=True)
              for j in range(IDXBLK)]
        for cp in sc:
            cp.wait()

    plsc.subcore_barrier()
    pltpu.sync_copy(deg_sh.at[pl.ds(s * ROWS_PT, ROWS_PT)],
                    deg_out.at[c, pl.ds(s * ROWS_PT, ROWS_PT)])


@functools.partial(
    pl.kernel,
    mesh=_mesh2,
    compiler_params=pltpu.CompilerParams(use_tc_tiling_on_sc=False),
    out_type=jax.ShapeDtypeStruct((2, NP, D), jnp.bfloat16),
    scratch_types=[
        pltpu.VMEM_SHARED((NP, D), jnp.bfloat16),
        pltpu.VMEM((IDXBLK, CHUNK), jnp.int32),
        pltpu.VMEM((IDXBLK, CHUNK), jnp.int32),
        pltpu.VMEM((DEPTH * CHUNK, D), jnp.bfloat16),
        pltpu.SemaphoreType.DMA,
        pltpu.SemaphoreType.DMA,
    ],
)
def _edge_kernel(y_hbm, src_hbm, dst_hbm, zeros_hbm, acc_out,
                 acc_sh, src_v, dst_v, rows_v, gsem, ssem):
    c = lax.axis_index("c")
    s = lax.axis_index("s")
    pltpu.sync_copy(zeros_hbm, acc_sh.at[pl.ds(s * ROWS_PT, ROWS_PT)])
    plsc.subcore_barrier()
    rows = [rows_v.at[pl.ds(b * CHUNK, CHUNK)] for b in range(DEPTH)]
    LAG = DEPTH - 1

    @pl.loop(0, NCHUNK, step=IDXBLK)
    def _(r):
        pltpu.sync_copy(src_hbm.at[c, s, pl.ds(r, IDXBLK)], src_v)
        pltpu.sync_copy(dst_hbm.at[c, s, pl.ds(r, IDXBLK)], dst_v)
        g = [None] * IDXBLK
        sc = [None] * IDXBLK
        for k in range(IDXBLK + LAG):
            if k < IDXBLK:
                if k >= DEPTH:
                    sc[k - DEPTH].wait()
                g[k] = pltpu.async_copy(y_hbm.at[c].at[src_v.at[k]],
                                        rows[k % DEPTH], gsem)
            j = k - LAG
            if j >= 0:
                g[j].wait()
                sc[j] = pltpu.async_copy(rows[j % DEPTH],
                                         acc_sh.at[dst_v.at[j]], ssem,
                                         add=True)
        for t in range(max(0, IDXBLK - DEPTH), IDXBLK):
            sc[t].wait()

    plsc.subcore_barrier()
    pltpu.sync_copy(acc_sh.at[pl.ds(s * ROWS_PT, ROWS_PT)],
                    acc_out.at[c, pl.ds(s * ROWS_PT, ROWS_PT)])


_BLK = 2528


def _xw_body(x1_ref, x2_ref, w1_ref, w2_ref, o1_ref, o2_ref):
    o1_ref[...] = jnp.dot(x1_ref[...], w1_ref[...],
                          preferred_element_type=jnp.float32)
    o2_ref[...] = jnp.dot(x2_ref[...], w2_ref[...],
                          preferred_element_type=jnp.float32)


def _tc_xw(x1, x2, w1, w2):
    return pl.pallas_call(
        _xw_body,
        grid=(NP // _BLK,),
        in_specs=[
            pl.BlockSpec((_BLK, D), lambda i: (i, 0)),
            pl.BlockSpec((_BLK, D), lambda i: (i, 0)),
            pl.BlockSpec((D, D), lambda i: (0, 0)),
            pl.BlockSpec((D, D), lambda i: (0, 0)),
        ],
        out_specs=[
            pl.BlockSpec((_BLK, D), lambda i: (i, 0)),
            pl.BlockSpec((_BLK, D), lambda i: (i, 0)),
        ],
        out_shape=[
            jax.ShapeDtypeStruct((NP, D), jnp.float32),
            jax.ShapeDtypeStruct((NP, D), jnp.float32),
        ],
    )(x1, x2, w1, w2)


def _scale_body(xw1_ref, xw2_ref, deg1_ref, deg2_ref,
                y1_ref, y2_ref, ybf_ref):
    d1 = lax.rsqrt(deg1_ref[...][:, 0:1] + 1.0)
    d2 = lax.rsqrt(deg2_ref[...][:, 0:1] + 1.0)
    v1 = xw1_ref[...] * d1
    v2 = xw2_ref[...] * d2
    y1_ref[...] = v1
    y2_ref[...] = v2
    ybf_ref[0] = v1.astype(jnp.bfloat16)
    ybf_ref[1] = v2.astype(jnp.bfloat16)


def _tc_scale(xw1, xw2, deg1, deg2):
    return pl.pallas_call(
        _scale_body,
        grid=(NP // _BLK,),
        in_specs=[
            pl.BlockSpec((_BLK, D), lambda i: (i, 0)),
            pl.BlockSpec((_BLK, D), lambda i: (i, 0)),
            pl.BlockSpec((_BLK, 16), lambda i: (i, 0)),
            pl.BlockSpec((_BLK, 16), lambda i: (i, 0)),
        ],
        out_specs=[
            pl.BlockSpec((_BLK, D), lambda i: (i, 0)),
            pl.BlockSpec((_BLK, D), lambda i: (i, 0)),
            pl.BlockSpec((2, _BLK, D), lambda i: (0, i, 0)),
        ],
        out_shape=[
            jax.ShapeDtypeStruct((NP, D), jnp.float32),
            jax.ShapeDtypeStruct((NP, D), jnp.float32),
            jax.ShapeDtypeStruct((2, NP, D), jnp.bfloat16),
        ],
    )(xw1, xw2, deg1, deg2)


def _final_body(acc1_ref, y1_ref, deg1_ref, b1_ref,
                acc2_ref, y2_ref, deg2_ref, b2_ref,
                wp_ref, bp_ref, o1_ref, o2_ref):
    for acc, y, deg, b, o in (
        (acc1_ref, y1_ref, deg1_ref, b1_ref, o1_ref),
        (acc2_ref, y2_ref, deg2_ref, b2_ref, o2_ref),
    ):
        d = lax.rsqrt(deg[...][:, 0:1] + 1.0)
        t = (acc[...].astype(jnp.float32) + y[...]) * d + b[...]
        t = jnp.maximum(t, 0.0)
        o[...] = jnp.dot(t, wp_ref[...],
                         preferred_element_type=jnp.float32) + bp_ref[...]


def _tc_final(acc1, y1, deg1, b1, acc2, y2, deg2, b2, wp, bp):
    return pl.pallas_call(
        _final_body,
        grid=(NP // _BLK,),
        in_specs=[
            pl.BlockSpec((_BLK, D), lambda i: (i, 0)),
            pl.BlockSpec((_BLK, D), lambda i: (i, 0)),
            pl.BlockSpec((_BLK, 16), lambda i: (i, 0)),
            pl.BlockSpec((1, D), lambda i: (0, 0)),
            pl.BlockSpec((_BLK, D), lambda i: (i, 0)),
            pl.BlockSpec((_BLK, D), lambda i: (i, 0)),
            pl.BlockSpec((_BLK, 16), lambda i: (i, 0)),
            pl.BlockSpec((1, D), lambda i: (0, 0)),
            pl.BlockSpec((D, D), lambda i: (0, 0)),
            pl.BlockSpec((1, D), lambda i: (0, 0)),
        ],
        out_specs=[
            pl.BlockSpec((_BLK, D), lambda i: (i, 0)),
            pl.BlockSpec((_BLK, D), lambda i: (i, 0)),
        ],
        out_shape=[
            jax.ShapeDtypeStruct((NP, D), jnp.float32),
            jax.ShapeDtypeStruct((NP, D), jnp.float32),
        ],
    )(acc1, y1, deg1, b1, acc2, y2, deg2, b2, wp, bp)


def _prep_edges(ei):
    pad = EPAD - E
    src = jnp.concatenate([ei[0].astype(jnp.int32),
                           jnp.full((pad,), N, jnp.int32)])
    dst = jnp.concatenate([ei[1].astype(jnp.int32),
                           N + (jnp.arange(pad, dtype=jnp.int32) % (NP - N))])
    return (src.reshape(NS, NCHUNK, CHUNK), dst.reshape(NS, NCHUNK, CHUNK))


def kernel(x_item, x_user, edge_index_ui, edge_index_iu,
           W_ui, b_ui, W_iu, b_iu, W_proj, b_proj):
    f32 = jnp.float32
    xi = jnp.pad(x_item.astype(f32), ((0, NP - N), (0, 0)))
    xu = jnp.pad(x_user.astype(f32), ((0, NP - N), (0, 0)))
    src0, dst0 = _prep_edges(edge_index_ui)
    src1, dst1 = _prep_edges(edge_index_iu)
    src_both = jnp.stack([src0, src1])
    dst_both = jnp.stack([dst0, dst1])

    zeros16 = jnp.zeros((ROWS_PT, 16), f32)
    zerosDbf = jnp.zeros((ROWS_PT, D), jnp.bfloat16)

    deg = _deg_kernel(dst_both, zeros16)
    xw_ui, xw_iu = _tc_xw(xi, xu, W_ui, W_iu)
    y_ui, y_iu, y_bf = _tc_scale(xw_ui, xw_iu, deg[0], deg[1])
    acc = _edge_kernel(y_bf, src_both, dst_both, zerosDbf)
    out_item, out_user = _tc_final(
        acc[0], y_ui, deg[0], b_ui.reshape(1, D),
        acc[1], y_iu, deg[1], b_iu.reshape(1, D),
        W_proj, b_proj.reshape(1, D))
    return (out_item[:N], out_user[:N])

# --- scband reference (transcript-rebuilt; emitter-appended) ---
"""Pipeline reference for scband-gnnrecommender-55499567399163 (READ-ONLY COPY).

The authoritative reference and input builder live on the scoring server;
editing this copy changes nothing except your own understanding.
"""

import jax, jax.numpy as jnp
import numpy as np

N_NODES = 10000
N_EDGES = 320000
D_IN = 128
D_H = 128


def gcn_conv(x, edge_index, W, b):
    # Faithful PyG GCNConv: lin -> gcn_norm (with self loops, symmetric norm) -> scatter-add -> +bias
    n = x.shape[0]
    loop = jnp.arange(n, dtype=edge_index.dtype)
    src = jnp.concatenate([edge_index[0], loop])
    dst = jnp.concatenate([edge_index[1], loop])
    ones = jnp.ones(src.shape[0], dtype=x.dtype)
    deg = jnp.zeros(n, dtype=x.dtype).at[dst].add(ones)
    dinv = jnp.where(deg > 0, jax.lax.rsqrt(deg), 0.0)
    norm = dinv[src] * dinv[dst]
    xw = x @ W
    msg = jnp.take(xw, src, axis=0) * norm[:, None]
    out = jnp.zeros((n, W.shape[1]), dtype=x.dtype).at[dst].add(msg)
    return out + b


def setup_inputs(seed: int = 0) -> dict:
    key = jax.random.key(seed)
    ks = jax.random.split(key, 12)
    x_item = jax.random.normal(ks[0], (N_NODES, D_IN), dtype=jnp.float32)
    x_user = jax.random.normal(ks[1], (N_NODES, D_IN), dtype=jnp.float32)
    edge_index_ui = jax.random.randint(ks[2], (2, N_EDGES), 0, N_NODES, dtype=jnp.int64 if jax.config.jax_enable_x64 else jnp.int32)
    edge_index_iu = jax.random.randint(ks[3], (2, N_EDGES), 0, N_NODES, dtype=jnp.int64 if jax.config.jax_enable_x64 else jnp.int32)
    W_ui = jax.random.normal(ks[4], (D_IN, D_H), dtype=jnp.float32) * 0.05
    b_ui = jnp.zeros((D_H,), dtype=jnp.float32)
    W_iu = jax.random.normal(ks[5], (D_IN, D_H), dtype=jnp.float32) * 0.05
    b_iu = jnp.zeros((D_H,), dtype=jnp.float32)
    W_proj = jax.random.normal(ks[6], (D_H, D_H), dtype=jnp.float32) * 0.05
    b_proj = jnp.zeros((D_H,), dtype=jnp.float32)
    return {
        "x_item": x_item,
        "x_user": x_user,
        "edge_index_ui": edge_index_ui,
        "edge_index_iu": edge_index_iu,
        "W_ui": W_ui,
        "b_ui": b_ui,
        "W_iu": W_iu,
        "b_iu": b_iu,
        "W_proj": W_proj,
        "b_proj": b_proj,
    }


def reference(x_item, x_user, edge_index_ui, edge_index_iu, W_ui, b_ui, W_iu, b_iu, W_proj, b_proj):
    # item_emb = relu(GCNConv(x_item, edge_index['user','interacts','item']))
    item_emb = jax.nn.relu(gcn_conv(x_item, edge_index_ui, W_ui, b_ui))
    # user_emb = relu(GCNConv(x_user, edge_index['item','rev_interacts','user']))
    user_emb = jax.nn.relu(gcn_conv(x_user, edge_index_iu, W_iu, b_iu))
    # shared projection applied to both
    item_emb = item_emb @ W_proj + b_proj
    user_emb = user_emb @ W_proj + b_proj
    return (item_emb, user_emb)

if __name__ == "__main__":
    import jax
    _d = setup_inputs()
    print(jax.jit(kernel)(*tuple(_d.values())))

</pallas_src>

<mosaic_0001>
#map = affine_map<(d0, d1) -> (0, 0, 0, 0)>
#map1 = affine_map<(d0, d1) -> (0, 0)>
#map2 = affine_map<(d0, d1) -> (0, 0, 0)>
module attributes {stable_mosaic.version = 14 : i64} {
  func.func @_deg_kernel(%arg0: i32, %arg1: i32, %arg2: memref<2x16x320x64xi32, #tpu.memory_space<hbm>>, %arg3: memref<632x16xf32, #tpu.memory_space<hbm>>, %arg4: memref<2x10112x16xf32, #tpu.memory_space<hbm>>, %arg5: memref<10112x16xf32, #tpu.memory_space<vmem_shared>>, %arg6: memref<32x64xi32, #tpu.memory_space<vmem>>, %arg7: memref<64x16xf32, #tpu.memory_space<vmem>>, %arg8: memref<!tpu.dma_semaphore, #tpu.memory_space<semaphore_mem>>) attributes {dimension_semantics = [#tpu.dimension_semantics<core_parallel>, #tpu.dimension_semantics<subcore_parallel>], iteration_bounds = array<i64: 2, 16>, scalar_prefetch = 0 : i64, scratch_operands = 4 : i64, tpu.core_type = #tpu.core_type<sc_vector_subcore>, window_params = [{transform_indices = #map}, {transform_indices = #map1}, {transform_indices = #map2}]} {
    %mul3A = arith.constant 632 : i32
    %mul3A_0 = arith.muli %arg1, %mul3A : i32
    "tpu.region"() ({
      %run_scoped3A = tpu.sem_alloc : memref<!tpu.dma_semaphore, #tpu.memory_space<semaphore_mem>>
      %dma_start3A = arith.constant 0 : i32
      %dma_start3A_15 = tpu.memref_slice %arg5[%mul3A_0, %dma_start3A] : memref<10112x16xf32, #tpu.memory_space<vmem_shared>> -> memref<632x16xf32, #tpu.memory_space<vmem_shared>>
      tpu.enqueue_dma source(%arg3 : memref<632x16xf32, #tpu.memory_space<hbm>>) target(%dma_start3A_15 : memref<632x16xf32, #tpu.memory_space<vmem_shared>>) target_semaphore(%run_scoped3A : memref<!tpu.dma_semaphore, #tpu.memory_space<semaphore_mem>>)
      %dma_wait3A = arith.constant 0 : i32
      %dma_wait3A_16 = tpu.memref_slice %arg5[%mul3A_0, %dma_wait3A] : memref<10112x16xf32, #tpu.memory_space<vmem_shared>> -> memref<632x16xf32, #tpu.memory_space<vmem_shared>>
      tpu.wait_dma2 semaphore(%run_scoped3A : memref<!tpu.dma_semaphore, #tpu.memory_space<semaphore_mem>>) src(%arg3 : memref<632x16xf32, #tpu.memory_space<hbm>>) dst(%dma_wait3A_16 : memref<632x16xf32, #tpu.memory_space<vmem_shared>>)
      tpu.yield
    }) : () -> ()
    %scan3A = arith.constant 0 : i32
    %scan3A_1 = arith.constant 64 : i32
    %scan3A_2 = arith.addi %scan3A, %scan3A_1 : i32
    %scan3A_3 = arith.constant 1 : i32
    scf.for %scan3A_15 = %scan3A to %scan3A_2 step %scan3A_3  : i32 {
      %mul3A_16 = arith.constant 1 : i32
      %mul3A_17 = arith.muli %scan3A_15, %mul3A_16 : i32
      %add3A = arith.constant 0 : i32
      %add3A_18 = arith.addi %add3A, %mul3A_17 : i32
      %broadcast_in_dim3A = arith.constant 1.000000e+00 : f32
      %broadcast_in_dim3A_19 = vector.broadcast %broadcast_in_dim3A : f32 to vector<16xf32>
      %swap3A = arith.index_cast %add3A_18 : i32 to index
      %swap3A_20 = arith.constant 0 : index
      %swap3A_21 = tpu.vector_load %arg7[%swap3A, %swap3A_20] {strides = array<i32>} : memref<64x16xf32, #tpu.memory_space<vmem>>, vector<1x16xf32>,
      %swap3A_22 = vector.shape_cast %swap3A_21 : vector<1x16xf32> to vector<16xf32>
      %swap3A_23 = vector.shape_cast %broadcast_in_dim3A_19 : vector<16xf32> to vector<1x16xf32>
      tpu.vector_store %arg7[%swap3A, %swap3A_20], %swap3A_23 {strides = array<i32>} : memref<64x16xf32, #tpu.memory_space<vmem>>, vector<1x16xf32>,
    }
    %scan3A_4 = arith.constant 64 : i32
    %barrier3A = arith.constant 0 : index
    tpu.barrier barrier_id(%barrier3A)
    %scan3A_5 = arith.constant 0 : i32
    %scan3A_6 = arith.constant 10 : i32
    %scan3A_7 = arith.addi %scan3A_5, %scan3A_6 : i32
    %scan3A_8 = arith.constant 1 : i32
    scf.for %scan3A_15 = %scan3A_5 to %scan3A_7 step %scan3A_8  : i32 {
      %mul3A_16 = arith.constant 32 : i32
      %mul3A_17 = arith.muli %scan3A_15, %mul3A_16 : i32
      %add3A = arith.constant 0 : i32
      %add3A_18 = arith.addi %add3A, %mul3A_17 : i32
      "tpu.region"() ({
        %run_scoped3A = tpu.sem_alloc : memref<!tpu.dma_semaphore, #tpu.memory_space<semaphore_mem>>
        %dma_start3A_465 = arith.constant 0 : i32
        %dma_start3A_466 = tpu.memref_slice %arg2[%arg0, %arg1, %add3A_18, %dma_start3A_465] : memref<2x16x320x64xi32, #tpu.memory_space<hbm>> -> memref<1x1x32x64xi32, #tpu.memory_space<hbm>>
        %dma_start3A_467 = tpu.memref_squeeze %dma_start3A_466 : memref<1x1x32x64xi32, #tpu.memory_space<hbm>> -> memref<32x64xi32, #tpu.memory_space<hbm>>
        %dma_start3A_468 = arith.constant 0 : i32
        %dma_start3A_469 = tpu.memref_slice %arg2[%arg0, %arg1, %add3A_18, %dma_start3A_468] : memref<2x16x320x64xi32, #tpu.memory_space<hbm>> -> memref<1x1x32x64xi32, #tpu.memory_space<hbm>>
        %dma_start3A_470 = tpu.memref_squeeze %dma_start3A_469 : memref<1x1x32x64xi32, #tpu.memory_space<hbm>> -> memref<32x64xi32, #tpu.memory_space<hbm>>
        tpu.enqueue_dma source(%dma_start3A_470 : memref<32x64xi32, #tpu.memory_space<hbm>>) target(%arg6 : memref<32x64xi32, #tpu.memory_space<vmem>>) target_semaphore(%run_scoped3A : memref<!tpu.dma_semaphore, #tpu.memory_space<semaphore_mem>>)
        %dma_wait3A_471 = arith.constant 0 : i32
        %dma_wait3A_472 = tpu.memref_slice %arg2[%arg0, %arg1, %add3A_18, %dma_wait3A_471] : memref<2x16x320x64xi32, #tpu.memory_space<hbm>> -> memref<1x1x32x64xi32, #tpu.memory_space<hbm>>
        %dma_wait3A_473 = tpu.memref_squeeze %dma_wait3A_472 : memref<1x1x32x64xi32, #tpu.memory_space<hbm>> -> memref<32x64xi32, #tpu.memory_space<hbm>>
        %dma_wait3A_474 = arith.constant 0 : i32
        %dma_wait3A_475 = tpu.memref_slice %arg2[%arg0, %arg1, %add3A_18, %dma_wait3A_474] : memref<2x16x320x64xi32, #tpu.memory_space<hbm>> -> memref<1x1x32x64xi32, #tpu.memory_space<hbm>>
        %dma_wait3A_476 = tpu.memref_squeeze %dma_wait3A_475 : memref<1x1x32x64xi32, #tpu.memory_space<hbm>> -> memref<32x64xi32, #tpu.memory_space<hbm>>
        tpu.wait_dma2 semaphore(%run_scoped3A : memref<!tpu.dma_semaphore, #tpu.memory_space<semaphore_mem>>) src(%dma_wait3A_476 : memref<32x64xi32, #tpu.memory_space<hbm>>) dst(%arg6 : memref<32x64xi32, #tpu.memory_space<vmem>>)
        tpu.yield
      }) : () -> ()
      %dma_start3A = arith.constant 0 : i32
      %dma_start3A_19 = arith.constant 0 : i32
      %dma_start3A_20 = tpu.memref_slice %arg6[%dma_start3A, %dma_start3A_19] : memref<32x64xi32, #tpu.memory_space<vmem>> -> memref<1x64xi32, #tpu.memory_space<vmem>>
      %dma_start3A_21 = tpu.memref_squeeze %dma_start3A_20 : memref<1x64xi32, #tpu.memory_space<vmem>> -> memref<64xi32, #tpu.memory_space<vmem>>
      %dma_start3A_22 = arith.constant 0 : i32
      %dma_start3A_23 = arith.constant 0 : i32
      %dma_start3A_24 = tpu.memref_slice %arg5[%dma_start3A_22, %dma_start3A_23] : memref<10112x16xf32, #tpu.memory_space<vmem_shared>> -> memref<10112x16xf32, #tpu.memory_space<vmem_shared>>
      tpu.enqueue_indirect_dma source(%arg7 : memref<64x16xf32, #tpu.memory_space<vmem>>) target(%dma_start3A_24 : memref<10112x16xf32, #tpu.memory_space<vmem_shared>>) offsets(%dma_start3A_21 : memref<64xi32, #tpu.memory_space<vmem>>) semaphore(%arg8 : memref<!tpu.dma_semaphore, #tpu.memory_space<semaphore_mem>>) {add = true}
      %dma_start3A_25 = arith.constant 1 : i32
      %dma_start3A_26 = arith.constant 0 : i32
      %dma_start3A_27 = tpu.memref_slice %arg6[%dma_start3A_25, %dma_start3A_26] : memref<32x64xi32, #tpu.memory_space<vmem>> -> memref<1x64xi32, #tpu.memory_space<vmem>>
      %dma_start3A_28 = tpu.memref_squeeze %dma_start3A_27 : memref<1x64xi32, #tpu.memory_space<vmem>> -> memref<64xi32, #tpu.memory_space<vmem>>
      %dma_start3A_29 = arith.constant 0 : i32
      %dma_start3A_30 = arith.constant 0 : i32
      %dma_start3A_31 = tpu.memref_slice %arg5[%dma_start3A_29, %dma_start3A_30] : memref<10112x16xf32, #tpu.memory_space<vmem_shared>> -> memref<10112x16xf32, #tpu.memory_space<vmem_shared>>
      tpu.enqueue_indirect_dma source(%arg7 : memref<64x16xf32, #tpu.memory_space<vmem>>) target(%dma_start3A_31 : memref<10112x16xf32, #tpu.memory_space<vmem_shared>>) offsets(%dma_start3A_28 : memref<64xi32, #tpu.memory_space<vmem>>) semaphore(%arg8 : memref<!tpu.dma_semaphore, #tpu.memory_space<semaphore_mem>>) {add = true}
      %dma_start3A_32 = arith.constant 2 : i32
      %dma_start3A_33 = arith.constant 0 : i32
      %dma_start3A_34 = tpu.memref_slice %arg6[%dma_start3A_32, %dma_start3A_33] : memref<32x64xi32, #tpu.memory_space<vmem>> -> memref<1x64xi32, #tpu.memory_space<vmem>>
      %dma_start3A_35 = tpu.memref_squeeze %dma_start3A_34 : memref<1x64xi32, #tpu.memory_space<vmem>> -> memref<64xi32, #tpu.memory_space<vmem>>
      %dma_start3A_36 = arith.constant 0 : i32
      %dma_start3A_37 = arith.constant 0 : i32
      %dma_start3A_38 = tpu.memref_slice %arg5[%dma_start3A_36, %dma_start3A_37] : memref<10112x16xf32, #tpu.memory_space<vmem_shared>> -> memref<10112x16xf32, #tpu.memory_space<vmem_shared>>
      tpu.enqueue_indirect_dma source(%arg7 : memref<64x16xf32, #tpu.memory_space<vmem>>) target(%dma_start3A_38 : memref<10112x16xf32, #tpu.memory_space<vmem_shared>>) offsets(%dma_start3A_35 : memref<64xi32, #tpu.memory_space<vmem>>) semaphore(%arg8 : memref<!tpu.dma_semaphore, #tpu.memory_space<semaphore_mem>>) {add = true}
      %dma_start3A_39 = arith.constant 3 : i32
      %dma_start3A_40 = arith.constant 0 : i32
      %dma_start3A_41 = tpu.memref_slice %arg6[%dma_start3A_39, %dma_start3A_40] : memref<32x64xi32, #tpu.memory_space<vmem>> -> memref<1x64xi32, #tpu.memory_space<vmem>>
      %dma_start3A_42 = tpu.memref_squeeze %dma_start3A_41 : memref<1x64xi32, #tpu.memory_space<vmem>> -> memref<64xi32, #tpu.memory_space<vmem>>
      %dma_start3A_43 = arith.constant 0 : i32
      %dma_start3A_44 = arith.constant 0 : i32
      %dma_start3A_45 = tpu.memref_slice %arg5[%dma_start3A_43, %dma_start3A_44] : memref<10112x16xf32, #tpu.memory_space<vmem_shared>> -> memref<10112x16xf32, #tpu.memory_space<vmem_shared>>
      tpu.enqueue_indirect_dma source(%arg7 : memref<64x16xf32, #tpu.memory_space<vmem>>) target(%dma_start3A_45 : memref<10112x16xf32, #tpu.memory_space<vmem_shared>>) offsets(%dma_start3A_42 : memref<64xi32, #tpu.memory_space<vmem>>) semaphore(%arg8 : memref<!tpu.dma_semaphore, #tpu.memory_space<semaphore_mem>>) {add = true}
      %dma_start3A_46 = arith.constant 4 : i32
      %dma_start3A_47 = arith.constant 0 : i32
      %dma_start3A_48 = tpu.memref_slice %arg6[%dma_start3A_46, %dma_start3A_47] : memref<32x64xi32, #tpu.memory_space<vmem>> -> memref<1x64xi32, #tpu.memory_space<vmem>>
      %dma_start3A_49 = tpu.memref_squeeze %dma_start3A_48 : memref<1x64xi32, #tpu.memory_space<vmem>> -> memref<64xi32, #tpu.memory_space<vmem>>
      %dma_start3A_50 = arith.constant 0 : i32
      %dma_start3A_51 = arith.constant 0 : i32
      %dma_start3A_52 = tpu.memref_slice %arg5[%dma_start3A_50, %dma_start3A_51] : memref<10112x16xf32, #tpu.memory_space<vmem_shared>> -> memref<10112x16xf32, #tpu.memory_space<vmem_shared>>
      tpu.enqueue_indirect_dma source(%arg7 : memref<64x16xf32, #tpu.memory_space<vmem>>) target(%dma_start3A_52 : memref<10112x16xf32, #tpu.memory_space<vmem_shared>>) offsets(%dma_start3A_49 : memref<64xi32, #tpu.memory_space<vmem>>) semaphore(%arg8 : memref<!tpu.dma_semaphore, #tpu.memory_space<semaphore_mem>>) {add = true}
      %dma_start3A_53 = arith.constant 5 : i32
      %dma_start3A_54 = arith.constant 0 : i32
      %dma_start3A_55 = tpu.memref_slice %arg6[%dma_start3A_53, %dma_start3A_54] : memref<32x64xi32, #tpu.memory_space<vmem>> -> memref<1x64xi32, #tpu.memory_space<vmem>>
      %dma_start3A_56 = tpu.memref_squeeze %dma_start3A_55 : memref<1x64xi32, #tpu.memory_space<vmem>> -> memref<64xi32, #tpu.memory_space<vmem>>
      %dma_start3A_57 = arith.constant 0 : i32
      %dma_start3A_58 = arith.constant 0 : i32
      %dma_start3A_59 = tpu.memref_slice %arg5[%dma_start3A_57, %dma_start3A_58] : memref<10112x16xf32, #tpu.memory_space<vmem_shared>> -> memref<10112x16xf32, #tpu.memory_space<vmem_shared>>
      tpu.enqueue_indirect_dma source(%arg7 : memref<64x16xf32, #tpu.memory_space<vmem>>) target(%dma_start3A_59 : memref<10112x16xf32, #tpu.memory_space<vmem_shared>>) offsets(%dma_start3A_56 : memref<64xi32, #tpu.memory_space<vmem>>) semaphore(%arg8 : memref<!tpu.dma_semaphore, #tpu.memory_space<semaphore_mem>>) {add = true}
      %dma_start3A_60 = arith.constant 6 : i32
      %dma_start3A_61 = arith.constant 0 : i32
      %dma_start3A_62 = tpu.memref_slice %arg6[%dma_start3A_60, %dma_start3A_61] : memref<32x64xi32, #tpu.memory_space<vmem>> -> memref<1x64xi32, #tpu.memory_space<vmem>>
      %dma_start3A_63 = tpu.memref_squeeze %dma_start3A_62 : memref<1x64xi32, #tpu.memory_space<vmem>> -> memref<64xi32, #tpu.memory_space<vmem>>
      %dma_start3A_64 = arith.constant 0 : i32
      %dma_start3A_65 = arith.constant 0 : i32
      %dma_start3A_66 = tpu.memref_slice %arg5[%dma_start3A_64, %dma_start3A_65] : memref<10112x16xf32, #tpu.memory_space<vmem_shared>> -> memref<10112x16xf32, #tpu.memory_space<vmem_shared>>
      tpu.enqueue_indirect_dma source(%arg7 : memref<64x16xf32, #tpu.memory_space<vmem>>) target(%dma_start3A_66 : memref<10112x16xf32, #tpu.memory_space<vmem_shared>>) offsets(%dma_start3A_63 : memref<64xi32, #tpu.memory_space<vmem>>) semaphore(%arg8 : memref<!tpu.dma_semaphore, #tpu.memory_space<semaphore_mem>>) {add = true}
      %dma_start3A_67 = arith.constant 7 : i32
      %dma_start3A_68 = arith.constant 0 : i32
      %dma_start3A_69 = tpu.memref_slice %arg6[%dma_start3A_67, %dma_start3A_68] : memref<32x64xi32, #tpu.memory_space<vmem>> -> memref<1x64xi32, #tpu.memory_space<vmem>>
      %dma_start3A_70 = tpu.memref_squeeze %dma_start3A_69 : memref<1x64xi32, #tpu.memory_space<vmem>> -> memref<64xi32, #tpu.memory_space<vmem>>
      %dma_start3A_71 = arith.constant 0 : i32
      %dma_start3A_72 = arith.constant 0 : i32
      %dma_start3A_73 = tpu.memref_slice %arg5[%dma_start3A_71, %dma_start3A_72] : memref<10112x16xf32, #tpu.memory_space<vmem_shared>> -> memref<10112x16xf32, #tpu.memory_space<vmem_shared>>
      tpu.enqueue_indirect_dma source(%arg7 : memref<64x16xf32, #tpu.memory_space<vmem>>) target(%dma_start3A_73 : memref<10112x16xf32, #tpu.memory_space<vmem_shared>>) offsets(%dma_start3A_70 : memref<64xi32, #tpu.memory_space<vmem>>) semaphore(%arg8 : memref<!tpu.dma_semaphore, #tpu.memory_space<semaphore_mem>>) {add = true}
      %dma_start3A_74 = arith.constant 8 : i32
      %dma_start3A_75 = arith.constant 0 : i32
      %dma_start3A_76 = tpu.memref_slice %arg6[%dma_start3A_74, %dma_start3A_75] : memref<32x64xi32, #tpu.memory_space<vmem>> -> memref<1x64xi32, #tpu.memory_space<vmem>>
      %dma_start3A_77 = tpu.memref_squeeze %dma_start3A_76 : memref<1x64xi32, #tpu.memory_space<vmem>> -> memref<64xi32, #tpu.memory_space<vmem>>
      %dma_start3A_78 = arith.constant 0 : i32
      %dma_start3A_79 = arith.constant 0 : i32
      %dma_start3A_80 = tpu.memref_slice %arg5[%dma_start3A_78, %dma_start3A_79] : memref<10112x16xf32, #tpu.memory_space<vmem_shared>> -> memref<10112x16xf32, #tpu.memory_space<vmem_shared>>
      tpu.enqueue_indirect_dma source(%arg7 : memref<64x16xf32, #tpu.memory_space<vmem>>) target(%dma_start3A_80 : memref<10112x16xf32, #tpu.memory_space<vmem_shared>>) offsets(%dma_start3A_77 : memref<64xi32, #tpu.memory_space<vmem>>) semaphore(%arg8 : memref<!tpu.dma_semaphore, #tpu.memory_space<semaphore_mem>>) {add = true}
      %dma_start3A_81 = arith.constant 9 : i32
      %dma_start3A_82 = arith.constant 0 : i32
      %dma_start3A_83 = tpu.memref_slice %arg6[%dma_start3A_81, %dma_start3A_82] : memref<32x64xi32, #tpu.memory_space<vmem>> -> memref<1x64xi32, #tpu.memory_space<vmem>>
      %dma_start3A_84 = tpu.memref_squeeze %dma_start3A_83 : memref<1x64xi32, #tpu.memory_space<vmem>> -> memref<64xi32, #tpu.memory_space<vmem>>
      %dma_start3A_85 = arith.constant 0 : i32
      %dma_start3A_86 = arith.constant 0 : i32
      %dma_start3A_87 = tpu.memref_slice %arg5[%dma_start3A_85, %dma_start3A_86] : memref<10112x16xf32, #tpu.memory_space<vmem_shared>> -> memref<10112x16xf32, #tpu.memory_space<vmem_shared>>
      tpu.enqueue_indirect_dma source(%arg7 : memref<64x16xf32, #tpu.memory_space<vmem>>) target(%dma_start3A_87 : memref<10112x16xf32, #tpu.memory_space<vmem_shared>>) offsets(%dma_start3A_84 : memref<64xi32, #tpu.memory_space<vmem>>) semaphore(%arg8 : memref<!tpu.dma_semaphore, #tpu.memory_space<semaphore_mem>>) {add = true}
      %dma_start3A_88 = arith.constant 10 : i32
      %dma_start3A_89 = arith.constant 0 : i32
      %dma_start3A_90 = tpu.memref_slice %arg6[%dma_start3A_88, %dma_start3A_89] : memref<32x64xi32, #tpu.memory_space<vmem>> -> memref<1x64xi32, #tpu.memory_space<vmem>>
      %dma_start3A_91 = tpu.memref_squeeze %dma_start3A_90 : memref<1x64xi32, #tpu.memory_space<vmem>> -> memref<64xi32, #tpu.memory_space<vmem>>
      %dma_start3A_92 = arith.constant 0 : i32
      %dma_start3A_93 = arith.constant 0 : i32
      %dma_start3A_94 = tpu.memref_slice %arg5[%dma_start3A_92, %dma_start3A_93] : memref<10112x16xf32, #tpu.memory_space<vmem_shared>> -> memref<10112x16xf32, #tpu.memory_space<vmem_shared>>
      tpu.enqueue_indirect_dma source(%arg7 : memref<64x16xf32, #tpu.memory_space<vmem>>) target(%dma_start3A_94 : memref<10112x16xf32, #tpu.memory_space<vmem_shared>>) offsets(%dma_start3A_91 : memref<64xi32, #tpu.memory_space<vmem>>) semaphore(%arg8 : memref<!tpu.dma_semaphore, #tpu.memory_space<semaphore_mem>>) {add = true}
      %dma_start3A_95 = arith.constant 11 : i32
      %dma_start3A_96 = arith.constant 0 : i32
      %dma_start3A_97 = tpu.memref_slice %arg6[%dma_start3A_95, %dma_start3A_96] : memref<32x64xi32, #tpu.memory_space<vmem>> -> memref<1x64xi32, #tpu.memory_space<vmem>>
      %dma_start3A_98 = tpu.memref_squeeze %dma_start3A_97 : memref<1x64xi32, #tpu.memory_space<vmem>> -> memref<64xi32, #tpu.memory_space<vmem>>
      %dma_start3A_99 = arith.constant 0 : i32
      %dma_start3A_100 = arith.constant 0 : i32
      %dma_start3A_101 = tpu.memref_slice %arg5[%dma_start3A_99, %dma_start3A_100] : memref<10112x16xf32, #tpu.memory_space<vmem_shared>> -> memref<10112x16xf32, #tpu.memory_space<vmem_shared>>
      tpu.enqueue_indirect_dma source(%arg7 : memref<64x16xf32, #tpu.memory_space<vmem>>) target(%dma_start3A_101 : memref<10112x16xf32, #tpu.memory_space<vmem_shared>>) offsets(%dma_start3A_98 : memref<64xi32, #tpu.memory_space<vmem>>) semaphore(%arg8 : memref<!tpu.dma_semaphore, #tpu.memory_space<semaphore_mem>>) {add = true}
      %dma_start3A_102 = arith.constant 12 : i32
      %dma_start3A_103 = arith.constant 0 : i32
      %dma_start3A_104 = tpu.memref_slice %arg6[%dma_start3A_102, %dma_start3A_103] : memref<32x64xi32, #tpu.memory_space<vmem>> -> memref<1x64xi32, #tpu.memory_space<vmem>>
      %dma_start3A_105 = tpu.memref_squeeze %dma_start3A_104 : memref<1x64xi32, #tpu.memory_space<vmem>> -> memref<64xi32, #tpu.memory_space<vmem>>
      %dma_start3A_106 = arith.constant 0 : i32
      %dma_start3A_107 = arith.constant 0 : i32
      %dma_start3A_108 = tpu.memref_slice %arg5[%dma_start3A_106, %dma_start3A_107] : memref<10112x16xf32, #tpu.memory_space<vmem_shared>> -> memref<10112x16xf32, #tpu.memory_space<vmem_shared>>
      tpu.enqueue_indirect_dma source(%arg7 : memref<64x16xf32, #tpu.memory_space<vmem>>) target(%dma_start3A_108 : memref<10112x16xf32, #tpu.memory_space<vmem_shared>>) offsets(%dma_start3A_105 : memref<64xi32, #tpu.memory_space<vmem>>) semaphore(%arg8 : memref<!tpu.dma_semaphore, #tpu.memory_space<semaphore_mem>>) {add = true}
      %dma_start3A_109 = arith.constant 13 : i32
      %dma_start3A_110 = arith.constant 0 : i32
      %dma_start3A_111 = tpu.memref_slice %arg6[%dma_start3A_109, %dma_start3A_110] : memref<32x64xi32, #tpu.memory_space<vmem>> -> memref<1x64xi32, #tpu.memory_space<vmem>>
      %dma_start3A_112 = tpu.memref_squeeze %dma_start3A_111 : memref<1x64xi32, #tpu.memory_space<vmem>> -> memref<64xi32, #tpu.memory_space<vmem>>
      %dma_start3A_113 = arith.constant 0 : i32
      %dma_start3A_114 = arith.constant 0 : i32
      %dma_start3A_115 = tpu.memref_slice %arg5[%dma_start3A_113, %dma_start3A_114] : memref<10112x16xf32, #tpu.memory_space<vmem_shared>> -> memref<10112x16xf32, #tpu.memory_space<vmem_shared>>
      tpu.enqueue_indirect_dma source(%arg7 : memref<64x16xf32, #tpu.memory_space<vmem>>) target(%dma_start3A_115 : memref<10112x16xf32, #tpu.memory_space<vmem_shared>>) offsets(%dma_start3A_112 : memref<64xi32, #tpu.memory_space<vmem>>) semaphore(%arg8 : memref<!tpu.dma_semaphore, #tpu.memory_space<semaphore_mem>>) {add = true}
      %dma_start3A_116 = arith.constant 14 : i32
      %dma_start3A_117 = arith.constant 0 : i32
      %dma_start3A_118 = tpu.memref_slice %arg6[%dma_start3A_116, %dma_start3A_117] : memref<32x64xi32, #tpu.memory_space<vmem>> -> memref<1x64xi32, #tpu.memory_space<vmem>>
      %dma_start3A_119 = tpu.memref_squeeze %dma_start3A_118 : memref<1x64xi32, #tpu.memory_space<vmem>> -> memref<64xi32, #tpu.memory_space<vmem>>
      %dma_start3A_120 = arith.constant 0 : i32
      %dma_start3A_121 = arith.constant 0 : i32
      %dma_start3A_122 = tpu.memref_slice %arg5[%dma_start3A_120, %dma_start3A_121] : memref<10112x16xf32, #tpu.memory_space<vmem_shared>> -> memref<10112x16xf32, #tpu.memory_space<vmem_shared>>
      tpu.enqueue_indirect_dma source(%arg7 : memref<64x16xf32, #tpu.memory_space<vmem>>) target(%dma_start3A_122 : memref<10112x16xf32, #tpu.memory_space<vmem_shared>>) offsets(%dma_start3A_119 : memref<64xi32, #tpu.memory_space<vmem>>) semaphore(%arg8 : memref<!tpu.dma_semaphore, #tpu.memory_space<semaphore_mem>>) {add = true}
      %dma_start3A_123 = arith.constant 15 : i32
      %dma_start3A_124 = arith.constant 0 : i32
      %dma_start3A_125 = tpu.memref_slice %arg6[%dma_start3A_123, %dma_start3A_124] : memref<32x64xi32, #tpu.memory_space<vmem>> -> memref<1x64xi32, #tpu.memory_space<vmem>>
      %dma_start3A_126 = tpu.memref_squeeze %dma_start3A_125 : memref<1x64xi32, #tpu.memory_space<vmem>> -> memref<64xi32, #tpu.memory_space<vmem>>
      %dma_start3A_127 = arith.constant 0 : i32
      %dma_start3A_128 = arith.constant 0 : i32
      %dma_start3A_129 = tpu.memref_slice %arg5[%dma_start3A_127, %dma_start3A_128] : memref<10112x16xf32, #tpu.memory_space<vmem_shared>> -> memref<10112x16xf32, #tpu.memory_space<vmem_shared>>
      tpu.enqueue_indirect_dma source(%arg7 : memref<64x16xf32, #tpu.memory_space<vmem>>) target(%dma_start3A_129 : memref<10112x16xf32, #tpu.memory_space<vmem_shared>>) offsets(%dma_start3A_126 : memref<64xi32, #tpu.memory_space<vmem>>) semaphore(%arg8 : memref<!tpu.dma_semaphore, #tpu.memory_space<semaphore_mem>>) {add = true}
      %dma_start3A_130 = arith.constant 16 : i32
      %dma_start3A_131 = arith.constant 0 : i32
      %dma_start3A_132 = tpu.memref_slice %arg6[%dma_start3A_130, %dma_start3A_131] : memref<32x64xi32, #tpu.memory_space<vmem>> -> memref<1x64xi32, #tpu.memory_space<vmem>>
      %dma_start3A_133 = tpu.memref_squeeze %dma_start3A_132 : memref<1x64xi32, #tpu.memory_space<vmem>> -> memref<64xi32, #tpu.memory_space<vmem>>
      %dma_start3A_134 = arith.constant 0 : i32
      %dma_start3A_135 = arith.constant 0 : i32
      %dma_start3A_136 = tpu.memref_slice %arg5[%dma_start3A_134, %dma_start3A_135] : memref<10112x16xf32, #tpu.memory_space<vmem_shared>> -> memref<10112x16xf32, #tpu.memory_space<vmem_shared>>
      tpu.enqueue_indirect_dma source(%arg7 : memref<64x16xf32, #tpu.memory_space<vmem>>) target(%dma_start3A_136 : memref<10112x16xf32, #tpu.memory_space<vmem_shared>>) offsets(%dma_start3A_133 : memref<64xi32, #tpu.memory_space<vmem>>) semaphore(%arg8 : memref<!tpu.dma_semaphore, #tpu.memory_space<semaphore_mem>>) {add = true}
      %dma_start3A_137 = arith.constant 17 : i32
      %dma_start3A_138 = arith.constant 0 : i32
      %dma_start3A_139 = tpu.memref_slice %arg6[%dma_start3A_137, %dma_start3A_138] : memref<32x64xi32, #tpu.memory_space<vmem>> -> memref<1x64xi32, #tpu.memory_space<vmem>>
      %dma_start3A_140 = tpu.memref_squeeze %dma_start3A_139 : memref<1x64xi32, #tpu.memory_space<vmem>> -> memref<64xi32, #tpu.memory_space<vmem>>
      %dma_start3A_141 = arith.constant 0 : i32
      %dma_start3A_142 = arith.constant 0 : i32
      %dma_start3A_143 = tpu.memref_slice %arg5[%dma_start3A_141, %dma_start3A_142] : memref<10112x16xf32, #tpu.memory_space<vmem_shared>> -> memref<10112x16xf32, #tpu.memory_space<vmem_shared>>
      tpu.enqueue_indirect_dma source(%arg7 : memref<64x16xf32, #tpu.memory_space<vmem>>) target(%dma_start3A_143 : memref<10112x16xf32, #tpu.memory_space<vmem_shared>>) offsets(%dma_start3A_140 : memref<64xi32, #tpu.memory_space<vmem>>) semaphore(%arg8 : memref<!tpu.dma_semaphore, #tpu.memory_space<semaphore_mem>>) {add = true}
      %dma_start3A_144 = arith.constant 18 : i32
      %dma_start3A_145 = arith.constant 0 : i32
      %dma_start3A_146 = tpu.memref_slice %arg6[%dma_start3A_144, %dma_start3A_145] : memref<32x64xi32, #tpu.memory_space<vmem>> -> memref<1x64xi32, #tpu.memory_space<vmem>>
      %dma_start3A_147 = tpu.memref_squeeze %dma_start3A_146 : memref<1x64xi32, #tpu.memory_space<vmem>> -> memref<64xi32, #tpu.memory_space<vmem>>
      %dma_start3A_148 = arith.constant 0 : i32
      %dma_start3A_149 = arith.constant 0 : i32
      %dma_start3A_150 = tpu.memref_slice %arg5[%dma_start3A_148, %dma_start3A_149] : memref<10112x16xf32, #tpu.memory_space<vmem_shared>> -> memref<10112x16xf32, #tpu.memory_space<vmem_shared>>
      tpu.enqueue_indirect_dma source(%arg7 : memref<64x16xf32, #tpu.memory_space<vmem>>) target(%dma_start3A_150 : memref<10112x16xf32, #tpu.memory_space<vmem_shared>>) offsets(%dma_start3A_147 : memref<64xi32, #tpu.memory_space<vmem>>) semaphore(%arg8 : memref<!tpu.dma_semaphore, #tpu.memory_space<semaphore_mem>>) {add = true}
      %dma_start3A_151 = arith.constant 19 : i32
      %dma_start3A_152 = arith.constant 0 : i32
      %dma_start3A_153 = tpu.memref_slice %arg6[%dma_start3A_151, %dma_start3A_152] : memref<32x64xi32, #tpu.memory_space<vmem>> -> memref<1x64xi32, #tpu.memory_space<vmem>>
      %dma_start3A_154 = tpu.memref_squeeze %dma_start3A_153 : memref<1x64xi32, #tpu.memory_space<vmem>> -> memref<64xi32, #tpu.memory_space<vmem>>
      %dma_start3A_155 = arith.constant 0 : i32
      %dma_start3A_156 = arith.constant 0 : i32
      %dma_start3A_157 = tpu.memref_slice %arg5[%dma_start3A_155, %dma_start3A_156] : memref<10112x16xf32, #tpu.memory_space<vmem_shared>> -> memref<10112x16xf32, #tpu.memory_space<vmem_shared>>
      tpu.enqueue_indirect_dma source(%arg7 : memref<64x16xf32, #tpu.memory_space<vmem>>) target(%dma_start3A_157 : memref<10112x16xf32, #tpu.memory_space<vmem_shared>>) offsets(%dma_start3A_154 : memref<64xi32, #tpu.memory_space<vmem>>) semaphore(%arg8 : memref<!tpu.dma_semaphore, #tpu.memory_space<semaphore_mem>>) {add = true}
      %dma_start3A_158 = arith.constant 20 : i32
      %dma_start3A_159 = arith.constant 0 : i32
      %dma_start3A_160 = tpu.memref_slice %arg6[%dma_start3A_158, %dma_start3A_159] : memref<32x64xi32, #tpu.memory_space<vmem>> -> memref<1x64xi32, #tpu.memory_space<vmem>>
      %dma_start3A_161 = tpu.memref_squeeze %dma_start3A_160 : memref<1x64xi32, #tpu.memory_space<vmem>> -> memref<64xi32, #tpu.memory_space<vmem>>
      %dma_start3A_162 = arith.constant 0 : i32
      %dma_start3A_163 = arith.constant 0 : i32
      %dma_start3A_164 = tpu.memref_slice %arg5[%dma_start3A_162, %dma_start3A_163] : memref<10112x16xf32, #tpu.memory_space<vmem_shared>> -> memref<10112x16xf32, #tpu.memory_space<vmem_shared>>
      tpu.enqueue_indirect_dma source(%arg7 : memref<64x16xf32, #tpu.memory_space<vmem>>) target(%dma_start3A_164 : memref<10112x16xf32, #tpu.memory_space<vmem_shared>>) offsets(%dma_start3A_161 : memref<64xi32, #tpu.memory_space<vmem>>) semaphore(%arg8 : memref<!tpu.dma_semaphore, #tpu.memory_space<semaphore_mem>>) {add = true}
      %dma_start3A_165 = arith.constant 21 : i32
      %dma_start3A_166 = arith.constant 0 : i32
      %dma_start3A_167 = tpu.memref_slice %arg6[%dma_start3A_165, %dma_start3A_166] : memref<32x64xi32, #tpu.memory_space<vmem>> -> memref<1x64xi32, #tpu.memory_space<vmem>>
      %dma_start3A_168 = tpu.memref_squeeze %dma_start3A_167 : memref<1x64xi32, #tpu.memory_space<vmem>> -> memref<64xi32, #tpu.memory_space<vmem>>
      %dma_start3A_169 = arith.constant 0 : i32
      %dma_start3A_170 = arith.constant 0 : i32
      %dma_start3A_171 = tpu.memref_slice %arg5[%dma_start3A_169, %dma_start3A_170] : memref<10112x16xf32, #tpu.memory_space<vmem_shared>> -> memref<10112x16xf32, #tpu.memory_space<vmem_shared>>
      tpu.enqueue_indirect_dma source(%arg7 : memref<64x16xf32, #tpu.memory_space<vmem>>) target(%dma_start3A_171 : memref<10112x16xf32, #tpu.memory_space<vmem_shared>>) offsets(%dma_start3A_168 : memref<64xi32, #tpu.memory_space<vmem>>) semaphore(%arg8 : memref<!tpu.dma_semaphore, #tpu.memory_space<semaphore_mem>>) {add = true}
      %dma_start3A_172 = arith.constant 22 : i32
      %dma_start3A_173 = arith.constant 0 : i32
      %dma_start3A_174 = tpu.memref_slice %arg6[%dma_start3A_172, %dma_start3A_173] : memref<32x64xi32, #tpu.memory_space<vmem>> -> memref<1x64xi32, #tpu.memory_space<vmem>>
      %dma_start3A_175 = tpu.memref_squeeze %dma_start3A_174 : memref<1x64xi32, #tpu.memory_space<vmem>> -> memref<64xi32, #tpu.memory_space<vmem>>
      %dma_start3A_176 = arith.constant 0 : i32
      %dma_start3A_177 = arith.constant 0 : i32
      %dma_start3A_178 = tpu.memref_slice %arg5[%dma_start3A_176, %dma_start3A_177] : memref<10112x16xf32, #tpu.memory_space<vmem_shared>> -> memref<10112x16xf32, #tpu.memory_space<vmem_shared>>
      tpu.enqueue_indirect_dma source(%arg7 : memref<64x16xf32, #tpu.memory_space<vmem>>) target(%dma_start3A_178 : memref<10112x16xf32, #tpu.memory_space<vmem_shared>>) offsets(%dma_start3A_175 : memref<64xi32, #tpu.memory_space<vmem>>) semaphore(%arg8 : memref<!tpu.dma_semaphore, #tpu.memory_space<semaphore_mem>>) {add = true}
      %dma_start3A_179 = arith.constant 23 : i32
      %dma_start3A_180 = arith.constant 0 : i32
      %dma_start3A_181 = tpu.memref_slice %arg6[%dma_start3A_179, %dma_start3A_180] : memref<32x64xi32, #tpu.memory_space<vmem>> -> memref<1x64xi32, #tpu.memory_space<vmem>>
      %dma_start3A_182 = tpu.memref_squeeze %dma_start3A_181 : memref<1x64xi32, #tpu.memory_space<vmem>> -> memref<64xi32, #tpu.memory_space<vmem>>
      %dma_start3A_183 = arith.constant 0 : i32
      %dma_start3A_184 = arith.constant 0 : i32
      %dma_start3A_185 = tpu.memref_slice %arg5[%dma_start3A_183, %dma_start3A_184] : memref<10112x16xf32, #tpu.memory_space<vmem_shared>> -> memref<10112x16xf32, #tpu.memory_space<vmem_shared>>
      tpu.enqueue_indirect_dma source(%arg7 : memref<64x16xf32, #tpu.memory_space<vmem>>) target(%dma_start3A_185 : memref<10112x16xf32, #tpu.memory_space<vmem_shared>>) offsets(%dma_start3A_182 : memref<64xi32, #tpu.memory_space<vmem>>) semaphore(%arg8 : memref<!tpu.dma_semaphore, #tpu.memory_space<semaphore_mem>>) {add = true}
      %dma_start3A_186 = arith.constant 24 : i32
      %dma_start3A_187 = arith.constant 0 : i32
      %dma_start3A_188 = tpu.memref_slice %arg6[%dma_start3A_186, %dma_start3A_187] : memref<32x64xi32, #tpu.memory_space<vmem>> -> memref<1x64xi32, #tpu.memory_space<vmem>>
      %dma_start3A_189 = tpu.memref_squeeze %dma_start3A_188 : memref<1x64xi32, #tpu.memory_space<vmem>> -> memref<64xi32, #tpu.memory_space<vmem>>
      %dma_start3A_190 = arith.constant 0 : i32
      %dma_start3A_191 = arith.constant 0 : i32
      %dma_start3A_192 = tpu.memref_slice %arg5[%dma_start3A_190, %dma_start3A_191] : memref<10112x16xf32, #tpu.memory_space<vmem_shared>> -> memref<10112x16xf32, #tpu.memory_space<vmem_shared>>
      tpu.enqueue_indirect_dma source(%arg7 : memref<64x16xf32, #tpu.memory_space<vmem>>) target(%dma_start3A_192 : memref<10112x16xf32, #tpu.memory_space<vmem_shared>>) offsets(%dma_start3A_189 : memref<64xi32, #tpu.memory_space<vmem>>) semaphore(%arg8 : memref<!tpu.dma_semaphore, #tpu.memory_space<semaphore_mem>>) {add = true}
      %dma_start3A_193 = arith.constant 25 : i32
      %dma_start3A_194 = arith.constant 0 : i32
      %dma_start3A_195 = tpu.memref_slice %arg6[%dma_start3A_193, %dma_start3A_194] : memref<32x64xi32, #tpu.memory_space<vmem>> -> memref<1x64xi32, #tpu.memory_space<vmem>>
      %dma_start3A_196 = tpu.memref_squeeze %dma_start3A_195 : memref<1x64xi32, #tpu.memory_space<vmem>> -> memref<64xi32, #tpu.memory_space<vmem>>
      %dma_start3A_197 = arith.constant 0 : i32
      %dma_start3A_198 = arith.constant 0 : i32
      %dma_start3A_199 = tpu.memref_slice %arg5[%dma_start3A_197, %dma_start3A_198] : memref<10112x16xf32, #tpu.memory_space<vmem_shared>> -> memref<10112x16xf32, #tpu.memory_space<vmem_shared>>
      tpu.enqueue_indirect_dma source(%arg7 : memref<64x16xf32, #tpu.memory_space<vmem>>) target(%dma_start3A_199 : memref<10112x16xf32, #tpu.memory_space<vmem_shared>>) offsets(%dma_start3A_196 : memref<64xi32, #tpu.memory_space<vmem>>) semaphore(%arg8 : memref<!tpu.dma_semaphore, #tpu.memory_space<semaphore_mem>>) {add = true}
      %dma_start3A_200 = arith.constant 26 : i32
      %dma_start3A_201 = arith.constant 0 : i32
      %dma_start3A_202 = tpu.memref_slice %arg6[%dma_start3A_200, %dma_start3A_201] : memref<32x64xi32, #tpu.memory_space<vmem>> -> memref<1x64xi32, #tpu.memory_space<vmem>>
      %dma_start3A_203 = tpu.memref_squeeze %dma_start3A_202 : memref<1x64xi32, #tpu.memory_space<vmem>> -> memref<64xi32, #tpu.memory_space<vmem>>
      %dma_start3A_204 = arith.constant 0 : i32
      %dma_start3A_205 = arith.constant 0 : i32
      %dma_start3A_206 = tpu.memref_slice %arg5[%dma_start3A_204, %dma_start3A_205] : memref<10112x16xf32, #tpu.memory_space<vmem_shared>> -> memref<10112x16xf32, #tpu.memory_space<vmem_shared>>
      tpu.enqueue_indirect_dma source(%arg7 : memref<64x16xf32, #tpu.memory_space<vmem>>) target(%dma_start3A_206 : memref<10112x16xf32, #tpu.memory_space<vmem_shared>>) offsets(%dma_start3A_203 : memref<64xi32, #tpu.memory_space<vmem>>) semaphore(%arg8 : memref<!tpu.dma_semaphore, #tpu.memory_space<semaphore_mem>>) {add = true}
      %dma_start3A_207 = arith.constant 27 : i32
      %dma_start3A_208 = arith.constant 0 : i32
      %dma_start3A_209 = tpu.memref_slice %arg6[%dma_start3A_207, %dma_start3A_208] : memref<32x64xi32, #tpu.memory_space<vmem>> -> memref<1x64xi32, #tpu.memory_space<vmem>>
      %dma_start3A_210 = tpu.memref_squeeze %dma_start3A_209 : memref<1x64xi32, #tpu.memory_space<vmem>> -> memref<64xi32, #tpu.memory_space<vmem>>
      %dma_start3A_211 = arith.constant 0 : i32
      %dma_start3A_212 = arith.constant 0 : i32
      %dma_start3A_213 = tpu.memref_slice %arg5[%dma_start3A_211, %dma_start3A_212] : memref<10112x16xf32, #tpu.memory_space<vmem_shared>> -> memref<10112x16xf32, #tpu.memory_space<vmem_shared>>
      tpu.enqueue_indirect_dma source(%arg7 : memref<64x16xf32, #tpu.memory_space<vmem>>) target(%dma_start3A_213 : memref<10112x16xf32, #tpu.memory_space<vmem_shared>>) offsets(%dma_start3A_210 : memref<64xi32, #tpu.memory_space<vmem>>) semaphore(%arg8 : memref<!tpu.dma_semaphore, #tpu.memory_space<semaphore_mem>>) {add = true}
      %dma_start3A_214 = arith.constant 28 : i32
      %dma_start3A_215 = arith.constant 0 : i32
      %dma_start3A_216 = tpu.memref_slice %arg6[%dma_start3A_214, %dma_start3A_215] : memref<32x64xi32, #tpu.memory_space<vmem>> -> memref<1x64xi32, #tpu.memory_space<vmem>>
      %dma_start3A_217 = tpu.memref_squeeze %dma_start3A_216 : memref<1x64xi32, #tpu.memory_space<vmem>> -> memref<64xi32, #tpu.memory_space<vmem>>
      %dma_start3A_218 = arith.constant 0 : i32
      %dma_start3A_219 = arith.constant 0 : i32
      %dma_start3A_220 = tpu.memref_slice %arg5[%dma_start3A_218, %dma_start3A_219] : memref<10112x16xf32, #tpu.memory_space<vmem_shared>> -> memref<10112x16xf32, #tpu.memory_space<vmem_shared>>
      tpu.enqueue_indirect_dma source(%arg7 : memref<64x16xf32, #tpu.memory_space<vmem>>) target(%dma_start3A_220 : memref<10112x16xf32, #tpu.memory_space<vmem_shared>>) offsets(%dma_start3A_217 : memref<64xi32, #tpu.memory_space<vmem>>) semaphore(%arg8 : memref<!tpu.dma_semaphore, #tpu.memory_space<semaphore_mem>>) {add = true}
      %dma_start3A_221 = arith.constant 29 : i32
      %dma_start3A_222 = arith.constant 0 : i32
      %dma_start3A_223 = tpu.memref_slice %arg6[%dma_start3A_221, %dma_start3A_222] : memref<32x64xi32, #tpu.memory_space<vmem>> -> memref<1x64xi32, #tpu.memory_space<vmem>>
      %dma_start3A_224 = tpu.memref_squeeze %dma_start3A_223 : memref<1x64xi32, #tpu.memory_space<vmem>> -> memref<64xi32, #tpu.memory_space<vmem>>
      %dma_start3A_225 = arith.constant 0 : i32
      %dma_start3A_226 = arith.constant 0 : i32
      %dma_start3A_227 = tpu.memref_slice %arg5[%dma_start3A_225, %dma_start3A_226] : memref<10112x16xf32, #tpu.memory_space<vmem_shared>> -> memref<10112x16xf32, #tpu.memory_space<vmem_shared>>
      tpu.enqueue_indirect_dma source(%arg7 : memref<64x16xf32, #tpu.memory_space<vmem>>) target(%dma_start3A_227 : memref<10112x16xf32, #tpu.memory_space<vmem_shared>>) offsets(%dma_start3A_224 : memref<64xi32, #tpu.memory_space<vmem>>) semaphore(%arg8 : memref<!tpu.dma_semaphore, #tpu.memory_space<semaphore_mem>>) {add = true}
      %dma_start3A_228 = arith.constant 30 : i32
      %dma_start3A_229 = arith.constant 0 : i32
      %dma_start3A_230 = tpu.memref_slice %arg6[%dma_start3A_228, %dma_start3A_229] : memref<32x64xi32, #tpu.memory_space<vmem>> -> memref<1x64xi32, #tpu.memory_space<vmem>>
      %dma_start3A_231 = tpu.memref_squeeze %dma_start3A_230 : memref<1x64xi32, #tpu.memory_space<vmem>> -> memref<64xi32, #tpu.memory_space<vmem>>
      %dma_start3A_232 = arith.constant 0 : i32
      %dma_start3A_233 = arith.constant 0 : i32
      %dma_start3A_234 = tpu.memref_slice %arg5[%dma_start3A_232, %dma_start3A_233] : memref<10112x16xf32, #tpu.memory_space<vmem_shared>> -> memref<10112x16xf32, #tpu.memory_space<vmem_shared>>
      tpu.enqueue_indirect_dma source(%arg7 : memref<64x16xf32, #tpu.memory_space<vmem>>) target(%dma_start3A_234 : memref<10112x16xf32, #tpu.memory_space<vmem_shared>>) offsets(%dma_start3A_231 : memref<64xi32, #tpu.memory_space<vmem>>) semaphore(%arg8 : memref<!tpu.dma_semaphore, #tpu.memory_space<semaphore_mem>>) {add = true}
      %dma_start3A_235 = arith.constant 31 : i32
      %dma_start3A_236 = arith.constant 0 : i32
      %dma_start3A_237 = tpu.memref_slice %arg6[%dma_start3A_235, %dma_start3A_236] : memref<32x64xi32, #tpu.memory_space<vmem>> -> memref<1x64xi32, #tpu.memory_space<vmem>>
      %dma_start3A_238 = tpu.memref_squeeze %dma_start3A_237 : memref<1x64xi32, #tpu.memory_space<vmem>> -> memref<64xi32, #tpu.memory_space<vmem>>
      %dma_start3A_239 = arith.constant 0 : i32
      %dma_start3A_240 = arith.constant 0 : i32
      %dma_start3A_241 = tpu.memref_slice %arg5[%dma_start3A_239, %dma_start3A_240] : memref<10112x16xf32, #tpu.memory_space<vmem_shared>> -> memref<10112x16xf32, #tpu.memory_space<vmem_shared>>
      tpu.enqueue_indirect_dma source(%arg7 : memref<64x16xf32, #tpu.memory_space<vmem>>) target(%dma_start3A_241 : memref<10112x16xf32, #tpu.memory_space<vmem_shared>>) offsets(%dma_start3A_238 : memref<64xi32, #tpu.memory_space<vmem>>) semaphore(%arg8 : memref<!tpu.dma_semaphore, #tpu.memory_space<semaphore_mem>>) {add = true}
      %dma_wait3A = arith.constant 0 : i32
      %dma_wait3A_242 = arith.constant 0 : i32
      %dma_wait3A_243 = tpu.memref_slice %arg6[%dma_wait3A, %dma_wait3A_242] : memref<32x64xi32, #tpu.memory_space<vmem>> -> memref<1x64xi32, #tpu.memory_space<vmem>>
      %dma_wait3A_244 = tpu.memref_squeeze %dma_wait3A_243 : memref<1x64xi32, #tpu.memory_space<vmem>> -> memref<64xi32, #tpu.memory_space<vmem>>
      %dma_wait3A_245 = arith.constant 0 : i32
      %dma_wait3A_246 = arith.constant 0 : i32
      %dma_wait3A_247 = tpu.memref_slice %arg5[%dma_wait3A_245, %dma_wait3A_246] : memref<10112x16xf32, #tpu.memory_space<vmem_shared>> -> memref<10112x16xf32, #tpu.memory_space<vmem_shared>>
      tpu.wait_indirect_dma semaphore(%arg8 : memref<!tpu.dma_semaphore, #tpu.memory_space<semaphore_mem>>) src(%arg7 : memref<64x16xf32, #tpu.memory_space<vmem>>) dst(%dma_wait3A_247 : memref<10112x16xf32, #tpu.memory_space<vmem_shared>>)
      %dma_wait3A_248 = arith.constant 1 : i32
      %dma_wait3A_249 = arith.constant 0 : i32
      %dma_wait3A_250 = tpu.memref_slice %arg6[%dma_wait3A_248, %dma_wait3A_249] : memref<32x64xi32, #tpu.memory_space<vmem>> -> memref<1x64xi32, #tpu.memory_space<vmem>>
      %dma_wait3A_251 = tpu.memref_squeeze %dma_wait3A_250 : memref<1x64xi32, #tpu.memory_space<vmem>> -> memref<64xi32, #tpu.memory_space<vmem>>
      %dma_wait3A_252 = arith.constant 0 : i32
      %dma_wait3A_253 = arith.constant 0 : i32
      %dma_wait3A_254 = tpu.memref_slice %arg5[%dma_wait3A_252, %dma_wait3A_253] : memref<10112x16xf32, #tpu.memory_space<vmem_shared>> -> memref<10112x16xf32, #tpu.memory_space<vmem_shared>>
      tpu.wait_indirect_dma semaphore(%arg8 : memref<!tpu.dma_semaphore, #tpu.memory_space<semaphore_mem>>) src(%arg7 : memref<64x16xf32, #tpu.memory_space<vmem>>) dst(%dma_wait3A_254 : memref<10112x16xf32, #tpu.memory_space<vmem_shared>>)
      %dma_wait3A_255 = arith.constant 2 : i32
      %dma_wait3A_256 = arith.constant 0 : i32
      %dma_wait3A_257 = tpu.memref_slice %arg6[%dma_wait3A_255, %dma_wait3A_256] : memref<32x64xi32, #tpu.memory_space<vmem>> -> memref<1x64xi32, #tpu.memory_space<vmem>>
      %dma_wait3A_258 = tpu.memref_squeeze %dma_wait3A_257 : memref<1x64xi32, #tpu.memory_space<vmem>> -> memref<64xi32, #tpu.memory_space<vmem>>
      %dma_wait3A_259 = arith.constant 0 : i32
      %dma_wait3A_260 = arith.constant 0 : i32
      %dma_wait3A_261 = tpu.memref_slice %arg5[%dma_wait3A_259, %dma_wait3A_260] : memref<10112x16xf32, #tpu.memory_space<vmem_shared>> -> memref<10112x16xf32, #tpu.memory_space<vmem_shared>>
      tpu.wait_indirect_dma semaphore(%arg8 : memref<!tpu.dma_semaphore, #tpu.memory_space<semaphore_mem>>) src(%arg7 : memref<64x16xf32, #tpu.memory_space<vmem>>) dst(%dma_wait3A_261 : memref<10112x16xf32, #tpu.memory_space<vmem_shared>>)
      %dma_wait3A_262 = arith.constant 3 : i32
      %dma_wait3A_263 = arith.constant 0 : i32
      %dma_wait3A_264 = tpu.memref_slice %arg6[%dma_wait3A_262, %dma_wait3A_263] : memref<32x64xi32, #tpu.memory_space<vmem>> -> memref<1x64xi32, #tpu.memory_space<vmem>>
      %dma_wait3A_265 = tpu.memref_squeeze %dma_wait3A_264 : memref<1x64xi32, #tpu.memory_space<vmem>> -> memref<64xi32, #tpu.memory_space<vmem>>
      %dma_wait3A_266 = arith.constant 0 : i32
      %dma_wait3A_267 = arith.constant 0 : i32
      %dma_wait3A_268 = tpu.memref_slice %arg5[%dma_wait3A_266, %dma_wait3A_267] : memref<10112x16xf32, #tpu.memory_space<vmem_shared>> -> memref<10112x16xf32, #tpu.memory_space<vmem_shared>>
      tpu.wait_indirect_dma semaphore(%arg8 : memref<!tpu.dma_semaphore, #tpu.memory_space<semaphore_mem>>) src(%arg7 : memref<64x16xf32, #tpu.memory_space<vmem>>) dst(%dma_wait3A_268 : memref<10112x16xf32, #tpu.memory_space<vmem_shared>>)
      %dma_wait3A_269 = arith.constant 4 : i32
      %dma_wait3A_270 = arith.constant 0 : i32
      %dma_wait3A_271 = tpu.memref_slice %arg6[%dma_wait3A_269, %dma_wait3A_270] : memref<32x64xi32, #tpu.memory_space<vmem>> -> memref<1x64xi32, #tpu.memory_space<vmem>>
      %dma_wait3A_272 = tpu.memref_squeeze %dma_wait3A_271 : memref<1x64xi32, #tpu.memory_space<vmem>> -> memref<64xi32, #tpu.memory_space<vmem>>
      %dma_wait3A_273 = arith.constant 0 : i32
      %dma_wait3A_274 = arith.constant 0 : i32
      %dma_wait3A_275 = tpu.memref_slice %arg5[%dma_wait3A_273, %dma_wait3A_274] : memref<10112x16xf32, #tpu.memory_space<vmem_shared>> -> memref<10112x16xf32, #tpu.memory_space<vmem_shared>>
      tpu.wait_indirect_dma semaphore(%arg8 : memref<!tpu.dma_semaphore, #tpu.memory_space<semaphore_mem>>) src(%arg7 : memref<64x16xf32, #tpu.memory_space<vmem>>) dst(%dma_wait3A_275 : memref<10112x16xf32, #tpu.memory_space<vmem_shared>>)
      %dma_wait3A_276 = arith.constant 5 : i32
      %dma_wait3A_277 = arith.constant 0 : i32
      %dma_wait3A_278 = tpu.memref_slice %arg6[%dma_wait3A_276, %dma_wait3A_277] : memref<32x64xi32, #tpu.memory_space<vmem>> -> memref<1x64xi32, #tpu.memory_space<vmem>>
      %dma_wait3A_279 = tpu.memref_squeeze %dma_wait3A_278 : memref<1x64xi32, #tpu.memory_space<vmem>> -> memref<64xi32, #tpu.memory_space<vmem>>
      %dma_wait3A_280 = arith.constant 0 : i32
      %dma_wait3A_281 = arith.constant 0 : i32
      %dma_wait3A_282 = tpu.memref_slice %arg5[%dma_wait3A_280, %dma_wait3A_281] : memref<10112x16xf32, #tpu.memory_space<vmem_shared>> -> memref<10112x16xf32, #tpu.memory_space<vmem_shared>>
      tpu.wait_indirect_dma semaphore(%arg8 : memref<!tpu.dma_semaphore, #tpu.memory_space<semaphore_mem>>) src(%arg7 : memref<64x16xf32, #tpu.memory_space<vmem>>) dst(%dma_wait3A_282 : memref<10112x16xf32, #tpu.memory_space<vmem_shared>>)
      %dma_wait3A_283 = arith.constant 6 : i32
      %dma_wait3A_284 = arith.constant 0 : i32
      %dma_wait3A_285 = tpu.memref_slice %arg6[%dma_wait3A_283, %dma_wait3A_284] : memref<32x64xi32, #tpu.memory_space<vmem>> -> memref<1x64xi32, #tpu.memory_space<vmem>>
      %dma_wait3A_286 = tpu.memref_squeeze %dma_wait3A_285 : memref<1x64xi32, #tpu.memory_space<vmem>> -> memref<64xi32, #tpu.memory_space<vmem>>
      %dma_wait3A_287 = arith.constant 0 : i32
      %dma_wait3A_288 = arith.constant 0 : i32
      %dma_wait3A_289 = tpu.memref_slice %arg5[%dma_wait3A_287, %dma_wait3A_288] : memref<10112x16xf32, #tpu.memory_space<vmem_shared>> -> memref<10112x16xf32, #tpu.memory_space<vmem_shared>>
      tpu.wait_indirect_dma semaphore(%arg8 : memref<!tpu.dma_semaphore, #tpu.memory_space<semaphore_mem>>) src(%arg7 : memref<64x16xf32, #tpu.memory_space<vmem>>) dst(%dma_wait3A_289 : memref<10112x16xf32, #tpu.memory_space<vmem_shared>>)
      %dma_wait3A_290 = arith.constant 7 : i32
      %dma_wait3A_291 = arith.constant 0 : i32
      %dma_wait3A_292 = tpu.memref_slice %arg6[%dma_wait3A_290, %dma_wait3A_291] : memref<32x64xi32, #tpu.memory_space<vmem>> -> memref<1x64xi32, #tpu.memory_space<vmem>>
      %dma_wait3A_293 = tpu.memref_squeeze %dma_wait3A_292 : memref<1x64xi32, #tpu.memory_space<vmem>> -> memref<64xi32, #tpu.memory_space<vmem>>
      %dma_wait3A_294 = arith.constant 0 : i32
      %dma_wait3A_295 = arith.constant 0 : i32
      %dma_wait3A_296 = tpu.memref_slice %arg5[%dma_wait3A_294, %dma_wait3A_295] : memref<10112x16xf32, #tpu.memory_space<vmem_shared>> -> memref<10112x16xf32, #tpu.memory_space<vmem_shared>>
      tpu.wait_indirect_dma semaphore(%arg8 : memref<!tpu.dma_semaphore, #tpu.memory_space<semaphore_mem>>) src(%arg7 : memref<64x16xf32, #tpu.memory_space<vmem>>) dst(%dma_wait3A_296 : memref<10112x16xf32, #tpu.memory_space<vmem_shared>>)
      %dma_wait3A_297 = arith.constant 8 : i32
      %dma_wait3A_298 = arith.constant 0 : i32
      %dma_wait3A_299 = tpu.memref_slice %arg6[%dma_wait3A_297, %dma_wait3A_298] : memref<32x64xi32, #tpu.memory_space<vmem>> -> memref<1x64xi32, #tpu.memory_space<vmem>>
      %dma_wait3A_300 = tpu.memref_squeeze %dma_wait3A_299 : memref<1x64xi32, #tpu.memory_space<vmem>> -> memref<64xi32, #tpu.memory_space<vmem>>
      %dma_wait3A_301 = arith.constant 0 : i32
      %dma_wait3A_302 = arith.constant 0 : i32
      %dma_wait3A_303 = tpu.memref_slice %arg5[%dma_wait3A_301, %dma_wait3A_302] : memref<10112x16xf32, #tpu.memory_space<vmem_shared>> -> memref<10112x16xf32, #tpu.memory_space<vmem_shared>>
      tpu.wait_indirect_dma semaphore(%arg8 : memref<!tpu.dma_semaphore, #tpu.memory_space<semaphore_mem>>) src(%arg7 : memref<64x16xf32, #tpu.memory_space<vmem>>) dst(%dma_wait3A_303 : memref<10112x16xf32, #tpu.memory_space<vmem_shared>>)
      %dma_wait3A_304 = arith.constant 9 : i32
      %dma_wait3A_305 = arith.constant 0 : i32
      %dma_wait3A_306 = tpu.memref_slice %arg6[%dma_wait3A_304, %dma_wait3A_305] : memref<32x64xi32, #tpu.memory_space<vmem>> -> memref<1x64xi32, #tpu.memory_space<vmem>>
      %dma_wait3A_307 = tpu.memref_squeeze %dma_wait3A_306 : memref<1x64xi32, #tpu.memory_space<vmem>> -> memref<64xi32, #tpu.memory_space<vmem>>
      %dma_wait3A_308 = arith.constant 0 : i32
      %dma_wait3A_309 = arith.constant 0 : i32
      %dma_wait3A_310 = tpu.memref_slice %arg5[%dma_wait3A_308, %dma_wait3A_309] : memref<10112x16xf32, #tpu.memory_space<vmem_shared>> -> memref<10112x16xf32, #tpu.memory_space<vmem_shared>>
      tpu.wait_indirect_dma semaphore(%arg8 : memref<!tpu.dma_semaphore, #tpu.memory_space<semaphore_mem>>) src(%arg7 : memref<64x16xf32, #tpu.memory_space<vmem>>) dst(%dma_wait3A_310 : memref<10112x16xf32, #tpu.memory_space<vmem_shared>>)
      %dma_wait3A_311 = arith.constant 10 : i32
      %dma_wait3A_312 = arith.constant 0 : i32
      %dma_wait3A_313 = tpu.memref_slice %arg6[%dma_wait3A_311, %dma_wait3A_312] : memref<32x64xi32, #tpu.memory_space<vmem>> -> memref<1x64xi32, #tpu.memory_space<vmem>>
      %dma_wait3A_314 = tpu.memref_squeeze %dma_wait3A_313 : memref<1x64xi32, #tpu.memory_space<vmem>> -> memref<64xi32, #tpu.memory_space<vmem>>
      %dma_wait3A_315 = arith.constant 0 : i32
      %dma_wait3A_316 = arith.constant 0 : i32
      %dma_wait3A_317 = tpu.memref_slice %arg5[%dma_wait3A_315, %dma_wait3A_316] : memref<10112x16xf32, #tpu.memory_space<vmem_shared>> -> memref<10112x16xf32, #tpu.memory_space<vmem_shared>>
      tpu.wait_indirect_dma semaphore(%arg8 : memref<!tpu.dma_semaphore, #tpu.memory_space<semaphore_mem>>) src(%arg7 : memref<64x16xf32, #tpu.memory_space<vmem>>) dst(%dma_wait3A_317 : memref<10112x16xf32, #tpu.memory_space<vmem_shared>>)
      %dma_wait3A_318 = arith.constant 11 : i32
      %dma_wait3A_319 = arith.constant 0 : i32
      %dma_wait3A_320 = tpu.memref_slice %arg6[%dma_wait3A_318, %dma_wait3A_319] : memref<32x64xi32, #tpu.memory_space<vmem>> -> memref<1x64xi32, #tpu.memory_space<vmem>>
      %dma_wait3A_321 = tpu.memref_squeeze %dma_wait3A_320 : memref<1x64xi32, #tpu.memory_space<vmem>> -> memref<64xi32, #tpu.memory_space<vmem>>
      %dma_wait3A_322 = arith.constant 0 : i32
      %dma_wait3A_323 = arith.constant 0 : i32
      %dma_wait3A_324 = tpu.memref_slice %arg5[%dma_wait3A_322, %dma_wait3A_323] : memref<10112x16xf32, #tpu.memory_space<vmem_shared>> -> memref<10112x16xf32, #tpu.memory_space<vmem_shared>>
      tpu.wait_indirect_dma semaphore(%arg8 : memref<!tpu.dma_semaphore, #tpu.memory_space<semaphore_mem>>) src(%arg7 : memref<64x16xf32, #tpu.memory_space<vmem>>) dst(%dma_wait3A_324 : memref<10112x16xf32, #tpu.memory_space<vmem_shared>>)
      %dma_wait3A_325 = arith.constant 12 : i32
      %dma_wait3A_326 = arith.constant 0 : i32
      %dma_wait3A_327 = tpu.memref_slice %arg6[%dma_wait3A_325, %dma_wait3A_326] : memref<32x64xi32, #tpu.memory_space<vmem>> -> memref<1x64xi32, #tpu.memory_space<vmem>>
      %dma_wait3A_328 = tpu.memref_squeeze %dma_wait3A_327 : memref<1x64xi32, #tpu.memory_space<vmem>> -> memref<64xi32, #tpu.memory_space<vmem>>
      %dma_wait3A_329 = arith.constant 0 : i32
      %dma_wait3A_330 = arith.constant 0 : i32
      %dma_wait3A_331 = tpu.memref_slice %arg5[%dma_wait3A_329, %dma_wait3A_330] : memref<10112x16xf32, #tpu.memory_space<vmem_shared>> -> memref<10112x16xf32, #tpu.memory_space<vmem_shared>>
      tpu.wait_indirect_dma semaphore(%arg8 : memref<!tpu.dma_semaphore, #tpu.memory_space<semaphore_mem>>) src(%arg7 : memref<64x16xf32, #tpu.memory_space<vmem>>) dst(%dma_wait3A_331 : memref<10112x16xf32, #tpu.memory_space<vmem_shared>>)
      %dma_wait3A_332 = arith.constant 13 : i32
      %dma_wait3A_333 = arith.constant 0 : i32
      %dma_wait3A_334 = tpu.memref_slice %arg6[%dma_wait3A_332, %dma_wait3A_333] : memref<32x64xi32, #tpu.memory_space<vmem>> -> memref<1x64xi32, #tpu.memory_space<vmem>>
      %dma_wait3A_335 = tpu.memref_squeeze %dma_wait3A_334 : memref<1x64xi32, #tpu.memory_space<vmem>> -> memref<64xi32, #tpu.memory_space<vmem>>
      %dma_wait3A_336 = arith.constant 0 : i32
      %dma_wait3A_337 = arith.constant 0 : i32
      %dma_wait3A_338 = tpu.memref_slice %arg5[%dma_wait3A_336, %dma_wait3A_337] : memref<10112x16xf32, #tpu.memory_space<vmem_shared>> -> memref<10112x16xf32, #tpu.memory_space<vmem_shared>>
      tpu.wait_indirect_dma semaphore(%arg8 : memref<!tpu.dma_semaphore, #tpu.memory_space<semaphore_mem>>) src(%arg7 : memref<64x16xf32, #tpu.memory_space<vmem>>) dst(%dma_wait3A_338 : memref<10112x16xf32, #tpu.memory_space<vmem_shared>>)
      %dma_wait3A_339 = arith.constant 14 : i32
      %dma_wait3A_340 = arith.constant 0 : i32
      %dma_wait3A_341 = tpu.memref_slice %arg6[%dma_wait3A_339, %dma_wait3A_340] : memref<32x64xi32, #tpu.memory_space<vmem>> -> memref<1x64xi32, #tpu.memory_space<vmem>>
      %dma_wait3A_342 = tpu.memref_squeeze %dma_wait3A_341 : memref<1x64xi32, #tpu.memory_space<vmem>> -> memref<64xi32, #tpu.memory_space<vmem>>
      %dma_wait3A_343 = arith.constant 0 : i32
      %dma_wait3A_344 = arith.constant 0 : i32
      %dma_wait3A_345 = tpu.memref_slice %arg5[%dma_wait3A_343, %dma_wait3A_344] : memref<10112x16xf32, #tpu.memory_space<vmem_shared>> -> memref<10112x16xf32, #tpu.memory_space<vmem_shared>>
      tpu.wait_indirect_dma semaphore(%arg8 : memref<!tpu.dma_semaphore, #tpu.memory_space<semaphore_mem>>) src(%arg7 : memref<64x16xf32, #tpu.memory_space<vmem>>) dst(%dma_wait3A_345 : memref<10112x16xf32, #tpu.memory_space<vmem_shared>>)
      %dma_wait3A_346 = arith.constant 15 : i32
      %dma_wait3A_347 = arith.constant 0 : i32
      %dma_wait3A_348 = tpu.memref_slice %arg6[%dma_wait3A_346, %dma_wait3A_347] : memref<32x64xi32, #tpu.memory_space<vmem>> -> memref<1x64xi32, #tpu.memory_space<vmem>>
      %dma_wait3A_349 = tpu.memref_squeeze %dma_wait3A_348 : memref<1x64xi32, #tpu.memory_space<vmem>> -> memref<64xi32, #tpu.memory_space<vmem>>
      %dma_wait3A_350 = arith.constant 0 : i32
      %dma_wait3A_351 = arith.constant 0 : i32
      %dma_wait3A_352 = tpu.memref_slice %arg5[%dma_wait3A_350, %dma_wait3A_351] : memref<10112x16xf32, #tpu.memory_space<vmem_shared>> -> memref<10112x16xf32, #tpu.memory_space<vmem_shared>>
      tpu.wait_indirect_dma semaphore(%arg8 : memref<!tpu.dma_semaphore, #tpu.memory_space<semaphore_mem>>) src(%arg7 : memref<64x16xf32, #tpu.memory_space<vmem>>) dst(%dma_wait3A_352 : memref<10112x16xf32, #tpu.memory_space<vmem_shared>>)
      %dma_wait3A_353 = arith.constant 16 : i32
      %dma_wait3A_354 = arith.constant 0 : i32
      %dma_wait3A_355 = tpu.memref_slice %arg6[%dma_wait3A_353, %dma_wait3A_354] : memref<32x64xi32, #tpu.memory_space<vmem>> -> memref<1x64xi32, #tpu.memory_space<vmem>>
      %dma_wait3A_356 = tpu.memref_squeeze %dma_wait3A_355 : memref<1x64xi32, #tpu.memory_space<vmem>> -> memref<64xi32, #tpu.memory_space<vmem>>
      %dma_wait3A_357 = arith.constant 0 : i32
      %dma_wait3A_358 = arith.constant 0 : i32
      %dma_wait3A_359 = tpu.memref_slice %arg5[%dma_wait3A_357, %dma_wait3A_358] : memref<10112x16xf32, #tpu.memory_space<vmem_shared>> -> memref<10112x16xf32, #tpu.memory_space<vmem_shared>>
      tpu.wait_indirect_dma semaphore(%arg8 : memref<!tpu.dma_semaphore, #tpu.memory_space<semaphore_mem>>) src(%arg7 : memref<64x16xf32, #tpu.memory_space<vmem>>) dst(%dma_wait3A_359 : memref<10112x16xf32, #tpu.memory_space<vmem_shared>>)
      %dma_wait3A_360 = arith.constant 17 : i32
      %dma_wait3A_361 = arith.constant 0 : i32
      %dma_wait3A_362 = tpu.memref_slice %arg6[%dma_wait3A_360, %dma_wait3A_361] : memref<32x64xi32, #tpu.memory_space<vmem>> -> memref<1x64xi32, #tpu.memory_space<vmem>>
      %dma_wait3A_363 = tpu.memref_squeeze %dma_wait3A_362 : memref<1x64xi32, #tpu.memory_space<vmem>> -> memref<64xi32, #tpu.memory_space<vmem>>
      %dma_wait3A_364 = arith.constant 0 : i32
      %dma_wait3A_365 = arith.constant 0 : i32
      %dma_wait3A_366 = tpu.memref_slice %arg5[%dma_wait3A_364, %dma_wait3A_365] : memref<10112x16xf32, #tpu.memory_space<vmem_shared>> -> memref<10112x16xf32, #tpu.memory_space<vmem_shared>>
      tpu.wait_indirect_dma semaphore(%arg8 : memref<!tpu.dma_semaphore, #tpu.memory_space<semaphore_mem>>) src(%arg7 : memref<64x16xf32, #tpu.memory_space<vmem>>) dst(%dma_wait3A_366 : memref<10112x16xf32, #tpu.memory_space<vmem_shared>>)
      %dma_wait3A_367 = arith.constant 18 : i32
      %dma_wait3A_368 = arith.constant 0 : i32
      %dma_wait3A_369 = tpu.memref_slice %arg6[%dma_wait3A_367, %dma_wait3A_368] : memref<32x64xi32, #tpu.memory_space<vmem>> -> memref<1x64xi32, #tpu.memory_space<vmem>>
      %dma_wait3A_370 = tpu.memref_squeeze %dma_wait3A_369 : memref<1x64xi32, #tpu.memory_space<vmem>> -> memref<64xi32, #tpu.memory_space<vmem>>
      %dma_wait3A_371 = arith.constant 0 : i32
      %dma_wait3A_372 = arith.constant 0 : i32
      %dma_wait3A_373 = tpu.memref_slice %arg5[%dma_wait3A_371, %dma_wait3A_372] : memref<10112x16xf32, #tpu.memory_space<vmem_shared>> -> memref<10112x16xf32, #tpu.memory_space<vmem_shared>>
      tpu.wait_indirect_dma semaphore(%arg8 : memref<!tpu.dma_semaphore, #tpu.memory_space<semaphore_mem>>) src(%arg7 : memref<64x16xf32, #tpu.memory_space<vmem>>) dst(%dma_wait3A_373 : memref<10112x16xf32, #tpu.memory_space<vmem_shared>>)
      %dma_wait3A_374 = arith.constant 19 : i32
      %dma_wait3A_375 = arith.constant 0 : i32
      %dma_wait3A_376 = tpu.memref_slice %arg6[%dma_wait3A_374, %dma_wait3A_375] : memref<32x64xi32, #tpu.memory_space<vmem>> -> memref<1x64xi32, #tpu.memory_space<vmem>>
      %dma_wait3A_377 = tpu.memref_squeeze %dma_wait3A_376 : memref<1x64xi32, #tpu.memory_space<vmem>> -> memref<64xi32, #tpu.memory_space<vmem>>
      %dma_wait3A_378 = arith.constant 0 : i32
      %dma_wait3A_379 = arith.constant 0 : i32
      %dma_wait3A_380 = tpu.memref_slice %arg5[%dma_wait3A_378, %dma_wait3A_379] : memref<10112x16xf32, #tpu.memory_space<vmem_shared>> -> memref<10112x16xf32, #tpu.memory_space<vmem_shared>>
      tpu.wait_indirect_dma semaphore(%arg8 : memref<!tpu.dma_semaphore, #tpu.memory_space<semaphore_mem>>) src(%arg7 : memref<64x16xf32, #tpu.memory_space<vmem>>) dst(%dma_wait3A_380 : memref<10112x16xf32, #tpu.memory_space<vmem_shared>>)
      %dma_wait3A_381 = arith.constant 20 : i32
      %dma_wait3A_382 = arith.constant 0 : i32
      %dma_wait3A_383 = tpu.memref_slice %arg6[%dma_wait3A_381, %dma_wait3A_382] : memref<32x64xi32, #tpu.memory_space<vmem>> -> memref<1x64xi32, #tpu.memory_space<vmem>>
      %dma_wait3A_384 = tpu.memref_squeeze %dma_wait3A_383 : memref<1x64xi32, #tpu.memory_space<vmem>> -> memref<64xi32, #tpu.memory_space<vmem>>
      %dma_wait3A_385 = arith.constant 0 : i32
      %dma_wait3A_386 = arith.constant 0 : i32
      %dma_wait3A_387 = tpu.memref_slice %arg5[%dma_wait3A_385, %dma_wait3A_386] : memref<10112x16xf32, #tpu.memory_space<vmem_shared>> -> memref<10112x16xf32, #tpu.memory_space<vmem_shared>>
      tpu.wait_indirect_dma semaphore(%arg8 : memref<!tpu.dma_semaphore, #tpu.memory_space<semaphore_mem>>) src(%arg7 : memref<64x16xf32, #tpu.memory_space<vmem>>) dst(%dma_wait3A_387 : memref<10112x16xf32, #tpu.memory_space<vmem_shared>>)
      %dma_wait3A_388 = arith.constant 21 : i32
      %dma_wait3A_389 = arith.constant 0 : i32
      %dma_wait3A_390 = tpu.memref_slice %arg6[%dma_wait3A_388, %dma_wait3A_389] : memref<32x64xi32, #tpu.memory_space<vmem>> -> memref<1x64xi32, #tpu.memory_space<vmem>>
      %dma_wait3A_391 = tpu.memref_squeeze %dma_wait3A_390 : memref<1x64xi32, #tpu.memory_space<vmem>> -> memref<64xi32, #tpu.memory_space<vmem>>
      %dma_wait3A_392 = arith.constant 0 : i32
      %dma_wait3A_393 = arith.constant 0 : i32
      %dma_wait3A_394 = tpu.memref_slice %arg5[%dma_wait3A_392, %dma_wait3A_393] : memref<10112x16xf32, #tpu.memory_space<vmem_shared>> -> memref<10112x16xf32, #tpu.memory_space<vmem_shared>>
      tpu.wait_indirect_dma semaphore(%arg8 : memref<!tpu.dma_semaphore, #tpu.memory_space<semaphore_mem>>) src(%arg7 : memref<64x16xf32, #tpu.memory_space<vmem>>) dst(%dma_wait3A_394 : memref<10112x16xf32, #tpu.memory_space<vmem_shared>>)
      %dma_wait3A_395 = arith.constant 22 : i32
      %dma_wait3A_396 = arith.constant 0 : i32
      %dma_wait3A_397 = tpu.memref_slice %arg6[%dma_wait3A_395, %dma_wait3A_396] : memref<32x64xi32, #tpu.memory_space<vmem>> -> memref<1x64xi32, #tpu.memory_space<vmem>>
      %dma_wait3A_398 = tpu.memref_squeeze %dma_wait3A_397 : memref<1x64xi32, #tpu.memory_space<vmem>> -> memref<64xi32, #tpu.memory_space<vmem>>
      %dma_wait3A_399 = arith.constant 0 : i32
      %dma_wait3A_400 = arith.constant 0 : i32
      %dma_wait3A_401 = tpu.memref_slice %arg5[%dma_wait3A_399, %dma_wait3A_400] : memref<10112x16xf32, #tpu.memory_space<vmem_shared>> -> memref<10112x16xf32, #tpu.memory_space<vmem_shared>>
      tpu.wait_indirect_dma semaphore(%arg8 : memref<!tpu.dma_semaphore, #tpu.memory_space<semaphore_mem>>) src(%arg7 : memref<64x16xf32, #tpu.memory_space<vmem>>) dst(%dma_wait3A_401 : memref<10112x16xf32, #tpu.memory_space<vmem_shared>>)
      %dma_wait3A_402 = arith.constant 23 : i32
      %dma_wait3A_403 = arith.constant 0 : i32
      %dma_wait3A_404 = tpu.memref_slice %arg6[%dma_wait3A_402, %dma_wait3A_403] : memref<32x64xi32, #tpu.memory_space<vmem>> -> memref<1x64xi32, #tpu.memory_space<vmem>>
      %dma_wait3A_405 = tpu.memref_squeeze %dma_wait3A_404 : memref<1x64xi32, #tpu.memory_space<vmem>> -> memref<64xi32, #tpu.memory_space<vmem>>
      %dma_wait3A_406 = arith.constant 0 : i32
      %dma_wait3A_407 = arith.constant 0 : i32
      %dma_wait3A_408 = tpu.memref_slice %arg5[%dma_wait3A_406, %dma_wait3A_407] : memref<10112x16xf32, #tpu.memory_space<vmem_shared>> -> memref<10112x16xf32, #tpu.memory_space<vmem_shared>>
      tpu.wait_indirect_dma semaphore(%arg8 : memref<!tpu.dma_semaphore, #tpu.memory_space<semaphore_mem>>) src(%arg7 : memref<64x16xf32, #tpu.memory_space<vmem>>) dst(%dma_wait3A_408 : memref<10112x16xf32, #tpu.memory_space<vmem_shared>>)
      %dma_wait3A_409 = arith.constant 24 : i32
      %dma_wait3A_410 = arith.constant 0 : i32
      %dma_wait3A_411 = tpu.memref_slice %arg6[%dma_wait3A_409, %dma_wait3A_410] : memref<32x64xi32, #tpu.memory_space<vmem>> -> memref<1x64xi32, #tpu.memory_space<vmem>>
      %dma_wait3A_412 = tpu.memref_squeeze %dma_wait3A_411 : memref<1x64xi32, #tpu.memory_space<vmem>> -> memref<64xi32, #tpu.memory_space<vmem>>
      %dma_wait3A_413 = arith.constant 0 : i32
      %dma_wait3A_414 = arith.constant 0 : i32
      %dma_wait3A_415 = tpu.memref_slice %arg5[%dma_wait3A_413, %dma_wait3A_414] : memref<10112x16xf32, #tpu.memory_space<vmem_shared>> -> memref<10112x16xf32, #tpu.memory_space<vmem_shared>>
      tpu.wait_indirect_dma semaphore(%arg8 : memref<!tpu.dma_semaphore, #tpu.memory_space<semaphore_mem>>) src(%arg7 : memref<64x16xf32, #tpu.memory_space<vmem>>) dst(%dma_wait3A_415 : memref<10112x16xf32, #tpu.memory_space<vmem_shared>>)
      %dma_wait3A_416 = arith.constant 25 : i32
      %dma_wait3A_417 = arith.constant 0 : i32
      %dma_wait3A_418 = tpu.memref_slice %arg6[%dma_wait3A_416, %dma_wait3A_417] : memref<32x64xi32, #tpu.memory_space<vmem>> -> memref<1x64xi32, #tpu.memory_space<vmem>>
      %dma_wait3A_419 = tpu.memref_squeeze %dma_wait3A_418 : memref<1x64xi32, #tpu.memory_space<vmem>> -> memref<64xi32, #tpu.memory_space<vmem>>
      %dma_wait3A_420 = arith.constant 0 : i32
      %dma_wait3A_421 = arith.constant 0 : i32
      %dma_wait3A_422 = tpu.memref_slice %arg5[%dma_wait3A_420, %dma_wait3A_421] : memref<10112x16xf32, #tpu.memory_space<vmem_shared>> -> memref<10112x16xf32, #tpu.memory_space<vmem_shared>>
      tpu.wait_indirect_dma semaphore(%arg8 : memref<!tpu.dma_semaphore, #tpu.memory_space<semaphore_mem>>) src(%arg7 : memref<64x16xf32, #tpu.memory_space<vmem>>) dst(%dma_wait3A_422 : memref<10112x16xf32, #tpu.memory_space<vmem_shared>>)
      %dma_wait3A_423 = arith.constant 26 : i32
      %dma_wait3A_424 = arith.constant 0 : i32
      %dma_wait3A_425 = tpu.memref_slice %arg6[%dma_wait3A_423, %dma_wait3A_424] : memref<32x64xi32, #tpu.memory_space<vmem>> -> memref<1x64xi32, #tpu.memory_space<vmem>>
      %dma_wait3A_426 = tpu.memref_squeeze %dma_wait3A_425 : memref<1x64xi32, #tpu.memory_space<vmem>> -> memref<64xi32, #tpu.memory_space<vmem>>
      %dma_wait3A_427 = arith.constant 0 : i32
      %dma_wait3A_428 = arith.constant 0 : i32
      %dma_wait3A_429 = tpu.memref_slice %arg5[%dma_wait3A_427, %dma_wait3A_428] : memref<10112x16xf32, #tpu.memory_space<vmem_shared>> -> memref<10112x16xf32, #tpu.memory_space<vmem_shared>>
      tpu.wait_indirect_dma semaphore(%arg8 : memref<!tpu.dma_semaphore, #tpu.memory_space<semaphore_mem>>) src(%arg7 : memref<64x16xf32, #tpu.memory_space<vmem>>) dst(%dma_wait3A_429 : memref<10112x16xf32, #tpu.memory_space<vmem_shared>>)
      %dma_wait3A_430 = arith.constant 27 : i32
      %dma_wait3A_431 = arith.constant 0 : i32
      %dma_wait3A_432 = tpu.memref_slice %arg6[%dma_wait3A_430, %dma_wait3A_431] : memref<32x64xi32, #tpu.memory_space<vmem>> -> memref<1x64xi32, #tpu.memory_space<vmem>>
      %dma_wait3A_433 = tpu.memref_squeeze %dma_wait3A_432 : memref<1x64xi32, #tpu.memory_space<vmem>> -> memref<64xi32, #tpu.memory_space<vmem>>
      %dma_wait3A_434 = arith.constant 0 : i32
      %dma_wait3A_435 = arith.constant 0 : i32
      %dma_wait3A_436 = tpu.memref_slice %arg5[%dma_wait3A_434, %dma_wait3A_435] : memref<10112x16xf32, #tpu.memory_space<vmem_shared>> -> memref<10112x16xf32, #tpu.memory_space<vmem_shared>>
      tpu.wait_indirect_dma semaphore(%arg8 : memref<!tpu.dma_semaphore, #tpu.memory_space<semaphore_mem>>) src(%arg7 : memref<64x16xf32, #tpu.memory_space<vmem>>) dst(%dma_wait3A_436 : memref<10112x16xf32, #tpu.memory_space<vmem_shared>>)
      %dma_wait3A_437 = arith.constant 28 : i32
      %dma_wait3A_438 = arith.constant 0 : i32
      %dma_wait3A_439 = tpu.memref_slice %arg6[%dma_wait3A_437, %dma_wait3A_438] : memref<32x64xi32, #tpu.memory_space<vmem>> -> memref<1x64xi32, #tpu.memory_space<vmem>>
      %dma_wait3A_440 = tpu.memref_squeeze %dma_wait3A_439 : memref<1x64xi32, #tpu.memory_space<vmem>> -> memref<64xi32, #tpu.memory_space<vmem>>
      %dma_wait3A_441 = arith.constant 0 : i32
      %dma_wait3A_442 = arith.constant 0 : i32
      %dma_wait3A_443 = tpu.memref_slice %arg5[%dma_wait3A_441, %dma_wait3A_442] : memref<10112x16xf32, #tpu.memory_space<vmem_shared>> -> memref<10112x16xf32, #tpu.memory_space<vmem_shared>>
      tpu.wait_indirect_dma semaphore(%arg8 : memref<!tpu.dma_semaphore, #tpu.memory_space<semaphore_mem>>) src(%arg7 : memref<64x16xf32, #tpu.memory_space<vmem>>) dst(%dma_wait3A_443 : memref<10112x16xf32, #tpu.memory_space<vmem_shared>>)
      %dma_wait3A_444 = arith.constant 29 : i32
      %dma_wait3A_445 = arith.constant 0 : i32
      %dma_wait3A_446 = tpu.memref_slice %arg6[%dma_wait3A_444, %dma_wait3A_445] : memref<32x64xi32, #tpu.memory_space<vmem>> -> memref<1x64xi32, #tpu.memory_space<vmem>>
      %dma_wait3A_447 = tpu.memref_squeeze %dma_wait3A_446 : memref<1x64xi32, #tpu.memory_space<vmem>> -> memref<64xi32, #tpu.memory_space<vmem>>
      %dma_wait3A_448 = arith.constant 0 : i32
      %dma_wait3A_449 = arith.constant 0 : i32
      %dma_wait3A_450 = tpu.memref_slice %arg5[%dma_wait3A_448, %dma_wait3A_449] : memref<10112x16xf32, #tpu.memory_space<vmem_shared>> -> memref<10112x16xf32, #tpu.memory_space<vmem_shared>>
      tpu.wait_indirect_dma semaphore(%arg8 : memref<!tpu.dma_semaphore, #tpu.memory_space<semaphore_mem>>) src(%arg7 : memref<64x16xf32, #tpu.memory_space<vmem>>) dst(%dma_wait3A_450 : memref<10112x16xf32, #tpu.memory_space<vmem_shared>>)
      %dma_wait3A_451 = arith.constant 30 : i32
      %dma_wait3A_452 = arith.constant 0 : i32
      %dma_wait3A_453 = tpu.memref_slice %arg6[%dma_wait3A_451, %dma_wait3A_452] : memref<32x64xi32, #tpu.memory_space<vmem>> -> memref<1x64xi32, #tpu.memory_space<vmem>>
      %dma_wait3A_454 = tpu.memref_squeeze %dma_wait3A_453 : memref<1x64xi32, #tpu.memory_space<vmem>> -> memref<64xi32, #tpu.memory_space<vmem>>
      %dma_wait3A_455 = arith.constant 0 : i32
      %dma_wait3A_456 = arith.constant 0 : i32
      %dma_wait3A_457 = tpu.memref_slice %arg5[%dma_wait3A_455, %dma_wait3A_456] : memref<10112x16xf32, #tpu.memory_space<vmem_shared>> -> memref<10112x16xf32, #tpu.memory_space<vmem_shared>>
      tpu.wait_indirect_dma semaphore(%arg8 : memref<!tpu.dma_semaphore, #tpu.memory_space<semaphore_mem>>) src(%arg7 : memref<64x16xf32, #tpu.memory_space<vmem>>) dst(%dma_wait3A_457 : memref<10112x16xf32, #tpu.memory_space<vmem_shared>>)
      %dma_wait3A_458 = arith.constant 31 : i32
      %dma_wait3A_459 = arith.constant 0 : i32
      %dma_wait3A_460 = tpu.memref_slice %arg6[%dma_wait3A_458, %dma_wait3A_459] : memref<32x64xi32, #tpu.memory_space<vmem>> -> memref<1x64xi32, #tpu.memory_space<vmem>>
      %dma_wait3A_461 = tpu.memref_squeeze %dma_wait3A_460 : memref<1x64xi32, #tpu.memory_space<vmem>> -> memref<64xi32, #tpu.memory_space<vmem>>
      %dma_wait3A_462 = arith.constant 0 : i32
      %dma_wait3A_463 = arith.constant 0 : i32
      %dma_wait3A_464 = tpu.memref_slice %arg5[%dma_wait3A_462, %dma_wait3A_463] : memref<10112x16xf32, #tpu.memory_space<vmem_shared>> -> memref<10112x16xf32, #tpu.memory_space<vmem_shared>>
      tpu.wait_indirect_dma semaphore(%arg8 : memref<!tpu.dma_semaphore, #tpu.memory_space<semaphore_mem>>) src(%arg7 : memref<64x16xf32, #tpu.memory_space<vmem>>) dst(%dma_wait3A_464 : memref<10112x16xf32, #tpu.memory_space<vmem_shared>>)
    }
    %scan3A_9 = arith.constant 10 : i32
    %barrier3A_10 = arith.constant 0 : index
    tpu.barrier barrier_id(%barrier3A_10)
    %mul3A_11 = arith.constant 632 : i32
    %mul3A_12 = arith.muli %arg1, %mul3A_11 : i32
    %mul3A_13 = arith.constant 632 : i32
    %mul3A_14 = arith.muli %arg1, %mul3A_13 : i32
    "tpu.region"() ({
      %run_scoped3A = tpu.sem_alloc : memref<!tpu.dma_semaphore, #tpu.memory_space<semaphore_mem>>
      %dma_start3A = arith.constant 0 : i32
      %dma_start3A_15 = tpu.memref_slice %arg4[%arg0, %mul3A_14, %dma_start3A] : memref<2x10112x16xf32, #tpu.memory_space<hbm>> -> memref<1x632x16xf32, #tpu.memory_space<hbm>>
      %dma_start3A_16 = tpu.memref_squeeze %dma_start3A_15 : memref<1x632x16xf32, #tpu.memory_space<hbm>> -> memref<632x16xf32, #tpu.memory_space<hbm>>
      %dma_start3A_17 = arith.constant 0 : i32
      %dma_start3A_18 = tpu.memref_slice %arg5[%mul3A_12, %dma_start3A_17] : memref<10112x16xf32, #tpu.memory_space<vmem_shared>> -> memref<632x16xf32, #tpu.memory_space<vmem_shared>>
      tpu.enqueue_dma source(%dma_start3A_18 : memref<632x16xf32, #tpu.memory_space<vmem_shared>>) target(%dma_start3A_16 : memref<632x16xf32, #tpu.memory_space<hbm>>) target_semaphore(%run_scoped3A : memref<!tpu.dma_semaphore, #tpu.memory_space<semaphore_mem>>)
      %dma_wait3A = arith.constant 0 : i32
      %dma_wait3A_19 = tpu.memref_slice %arg4[%arg0, %mul3A_14, %dma_wait3A] : memref<2x10112x16xf32, #tpu.memory_space<hbm>> -> memref<1x632x16xf32, #tpu.memory_space<hbm>>
      %dma_wait3A_20 = tpu.memref_squeeze %dma_wait3A_19 : memref<1x632x16xf32, #tpu.memory_space<hbm>> -> memref<632x16xf32, #tpu.memory_space<hbm>>
      %dma_wait3A_21 = arith.constant 0 : i32
      %dma_wait3A_22 = tpu.memref_slice %arg5[%mul3A_12, %dma_wait3A_21] : memref<10112x16xf32, #tpu.memory_space<vmem_shared>> -> memref<632x16xf32, #tpu.memory_space<vmem_shared>>
      tpu.wait_dma2 semaphore(%run_scoped3A : memref<!tpu.dma_semaphore, #tpu.memory_space<semaphore_mem>>) src(%dma_wait3A_22 : memref<632x16xf32, #tpu.memory_space<vmem_shared>>) dst(%dma_wait3A_20 : memref<632x16xf32, #tpu.memory_space<hbm>>)
      tpu.yield
    }) : () -> ()
    return
  }
}

#map = affine_map<(d0, d1) -> (0, 0, 0)>
#map1 = affine_map<(d0, d1) -> (0, 0, 0, 0)>
#map2 = affine_map<(d0, d1) -> (0, 0)>
module attributes {stable_mosaic.version = 14 : i64} {
  func.func @_edge_kernel(%arg0: i32, %arg1: i32, %arg2: memref<2x10112x128xbf16, #tpu.memory_space<hbm>>, %arg3: memref<2x16x320x64xi32, #tpu.memory_space<hbm>>, %arg4: memref<2x16x320x64xi32, #tpu.memory_space<hbm>>, %arg5: memref<632x128xbf16, #tpu.memory_space<hbm>>, %arg6: memref<2x10112x128xbf16, #tpu.memory_space<hbm>>, %arg7: memref<10112x128xbf16, #tpu.memory_space<vmem_shared>>, %arg8: memref<32x64xi32, #tpu.memory_space<vmem>>, %arg9: memref<32x64xi32, #tpu.memory_space<vmem>>, %arg10: memref<512x128xbf16, #tpu.memory_space<vmem>>, %arg11: memref<!tpu.dma_semaphore, #tpu.memory_space<semaphore_mem>>, %arg12: memref<!tpu.dma_semaphore, #tpu.memory_space<semaphore_mem>>) attributes {dimension_semantics = [#tpu.dimension_semantics<core_parallel>, #tpu.dimension_semantics<subcore_parallel>], iteration_bounds = array<i64: 2, 16>, scalar_prefetch = 0 : i64, scratch_operands = 6 : i64, tpu.core_type = #tpu.core_type<sc_vector_subcore>, window_params = [{transform_indices = #map}, {transform_indices = #map1}, {transform_indices = #map1}, {transform_indices = #map2}, {transform_indices = #map}]} {
    %mul3A = arith.constant 632 : i32
    %mul3A_0 = arith.muli %arg1, %mul3A : i32
    "tpu.region"() ({
      %run_scoped3A = tpu.sem_alloc : memref<!tpu.dma_semaphore, #tpu.memory_space<semaphore_mem>>
      %dma_start3A = arith.constant 0 : i32
      %dma_start3A_10 = tpu.memref_slice %arg7[%mul3A_0, %dma_start3A] : memref<10112x128xbf16, #tpu.memory_space<vmem_shared>> -> memref<632x128xbf16, #tpu.memory_space<vmem_shared>>
      tpu.enqueue_dma source(%arg5 : memref<632x128xbf16, #tpu.memory_space<hbm>>) target(%dma_start3A_10 : memref<632x128xbf16, #tpu.memory_space<vmem_shared>>) target_semaphore(%run_scoped3A : memref<!tpu.dma_semaphore, #tpu.memory_space<semaphore_mem>>)
      %dma_wait3A = arith.constant 0 : i32
      %dma_wait3A_11 = tpu.memref_slice %arg7[%mul3A_0, %dma_wait3A] : memref<10112x128xbf16, #tpu.memory_space<vmem_shared>> -> memref<632x128xbf16, #tpu.memory_space<vmem_shared>>
      tpu.wait_dma2 semaphore(%run_scoped3A : memref<!tpu.dma_semaphore, #tpu.memory_space<semaphore_mem>>) src(%arg5 : memref<632x128xbf16, #tpu.memory_space<hbm>>) dst(%dma_wait3A_11 : memref<632x128xbf16, #tpu.memory_space<vmem_shared>>)
      tpu.yield
    }) : () -> ()
    %barrier3A = arith.constant 0 : index
    tpu.barrier barrier_id(%barrier3A)
    %scan3A = arith.constant 0 : i32
    %scan3A_1 = arith.constant 10 : i32
    %scan3A_2 = arith.addi %scan3A, %scan3A_1 : i32
    %scan3A_3 = arith.constant 1 : i32
    scf.for %scan3A_10 = %scan3A to %scan3A_2 step %scan3A_3  : i32 {
      %mul3A_11 = arith.constant 32 : i32
      %mul3A_12 = arith.muli %scan3A_10, %mul3A_11 : i32
      %add3A = arith.constant 0 : i32
      %add3A_13 = arith.addi %add3A, %mul3A_12 : i32
      "tpu.region"() ({
        %run_scoped3A = tpu.sem_alloc : memref<!tpu.dma_semaphore, #tpu.memory_space<semaphore_mem>>
        %dma_start3A_1548 = arith.constant 0 : i32
        %dma_start3A_1549 = tpu.memref_slice %arg3[%arg0, %arg1, %add3A_13, %dma_start3A_1548] : memref<2x16x320x64xi32, #tpu.memory_space<hbm>> -> memref<1x1x32x64xi32, #tpu.memory_space<hbm>>
        %dma_start3A_1550 = tpu.memref_squeeze %dma_start3A_1549 : memref<1x1x32x64xi32, #tpu.memory_space<hbm>> -> memref<32x64xi32, #tpu.memory_space<hbm>>
        %dma_start3A_1551 = arith.constant 0 : i32
        %dma_start3A_1552 = tpu.memref_slice %arg3[%arg0, %arg1, %add3A_13, %dma_start3A_1551] : memref<2x16x320x64xi32, #tpu.memory_space<hbm>> -> memref<1x1x32x64xi32, #tpu.memory_space<hbm>>
        %dma_start3A_1553 = tpu.memref_squeeze %dma_start3A_1552 : memref<1x1x32x64xi32, #tpu.memory_space<hbm>> -> memref<32x64xi32, #tpu.memory_space<hbm>>
        tpu.enqueue_dma source(%dma_start3A_1553 : memref<32x64xi32, #tpu.memory_space<hbm>>) target(%arg8 : memref<32x64xi32, #tpu.memory_space<vmem>>) target_semaphore(%run_scoped3A : memref<!tpu.dma_semaphore, #tpu.memory_space<semaphore_mem>>)
        %dma_wait3A_1554 = arith.constant 0 : i32
        %dma_wait3A_1555 = tpu.memref_slice %arg3[%arg0, %arg1, %add3A_13, %dma_wait3A_1554] : memref<2x16x320x64xi32, #tpu.memory_space<hbm>> -> memref<1x1x32x64xi32, #tpu.memory_space<hbm>>
        %dma_wait3A_1556 = tpu.memref_squeeze %dma_wait3A_1555 : memref<1x1x32x64xi32, #tpu.memory_space<hbm>> -> memref<32x64xi32, #tpu.memory_space<hbm>>
        %dma_wait3A_1557 = arith.constant 0 : i32
        %dma_wait3A_1558 = tpu.memref_slice %arg3[%arg0, %arg1, %add3A_13, %dma_wait3A_1557] : memref<2x16x320x64xi32, #tpu.memory_space<hbm>> -> memref<1x1x32x64xi32, #tpu.memory_space<hbm>>
        %dma_wait3A_1559 = tpu.memref_squeeze %dma_wait3A_1558 : memref<1x1x32x64xi32, #tpu.memory_space<hbm>> -> memref<32x64xi32, #tpu.memory_space<hbm>>
        tpu.wait_dma2 semaphore(%run_scoped3A : memref<!tpu.dma_semaphore, #tpu.memory_space<semaphore_mem>>) src(%dma_wait3A_1559 : memref<32x64xi32, #tpu.memory_space<hbm>>) dst(%arg8 : memref<32x64xi32, #tpu.memory_space<vmem>>)
        tpu.yield
      }) : () -> ()
      "tpu.region"() ({
        %run_scoped3A = tpu.sem_alloc : memref<!tpu.dma_semaphore, #tpu.memory_space<semaphore_mem>>
        %dma_start3A_1548 = arith.constant 0 : i32
        %dma_start3A_1549 = tpu.memref_slice %arg4[%arg0, %arg1, %add3A_13, %dma_start3A_1548] : memref<2x16x320x64xi32, #tpu.memory_space<hbm>> -> memref<1x1x32x64xi32, #tpu.memory_space<hbm>>
        %dma_start3A_1550 = tpu.memref_squeeze %dma_start3A_1549 : memref<1x1x32x64xi32, #tpu.memory_space<hbm>> -> memref<32x64xi32, #tpu.memory_space<hbm>>
        %dma_start3A_1551 = arith.constant 0 : i32
        %dma_start3A_1552 = tpu.memref_slice %arg4[%arg0, %arg1, %add3A_13, %dma_start3A_1551] : memref<2x16x320x64xi32, #tpu.memory_space<hbm>> -> memref<1x1x32x64xi32, #tpu.memory_space<hbm>>
        %dma_start3A_1553 = tpu.memref_squeeze %dma_start3A_1552 : memref<1x1x32x64xi32, #tpu.memory_space<hbm>> -> memref<32x64xi32, #tpu.memory_space<hbm>>
        tpu.enqueue_dma source(%dma_start3A_1553 : memref<32x64xi32, #tpu.memory_space<hbm>>) target(%arg9 : memref<32x64xi32, #tpu.memory_space<vmem>>) target_semaphore(%run_scoped3A : memref<!tpu.dma_semaphore, #tpu.memory_space<semaphore_mem>>)
        %dma_wait3A_1554 = arith.constant 0 : i32
        %dma_wait3A_1555 = tpu.memref_slice %arg4[%arg0, %arg1, %add3A_13, %dma_wait3A_1554] : memref<2x16x320x64xi32, #tpu.memory_space<hbm>> -> memref<1x1x32x64xi32, #tpu.memory_space<hbm>>
        %dma_wait3A_1556 = tpu.memref_squeeze %dma_wait3A_1555 : memref<1x1x32x64xi32, #tpu.memory_space<hbm>> -> memref<32x64xi32, #tpu.memory_space<hbm>>
        %dma_wait3A_1557 = arith.constant 0 : i32
        %dma_wait3A_1558 = tpu.memref_slice %arg4[%arg0, %arg1, %add3A_13, %dma_wait3A_1557] : memref<2x16x320x64xi32, #tpu.memory_space<hbm>> -> memref<1x1x32x64xi32, #tpu.memory_space<hbm>>
        %dma_wait3A_1559 = tpu.memref_squeeze %dma_wait3A_1558 : memref<1x1x32x64xi32, #tpu.memory_space<hbm>> -> memref<32x64xi32, #tpu.memory_space<hbm>>
        tpu.wait_dma2 semaphore(%run_scoped3A : memref<!tpu.dma_semaphore, #tpu.memory_space<semaphore_mem>>) src(%dma_wait3A_1559 : memref<32x64xi32, #tpu.memory_space<hbm>>) dst(%arg9 : memref<32x64xi32, #tpu.memory_space<vmem>>)
        tpu.yield
      }) : () -> ()
      %dma_start3A = arith.constant 0 : i32
      %dma_start3A_14 = arith.constant 0 : i32
      %dma_start3A_15 = arith.constant 0 : i32
      %dma_start3A_16 = tpu.memref_slice %arg10[%dma_start3A_14, %dma_start3A_15] : memref<512x128xbf16, #tpu.memory_space<vmem>> -> memref<64x128xbf16, #tpu.memory_space<vmem>>
      %dma_start3A_17 = arith.constant 0 : i32
      %dma_start3A_18 = tpu.memref_slice %arg8[%dma_start3A, %dma_start3A_17] : memref<32x64xi32, #tpu.memory_space<vmem>> -> memref<1x64xi32, #tpu.memory_space<vmem>>
      %dma_start3A_19 = tpu.memref_squeeze %dma_start3A_18 : memref<1x64xi32, #tpu.memory_space<vmem>> -> memref<64xi32, #tpu.memory_space<vmem>>
      %dma_start3A_20 = arith.constant 0 : i32
      %dma_start3A_21 = arith.constant 0 : i32
      %dma_start3A_22 = tpu.memref_slice %arg2[%arg0, %dma_start3A_20, %dma_start3A_21] : memref<2x10112x128xbf16, #tpu.memory_space<hbm>> -> memref<1x10112x128xbf16, #tpu.memory_space<hbm>>
      %dma_start3A_23 = tpu.memref_squeeze %dma_start3A_22 : memref<1x10112x128xbf16, #tpu.memory_space<hbm>> -> memref<10112x128xbf16, #tpu.memory_space<hbm>>
      %dma_start3A_24 = arith.constant 0 : i32
      %dma_start3A_25 = arith.constant 0 : i32
      %dma_start3A_26 = tpu.memref_slice %dma_start3A_23[%dma_start3A_24, %dma_start3A_25] : memref<10112x128xbf16, #tpu.memory_space<hbm>> -> memref<10112x128xbf16, #tpu.memory_space<hbm>>
      tpu.enqueue_indirect_dma source(%dma_start3A_26 : memref<10112x128xbf16, #tpu.memory_space<hbm>>) target(%dma_start3A_16 : memref<64x128xbf16, #tpu.memory_space<vmem>>) offsets(%dma_start3A_19 : memref<64xi32, #tpu.memory_space<vmem>>) semaphore(%arg11 : memref<!tpu.dma_semaphore, #tpu.memory_space<semaphore_mem>>)
      %dma_start3A_27 = arith.constant 1 : i32
      %dma_start3A_28 = arith.constant 64 : i32
      %dma_start3A_29 = arith.constant 0 : i32
      %dma_start3A_30 = tpu.memref_slice %arg10[%dma_start3A_28, %dma_start3A_29] : memref<512x128xbf16, #tpu.memory_space<vmem>> -> memref<64x128xbf16, #tpu.memory_space<vmem>>
      %dma_start3A_31 = arith.constant 0 : i32
      %dma_start3A_32 = tpu.memref_slice %arg8[%dma_start3A_27, %dma_start3A_31] : memref<32x64xi32, #tpu.memory_space<vmem>> -> memref<1x64xi32, #tpu.memory_space<vmem>>
      %dma_start3A_33 = tpu.memref_squeeze %dma_start3A_32 : memref<1x64xi32, #tpu.memory_space<vmem>> -> memref<64xi32, #tpu.memory_space<vmem>>
      %dma_start3A_34 = arith.constant 0 : i32
      %dma_start3A_35 = arith.constant 0 : i32
      %dma_start3A_36 = tpu.memref_slice %arg2[%arg0, %dma_start3A_34, %dma_start3A_35] : memref<2x10112x128xbf16, #tpu.memory_space<hbm>> -> memref<1x10112x128xbf16, #tpu.memory_space<hbm>>
      %dma_start3A_37 = tpu.memref_squeeze %dma_start3A_36 : memref<1x10112x128xbf16, #tpu.memory_space<hbm>> -> memref<10112x128xbf16, #tpu.memory_space<hbm>>
      %dma_start3A_38 = arith.constant 0 : i32
      %dma_start3A_39 = arith.constant 0 : i32
      %dma_start3A_40 = tpu.memref_slice %dma_start3A_37[%dma_start3A_38, %dma_start3A_39] : memref<10112x128xbf16, #tpu.memory_space<hbm>> -> memref<10112x128xbf16, #tpu.memory_space<hbm>>
      tpu.enqueue_indirect_dma source(%dma_start3A_40 : memref<10112x128xbf16, #tpu.memory_space<hbm>>) target(%dma_start3A_30 : memref<64x128xbf16, #tpu.memory_space<vmem>>) offsets(%dma_start3A_33 : memref<64xi32, #tpu.memory_space<vmem>>) semaphore(%arg11 : memref<!tpu.dma_semaphore, #tpu.memory_space<semaphore_mem>>)
      %dma_start3A_41 = arith.constant 2 : i32
      %dma_start3A_42 = arith.constant 128 : i32
      %dma_start3A_43 = arith.constant 0 : i32
      %dma_start3A_44 = tpu.memref_slice %arg10[%dma_start3A_42, %dma_start3A_43] : memref<512x128xbf16, #tpu.memory_space<vmem>> -> memref<64x128xbf16, #tpu.memory_space<vmem>>
      %dma_start3A_45 = arith.constant 0 : i32
      %dma_start3A_46 = tpu.memref_slice %arg8[%dma_start3A_41, %dma_start3A_45] : memref<32x64xi32, #tpu.memory_space<vmem>> -> memref<1x64xi32, #tpu.memory_space<vmem>>
      %dma_start3A_47 = tpu.memref_squeeze %dma_start3A_46 : memref<1x64xi32, #tpu.memory_space<vmem>> -> memref<64xi32, #tpu.memory_space<vmem>>
      %dma_start3A_48 = arith.constant 0 : i32
      %dma_start3A_49 = arith.constant 0 : i32
      %dma_start3A_50 = tpu.memref_slice %arg2[%arg0, %dma_start3A_48, %dma_start3A_49] : memref<2x10112x128xbf16, #tpu.memory_space<hbm>> -> memref<1x10112x128xbf16, #tpu.memory_space<hbm>>
      %dma_start3A_51 = tpu.memref_squeeze %dma_start3A_50 : memref<1x10112x128xbf16, #tpu.memory_space<hbm>> -> memref<10112x128xbf16, #tpu.memory_space<hbm>>
      %dma_start3A_52 = arith.constant 0 : i32
      %dma_start3A_53 = arith.constant 0 : i32
      %dma_start3A_54 = tpu.memref_slice %dma_start3A_51[%dma_start3A_52, %dma_start3A_53] : memref<10112x128xbf16, #tpu.memory_space<hbm>> -> memref<10112x128xbf16, #tpu.memory_space<hbm>>
      tpu.enqueue_indirect_dma source(%dma_start3A_54 : memref<10112x128xbf16, #tpu.memory_space<hbm>>) target(%dma_start3A_44 : memref<64x128xbf16, #tpu.memory_space<vmem>>) offsets(%dma_start3A_47 : memref<64xi32, #tpu.memory_space<vmem>>) semaphore(%arg11 : memref<!tpu.dma_semaphore, #tpu.memory_space<semaphore_mem>>)
      %dma_start3A_55 = arith.constant 3 : i32
      %dma_start3A_56 = arith.constant 192 : i32
      %dma_start3A_57 = arith.constant 0 : i32
      %dma_start3A_58 = tpu.memref_slice %arg10[%dma_start3A_56, %dma_start3A_57] : memref<512x128xbf16, #tpu.memory_space<vmem>> -> memref<64x128xbf16, #tpu.memory_space<vmem>>
      %dma_start3A_59 = arith.constant 0 : i32
      %dma_start3A_60 = tpu.memref_slice %arg8[%dma_start3A_55, %dma_start3A_59] : memref<32x64xi32, #tpu.memory_space<vmem>> -> memref<1x64xi32, #tpu.memory_space<vmem>>
      %dma_start3A_61 = tpu.memref_squeeze %dma_start3A_60 : memref<1x64xi32, #tpu.memory_space<vmem>> -> memref<64xi32, #tpu.memory_space<vmem>>
      %dma_start3A_62 = arith.constant 0 : i32
      %dma_start3A_63 = arith.constant 0 : i32
      %dma_start3A_64 = tpu.memref_slice %arg2[%arg0, %dma_start3A_62, %dma_start3A_63] : memref<2x10112x128xbf16, #tpu.memory_space<hbm>> -> memref<1x10112x128xbf16, #tpu.memory_space<hbm>>
      %dma_start3A_65 = tpu.memref_squeeze %dma_start3A_64 : memref<1x10112x128xbf16, #tpu.memory_space<hbm>> -> memref<10112x128xbf16, #tpu.memory_space<hbm>>
      %dma_start3A_66 = arith.constant 0 : i32
      %dma_start3A_67 = arith.constant 0 : i32
      %dma_start3A_68 = tpu.memref_slice %dma_start3A_65[%dma_start3A_66, %dma_start3A_67] : memref<10112x128xbf16, #tpu.memory_space<hbm>> -> memref<10112x128xbf16, #tpu.memory_space<hbm>>
      tpu.enqueue_indirect_dma source(%dma_start3A_68 : memref<10112x128xbf16, #tpu.memory_space<hbm>>) target(%dma_start3A_58 : memref<64x128xbf16, #tpu.memory_space<vmem>>) offsets(%dma_start3A_61 : memref<64xi32, #tpu.memory_space<vmem>>) semaphore(%arg11 : memref<!tpu.dma_semaphore, #tpu.memory_space<semaphore_mem>>)
      %dma_start3A_69 = arith.constant 4 : i32
      %dma_start3A_70 = arith.constant 256 : i32
      %dma_start3A_71 = arith.constant 0 : i32
      %dma_start3A_72 = tpu.memref_slice %arg10[%dma_start3A_70, %dma_start3A_71] : memref<512x128xbf16, #tpu.memory_space<vmem>> -> memref<64x128xbf16, #tpu.memory_space<vmem>>
      %dma_start3A_73 = arith.constant 0 : i32
      %dma_start3A_74 = tpu.memref_slice %arg8[%dma_start3A_69, %dma_start3A_73] : memref<32x64xi32, #tpu.memory_space<vmem>> -> memref<1x64xi32, #tpu.memory_space<vmem>>
      %dma_start3A_75 = tpu.memref_squeeze %dma_start3A_74 : memref<1x64xi32, #tpu.memory_space<vmem>> -> memref<64xi32, #tpu.memory_space<vmem>>
      %dma_start3A_76 = arith.constant 0 : i32
      %dma_start3A_77 = arith.constant 0 : i32
      %dma_start3A_78 = tpu.memref_slice %arg2[%arg0, %dma_start3A_76, %dma_start3A_77] : memref<2x10112x128xbf16, #tpu.memory_space<hbm>> -> memref<1x10112x128xbf16, #tpu.memory_space<hbm>>
      %dma_start3A_79 = tpu.memref_squeeze %dma_start3A_78 : memref<1x10112x128xbf16, #tpu.memory_space<hbm>> -> memref<10112x128xbf16, #tpu.memory_space<hbm>>
      %dma_start3A_80 = arith.constant 0 : i32
      %dma_start3A_81 = arith.constant 0 : i32
      %dma_start3A_82 = tpu.memref_slice %dma_start3A_79[%dma_start3A_80, %dma_start3A_81] : memref<10112x128xbf16, #tpu.memory_space<hbm>> -> memref<10112x128xbf16, #tpu.memory_space<hbm>>
      tpu.enqueue_indirect_dma source(%dma_start3A_82 : memref<10112x128xbf16, #tpu.memory_space<hbm>>) target(%dma_start3A_72 : memref<64x128xbf16, #tpu.memory_space<vmem>>) offsets(%dma_start3A_75 : memref<64xi32, #tpu.memory_space<vmem>>) semaphore(%arg11 : memref<!tpu.dma_semaphore, #tpu.memory_space<semaphore_mem>>)
      %dma_start3A_83 = arith.constant 5 : i32
      %dma_start3A_84 = arith.constant 320 : i32
      %dma_start3A_85 = arith.constant 0 : i32
      %dma_start3A_86 = tpu.memref_slice %arg10[%dma_start3A_84, %dma_start3A_85] : memref<512x128xbf16, #tpu.memory_space<vmem>> -> memref<64x128xbf16, #tpu.memory_space<vmem>>
      %dma_start3A_87 = arith.constant 0 : i32
      %dma_start3A_88 = tpu.memref_slice %arg8[%dma_start3A_83, %dma_start3A_87] : memref<32x64xi32, #tpu.memory_space<vmem>> -> memref<1x64xi32, #tpu.memory_space<vmem>>
      %dma_start3A_89 = tpu.memref_squeeze %dma_start3A_88 : memref<1x64xi32, #tpu.memory_space<vmem>> -> memref<64xi32, #tpu.memory_space<vmem>>
      %dma_start3A_90 = arith.constant 0 : i32
      %dma_start3A_91 = arith.constant 0 : i32
      %dma_start3A_92 = tpu.memref_slice %arg2[%arg0, %dma_start3A_90, %dma_start3A_91] : memref<2x10112x128xbf16, #tpu.memory_space<hbm>> -> memref<1x10112x128xbf16, #tpu.memory_space<hbm>>
      %dma_start3A_93 = tpu.memref_squeeze %dma_start3A_92 : memref<1x10112x128xbf16, #tpu.memory_space<hbm>> -> memref<10112x128xbf16, #tpu.memory_space<hbm>>
      %dma_start3A_94 = arith.constant 0 : i32
      %dma_start3A_95 = arith.constant 0 : i32
      %dma_start3A_96 = tpu.memref_slice %dma_start3A_93[%dma_start3A_94, %dma_start3A_95] : memref<10112x128xbf16, #tpu.memory_space<hbm>> -> memref<10112x128xbf16, #tpu.memory_space<hbm>>
      tpu.enqueue_indirect_dma source(%dma_start3A_96 : memref<10112x128xbf16, #tpu.memory_space<hbm>>) target(%dma_start3A_86 : memref<64x128xbf16, #tpu.memory_space<vmem>>) offsets(%dma_start3A_89 : memref<64xi32, #tpu.memory_space<vmem>>) semaphore(%arg11 : memref<!tpu.dma_semaphore, #tpu.memory_space<semaphore_mem>>)
      %dma_start3A_97 = arith.constant 6 : i32
      %dma_start3A_98 = arith.constant 384 : i32
      %dma_start3A_99 = arith.constant 0 : i32
      %dma_start3A_100 = tpu.memref_slice %arg10[%dma_start3A_98, %dma_start3A_99] : memref<512x128xbf16, #tpu.memory_space<vmem>> -> memref<64x128xbf16, #tpu.memory_space<vmem>>
      %dma_start3A_101 = arith.constant 0 : i32
      %dma_start3A_102 = tpu.memref_slice %arg8[%dma_start3A_97, %dma_start3A_101] : memref<32x64xi32, #tpu.memory_space<vmem>> -> memref<1x64xi32, #tpu.memory_space<vmem>>
      %dma_start3A_103 = tpu.memref_squeeze %dma_start3A_102 : memref<1x64xi32, #tpu.memory_space<vmem>> -> memref<64xi32, #tpu.memory_space<vmem>>
      %dma_start3A_104 = arith.constant 0 : i32
      %dma_start3A_105 = arith.constant 0 : i32
      %dma_start3A_106 = tpu.memref_slice %arg2[%arg0, %dma_start3A_104, %dma_start3A_105] : memref<2x10112x128xbf16, #tpu.memory_space<hbm>> -> memref<1x10112x128xbf16, #tpu.memory_space<hbm>>
      %dma_start3A_107 = tpu.memref_squeeze %dma_start3A_106 : memref<1x10112x128xbf16, #tpu.memory_space<hbm>> -> memref<10112x128xbf16, #tpu.memory_space<hbm>>
      %dma_start3A_108 = arith.constant 0 : i32
      %dma_start3A_109 = arith.constant 0 : i32
      %dma_start3A_110 = tpu.memref_slice %dma_start3A_107[%dma_start3A_108, %dma_start3A_109] : memref<10112x128xbf16, #tpu.memory_space<hbm>> -> memref<10112x128xbf16, #tpu.memory_space<hbm>>
      tpu.enqueue_indirect_dma source(%dma_start3A_110 : memref<10112x128xbf16, #tpu.memory_space<hbm>>) target(%dma_start3A_100 : memref<64x128xbf16, #tpu.memory_space<vmem>>) offsets(%dma_start3A_103 : memref<64xi32, #tpu.memory_space<vmem>>) semaphore(%arg11 : memref<!tpu.dma_semaphore, #tpu.memory_space<semaphore_mem>>)
      %dma_start3A_111 = arith.constant 7 : i32
      %dma_start3A_112 = arith.constant 448 : i32
      %dma_start3A_113 = arith.constant 0 : i32
      %dma_start3A_114 = tpu.memref_slice %arg10[%dma_start3A_112, %dma_start3A_113] : memref<512x128xbf16, #tpu.memory_space<vmem>> -> memref<64x128xbf16, #tpu.memory_space<vmem>>
      %dma_start3A_115 = arith.constant 0 : i32
      %dma_start3A_116 = tpu.memref_slice %arg8[%dma_start3A_111, %dma_start3A_115] : memref<32x64xi32, #tpu.memory_space<vmem>> -> memref<1x64xi32, #tpu.memory_space<vmem>>
      %dma_start3A_117 = tpu.memref_squeeze %dma_start3A_116 : memref<1x64xi32, #tpu.memory_space<vmem>> -> memref<64xi32, #tpu.memory_space<vmem>>
      %dma_start3A_118 = arith.constant 0 : i32
      %dma_start3A_119 = arith.constant 0 : i32
      %dma_start3A_120 = tpu.memref_slice %arg2[%arg0, %dma_start3A_118, %dma_start3A_119] : memref<2x10112x128xbf16, #tpu.memory_space<hbm>> -> memref<1x10112x128xbf16, #tpu.memory_space<hbm>>
      %dma_start3A_121 = tpu.memref_squeeze %dma_start3A_120 : memref<1x10112x128xbf16, #tpu.memory_space<hbm>> -> memref<10112x128xbf16, #tpu.memory_space<hbm>>
      %dma_start3A_122 = arith.constant 0 : i32
      %dma_start3A_123 = arith.constant 0 : i32
      %dma_start3A_124 = tpu.memref_slice %dma_start3A_121[%dma_start3A_122, %dma_start3A_123] : memref<10112x128xbf16, #tpu.memory_space<hbm>> -> memref<10112x128xbf16, #tpu.memory_space<hbm>>
      tpu.enqueue_indirect_dma source(%dma_start3A_124 : memref<10112x128xbf16, #tpu.memory_space<hbm>>) target(%dma_start3A_114 : memref<64x128xbf16, #tpu.memory_space<vmem>>) offsets(%dma_start3A_117 : memref<64xi32, #tpu.memory_space<vmem>>) semaphore(%arg11 : memref<!tpu.dma_semaphore, #tpu.memory_space<semaphore_mem>>)
      %dma_wait3A = arith.constant 0 : i32
      %dma_wait3A_125 = arith.constant 0 : i32
      %dma_wait3A_126 = arith.constant 0 : i32
      %dma_wait3A_127 = tpu.memref_slice %arg10[%dma_wait3A_125, %dma_wait3A_126] : memref<512x128xbf16, #tpu.memory_space<vmem>> -> memref<64x128xbf16, #tpu.memory_space<vmem>>
      %dma_wait3A_128 = arith.constant 0 : i32
      %dma_wait3A_129 = tpu.memref_slice %arg8[%dma_wait3A, %dma_wait3A_128] : memref<32x64xi32, #tpu.memory_space<vmem>> -> memref<1x64xi32, #tpu.memory_space<vmem>>
      %dma_wait3A_130 = tpu.memref_squeeze %dma_wait3A_129 : memref<1x64xi32, #tpu.memory_space<vmem>> -> memref<64xi32, #tpu.memory_space<vmem>>
      %dma_wait3A_131 = arith.constant 0 : i32
      %dma_wait3A_132 = arith.constant 0 : i32
      %dma_wait3A_133 = tpu.memref_slice %arg2[%arg0, %dma_wait3A_131, %dma_wait3A_132] : memref<2x10112x128xbf16, #tpu.memory_space<hbm>> -> memref<1x10112x128xbf16, #tpu.memory_space<hbm>>
      %dma_wait3A_134 = tpu.memref_squeeze %dma_wait3A_133 : memref<1x10112x128xbf16, #tpu.memory_space<hbm>> -> memref<10112x128xbf16, #tpu.memory_space<hbm>>
      %dma_wait3A_135 = arith.constant 0 : i32
      %dma_wait3A_136 = arith.constant 0 : i32
      %dma_wait3A_137 = tpu.memref_slice %dma_wait3A_134[%dma_wait3A_135, %dma_wait3A_136] : memref<10112x128xbf16, #tpu.memory_space<hbm>> -> memref<10112x128xbf16, #tpu.memory_space<hbm>>
      tpu.wait_indirect_dma semaphore(%arg11 : memref<!tpu.dma_semaphore, #tpu.memory_space<semaphore_mem>>) src(%dma_wait3A_137 : memref<10112x128xbf16, #tpu.memory_space<hbm>>) dst(%dma_wait3A_127 : memref<64x128xbf16, #tpu.memory_space<vmem>>)
      %dma_start3A_138 = arith.constant 0 : i32
      %dma_start3A_139 = arith.constant 0 : i32
      %dma_start3A_140 = arith.constant 0 : i32
      %dma_start3A_141 = tpu.memref_slice %arg10[%dma_start3A_139, %dma_start3A_140] : memref<512x128xbf16, #tpu.memory_space<vmem>> -> memref<64x128xbf16, #tpu.memory_space<vmem>>
      %dma_start3A_142 = arith.constant 0 : i32
      %dma_start3A_143 = tpu.memref_slice %arg9[%dma_start3A_138, %dma_start3A_142] : memref<32x64xi32, #tpu.memory_space<vmem>> -> memref<1x64xi32, #tpu.memory_space<vmem>>
      %dma_start3A_144 = tpu.memref_squeeze %dma_start3A_143 : memref<1x64xi32, #tpu.memory_space<vmem>> -> memref<64xi32, #tpu.memory_space<vmem>>
      %dma_start3A_145 = arith.constant 0 : i32
      %dma_start3A_146 = arith.constant 0 : i32
      %dma_start3A_147 = tpu.memref_slice %arg7[%dma_start3A_145, %dma_start3A_146] : memref<10112x128xbf16, #tpu.memory_space<vmem_shared>> -> memref<10112x128xbf16, #tpu.memory_space<vmem_shared>>
      tpu.enqueue_indirect_dma source(%dma_start3A_141 : memref<64x128xbf16, #tpu.memory_space<vmem>>) target(%dma_start3A_147 : memref<10112x128xbf16, #tpu.memory_space<vmem_shared>>) offsets(%dma_start3A_144 : memref<64xi32, #tpu.memory_space<vmem>>) semaphore(%arg12 : memref<!tpu.dma_semaphore, #tpu.memory_space<semaphore_mem>>) {add = true}
      %dma_wait3A_148 = arith.constant 0 : i32
      %dma_wait3A_149 = arith.constant 0 : i32
      %dma_wait3A_150 = arith.constant 0 : i32
      %dma_wait3A_151 = tpu.memref_slice %arg10[%dma_wait3A_149, %dma_wait3A_150] : memref<512x128xbf16, #tpu.memory_space<vmem>> -> memref<64x128xbf16, #tpu.memory_space<vmem>>
      %dma_wait3A_152 = arith.constant 0 : i32
      %dma_wait3A_153 = tpu.memref_slice %arg9[%dma_wait3A_148, %dma_wait3A_152] : memref<32x64xi32, #tpu.memory_space<vmem>> -> memref<1x64xi32, #tpu.memory_space<vmem>>
      %dma_wait3A_154 = tpu.memref_squeeze %dma_wait3A_153 : memref<1x64xi32, #tpu.memory_space<vmem>> -> memref<64xi32, #tpu.memory_space<vmem>>
      %dma_wait3A_155 = arith.constant 0 : i32
      %dma_wait3A_156 = arith.constant 0 : i32
      %dma_wait3A_157 = tpu.memref_slice %arg7[%dma_wait3A_155, %dma_wait3A_156] : memref<10112x128xbf16, #tpu.memory_space<vmem_shared>> -> memref<10112x128xbf16, #tpu.memory_space<vmem_shared>>
      tpu.wait_indirect_dma semaphore(%arg12 : memref<!tpu.dma_semaphore, #tpu.memory_space<semaphore_mem>>) src(%dma_wait3A_151 : memref<64x128xbf16, #tpu.memory_space<vmem>>) dst(%dma_wait3A_157 : memref<10112x128xbf16, #tpu.memory_space<vmem_shared>>)
      %dma_start3A_158 = arith.constant 8 : i32
      %dma_start3A_159 = arith.constant 0 : i32
      %dma_start3A_160 = arith.constant 0 : i32
      %dma_start3A_161 = tpu.memref_slice %arg10[%dma_start3A_159, %dma_start3A_160] : memref<512x128xbf16, #tpu.memory_space<vmem>> -> memref<64x128xbf16, #tpu.memory_space<vmem>>
      %dma_start3A_162 = arith.constant 0 : i32
      %dma_start3A_163 = tpu.memref_slice %arg8[%dma_start3A_158, %dma_start3A_162] : memref<32x64xi32, #tpu.memory_space<vmem>> -> memref<1x64xi32, #tpu.memory_space<vmem>>
      %dma_start3A_164 = tpu.memref_squeeze %dma_start3A_163 : memref<1x64xi32, #tpu.memory_space<vmem>> -> memref<64xi32, #tpu.memory_space<vmem>>
      %dma_start3A_165 = arith.constant 0 : i32
      %dma_start3A_166 = arith.constant 0 : i32
      %dma_start3A_167 = tpu.memref_slice %arg2[%arg0, %dma_start3A_165, %dma_start3A_166] : memref<2x10112x128xbf16, #tpu.memory_space<hbm>> -> memref<1x10112x128xbf16, #tpu.memory_space<hbm>>
      %dma_start3A_168 = tpu.memref_squeeze %dma_start3A_167 : memref<1x10112x128xbf16, #tpu.memory_space<hbm>> -> memref<10112x128xbf16, #tpu.memory_space<hbm>>
      %dma_start3A_169 = arith.constant 0 : i32
      %dma_start3A_170 = arith.constant 0 : i32
      %dma_start3A_171 = tpu.memref_slice %dma_start3A_168[%dma_start3A_169, %dma_start3A_170] : memref<10112x128xbf16, #tpu.memory_space<hbm>> -> memref<10112x128xbf16, #tpu.memory_space<hbm>>
      tpu.enqueue_indirect_dma source(%dma_start3A_171 : memref<10112x128xbf16, #tpu.memory_space<hbm>>) target(%dma_start3A_161 : memref<64x128xbf16, #tpu.memory_space<vmem>>) offsets(%dma_start3A_164 : memref<64xi32, #tpu.memory_space<vmem>>) semaphore(%arg11 : memref<!tpu.dma_semaphore, #tpu.memory_space<semaphore_mem>>)
      %dma_wait3A_172 = arith.constant 1 : i32
      %dma_wait3A_173 = arith.constant 64 : i32
      %dma_wait3A_174 = arith.constant 0 : i32
      %dma_wait3A_175 = tpu.memref_slice %arg10[%dma_wait3A_173, %dma_wait3A_174] : memref<512x128xbf16, #tpu.memory_space<vmem>> -> memref<64x128xbf16, #tpu.memory_space<vmem>>
      %dma_wait3A_176 = arith.constant 0 : i32
      %dma_wait3A_177 = tpu.memref_slice %arg8[%dma_wait3A_172, %dma_wait3A_176] : memref<32x64xi32, #tpu.memory_space<vmem>> -> memref<1x64xi32, #tpu.memory_space<vmem>>
      %dma_wait3A_178 = tpu.memref_squeeze %dma_wait3A_177 : memref<1x64xi32, #tpu.memory_space<vmem>> -> memref<64xi32, #tpu.memory_space<vmem>>
      %dma_wait3A_179 = arith.constant 0 : i32
      %dma_wait3A_180 = arith.constant 0 : i32
      %dma_wait3A_181 = tpu.memref_slice %arg2[%arg0, %dma_wait3A_179, %dma_wait3A_180] : memref<2x10112x128xbf16, #tpu.memory_space<hbm>> -> memref<1x10112x128xbf16, #tpu.memory_space<hbm>>
      %dma_wait3A_182 = tpu.memref_squeeze %dma_wait3A_181 : memref<1x10112x128xbf16, #tpu.memory_space<hbm>> -> memref<10112x128xbf16, #tpu.memory_space<hbm>>
      %dma_wait3A_183 = arith.constant 0 : i32
      %dma_wait3A_184 = arith.constant 0 : i32
      %dma_wait3A_185 = tpu.memref_slice %dma_wait3A_182[%dma_wait3A_183, %dma_wait3A_184] : memref<10112x128xbf16, #tpu.memory_space<hbm>> -> memref<10112x128xbf16, #tpu.memory_space<hbm>>
      tpu.wait_indirect_dma semaphore(%arg11 : memref<!tpu.dma_semaphore, #tpu.memory_space<semaphore_mem>>) src(%dma_wait3A_185 : memref<10112x128xbf16, #tpu.memory_space<hbm>>) dst(%dma_wait3A_175 : memref<64x128xbf16, #tpu.memory_space<vmem>>)
      %dma_start3A_186 = arith.constant 1 : i32
      %dma_start3A_187 = arith.constant 64 : i32
      %dma_start3A_188 = arith.constant 0 : i32
      %dma_start3A_189 = tpu.memref_slice %arg10[%dma_start3A_187, %dma_start3A_188] : memref<512x128xbf16, #tpu.memory_space<vmem>> -> memref<64x128xbf16, #tpu.memory_space<vmem>>
      %dma_start3A_190 = arith.constant 0 : i32
      %dma_start3A_191 = tpu.memref_slice %arg9[%dma_start3A_186, %dma_start3A_190] : memref<32x64xi32, #tpu.memory_space<vmem>> -> memref<1x64xi32, #tpu.memory_space<vmem>>
      %dma_start3A_192 = tpu.memref_squeeze %dma_start3A_191 : memref<1x64xi32, #tpu.memory_space<vmem>> -> memref<64xi32, #tpu.memory_space<vmem>>
      %dma_start3A_193 = arith.constant 0 : i32
      %dma_start3A_194 = arith.constant 0 : i32
      %dma_start3A_195 = tpu.memref_slice %arg7[%dma_start3A_193, %dma_start3A_194] : memref<10112x128xbf16, #tpu.memory_space<vmem_shared>> -> memref<10112x128xbf16, #tpu.memory_space<vmem_shared>>
      tpu.enqueue_indirect_dma source(%dma_start3A_189 : memref<64x128xbf16, #tpu.memory_space<vmem>>) target(%dma_start3A_195 : memref<10112x128xbf16, #tpu.memory_space<vmem_shared>>) offsets(%dma_start3A_192 : memref<64xi32, #tpu.memory_space<vmem>>) semaphore(%arg12 : memref<!tpu.dma_semaphore, #tpu.memory_space<semaphore_mem>>) {add = true}
      %dma_wait3A_196 = arith.constant 1 : i32
      %dma_wait3A_197 = arith.constant 64 : i32
      %dma_wait3A_198 = arith.constant 0 : i32
      %dma_wait3A_199 = tpu.memref_slice %arg10[%dma_wait3A_197, %dma_wait3A_198] : memref<512x128xbf16, #tpu.memory_space<vmem>> -> memref<64x128xbf16, #tpu.memory_space<vmem>>
      %dma_wait3A_200 = arith.constant 0 : i32
      %dma_wait3A_201 = tpu.memref_slice %arg9[%dma_wait3A_196, %dma_wait3A_200] : memref<32x64xi32, #tpu.memory_space<vmem>> -> memref<1x64xi32, #tpu.memory_space<vmem>>
      %dma_wait3A_202 = tpu.memref_squeeze %dma_wait3A_201 : memref<1x64xi32, #tpu.memory_space<vmem>> -> memref<64xi32, #tpu.memory_space<vmem>>
      %dma_wait3A_203 = arith.constant 0 : i32
      %dma_wait3A_204 = arith.constant 0 : i32
      %dma_wait3A_205 = tpu.memref_slice %arg7[%dma_wait3A_203, %dma_wait3A_204] : memref<10112x128xbf16, #tpu.memory_space<vmem_shared>> -> memref<10112x128xbf16, #tpu.memory_space<vmem_shared>>
      tpu.wait_indirect_dma semaphore(%arg12 : memref<!tpu.dma_semaphore, #tpu.memory_space<semaphore_mem>>) src(%dma_wait3A_199 : memref<64x128xbf16, #tpu.memory_space<vmem>>) dst(%dma_wait3A_205 : memref<10112x128xbf16, #tpu.memory_space<vmem_shared>>)
      %dma_start3A_206 = arith.constant 9 : i32
      %dma_start3A_207 = arith.constant 64 : i32
      %dma_start3A_208 = arith.constant 0 : i32
      %dma_start3A_209 = tpu.memref_slice %arg10[%dma_start3A_207, %dma_start3A_208] : memref<512x128xbf16, #tpu.memory_space<vmem>> -> memref<64x128xbf16, #tpu.memory_space<vmem>>
      %dma_start3A_210 = arith.constant 0 : i32
      %dma_start3A_211 = tpu.memref_slice %arg8[%dma_start3A_206, %dma_start3A_210] : memref<32x64xi32, #tpu.memory_space<vmem>> -> memref<1x64xi32, #tpu.memory_space<vmem>>
      %dma_start3A_212 = tpu.memref_squeeze %dma_start3A_211 : memref<1x64xi32, #tpu.memory_space<vmem>> -> memref<64xi32, #tpu.memory_space<vmem>>
      %dma_start3A_213 = arith.constant 0 : i32
      %dma_start3A_214 = arith.constant 0 : i32
      %dma_start3A_215 = tpu.memref_slice %arg2[%arg0, %dma_start3A_213, %dma_start3A_214] : memref<2x10112x128xbf16, #tpu.memory_space<hbm>> -> memref<1x10112x128xbf16, #tpu.memory_space<hbm>>
      %dma_start3A_216 = tpu.memref_squeeze %dma_start3A_215 : memref<1x10112x128xbf16, #tpu.memory_space<hbm>> -> memref<10112x128xbf16, #tpu.memory_space<hbm>>
      %dma_start3A_217 = arith.constant 0 : i32
      %dma_start3A_218 = arith.constant 0 : i32
      %dma_start3A_219 = tpu.memref_slice %dma_start3A_216[%dma_start3A_217, %dma_start3A_218] : memref<10112x128xbf16, #tpu.memory_space<hbm>> -> memref<10112x128xbf16, #tpu.memory_space<hbm>>
      tpu.enqueue_indirect_dma source(%dma_start3A_219 : memref<10112x128xbf16, #tpu.memory_space<hbm>>) target(%dma_start3A_209 : memref<64x128xbf16, #tpu.memory_space<vmem>>) offsets(%dma_start3A_212 : memref<64xi32, #tpu.memory_space<vmem>>) semaphore(%arg11 : memref<!tpu.dma_semaphore, #tpu.memory_space<semaphore_mem>>)
      %dma_wait3A_220 = arith.constant 2 : i32
      %dma_wait3A_221 = arith.constant 128 : i32
      %dma_wait3A_222 = arith.constant 0 : i32
      %dma_wait3A_223 = tpu.memref_slice %arg10[%dma_wait3A_221, %dma_wait3A_222] : memref<512x128xbf16, #tpu.memory_space<vmem>> -> memref<64x128xbf16, #tpu.memory_space<vmem>>
      %dma_wait3A_224 = arith.constant 0 : i32
      %dma_wait3A_225 = tpu.memref_slice %arg8[%dma_wait3A_220, %dma_wait3A_224] : memref<32x64xi32, #tpu.memory_space<vmem>> -> memref<1x64xi32, #tpu.memory_space<vmem>>
      %dma_wait3A_226 = tpu.memref_squeeze %dma_wait3A_225 : memref<1x64xi32, #tpu.memory_space<vmem>> -> memref<64xi32, #tpu.memory_space<vmem>>
      %dma_wait3A_227 = arith.constant 0 : i32
      %dma_wait3A_228 = arith.constant 0 : i32
      %dma_wait3A_229 = tpu.memref_slice %arg2[%arg0, %dma_wait3A_227, %dma_wait3A_228] : memref<2x10112x128xbf16, #tpu.memory_space<hbm>> -> memref<1x10112x128xbf16, #tpu.memory_space<hbm>>
      %dma_wait3A_230 = tpu.memref_squeeze %dma_wait3A_229 : memref<1x10112x128xbf16, #tpu.memory_space<hbm>> -> memref<10112x128xbf16, #tpu.memory_space<hbm>>
      %dma_wait3A_231 = arith.constant 0 : i32
      %dma_wait3A_232 = arith.constant 0 : i32
      %dma_wait3A_233 = tpu.memref_slice %dma_wait3A_230[%dma_wait3A_231, %dma_wait3A_232] : memref<10112x128xbf16, #tpu.memory_space<hbm>> -> memref<10112x128xbf16, #tpu.memory_space<hbm>>
      tpu.wait_indirect_dma semaphore(%arg11 : memref<!tpu.dma_semaphore, #tpu.memory_space<semaphore_mem>>) src(%dma_wait3A_233 : memref<10112x128xbf16, #tpu.memory_space<hbm>>) dst(%dma_wait3A_223 : memref<64x128xbf16, #tpu.memory_space<vmem>>)
      %dma_start3A_234 = arith.constant 2 : i32
      %dma_start3A_235 = arith.constant 128 : i32
      %dma_start3A_236 = arith.constant 0 : i32
      %dma_start3A_237 = tpu.memref_slice %arg10[%dma_start3A_235, %dma_start3A_236] : memref<512x128xbf16, #tpu.memory_space<vmem>> -> memref<64x128xbf16, #tpu.memory_space<vmem>>
      %dma_start3A_238 = arith.constant 0 : i32
      %dma_start3A_239 = tpu.memref_slice %arg9[%dma_start3A_234, %dma_start3A_238] : memref<32x64xi32, #tpu.memory_space<vmem>> -> memref<1x64xi32, #tpu.memory_space<vmem>>
      %dma_start3A_240 = tpu.memref_squeeze %dma_start3A_239 : memref<1x64xi32, #tpu.memory_space<vmem>> -> memref<64xi32, #tpu.memory_space<vmem>>
      %dma_start3A_241 = arith.constant 0 : i32
      %dma_start3A_242 = arith.constant 0 : i32
      %dma_start3A_243 = tpu.memref_slice %arg7[%dma_start3A_241, %dma_start3A_242] : memref<10112x128xbf16, #tpu.memory_space<vmem_shared>> -> memref<10112x128xbf16, #tpu.memory_space<vmem_shared>>
      tpu.enqueue_indirect_dma source(%dma_start3A_237 : memref<64x128xbf16, #tpu.memory_space<vmem>>) target(%dma_start3A_243 : memref<10112x128xbf16, #tpu.memory_space<vmem_shared>>) offsets(%dma_start3A_240 : memref<64xi32, #tpu.memory_space<vmem>>) semaphore(%arg12 : memref<!tpu.dma_semaphore, #tpu.memory_space<semaphore_mem>>) {add = true}
      %dma_wait3A_244 = arith.constant 2 : i32
      %dma_wait3A_245 = arith.constant 128 : i32
      %dma_wait3A_246 = arith.constant 0 : i32
      %dma_wait3A_247 = tpu.memref_slice %arg10[%dma_wait3A_245, %dma_wait3A_246] : memref<512x128xbf16, #tpu.memory_space<vmem>> -> memref<64x128xbf16, #tpu.memory_space<vmem>>
      %dma_wait3A_248 = arith.constant 0 : i32
      %dma_wait3A_249 = tpu.memref_slice %arg9[%dma_wait3A_244, %dma_wait3A_248] : memref<32x64xi32, #tpu.memory_space<vmem>> -> memref<1x64xi32, #tpu.memory_space<vmem>>
      %dma_wait3A_250 = tpu.memref_squeeze %dma_wait3A_249 : memref<1x64xi32, #tpu.memory_space<vmem>> -> memref<64xi32, #tpu.memory_space<vmem>>
      %dma_wait3A_251 = arith.constant 0 : i32
      %dma_wait3A_252 = arith.constant 0 : i32
      %dma_wait3A_253 = tpu.memref_slice %arg7[%dma_wait3A_251, %dma_wait3A_252] : memref<10112x128xbf16, #tpu.memory_space<vmem_shared>> -> memref<10112x128xbf16, #tpu.memory_space<vmem_shared>>
      tpu.wait_indirect_dma semaphore(%arg12 : memref<!tpu.dma_semaphore, #tpu.memory_space<semaphore_mem>>) src(%dma_wait3A_247 : memref<64x128xbf16, #tpu.memory_space<vmem>>) dst(%dma_wait3A_253 : memref<10112x128xbf16, #tpu.memory_space<vmem_shared>>)
      %dma_start3A_254 = arith.constant 10 : i32
      %dma_start3A_255 = arith.constant 128 : i32
      %dma_start3A_256 = arith.constant 0 : i32
      %dma_start3A_257 = tpu.memref_slice %arg10[%dma_start3A_255, %dma_start3A_256] : memref<512x128xbf16, #tpu.memory_space<vmem>> -> memref<64x128xbf16, #tpu.memory_space<vmem>>
      %dma_start3A_258 = arith.constant 0 : i32
      %dma_start3A_259 = tpu.memref_slice %arg8[%dma_start3A_254, %dma_start3A_258] : memref<32x64xi32, #tpu.memory_space<vmem>> -> memref<1x64xi32, #tpu.memory_space<vmem>>
      %dma_start3A_260 = tpu.memref_squeeze %dma_start3A_259 : memref<1x64xi32, #tpu.memory_space<vmem>> -> memref<64xi32, #tpu.memory_space<vmem>>
      %dma_start3A_261 = arith.constant 0 : i32
      %dma_start3A_262 = arith.constant 0 : i32
      %dma_start3A_263 = tpu.memref_slice %arg2[%arg0, %dma_start3A_261, %dma_start3A_262] : memref<2x10112x128xbf16, #tpu.memory_space<hbm>> -> memref<1x10112x128xbf16, #tpu.memory_space<hbm>>
      %dma_start3A_264 = tpu.memref_squeeze %dma_start3A_263 : memref<1x10112x128xbf16, #tpu.memory_space<hbm>> -> memref<10112x128xbf16, #tpu.memory_space<hbm>>
      %dma_start3A_265 = arith.constant 0 : i32
      %dma_start3A_266 = arith.constant 0 : i32
      %dma_start3A_267 = tpu.memref_slice %dma_start3A_264[%dma_start3A_265, %dma_start3A_266] : memref<10112x128xbf16, #tpu.memory_space<hbm>> -> memref<10112x128xbf16, #tpu.memory_space<hbm>>
      tpu.enqueue_indirect_dma source(%dma_start3A_267 : memref<10112x128xbf16, #tpu.memory_space<hbm>>) target(%dma_start3A_257 : memref<64x128xbf16, #tpu.memory_space<vmem>>) offsets(%dma_start3A_260 : memref<64xi32, #tpu.memory_space<vmem>>) semaphore(%arg11 : memref<!tpu.dma_semaphore, #tpu.memory_space<semaphore_mem>>)
      %dma_wait3A_268 = arith.constant 3 : i32
      %dma_wait3A_269 = arith.constant 192 : i32
      %dma_wait3A_270 = arith.constant 0 : i32
      %dma_wait3A_271 = tpu.memref_slice %arg10[%dma_wait3A_269, %dma_wait3A_270] : memref<512x128xbf16, #tpu.memory_space<vmem>> -> memref<64x128xbf16, #tpu.memory_space<vmem>>
      %dma_wait3A_272 = arith.constant 0 : i32
      %dma_wait3A_273 = tpu.memref_slice %arg8[%dma_wait3A_268, %dma_wait3A_272] : memref<32x64xi32, #tpu.memory_space<vmem>> -> memref<1x64xi32, #tpu.memory_space<vmem>>
      %dma_wait3A_274 = tpu.memref_squeeze %dma_wait3A_273 : memref<1x64xi32, #tpu.memory_space<vmem>> -> memref<64xi32, #tpu.memory_space<vmem>>
      %dma_wait3A_275 = arith.constant 0 : i32
      %dma_wait3A_276 = arith.constant 0 : i32
      %dma_wait3A_277 = tpu.memref_slice %arg2[%arg0, %dma_wait3A_275, %dma_wait3A_276] : memref<2x10112x128xbf16, #tpu.memory_space<hbm>> -> memref<1x10112x128xbf16, #tpu.memory_space<hbm>>
      %dma_wait3A_278 = tpu.memref_squeeze %dma_wait3A_277 : memref<1x10112x128xbf16, #tpu.memory_space<hbm>> -> memref<10112x128xbf16, #tpu.memory_space<hbm>>
      %dma_wait3A_279 = arith.constant 0 : i32
      %dma_wait3A_280 = arith.constant 0 : i32
      %dma_wait3A_281 = tpu.memref_slice %dma_wait3A_278[%dma_wait3A_279, %dma_wait3A_280] : memref<10112x128xbf16, #tpu.memory_space<hbm>> -> memref<10112x128xbf16, #tpu.memory_space<hbm>>
      tpu.wait_indirect_dma semaphore(%arg11 : memref<!tpu.dma_semaphore, #tpu.memory_space<semaphore_mem>>) src(%dma_wait3A_281 : memref<10112x128xbf16, #tpu.memory_space<hbm>>) dst(%dma_wait3A_271 : memref<64x128xbf16, #tpu.memory_space<vmem>>)
      %dma_start3A_282 = arith.constant 3 : i32
      %dma_start3A_283 = arith.constant 192 : i32
      %dma_start3A_284 = arith.constant 0 : i32
      %dma_start3A_285 = tpu.memref_slice %arg10[%dma_start3A_283, %dma_start3A_284] : memref<512x128xbf16, #tpu.memory_space<vmem>> -> memref<64x128xbf16, #tpu.memory_space<vmem>>
      %dma_start3A_286 = arith.constant 0 : i32
      %dma_start3A_287 = tpu.memref_slice %arg9[%dma_start3A_282, %dma_start3A_286] : memref<32x64xi32, #tpu.memory_space<vmem>> -> memref<1x64xi32, #tpu.memory_space<vmem>>
      %dma_start3A_288 = tpu.memref_squeeze %dma_start3A_287 : memref<1x64xi32, #tpu.memory_space<vmem>> -> memref<64xi32, #tpu.memory_space<vmem>>
      %dma_start3A_289 = arith.constant 0 : i32
      %dma_start3A_290 = arith.constant 0 : i32
      %dma_start3A_291 = tpu.memref_slice %arg7[%dma_start3A_289, %dma_start3A_290] : memref<10112x128xbf16, #tpu.memory_space<vmem_shared>> -> memref<10112x128xbf16, #tpu.memory_space<vmem_shared>>
      tpu.enqueue_indirect_dma source(%dma_start3A_285 : memref<64x128xbf16, #tpu.memory_space<vmem>>) target(%dma_start3A_291 : memref<10112x128xbf16, #tpu.memory_space<vmem_shared>>) offsets(%dma_start3A_288 : memref<64xi32, #tpu.memory_space<vmem>>) semaphore(%arg12 : memref<!tpu.dma_semaphore, #tpu.memory_space<semaphore_mem>>) {add = true}
      %dma_wait3A_292 = arith.constant 3 : i32
      %dma_wait3A_293 = arith.constant 192 : i32
      %dma_wait3A_294 = arith.constant 0 : i32
      %dma_wait3A_295 = tpu.memref_slice %arg10[%dma_wait3A_293, %dma_wait3A_294] : memref<512x128xbf16, #tpu.memory_space<vmem>> -> memref<64x128xbf16, #tpu.memory_space<vmem>>
      %dma_wait3A_296 = arith.constant 0 : i32
      %dma_wait3A_297 = tpu.memref_slice %arg9[%dma_wait3A_292, %dma_wait3A_296] : memref<32x64xi32, #tpu.memory_space<vmem>> -> memref<1x64xi32, #tpu.memory_space<vmem>>
      %dma_wait3A_298 = tpu.memref_squeeze %dma_wait3A_297 : memref<1x64xi32, #tpu.memory_space<vmem>> -> memref<64xi32, #tpu.memory_space<vmem>>
      %dma_wait3A_299 = arith.constant 0 : i32
      %dma_wait3A_300 = arith.constant 0 : i32
      %dma_wait3A_301 = tpu.memref_slice %arg7[%dma_wait3A_299, %dma_wait3A_300] : memref<10112x128xbf16, #tpu.memory_space<vmem_shared>> -> memref<10112x128xbf16, #tpu.memory_space<vmem_shared>>
      tpu.wait_indirect_dma semaphore(%arg12 : memref<!tpu.dma_semaphore, #tpu.memory_space<semaphore_mem>>) src(%dma_wait3A_295 : memref<64x128xbf16, #tpu.memory_space<vmem>>) dst(%dma_wait3A_301 : memref<10112x128xbf16, #tpu.memory_space<vmem_shared>>)
      %dma_start3A_302 = arith.constant 11 : i32
      %dma_start3A_303 = arith.constant 192 : i32
      %dma_start3A_304 = arith.constant 0 : i32
      %dma_start3A_305 = tpu.memref_slice %arg10[%dma_start3A_303, %dma_start3A_304] : memref<512x128xbf16, #tpu.memory_space<vmem>> -> memref<64x128xbf16, #tpu.memory_space<vmem>>
      %dma_start3A_306 = arith.constant 0 : i32
      %dma_start3A_307 = tpu.memref_slice %arg8[%dma_start3A_302, %dma_start3A_306] : memref<32x64xi32, #tpu.memory_space<vmem>> -> memref<1x64xi32, #tpu.memory_space<vmem>>
      %dma_start3A_308 = tpu.memref_squeeze %dma_start3A_307 : memref<1x64xi32, #tpu.memory_space<vmem>> -> memref<64xi32, #tpu.memory_space<vmem>>
      %dma_start3A_309 = arith.constant 0 : i32
      %dma_start3A_310 = arith.constant 0 : i32
      %dma_start3A_311 = tpu.memref_slice %arg2[%arg0, %dma_start3A_309, %dma_start3A_310] : memref<2x10112x128xbf16, #tpu.memory_space<hbm>> -> memref<1x10112x128xbf16, #tpu.memory_space<hbm>>
      %dma_start3A_312 = tpu.memref_squeeze %dma_start3A_311 : memref<1x10112x128xbf16, #tpu.memory_space<hbm>> -> memref<10112x128xbf16, #tpu.memory_space<hbm>>
      %dma_start3A_313 = arith.constant 0 : i32
      %dma_start3A_314 = arith.constant 0 : i32
      %dma_start3A_315 = tpu.memref_slice %dma_start3A_312[%dma_start3A_313, %dma_start3A_314] : memref<10112x128xbf16, #tpu.memory_space<hbm>> -> memref<10112x128xbf16, #tpu.memory_space<hbm>>
      tpu.enqueue_indirect_dma source(%dma_start3A_315 : memref<10112x128xbf16, #tpu.memory_space<hbm>>) target(%dma_start3A_305 : memref<64x128xbf16, #tpu.memory_space<vmem>>) offsets(%dma_start3A_308 : memref<64xi32, #tpu.memory_space<vmem>>) semaphore(%arg11 : memref<!tpu.dma_semaphore, #tpu.memory_space<semaphore_mem>>)
      %dma_wait3A_316 = arith.constant 4 : i32
      %dma_wait3A_317 = arith.constant 256 : i32
      %dma_wait3A_318 = arith.constant 0 : i32
      %dma_wait3A_319 = tpu.memref_slice %arg10[%dma_wait3A_317, %dma_wait3A_318] : memref<512x128xbf16, #tpu.memory_space<vmem>> -> memref<64x128xbf16, #tpu.memory_space<vmem>>
      %dma_wait3A_320 = arith.constant 0 : i32
      %dma_wait3A_321 = tpu.memref_slice %arg8[%dma_wait3A_316, %dma_wait3A_320] : memref<32x64xi32, #tpu.memory_space<vmem>> -> memref<1x64xi32, #tpu.memory_space<vmem>>
      %dma_wait3A_322 = tpu.memref_squeeze %dma_wait3A_321 : memref<1x64xi32, #tpu.memory_space<vmem>> -> memref<64xi32, #tpu.memory_space<vmem>>
      %dma_wait3A_323 = arith.constant 0 : i32
      %dma_wait3A_324 = arith.constant 0 : i32
      %dma_wait3A_325 = tpu.memref_slice %arg2[%arg0, %dma_wait3A_323, %dma_wait3A_324] : memref<2x10112x128xbf16, #tpu.memory_space<hbm>> -> memref<1x10112x128xbf16, #tpu.memory_space<hbm>>
      %dma_wait3A_326 = tpu.memref_squeeze %dma_wait3A_325 : memref<1x10112x128xbf16, #tpu.memory_space<hbm>> -> memref<10112x128xbf16, #tpu.memory_space<hbm>>
      %dma_wait3A_327 = arith.constant 0 : i32
      %dma_wait3A_328 = arith.constant 0 : i32
      %dma_wait3A_329 = tpu.memref_slice %dma_wait3A_326[%dma_wait3A_327, %dma_wait3A_328] : memref<10112x128xbf16, #tpu.memory_space<hbm>> -> memref<10112x128xbf16, #tpu.memory_space<hbm>>
      tpu.wait_indirect_dma semaphore(%arg11 : memref<!tpu.dma_semaphore, #tpu.memory_space<semaphore_mem>>) src(%dma_wait3A_329 : memref<10112x128xbf16, #tpu.memory_space<hbm>>) dst(%dma_wait3A_319 : memref<64x128xbf16, #tpu.memory_space<vmem>>)
      %dma_start3A_330 = arith.constant 4 : i32
      %dma_start3A_331 = arith.constant 256 : i32
      %dma_start3A_332 = arith.constant 0 : i32
      %dma_start3A_333 = tpu.memref_slice %arg10[%dma_start3A_331, %dma_start3A_332] : memref<512x128xbf16, #tpu.memory_space<vmem>> -> memref<64x128xbf16, #tpu.memory_space<vmem>>
      %dma_start3A_334 = arith.constant 0 : i32
      %dma_start3A_335 = tpu.memref_slice %arg9[%dma_start3A_330, %dma_start3A_334] : memref<32x64xi32, #tpu.memory_space<vmem>> -> memref<1x64xi32, #tpu.memory_space<vmem>>
      %dma_start3A_336 = tpu.memref_squeeze %dma_start3A_335 : memref<1x64xi32, #tpu.memory_space<vmem>> -> memref<64xi32, #tpu.memory_space<vmem>>
      %dma_start3A_337 = arith.constant 0 : i32
      %dma_start3A_338 = arith.constant 0 : i32
      %dma_start3A_339 = tpu.memref_slice %arg7[%dma_start3A_337, %dma_start3A_338] : memref<10112x128xbf16, #tpu.memory_space<vmem_shared>> -> memref<10112x128xbf16, #tpu.memory_space<vmem_shared>>
      tpu.enqueue_indirect_dma source(%dma_start3A_333 : memref<64x128xbf16, #tpu.memory_space<vmem>>) target(%dma_start3A_339 : memref<10112x128xbf16, #tpu.memory_space<vmem_shared>>) offsets(%dma_start3A_336 : memref<64xi32, #tpu.memory_space<vmem>>) semaphore(%arg12 : memref<!tpu.dma_semaphore, #tpu.memory_space<semaphore_mem>>) {add = true}
      %dma_wait3A_340 = arith.constant 4 : i32
      %dma_wait3A_341 = arith.constant 256 : i32
      %dma_wait3A_342 = arith.constant 0 : i32
      %dma_wait3A_343 = tpu.memref_slice %arg10[%dma_wait3A_341, %dma_wait3A_342] : memref<512x128xbf16, #tpu.memory_space<vmem>> -> memref<64x128xbf16, #tpu.memory_space<vmem>>
      %dma_wait3A_344 = arith.constant 0 : i32
      %dma_wait3A_345 = tpu.memref_slice %arg9[%dma_wait3A_340, %dma_wait3A_344] : memref<32x64xi32, #tpu.memory_space<vmem>> -> memref<1x64xi32, #tpu.memory_space<vmem>>
      %dma_wait3A_346 = tpu.memref_squeeze %dma_wait3A_345 : memref<1x64xi32, #tpu.memory_space<vmem>> -> memref<64xi32, #tpu.memory_space<vmem>>
      %dma_wait3A_347 = arith.constant 0 : i32
      %dma_wait3A_348 = arith.constant 0 : i32
      %dma_wait3A_349 = tpu.memref_slice %arg7[%dma_wait3A_347, %dma_wait3A_348] : memref<10112x128xbf16, #tpu.memory_space<vmem_shared>> -> memref<10112x128xbf16, #tpu.memory_space<vmem_shared>>
      tpu.wait_indirect_dma semaphore(%arg12 : memref<!tpu.dma_semaphore, #tpu.memory_space<semaphore_mem>>) src(%dma_wait3A_343 : memref<64x128xbf16, #tpu.memory_space<vmem>>) dst(%dma_wait3A_349 : memref<10112x128xbf16, #tpu.memory_space<vmem_shared>>)
      %dma_start3A_350 = arith.constant 12 : i32
      %dma_start3A_351 = arith.constant 256 : i32
      %dma_start3A_352 = arith.constant 0 : i32
      %dma_start3A_353 = tpu.memref_slice %arg10[%dma_start3A_351, %dma_start3A_352] : memref<512x128xbf16, #tpu.memory_space<vmem>> -> memref<64x128xbf16, #tpu.memory_space<vmem>>
      %dma_start3A_354 = arith.constant 0 : i32
      %dma_start3A_355 = tpu.memref_slice %arg8[%dma_start3A_350, %dma_start3A_354] : memref<32x64xi32, #tpu.memory_space<vmem>> -> memref<1x64xi32, #tpu.memory_space<vmem>>
      %dma_start3A_356 = tpu.memref_squeeze %dma_start3A_355 : memref<1x64xi32, #tpu.memory_space<vmem>> -> memref<64xi32, #tpu.memory_space<vmem>>
      %dma_start3A_357 = arith.constant 0 : i32
      %dma_start3A_358 = arith.constant 0 : i32
      %dma_start3A_359 = tpu.memref_slice %arg2[%arg0, %dma_start3A_357, %dma_start3A_358] : memref<2x10112x128xbf16, #tpu.memory_space<hbm>> -> memref<1x10112x128xbf16, #tpu.memory_space<hbm>>
      %dma_start3A_360 = tpu.memref_squeeze %dma_start3A_359 : memref<1x10112x128xbf16, #tpu.memory_space<hbm>> -> memref<10112x128xbf16, #tpu.memory_space<hbm>>
      %dma_start3A_361 = arith.constant 0 : i32
      %dma_start3A_362 = arith.constant 0 : i32
      %dma_start3A_363 = tpu.memref_slice %dma_start3A_360[%dma_start3A_361, %dma_start3A_362] : memref<10112x128xbf16, #tpu.memory_space<hbm>> -> memref<10112x128xbf16, #tpu.memory_space<hbm>>
      tpu.enqueue_indirect_dma source(%dma_start3A_363 : memref<10112x128xbf16, #tpu.memory_space<hbm>>) target(%dma_start3A_353 : memref<64x128xbf16, #tpu.memory_space<vmem>>) offsets(%dma_start3A_356 : memref<64xi32, #tpu.memory_space<vmem>>) semaphore(%arg11 : memref<!tpu.dma_semaphore, #tpu.memory_space<semaphore_mem>>)
      %dma_wait3A_364 = arith.constant 5 : i32
      %dma_wait3A_365 = arith.constant 320 : i32
      %dma_wait3A_366 = arith.constant 0 : i32
      %dma_wait3A_367 = tpu.memref_slice %arg10[%dma_wait3A_365, %dma_wait3A_366] : memref<512x128xbf16, #tpu.memory_space<vmem>> -> memref<64x128xbf16, #tpu.memory_space<vmem>>
      %dma_wait3A_368 = arith.constant 0 : i32
      %dma_wait3A_369 = tpu.memref_slice %arg8[%dma_wait3A_364, %dma_wait3A_368] : memref<32x64xi32, #tpu.memory_space<vmem>> -> memref<1x64xi32, #tpu.memory_space<vmem>>
      %dma_wait3A_370 = tpu.memref_squeeze %dma_wait3A_369 : memref<1x64xi32, #tpu.memory_space<vmem>> -> memref<64xi32, #tpu.memory_space<vmem>>
      %dma_wait3A_371 = arith.constant 0 : i32
      %dma_wait3A_372 = arith.constant 0 : i32
      %dma_wait3A_373 = tpu.memref_slice %arg2[%arg0, %dma_wait3A_371, %dma_wait3A_372] : memref<2x10112x128xbf16, #tpu.memory_space<hbm>> -> memref<1x10112x128xbf16, #tpu.memory_space<hbm>>
      %dma_wait3A_374 = tpu.memref_squeeze %dma_wait3A_373 : memref<1x10112x128xbf16, #tpu.memory_space<hbm>> -> memref<10112x128xbf16, #tpu.memory_space<hbm>>
      %dma_wait3A_375 = arith.constant 0 : i32
      %dma_wait3A_376 = arith.constant 0 : i32
      %dma_wait3A_377 = tpu.memref_slice %dma_wait3A_374[%dma_wait3A_375, %dma_wait3A_376] : memref<10112x128xbf16, #tpu.memory_space<hbm>> -> memref<10112x128xbf16, #tpu.memory_space<hbm>>
      tpu.wait_indirect_dma semaphore(%arg11 : memref<!tpu.dma_semaphore, #tpu.memory_space<semaphore_mem>>) src(%dma_wait3A_377 : memref<10112x128xbf16, #tpu.memory_space<hbm>>) dst(%dma_wait3A_367 : memref<64x128xbf16, #tpu.memory_space<vmem>>)
      %dma_start3A_378 = arith.constant 5 : i32
      %dma_start3A_379 = arith.constant 320 : i32
      %dma_start3A_380 = arith.constant 0 : i32
      %dma_start3A_381 = tpu.memref_slice %arg10[%dma_start3A_379, %dma_start3A_380] : memref<512x128xbf16, #tpu.memory_space<vmem>> -> memref<64x128xbf16, #tpu.memory_space<vmem>>
      %dma_start3A_382 = arith.constant 0 : i32
      %dma_start3A_383 = tpu.memref_slice %arg9[%dma_start3A_378, %dma_start3A_382] : memref<32x64xi32, #tpu.memory_space<vmem>> -> memref<1x64xi32, #tpu.memory_space<vmem>>
      %dma_start3A_384 = tpu.memref_squeeze %dma_start3A_383 : memref<1x64xi32, #tpu.memory_space<vmem>> -> memref<64xi32, #tpu.memory_space<vmem>>
      %dma_start3A_385 = arith.constant 0 : i32
      %dma_start3A_386 = arith.constant 0 : i32
      %dma_start3A_387 = tpu.memref_slice %arg7[%dma_start3A_385, %dma_start3A_386] : memref<10112x128xbf16, #tpu.memory_space<vmem_shared>> -> memref<10112x128xbf16, #tpu.memory_space<vmem_shared>>
      tpu.enqueue_indirect_dma source(%dma_start3A_381 : memref<64x128xbf16, #tpu.memory_space<vmem>>) target(%dma_start3A_387 : memref<10112x128xbf16, #tpu.memory_space<vmem_shared>>) offsets(%dma_start3A_384 : memref<64xi32, #tpu.memory_space<vmem>>) semaphore(%arg12 : memref<!tpu.dma_semaphore, #tpu.memory_space<semaphore_mem>>) {add = true}
      %dma_wait3A_388 = arith.constant 5 : i32
      %dma_wait3A_389 = arith.constant 320 : i32
      %dma_wait3A_390 = arith.constant 0 : i32
      %dma_wait3A_391 = tpu.memref_slice %arg10[%dma_wait3A_389, %dma_wait3A_390] : memref<512x128xbf16, #tpu.memory_space<vmem>> -> memref<64x128xbf16, #tpu.memory_space<vmem>>
      %dma_wait3A_392 = arith.constant 0 : i32
      %dma_wait3A_393 = tpu.memref_slice %arg9[%dma_wait3A_388, %dma_wait3A_392] : memref<32x64xi32, #tpu.memory_space<vmem>> -> memref<1x64xi32, #tpu.memory_space<vmem>>
      %dma_wait3A_394 = tpu.memref_squeeze %dma_wait3A_393 : memref<1x64xi32, #tpu.memory_space<vmem>> -> memref<64xi32, #tpu.memory_space<vmem>>
      %dma_wait3A_395 = arith.constant 0 : i32
      %dma_wait3A_396 = arith.constant 0 : i32
      %dma_wait3A_397 = tpu.memref_slice %arg7[%dma_wait3A_395, %dma_wait3A_396] : memref<10112x128xbf16, #tpu.memory_space<vmem_shared>> -> memref<10112x128xbf16, #tpu.memory_space<vmem_shared>>
      tpu.wait_indirect_dma semaphore(%arg12 : memref<!tpu.dma_semaphore, #tpu.memory_space<semaphore_mem>>) src(%dma_wait3A_391 : memref<64x128xbf16, #tpu.memory_space<vmem>>) dst(%dma_wait3A_397 : memref<10112x128xbf16, #tpu.memory_space<vmem_shared>>)
      %dma_start3A_398 = arith.constant 13 : i32
      %dma_start3A_399 = arith.constant 320 : i32
      %dma_start3A_400 = arith.constant 0 : i32
      %dma_start3A_401 = tpu.memref_slice %arg10[%dma_start3A_399, %dma_start3A_400] : memref<512x128xbf16, #tpu.memory_space<vmem>> -> memref<64x128xbf16, #tpu.memory_space<vmem>>
      %dma_start3A_402 = arith.constant 0 : i32
      %dma_start3A_403 = tpu.memref_slice %arg8[%dma_start3A_398, %dma_start3A_402] : memref<32x64xi32, #tpu.memory_space<vmem>> -> memref<1x64xi32, #tpu.memory_space<vmem>>
      %dma_start3A_404 = tpu.memref_squeeze %dma_start3A_403 : memref<1x64xi32, #tpu.memory_space<vmem>> -> memref<64xi32, #tpu.memory_space<vmem>>
      %dma_start3A_405 = arith.constant 0 : i32
      %dma_start3A_406 = arith.constant 0 : i32
      %dma_start3A_407 = tpu.memref_slice %arg2[%arg0, %dma_start3A_405, %dma_start3A_406] : memref<2x10112x128xbf16, #tpu.memory_space<hbm>> -> memref<1x10112x128xbf16, #tpu.memory_space<hbm>>
      %dma_start3A_408 = tpu.memref_squeeze %dma_start3A_407 : memref<1x10112x128xbf16, #tpu.memory_space<hbm>> -> memref<10112x128xbf16, #tpu.memory_space<hbm>>
      %dma_start3A_409 = arith.constant 0 : i32
      %dma_start3A_410 = arith.constant 0 : i32
      %dma_start3A_411 = tpu.memref_slice %dma_start3A_408[%dma_start3A_409, %dma_start3A_410] : memref<10112x128xbf16, #tpu.memory_space<hbm>> -> memref<10112x128xbf16, #tpu.memory_space<hbm>>
      tpu.enqueue_indirect_dma source(%dma_start3A_411 : memref<10112x128xbf16, #tpu.memory_space<hbm>>) target(%dma_start3A_401 : memref<64x128xbf16, #tpu.memory_space<vmem>>) offsets(%dma_start3A_404 : memref<64xi32, #tpu.memory_space<vmem>>) semaphore(%arg11 : memref<!tpu.dma_semaphore, #tpu.memory_space<semaphore_mem>>)
      %dma_wait3A_412 = arith.constant 6 : i32
      %dma_wait3A_413 = arith.constant 384 : i32
      %dma_wait3A_414 = arith.constant 0 : i32
      %dma_wait3A_415 = tpu.memref_slice %arg10[%dma_wait3A_413, %dma_wait3A_414] : memref<512x128xbf16, #tpu.memory_space<vmem>> -> memref<64x128xbf16, #tpu.memory_space<vmem>>
      %dma_wait3A_416 = arith.constant 0 : i32
      %dma_wait3A_417 = tpu.memref_slice %arg8[%dma_wait3A_412, %dma_wait3A_416] : memref<32x64xi32, #tpu.memory_space<vmem>> -> memref<1x64xi32, #tpu.memory_space<vmem>>
      %dma_wait3A_418 = tpu.memref_squeeze %dma_wait3A_417 : memref<1x64xi32, #tpu.memory_space<vmem>> -> memref<64xi32, #tpu.memory_space<vmem>>
      %dma_wait3A_419 = arith.constant 0 : i32
      %dma_wait3A_420 = arith.constant 0 : i32
      %dma_wait3A_421 = tpu.memref_slice %arg2[%arg0, %dma_wait3A_419, %dma_wait3A_420] : memref<2x10112x128xbf16, #tpu.memory_space<hbm>> -> memref<1x10112x128xbf16, #tpu.memory_space<hbm>>
      %dma_wait3A_422 = tpu.memref_squeeze %dma_wait3A_421 : memref<1x10112x128xbf16, #tpu.memory_space<hbm>> -> memref<10112x128xbf16, #tpu.memory_space<hbm>>
      %dma_wait3A_423 = arith.constant 0 : i32
      %dma_wait3A_424 = arith.constant 0 : i32
      %dma_wait3A_425 = tpu.memref_slice %dma_wait3A_422[%dma_wait3A_423, %dma_wait3A_424] : memref<10112x128xbf16, #tpu.memory_space<hbm>> -> memref<10112x128xbf16, #tpu.memory_space<hbm>>
      tpu.wait_indirect_dma semaphore(%arg11 : memref<!tpu.dma_semaphore, #tpu.memory_space<semaphore_mem>>) src(%dma_wait3A_425 : memref<10112x128xbf16, #tpu.memory_space<hbm>>) dst(%dma_wait3A_415 : memref<64x128xbf16, #tpu.memory_space<vmem>>)
      %dma_start3A_426 = arith.constant 6 : i32
      %dma_start3A_427 = arith.constant 384 : i32
      %dma_start3A_428 = arith.constant 0 : i32
      %dma_start3A_429 = tpu.memref_slice %arg10[%dma_start3A_427, %dma_start3A_428] : memref<512x128xbf16, #tpu.memory_space<vmem>> -> memref<64x128xbf16, #tpu.memory_space<vmem>>
      %dma_start3A_430 = arith.constant 0 : i32
      %dma_start3A_431 = tpu.memref_slice %arg9[%dma_start3A_426, %dma_start3A_430] : memref<32x64xi32, #tpu.memory_space<vmem>> -> memref<1x64xi32, #tpu.memory_space<vmem>>
      %dma_start3A_432 = tpu.memref_squeeze %dma_start3A_431 : memref<1x64xi32, #tpu.memory_space<vmem>> -> memref<64xi32, #tpu.memory_space<vmem>>
      %dma_start3A_433 = arith.constant 0 : i32
      %dma_start3A_434 = arith.constant 0 : i32
      %dma_start3A_435 = tpu.memref_slice %arg7[%dma_start3A_433, %dma_start3A_434] : memref<10112x128xbf16, #tpu.memory_space<vmem_shared>> -> memref<10112x128xbf16, #tpu.memory_space<vmem_shared>>
      tpu.enqueue_indirect_dma source(%dma_start3A_429 : memref<64x128xbf16, #tpu.memory_space<vmem>>) target(%dma_start3A_435 : memref<10112x128xbf16, #tpu.memory_space<vmem_shared>>) offsets(%dma_start3A_432 : memref<64xi32, #tpu.memory_space<vmem>>) semaphore(%arg12 : memref<!tpu.dma_semaphore, #tpu.memory_space<semaphore_mem>>) {add = true}
      %dma_wait3A_436 = arith.constant 6 : i32
      %dma_wait3A_437 = arith.constant 384 : i32
      %dma_wait3A_438 = arith.constant 0 : i32
      %dma_wait3A_439 = tpu.memref_slice %arg10[%dma_wait3A_437, %dma_wait3A_438] : memref<512x128xbf16, #tpu.memory_space<vmem>> -> memref<64x128xbf16, #tpu.memory_space<vmem>>
      %dma_wait3A_440 = arith.constant 0 : i32
      %dma_wait3A_441 = tpu.memref_slice %arg9[%dma_wait3A_436, %dma_wait3A_440] : memref<32x64xi32, #tpu.memory_space<vmem>> -> memref<1x64xi32, #tpu.memory_space<vmem>>
      %dma_wait3A_442 = tpu.memref_squeeze %dma_wait3A_441 : memref<1x64xi32, #tpu.memory_space<vmem>> -> memref<64xi32, #tpu.memory_space<vmem>>
      %dma_wait3A_443 = arith.constant 0 : i32
      %dma_wait3A_444 = arith.constant 0 : i32
      %dma_wait3A_445 = tpu.memref_slice %arg7[%dma_wait3A_443, %dma_wait3A_444] : memref<10112x128xbf16, #tpu.memory_space<vmem_shared>> -> memref<10112x128xbf16, #tpu.memory_space<vmem_shared>>
      tpu.wait_indirect_dma semaphore(%arg12 : memref<!tpu.dma_semaphore, #tpu.memory_space<semaphore_mem>>) src(%dma_wait3A_439 : memref<64x128xbf16, #tpu.memory_space<vmem>>) dst(%dma_wait3A_445 : memref<10112x128xbf16, #tpu.memory_space<vmem_shared>>)
      %dma_start3A_446 = arith.constant 14 : i32
      %dma_start3A_447 = arith.constant 384 : i32
      %dma_start3A_448 = arith.constant 0 : i32
      %dma_start3A_449 = tpu.memref_slice %arg10[%dma_start3A_447, %dma_start3A_448] : memref<512x128xbf16, #tpu.memory_space<vmem>> -> memref<64x128xbf16, #tpu.memory_space<vmem>>
      %dma_start3A_450 = arith.constant 0 : i32
      %dma_start3A_451 = tpu.memref_slice %arg8[%dma_start3A_446, %dma_start3A_450] : memref<32x64xi32, #tpu.memory_space<vmem>> -> memref<1x64xi32, #tpu.memory_space<vmem>>
      %dma_start3A_452 = tpu.memref_squeeze %dma_start3A_451 : memref<1x64xi32, #tpu.memory_space<vmem>> -> memref<64xi32, #tpu.memory_space<vmem>>
      %dma_start3A_453 = arith.constant 0 : i32
      %dma_start3A_454 = arith.constant 0 : i32
      %dma_start3A_455 = tpu.memref_slice %arg2[%arg0, %dma_start3A_453, %dma_start3A_454] : memref<2x10112x128xbf16, #tpu.memory_space<hbm>> -> memref<1x10112x128xbf16, #tpu.memory_space<hbm>>
      %dma_start3A_456 = tpu.memref_squeeze %dma_start3A_455 : memref<1x10112x128xbf16, #tpu.memory_space<hbm>> -> memref<10112x128xbf16, #tpu.memory_space<hbm>>
      %dma_start3A_457 = arith.constant 0 : i32
      %dma_start3A_458 = arith.constant 0 : i32
      %dma_start3A_459 = tpu.memref_slice %dma_start3A_456[%dma_start3A_457, %dma_start3A_458] : memref<10112x128xbf16, #tpu.memory_space<hbm>> -> memref<10112x128xbf16, #tpu.memory_space<hbm>>
      tpu.enqueue_indirect_dma source(%dma_start3A_459 : memref<10112x128xbf16, #tpu.memory_space<hbm>>) target(%dma_start3A_449 : memref<64x128xbf16, #tpu.memory_space<vmem>>) offsets(%dma_start3A_452 : memref<64xi32, #tpu.memory_space<vmem>>) semaphore(%arg11 : memref<!tpu.dma_semaphore, #tpu.memory_space<semaphore_mem>>)
      %dma_wait3A_460 = arith.constant 7 : i32
      %dma_wait3A_461 = arith.constant 448 : i32
      %dma_wait3A_462 = arith.constant 0 : i32
      %dma_wait3A_463 = tpu.memref_slice %arg10[%dma_wait3A_461, %dma_wait3A_462] : memref<512x128xbf16, #tpu.memory_space<vmem>> -> memref<64x128xbf16, #tpu.memory_space<vmem>>
      %dma_wait3A_464 = arith.constant 0 : i32
      %dma_wait3A_465 = tpu.memref_slice %arg8[%dma_wait3A_460, %dma_wait3A_464] : memref<32x64xi32, #tpu.memory_space<vmem>> -> memref<1x64xi32, #tpu.memory_space<vmem>>
      %dma_wait3A_466 = tpu.memref_squeeze %dma_wait3A_465 : memref<1x64xi32, #tpu.memory_space<vmem>> -> memref<64xi32, #tpu.memory_space<vmem>>
      %dma_wait3A_467 = arith.constant 0 : i32
      %dma_wait3A_468 = arith.constant 0 : i32
      %dma_wait3A_469 = tpu.memref_slice %arg2[%arg0, %dma_wait3A_467, %dma_wait3A_468] : memref<2x10112x128xbf16, #tpu.memory_space<hbm>> -> memref<1x10112x128xbf16, #tpu.memory_space<hbm>>
      %dma_wait3A_470 = tpu.memref_squeeze %dma_wait3A_469 : memref<1x10112x128xbf16, #tpu.memory_space<hbm>> -> memref<10112x128xbf16, #tpu.memory_space<hbm>>
      %dma_wait3A_471 = arith.constant 0 : i32
      %dma_wait3A_472 = arith.constant 0 : i32
      %dma_wait3A_473 = tpu.memref_slice %dma_wait3A_470[%dma_wait3A_471, %dma_wait3A_472] : memref<10112x128xbf16, #tpu.memory_space<hbm>> -> memref<10112x128xbf16, #tpu.memory_space<hbm>>
      tpu.wait_indirect_dma semaphore(%arg11 : memref<!tpu.dma_semaphore, #tpu.memory_space<semaphore_mem>>) src(%dma_wait3A_473 : memref<10112x128xbf16, #tpu.memory_space<hbm>>) dst(%dma_wait3A_463 : memref<64x128xbf16, #tpu.memory_space<vmem>>)
      %dma_start3A_474 = arith.constant 7 : i32
      %dma_start3A_475 = arith.constant 448 : i32
      %dma_start3A_476 = arith.constant 0 : i32
      %dma_start3A_477 = tpu.memref_slice %arg10[%dma_start3A_475, %dma_start3A_476] : memref<512x128xbf16, #tpu.memory_space<vmem>> -> memref<64x128xbf16, #tpu.memory_space<vmem>>
      %dma_start3A_478 = arith.constant 0 : i32
      %dma_start3A_479 = tpu.memref_slice %arg9[%dma_start3A_474, %dma_start3A_478] : memref<32x64xi32, #tpu.memory_space<vmem>> -> memref<1x64xi32, #tpu.memory_space<vmem>>
      %dma_start3A_480 = tpu.memref_squeeze %dma_start3A_479 : memref<1x64xi32, #tpu.memory_space<vmem>> -> memref<64xi32, #tpu.memory_space<vmem>>
      %dma_start3A_481 = arith.constant 0 : i32
      %dma_start3A_482 = arith.constant 0 : i32
      %dma_start3A_483 = tpu.memref_slice %arg7[%dma_start3A_481, %dma_start3A_482] : memref<10112x128xbf16, #tpu.memory_space<vmem_shared>> -> memref<10112x128xbf16, #tpu.memory_space<vmem_shared>>
      tpu.enqueue_indirect_dma source(%dma_start3A_477 : memref<64x128xbf16, #tpu.memory_space<vmem>>) target(%dma_start3A_483 : memref<10112x128xbf16, #tpu.memory_space<vmem_shared>>) offsets(%dma_start3A_480 : memref<64xi32, #tpu.memory_space<vmem>>) semaphore(%arg12 : memref<!tpu.dma_semaphore, #tpu.memory_space<semaphore_mem>>) {add = true}
      %dma_wait3A_484 = arith.constant 7 : i32
      %dma_wait3A_485 = arith.constant 448 : i32
      %dma_wait3A_486 = arith.constant 0 : i32
      %dma_wait3A_487 = tpu.memref_slice %arg10[%dma_wait3A_485, %dma_wait3A_486] : memref<512x128xbf16, #tpu.memory_space<vmem>> -> memref<64x128xbf16, #tpu.memory_space<vmem>>
      %dma_wait3A_488 = arith.constant 0 : i32
      %dma_wait3A_489 = tpu.memref_slice %arg9[%dma_wait3A_484, %dma_wait3A_488] : memref<32x64xi32, #tpu.memory_space<vmem>> -> memref<1x64xi32, #tpu.memory_space<vmem>>
      %dma_wait3A_490 = tpu.memref_squeeze %dma_wait3A_489 : memref<1x64xi32, #tpu.memory_space<vmem>> -> memref<64xi32, #tpu.memory_space<vmem>>
      %dma_wait3A_491 = arith.constant 0 : i32
      %dma_wait3A_492 = arith.constant 0 : i32
      %dma_wait3A_493 = tpu.memref_slice %arg7[%dma_wait3A_491, %dma_wait3A_492] : memref<10112x128xbf16, #tpu.memory_space<vmem_shared>> -> memref<10112x128xbf16, #tpu.memory_space<vmem_shared>>
      tpu.wait_indirect_dma semaphore(%arg12 : memref<!tpu.dma_semaphore, #tpu.memory_space<semaphore_mem>>) src(%dma_wait3A_487 : memref<64x128xbf16, #tpu.memory_space<vmem>>) dst(%dma_wait3A_493 : memref<10112x128xbf16, #tpu.memory_space<vmem_shared>>)
      %dma_start3A_494 = arith.constant 15 : i32
      %dma_start3A_495 = arith.constant 448 : i32
      %dma_start3A_496 = arith.constant 0 : i32
      %dma_start3A_497 = tpu.memref_slice %arg10[%dma_start3A_495, %dma_start3A_496] : memref<512x128xbf16, #tpu.memory_space<vmem>> -> memref<64x128xbf16, #tpu.memory_space<vmem>>
      %dma_start3A_498 = arith.constant 0 : i32
      %dma_start3A_499 = tpu.memref_slice %arg8[%dma_start3A_494, %dma_start3A_498] : memref<32x64xi32, #tpu.memory_space<vmem>> -> memref<1x64xi32, #tpu.memory_space<vmem>>
      %dma_start3A_500 = tpu.memref_squeeze %dma_start3A_499 : memref<1x64xi32, #tpu.memory_space<vmem>> -> memref<64xi32, #tpu.memory_space<vmem>>
      %dma_start3A_501 = arith.constant 0 : i32
      %dma_start3A_502 = arith.constant 0 : i32
      %dma_start3A_503 = tpu.memref_slice %arg2[%arg0, %dma_start3A_501, %dma_start3A_502] : memref<2x10112x128xbf16, #tpu.memory_space<hbm>> -> memref<1x10112x128xbf16, #tpu.memory_space<hbm>>
      %dma_start3A_504 = tpu.memref_squeeze %dma_start3A_503 : memref<1x10112x128xbf16, #tpu.memory_space<hbm>> -> memref<10112x128xbf16, #tpu.memory_space<hbm>>
      %dma_start3A_505 = arith.constant 0 : i32
      %dma_start3A_506 = arith.constant 0 : i32
      %dma_start3A_507 = tpu.memref_slice %dma_start3A_504[%dma_start3A_505, %dma_start3A_506] : memref<10112x128xbf16, #tpu.memory_space<hbm>> -> memref<10112x128xbf16, #tpu.memory_space<hbm>>
      tpu.enqueue_indirect_dma source(%dma_start3A_507 : memref<10112x128xbf16, #tpu.memory_space<hbm>>) target(%dma_start3A_497 : memref<64x128xbf16, #tpu.memory_space<vmem>>) offsets(%dma_start3A_500 : memref<64xi32, #tpu.memory_space<vmem>>) semaphore(%arg11 : memref<!tpu.dma_semaphore, #tpu.memory_space<semaphore_mem>>)
      %dma_wait3A_508 = arith.constant 8 : i32
      %dma_wait3A_509 = arith.constant 0 : i32
      %dma_wait3A_510 = arith.constant 0 : i32
      %dma_wait3A_511 = tpu.memref_slice %arg10[%dma_wait3A_509, %dma_wait3A_510] : memref<512x128xbf16, #tpu.memory_space<vmem>> -> memref<64x128xbf16, #tpu.memory_space<vmem>>
      %dma_wait3A_512 = arith.constant 0 : i32
      %dma_wait3A_513 = tpu.memref_slice %arg8[%dma_wait3A_508, %dma_wait3A_512] : memref<32x64xi32, #tpu.memory_space<vmem>> -> memref<1x64xi32, #tpu.memory_space<vmem>>
      %dma_wait3A_514 = tpu.memref_squeeze %dma_wait3A_513 : memref<1x64xi32, #tpu.memory_space<vmem>> -> memref<64xi32, #tpu.memory_space<vmem>>
      %dma_wait3A_515 = arith.constant 0 : i32
      %dma_wait3A_516 = arith.constant 0 : i32
      %dma_wait3A_517 = tpu.memref_slice %arg2[%arg0, %dma_wait3A_515, %dma_wait3A_516] : memref<2x10112x128xbf16, #tpu.memory_space<hbm>> -> memref<1x10112x128xbf16, #tpu.memory_space<hbm>>
      %dma_wait3A_518 = tpu.memref_squeeze %dma_wait3A_517 : memref<1x10112x128xbf16, #tpu.memory_space<hbm>> -> memref<10112x128xbf16, #tpu.memory_space<hbm>>
      %dma_wait3A_519 = arith.constant 0 : i32
      %dma_wait3A_520 = arith.constant 0 : i32
      %dma_wait3A_521 = tpu.memref_slice %dma_wait3A_518[%dma_wait3A_519, %dma_wait3A_520] : memref<10112x128xbf16, #tpu.memory_space<hbm>> -> memref<10112x128xbf16, #tpu.memory_space<hbm>>
      tpu.wait_indirect_dma semaphore(%arg11 : memref<!tpu.dma_semaphore, #tpu.memory_space<semaphore_mem>>) src(%dma_wait3A_521 : memref<10112x128xbf16, #tpu.memory_space<hbm>>) dst(%dma_wait3A_511 : memref<64x128xbf16, #tpu.memory_space<vmem>>)
      %dma_start3A_522 = arith.constant 8 : i32
      %dma_start3A_523 = arith.constant 0 : i32
      %dma_start3A_524 = arith.constant 0 : i32
      %dma_start3A_525 = tpu.memref_slice %arg10[%dma_start3A_523, %dma_start3A_524] : memref<512x128xbf16, #tpu.memory_space<vmem>> -> memref<64x128xbf16, #tpu.memory_space<vmem>>
      %dma_start3A_526 = arith.constant 0 : i32
      %dma_start3A_527 = tpu.memref_slice %arg9[%dma_start3A_522, %dma_start3A_526] : memref<32x64xi32, #tpu.memory_space<vmem>> -> memref<1x64xi32, #tpu.memory_space<vmem>>
      %dma_start3A_528 = tpu.memref_squeeze %dma_start3A_527 : memref<1x64xi32, #tpu.memory_space<vmem>> -> memref<64xi32, #tpu.memory_space<vmem>>
      %dma_start3A_529 = arith.constant 0 : i32
      %dma_start3A_530 = arith.constant 0 : i32
      %dma_start3A_531 = tpu.memref_slice %arg7[%dma_start3A_529, %dma_start3A_530] : memref<10112x128xbf16, #tpu.memory_space<vmem_shared>> -> memref<10112x128xbf16, #tpu.memory_space<vmem_shared>>
      tpu.enqueue_indirect_dma source(%dma_start3A_525 : memref<64x128xbf16, #tpu.memory_space<vmem>>) target(%dma_start3A_531 : memref<10112x128xbf16, #tpu.memory_space<vmem_shared>>) offsets(%dma_start3A_528 : memref<64xi32, #tpu.memory_space<vmem>>) semaphore(%arg12 : memref<!tpu.dma_semaphore, #tpu.memory_space<semaphore_mem>>) {add = true}
      %dma_wait3A_532 = arith.constant 8 : i32
      %dma_wait3A_533 = arith.constant 0 : i32
      %dma_wait3A_534 = arith.constant 0 : i32
      %dma_wait3A_535 = tpu.memref_slice %arg10[%dma_wait3A_533, %dma_wait3A_534] : memref<512x128xbf16, #tpu.memory_space<vmem>> -> memref<64x128xbf16, #tpu.memory_space<vmem>>
      %dma_wait3A_536 = arith.constant 0 : i32
      %dma_wait3A_537 = tpu.memref_slice %arg9[%dma_wait3A_532, %dma_wait3A_536] : memref<32x64xi32, #tpu.memory_space<vmem>> -> memref<1x64xi32, #tpu.memory_space<vmem>>
      %dma_wait3A_538 = tpu.memref_squeeze %dma_wait3A_537 : memref<1x64xi32, #tpu.memory_space<vmem>> -> memref<64xi32, #tpu.memory_space<vmem>>
      %dma_wait3A_539 = arith.constant 0 : i32
      %dma_wait3A_540 = arith.constant 0 : i32
      %dma_wait3A_541 = tpu.memref_slice %arg7[%dma_wait3A_539, %dma_wait3A_540] : memref<10112x128xbf16, #tpu.memory_space<vmem_shared>> -> memref<10112x128xbf16, #tpu.memory_space<vmem_shared>>
      tpu.wait_indirect_dma semaphore(%arg12 : memref<!tpu.dma_semaphore, #tpu.memory_space<semaphore_mem>>) src(%dma_wait3A_535 : memref<64x128xbf16, #tpu.memory_space<vmem>>) dst(%dma_wait3A_541 : memref<10112x128xbf16, #tpu.memory_space<vmem_shared>>)
      %dma_start3A_542 = arith.constant 16 : i32
      %dma_start3A_543 = arith.constant 0 : i32
      %dma_start3A_544 = arith.constant 0 : i32
      %dma_start3A_545 = tpu.memref_slice %arg10[%dma_start3A_543, %dma_start3A_544] : memref<512x128xbf16, #tpu.memory_space<vmem>> -> memref<64x128xbf16, #tpu.memory_space<vmem>>
      %dma_start3A_546 = arith.constant 0 : i32
      %dma_start3A_547 = tpu.memref_slice %arg8[%dma_start3A_542, %dma_start3A_546] : memref<32x64xi32, #tpu.memory_space<vmem>> -> memref<1x64xi32, #tpu.memory_space<vmem>>
      %dma_start3A_548 = tpu.memref_squeeze %dma_start3A_547 : memref<1x64xi32, #tpu.memory_space<vmem>> -> memref<64xi32, #tpu.memory_space<vmem>>
      %dma_start3A_549 = arith.constant 0 : i32
      %dma_start3A_550 = arith.constant 0 : i32
      %dma_start3A_551 = tpu.memref_slice %arg2[%arg0, %dma_start3A_549, %dma_start3A_550] : memref<2x10112x128xbf16, #tpu.memory_space<hbm>> -> memref<1x10112x128xbf16, #tpu.memory_space<hbm>>
      %dma_start3A_552 = tpu.memref_squeeze %dma_start3A_551 : memref<1x10112x128xbf16, #tpu.memory_space<hbm>> -> memref<10112x128xbf16, #tpu.memory_space<hbm>>
      %dma_start3A_553 = arith.constant 0 : i32
      %dma_start3A_554 = arith.constant 0 : i32
      %dma_start3A_555 = tpu.memref_slice %dma_start3A_552[%dma_start3A_553, %dma_start3A_554] : memref<10112x128xbf16, #tpu.memory_space<hbm>> -> memref<10112x128xbf16, #tpu.memory_space<hbm>>
      tpu.enqueue_indirect_dma source(%dma_start3A_555 : memref<10112x128xbf16, #tpu.memory_space<hbm>>) target(%dma_start3A_545 : memref<64x128xbf16, #tpu.memory_space<vmem>>) offsets(%dma_start3A_548 : memref<64xi32, #tpu.memory_space<vmem>>) semaphore(%arg11 : memref<!tpu.dma_semaphore, #tpu.memory_space<semaphore_mem>>)
      %dma_wait3A_556 = arith.constant 9 : i32
      %dma_wait3A_557 = arith.constant 64 : i32
      %dma_wait3A_558 = arith.constant 0 : i32
      %dma_wait3A_559 = tpu.memref_slice %arg10[%dma_wait3A_557, %dma_wait3A_558] : memref<512x128xbf16, #tpu.memory_space<vmem>> -> memref<64x128xbf16, #tpu.memory_space<vmem>>
      %dma_wait3A_560 = arith.constant 0 : i32
      %dma_wait3A_561 = tpu.memref_slice %arg8[%dma_wait3A_556, %dma_wait3A_560] : memref<32x64xi32, #tpu.memory_space<vmem>> -> memref<1x64xi32, #tpu.memory_space<vmem>>
      %dma_wait3A_562 = tpu.memref_squeeze %dma_wait3A_561 : memref<1x64xi32, #tpu.memory_space<vmem>> -> memref<64xi32, #tpu.memory_space<vmem>>
      %dma_wait3A_563 = arith.constant 0 : i32
      %dma_wait3A_564 = arith.constant 0 : i32
      %dma_wait3A_565 = tpu.memref_slice %arg2[%arg0, %dma_wait3A_563, %dma_wait3A_564] : memref<2x10112x128xbf16, #tpu.memory_space<hbm>> -> memref<1x10112x128xbf16, #tpu.memory_space<hbm>>
      %dma_wait3A_566 = tpu.memref_squeeze %dma_wait3A_565 : memref<1x10112x128xbf16, #tpu.memory_space<hbm>> -> memref<10112x128xbf16, #tpu.memory_space<hbm>>
      %dma_wait3A_567 = arith.constant 0 : i32
      %dma_wait3A_568 = arith.constant 0 : i32
      %dma_wait3A_569 = tpu.memref_slice %dma_wait3A_566[%dma_wait3A_567, %dma_wait3A_568] : memref<10112x128xbf16, #tpu.memory_space<hbm>> -> memref<10112x128xbf16, #tpu.memory_space<hbm>>
      tpu.wait_indirect_dma semaphore(%arg11 : memref<!tpu.dma_semaphore, #tpu.memory_space<semaphore_mem>>) src(%dma_wait3A_569 : memref<10112x128xbf16, #tpu.memory_space<hbm>>) dst(%dma_wait3A_559 : memref<64x128xbf16, #tpu.memory_space<vmem>>)
      %dma_start3A_570 = arith.constant 9 : i32
      %dma_start3A_571 = arith.constant 64 : i32
      %dma_start3A_572 = arith.constant 0 : i32
      %dma_start3A_573 = tpu.memref_slice %arg10[%dma_start3A_571, %dma_start3A_572] : memref<512x128xbf16, #tpu.memory_space<vmem>> -> memref<64x128xbf16, #tpu.memory_space<vmem>>
      %dma_start3A_574 = arith.constant 0 : i32
      %dma_start3A_575 = tpu.memref_slice %arg9[%dma_start3A_570, %dma_start3A_574] : memref<32x64xi32, #tpu.memory_space<vmem>> -> memref<1x64xi32, #tpu.memory_space<vmem>>
      %dma_start3A_576 = tpu.memref_squeeze %dma_start3A_575 : memref<1x64xi32, #tpu.memory_space<vmem>> -> memref<64xi32, #tpu.memory_space<vmem>>
      %dma_start3A_577 = arith.constant 0 : i32
      %dma_start3A_578 = arith.constant 0 : i32
      %dma_start3A_579 = tpu.memref_slice %arg7[%dma_start3A_577, %dma_start3A_578] : memref<10112x128xbf16, #tpu.memory_space<vmem_shared>> -> memref<10112x128xbf16, #tpu.memory_space<vmem_shared>>
      tpu.enqueue_indirect_dma source(%dma_start3A_573 : memref<64x128xbf16, #tpu.memory_space<vmem>>) target(%dma_start3A_579 : memref<10112x128xbf16, #tpu.memory_space<vmem_shared>>) offsets(%dma_start3A_576 : memref<64xi32, #tpu.memory_space<vmem>>) semaphore(%arg12 : memref<!tpu.dma_semaphore, #tpu.memory_space<semaphore_mem>>) {add = true}
      %dma_wait3A_580 = arith.constant 9 : i32
      %dma_wait3A_581 = arith.constant 64 : i32
      %dma_wait3A_582 = arith.constant 0 : i32
      %dma_wait3A_583 = tpu.memref_slice %arg10[%dma_wait3A_581, %dma_wait3A_582] : memref<512x128xbf16, #tpu.memory_space<vmem>> -> memref<64x128xbf16, #tpu.memory_space<vmem>>
      %dma_wait3A_584 = arith.constant 0 : i32
      %dma_wait3A_585 = tpu.memref_slice %arg9[%dma_wait3A_580, %dma_wait3A_584] : memref<32x64xi32, #tpu.memory_space<vmem>> -> memref<1x64xi32, #tpu.memory_space<vmem>>
      %dma_wait3A_586 = tpu.memref_squeeze %dma_wait3A_585 : memref<1x64xi32, #tpu.memory_space<vmem>> -> memref<64xi32, #tpu.memory_space<vmem>>
      %dma_wait3A_587 = arith.constant 0 : i32
      %dma_wait3A_588 = arith.constant 0 : i32
      %dma_wait3A_589 = tpu.memref_slice %arg7[%dma_wait3A_587, %dma_wait3A_588] : memref<10112x128xbf16, #tpu.memory_space<vmem_shared>> -> memref<10112x128xbf16, #tpu.memory_space<vmem_shared>>
      tpu.wait_indirect_dma semaphore(%arg12 : memref<!tpu.dma_semaphore, #tpu.memory_space<semaphore_mem>>) src(%dma_wait3A_583 : memref<64x128xbf16, #tpu.memory_space<vmem>>) dst(%dma_wait3A_589 : memref<10112x128xbf16, #tpu.memory_space<vmem_shared>>)
      %dma_start3A_590 = arith.constant 17 : i32
      %dma_start3A_591 = arith.constant 64 : i32
      %dma_start3A_592 = arith.constant 0 : i32
      %dma_start3A_593 = tpu.memref_slice %arg10[%dma_start3A_591, %dma_start3A_592] : memref<512x128xbf16, #tpu.memory_space<vmem>> -> memref<64x128xbf16, #tpu.memory_space<vmem>>
      %dma_start3A_594 = arith.constant 0 : i32
      %dma_start3A_595 = tpu.memref_slice %arg8[%dma_start3A_590, %dma_start3A_594] : memref<32x64xi32, #tpu.memory_space<vmem>> -> memref<1x64xi32, #tpu.memory_space<vmem>>
      %dma_start3A_596 = tpu.memref_squeeze %dma_start3A_595 : memref<1x64xi32, #tpu.memory_space<vmem>> -> memref<64xi32, #tpu.memory_space<vmem>>
      %dma_start3A_597 = arith.constant 0 : i32
      %dma_start3A_598 = arith.constant 0 : i32
      %dma_start3A_599 = tpu.memref_slice %arg2[%arg0, %dma_start3A_597, %dma_start3A_598] : memref<2x10112x128xbf16, #tpu.memory_space<hbm>> -> memref<1x10112x128xbf16, #tpu.memory_space<hbm>>
      %dma_start3A_600 = tpu.memref_squeeze %dma_start3A_599 : memref<1x10112x128xbf16, #tpu.memory_space<hbm>> -> memref<10112x128xbf16, #tpu.memory_space<hbm>>
      %dma_start3A_601 = arith.constant 0 : i32
      %dma_start3A_602 = arith.constant 0 : i32
      %dma_start3A_603 = tpu.memref_slice %dma_start3A_600[%dma_start3A_601, %dma_start3A_602] : memref<10112x128xbf16, #tpu.memory_space<hbm>> -> memref<10112x128xbf16, #tpu.memory_space<hbm>>
      tpu.enqueue_indirect_dma source(%dma_start3A_603 : memref<10112x128xbf16, #tpu.memory_space<hbm>>) target(%dma_start3A_593 : memref<64x128xbf16, #tpu.memory_space<vmem>>) offsets(%dma_start3A_596 : memref<64xi32, #tpu.memory_space<vmem>>) semaphore(%arg11 : memref<!tpu.dma_semaphore, #tpu.memory_space<semaphore_mem>>)
      %dma_wait3A_604 = arith.constant 10 : i32
      %dma_wait3A_605 = arith.constant 128 : i32
      %dma_wait3A_606 = arith.constant 0 : i32
      %dma_wait3A_607 = tpu.memref_slice %arg10[%dma_wait3A_605, %dma_wait3A_606] : memref<512x128xbf16, #tpu.memory_space<vmem>> -> memref<64x128xbf16, #tpu.memory_space<vmem>>
      %dma_wait3A_608 = arith.constant 0 : i32
      %dma_wait3A_609 = tpu.memref_slice %arg8[%dma_wait3A_604, %dma_wait3A_608] : memref<32x64xi32, #tpu.memory_space<vmem>> -> memref<1x64xi32, #tpu.memory_space<vmem>>
      %dma_wait3A_610 = tpu.memref_squeeze %dma_wait3A_609 : memref<1x64xi32, #tpu.memory_space<vmem>> -> memref<64xi32, #tpu.memory_space<vmem>>
      %dma_wait3A_611 = arith.constant 0 : i32
      %dma_wait3A_612 = arith.constant 0 : i32
      %dma_wait3A_613 = tpu.memref_slice %arg2[%arg0, %dma_wait3A_611, %dma_wait3A_612] : memref<2x10112x128xbf16, #tpu.memory_space<hbm>> -> memref<1x10112x128xbf16, #tpu.memory_space<hbm>>
      %dma_wait3A_614 = tpu.memref_squeeze %dma_wait3A_613 : memref<1x10112x128xbf16, #tpu.memory_space<hbm>> -> memref<10112x128xbf16, #tpu.memory_space<hbm>>
      %dma_wait3A_615 = arith.constant 0 : i32
      %dma_wait3A_616 = arith.constant 0 : i32
      %dma_wait3A_617 = tpu.memref_slice %dma_wait3A_614[%dma_wait3A_615, %dma_wait3A_616] : memref<10112x128xbf16, #tpu.memory_space<hbm>> -> memref<10112x128xbf16, #tpu.memory_space<hbm>>
      tpu.wait_indirect_dma semaphore(%arg11 : memref<!tpu.dma_semaphore, #tpu.memory_space<semaphore_mem>>) src(%dma_wait3A_617 : memref<10112x128xbf16, #tpu.memory_space<hbm>>) dst(%dma_wait3A_607 : memref<64x128xbf16, #tpu.memory_space<vmem>>)
      %dma_start3A_618 = arith.constant 10 : i32
      %dma_start3A_619 = arith.constant 128 : i32
      %dma_start3A_620 = arith.constant 0 : i32
      %dma_start3A_621 = tpu.memref_slice %arg10[%dma_start3A_619, %dma_start3A_620] : memref<512x128xbf16, #tpu.memory_space<vmem>> -> memref<64x128xbf16, #tpu.memory_space<vmem>>
      %dma_start3A_622 = arith.constant 0 : i32
      %dma_start3A_623 = tpu.memref_slice %arg9[%dma_start3A_618, %dma_start3A_622] : memref<32x64xi32, #tpu.memory_space<vmem>> -> memref<1x64xi32, #tpu.memory_space<vmem>>
      %dma_start3A_624 = tpu.memref_squeeze %dma_start3A_623 : memref<1x64xi32, #tpu.memory_space<vmem>> -> memref<64xi32, #tpu.memory_space<vmem>>
      %dma_start3A_625 = arith.constant 0 : i32
      %dma_start3A_626 = arith.constant 0 : i32
      %dma_start3A_627 = tpu.memref_slice %arg7[%dma_start3A_625, %dma_start3A_626] : memref<10112x128xbf16, #tpu.memory_space<vmem_shared>> -> memref<10112x128xbf16, #tpu.memory_space<vmem_shared>>
      tpu.enqueue_indirect_dma source(%dma_start3A_621 : memref<64x128xbf16, #tpu.memory_space<vmem>>) target(%dma_start3A_627 : memref<10112x128xbf16, #tpu.memory_space<vmem_shared>>) offsets(%dma_start3A_624 : memref<64xi32, #tpu.memory_space<vmem>>) semaphore(%arg12 : memref<!tpu.dma_semaphore, #tpu.memory_space<semaphore_mem>>) {add = true}
      %dma_wait3A_628 = arith.constant 10 : i32
      %dma_wait3A_629 = arith.constant 128 : i32
      %dma_wait3A_630 = arith.constant 0 : i32
      %dma_wait3A_631 = tpu.memref_slice %arg10[%dma_wait3A_629, %dma_wait3A_630] : memref<512x128xbf16, #tpu.memory_space<vmem>> -> memref<64x128xbf16, #tpu.memory_space<vmem>>
      %dma_wait3A_632 = arith.constant 0 : i32
      %dma_wait3A_633 = tpu.memref_slice %arg9[%dma_wait3A_628, %dma_wait3A_632] : memref<32x64xi32, #tpu.memory_space<vmem>> -> memref<1x64xi32, #tpu.memory_space<vmem>>
      %dma_wait3A_634 = tpu.memref_squeeze %dma_wait3A_633 : memref<1x64xi32, #tpu.memory_space<vmem>> -> memref<64xi32, #tpu.memory_space<vmem>>
      %dma_wait3A_635 = arith.constant 0 : i32
      %dma_wait3A_636 = arith.constant 0 : i32
      %dma_wait3A_637 = tpu.memref_slice %arg7[%dma_wait3A_635, %dma_wait3A_636] : memref<10112x128xbf16, #tpu.memory_space<vmem_shared>> -> memref<10112x128xbf16, #tpu.memory_space<vmem_shared>>
      tpu.wait_indirect_dma semaphore(%arg12 : memref<!tpu.dma_semaphore, #tpu.memory_space<semaphore_mem>>) src(%dma_wait3A_631 : memref<64x128xbf16, #tpu.memory_space<vmem>>) dst(%dma_wait3A_637 : memref<10112x128xbf16, #tpu.memory_space<vmem_shared>>)
      %dma_start3A_638 = arith.constant 18 : i32
      %dma_start3A_639 = arith.constant 128 : i32
      %dma_start3A_640 = arith.constant 0 : i32
      %dma_start3A_641 = tpu.memref_slice %arg10[%dma_start3A_639, %dma_start3A_640] : memref<512x128xbf16, #tpu.memory_space<vmem>> -> memref<64x128xbf16, #tpu.memory_space<vmem>>
      %dma_start3A_642 = arith.constant 0 : i32
      %dma_start3A_643 = tpu.memref_slice %arg8[%dma_start3A_638, %dma_start3A_642] : memref<32x64xi32, #tpu.memory_space<vmem>> -> memref<1x64xi32, #tpu.memory_space<vmem>>
      %dma_start3A_644 = tpu.memref_squeeze %dma_start3A_643 : memref<1x64xi32, #tpu.memory_space<vmem>> -> memref<64xi32, #tpu.memory_space<vmem>>
      %dma_start3A_645 = arith.constant 0 : i32
      %dma_start3A_646 = arith.constant 0 : i32
      %dma_start3A_647 = tpu.memref_slice %arg2[%arg0, %dma_start3A_645, %dma_start3A_646] : memref<2x10112x128xbf16, #tpu.memory_space<hbm>> -> memref<1x10112x128xbf16, #tpu.memory_space<hbm>>
      %dma_start3A_648 = tpu.memref_squeeze %dma_start3A_647 : memref<1x10112x128xbf16, #tpu.memory_space<hbm>> -> memref<10112x128xbf16, #tpu.memory_space<hbm>>
      %dma_start3A_649 = arith.constant 0 : i32
      %dma_start3A_650 = arith.constant 0 : i32
      %dma_start3A_651 = tpu.memref_slice %dma_start3A_648[%dma_start3A_649, %dma_start3A_650] : memref<10112x128xbf16, #tpu.memory_space<hbm>> -> memref<10112x128xbf16, #tpu.memory_space<hbm>>
      tpu.enqueue_indirect_dma source(%dma_start3A_651 : memref<10112x128xbf16, #tpu.memory_space<hbm>>) target(%dma_start3A_641 : memref<64x128xbf16, #tpu.memory_space<vmem>>) offsets(%dma_start3A_644 : memref<64xi32, #tpu.memory_space<vmem>>) semaphore(%arg11 : memref<!tpu.dma_semaphore, #tpu.memory_space<semaphore_mem>>)
      %dma_wait3A_652 = arith.constant 11 : i32
      %dma_wait3A_653 = arith.constant 192 : i32
      %dma_wait3A_654 = arith.constant 0 : i32
      %dma_wait3A_655 = tpu.memref_slice %arg10[%dma_wait3A_653, %dma_wait3A_654] : memref<512x128xbf16, #tpu.memory_space<vmem>> -> memref<64x128xbf16, #tpu.memory_space<vmem>>
      %dma_wait3A_656 = arith.constant 0 : i32
      %dma_wait3A_657 = tpu.memref_slice %arg8[%dma_wait3A_652, %dma_wait3A_656] : memref<32x64xi32, #tpu.memory_space<vmem>> -> memref<1x64xi32, #tpu.memory_space<vmem>>
      %dma_wait3A_658 = tpu.memref_squeeze %dma_wait3A_657 : memref<1x64xi32, #tpu.memory_space<vmem>> -> memref<64xi32, #tpu.memory_space<vmem>>
      %dma_wait3A_659 = arith.constant 0 : i32
      %dma_wait3A_660 = arith.constant 0 : i32
      %dma_wait3A_661 = tpu.memref_slice %arg2[%arg0, %dma_wait3A_659, %dma_wait3A_660] : memref<2x10112x128xbf16, #tpu.memory_space<hbm>> -> memref<1x10112x128xbf16, #tpu.memory_space<hbm>>
      %dma_wait3A_662 = tpu.memref_squeeze %dma_wait3A_661 : memref<1x10112x128xbf16, #tpu.memory_space<hbm>> -> memref<10112x128xbf16, #tpu.memory_space<hbm>>
      %dma_wait3A_663 = arith.constant 0 : i32
      %dma_wait3A_664 = arith.constant 0 : i32
      %dma_wait3A_665 = tpu.memref_slice %dma_wait3A_662[%dma_wait3A_663, %dma_wait3A_664] : memref<10112x128xbf16, #tpu.memory_space<hbm>> -> memref<10112x128xbf16, #tpu.memory_space<hbm>>
      tpu.wait_indirect_dma semaphore(%arg11 : memref<!tpu.dma_semaphore, #tpu.memory_space<semaphore_mem>>) src(%dma_wait3A_665 : memref<10112x128xbf16, #tpu.memory_space<hbm>>) dst(%dma_wait3A_655 : memref<64x128xbf16, #tpu.memory_space<vmem>>)
      %dma_start3A_666 = arith.constant 11 : i32
      %dma_start3A_667 = arith.constant 192 : i32
      %dma_start3A_668 = arith.constant 0 : i32
      %dma_start3A_669 = tpu.memref_slice %arg10[%dma_start3A_667, %dma_start3A_668] : memref<512x128xbf16, #tpu.memory_space<vmem>> -> memref<64x128xbf16, #tpu.memory_space<vmem>>
      %dma_start3A_670 = arith.constant 0 : i32
      %dma_start3A_671 = tpu.memref_slice %arg9[%dma_start3A_666, %dma_start3A_670] : memref<32x64xi32, #tpu.memory_space<vmem>> -> memref<1x64xi32, #tpu.memory_space<vmem>>
      %dma_start3A_672 = tpu.memref_squeeze %dma_start3A_671 : memref<1x64xi32, #tpu.memory_space<vmem>> -> memref<64xi32, #tpu.memory_space<vmem>>
      %dma_start3A_673 = arith.constant 0 : i32
      %dma_start3A_674 = arith.constant 0 : i32
      %dma_start3A_675 = tpu.memref_slice %arg7[%dma_start3A_673, %dma_start3A_674] : memref<10112x128xbf16, #tpu.memory_space<vmem_shared>> -> memref<10112x128xbf16, #tpu.memory_space<vmem_shared>>
      tpu.enqueue_indirect_dma source(%dma_start3A_669 : memref<64x128xbf16, #tpu.memory_space<vmem>>) target(%dma_start3A_675 : memref<10112x128xbf16, #tpu.memory_space<vmem_shared>>) offsets(%dma_start3A_672 : memref<64xi32, #tpu.memory_space<vmem>>) semaphore(%arg12 : memref<!tpu.dma_semaphore, #tpu.memory_space<semaphore_mem>>) {add = true}
      %dma_wait3A_676 = arith.constant 11 : i32
      %dma_wait3A_677 = arith.constant 192 : i32
      %dma_wait3A_678 = arith.constant 0 : i32
      %dma_wait3A_679 = tpu.memref_slice %arg10[%dma_wait3A_677, %dma_wait3A_678] : memref<512x128xbf16, #tpu.memory_space<vmem>> -> memref<64x128xbf16, #tpu.memory_space<vmem>>
      %dma_wait3A_680 = arith.constant 0 : i32
      %dma_wait3A_681 = tpu.memref_slice %arg9[%dma_wait3A_676, %dma_wait3A_680] : memref<32x64xi32, #tpu.memory_space<vmem>> -> memref<1x64xi32, #tpu.memory_space<vmem>>
      %dma_wait3A_682 = tpu.memref_squeeze %dma_wait3A_681 : memref<1x64xi32, #tpu.memory_space<vmem>> -> memref<64xi32, #tpu.memory_space<vmem>>
      %dma_wait3A_683 = arith.constant 0 : i32
      %dma_wait3A_684 = arith.constant 0 : i32
      %dma_wait3A_685 = tpu.memref_slice %arg7[%dma_wait3A_683, %dma_wait3A_684] : memref<10112x128xbf16, #tpu.memory_space<vmem_shared>> -> memref<10112x128xbf16, #tpu.memory_space<vmem_shared>>
      tpu.wait_indirect_dma semaphore(%arg12 : memref<!tpu.dma_semaphore, #tpu.memory_space<semaphore_mem>>) src(%dma_wait3A_679 : memref<64x128xbf16, #tpu.memory_space<vmem>>) dst(%dma_wait3A_685 : memref<10112x128xbf16, #tpu.memory_space<vmem_shared>>)
      %dma_start3A_686 = arith.constant 19 : i32
      %dma_start3A_687 = arith.constant 192 : i32
      %dma_start3A_688 = arith.constant 0 : i32
      %dma_start3A_689 = tpu.memref_slice %arg10[%dma_start3A_687, %dma_start3A_688] : memref<512x128xbf16, #tpu.memory_space<vmem>> -> memref<64x128xbf16, #tpu.memory_space<vmem>>
      %dma_start3A_690 = arith.constant 0 : i32
      %dma_start3A_691 = tpu.memref_slice %arg8[%dma_start3A_686, %dma_start3A_690] : memref<32x64xi32, #tpu.memory_space<vmem>> -> memref<1x64xi32, #tpu.memory_space<vmem>>
      %dma_start3A_692 = tpu.memref_squeeze %dma_start3A_691 : memref<1x64xi32, #tpu.memory_space<vmem>> -> memref<64xi32, #tpu.memory_space<vmem>>
      %dma_start3A_693 = arith.constant 0 : i32
      %dma_start3A_694 = arith.constant 0 : i32
      %dma_start3A_695 = tpu.memref_slice %arg2[%arg0, %dma_start3A_693, %dma_start3A_694] : memref<2x10112x128xbf16, #tpu.memory_space<hbm>> -> memref<1x10112x128xbf16, #tpu.memory_space<hbm>>
      %dma_start3A_696 = tpu.memref_squeeze %dma_start3A_695 : memref<1x10112x128xbf16, #tpu.memory_space<hbm>> -> memref<10112x128xbf16, #tpu.memory_space<hbm>>
      %dma_start3A_697 = arith.constant 0 : i32
      %dma_start3A_698 = arith.constant 0 : i32
      %dma_start3A_699 = tpu.memref_slice %dma_start3A_696[%dma_start3A_697, %dma_start3A_698] : memref<10112x128xbf16, #tpu.memory_space<hbm>> -> memref<10112x128xbf16, #tpu.memory_space<hbm>>
      tpu.enqueue_indirect_dma source(%dma_start3A_699 : memref<10112x128xbf16, #tpu.memory_space<hbm>>) target(%dma_start3A_689 : memref<64x128xbf16, #tpu.memory_space<vmem>>) offsets(%dma_start3A_692 : memref<64xi32, #tpu.memory_space<vmem>>) semaphore(%arg11 : memref<!tpu.dma_semaphore, #tpu.memory_space<semaphore_mem>>)
      %dma_wait3A_700 = arith.constant 12 : i32
      %dma_wait3A_701 = arith.constant 256 : i32
      %dma_wait3A_702 = arith.constant 0 : i32
      %dma_wait3A_703 = tpu.memref_slice %arg10[%dma_wait3A_701, %dma_wait3A_702] : memref<512x128xbf16, #tpu.memory_space<vmem>> -> memref<64x128xbf16, #tpu.memory_space<vmem>>
      %dma_wait3A_704 = arith.constant 0 : i32
      %dma_wait3A_705 = tpu.memref_slice %arg8[%dma_wait3A_700, %dma_wait3A_704] : memref<32x64xi32, #tpu.memory_space<vmem>> -> memref<1x64xi32, #tpu.memory_space<vmem>>
      %dma_wait3A_706 = tpu.memref_squeeze %dma_wait3A_705 : memref<1x64xi32, #tpu.memory_space<vmem>> -> memref<64xi32, #tpu.memory_space<vmem>>
      %dma_wait3A_707 = arith.constant 0 : i32
      %dma_wait3A_708 = arith.constant 0 : i32
      %dma_wait3A_709 = tpu.memref_slice %arg2[%arg0, %dma_wait3A_707, %dma_wait3A_708] : memref<2x10112x128xbf16, #tpu.memory_space<hbm>> -> memref<1x10112x128xbf16, #tpu.memory_space<hbm>>
      %dma_wait3A_710 = tpu.memref_squeeze %dma_wait3A_709 : memref<1x10112x128xbf16, #tpu.memory_space<hbm>> -> memref<10112x128xbf16, #tpu.memory_space<hbm>>
      %dma_wait3A_711 = arith.constant 0 : i32
      %dma_wait3A_712 = arith.constant 0 : i32
      %dma_wait3A_713 = tpu.memref_slice %dma_wait3A_710[%dma_wait3A_711, %dma_wait3A_712] : memref<10112x128xbf16, #tpu.memory_space<hbm>> -> memref<10112x128xbf16, #tpu.memory_space<hbm>>
      tpu.wait_indirect_dma semaphore(%arg11 : memref<!tpu.dma_semaphore, #tpu.memory_space<semaphore_mem>>) src(%dma_wait3A_713 : memref<10112x128xbf16, #tpu.memory_space<hbm>>) dst(%dma_wait3A_703 : memref<64x128xbf16, #tpu.memory_space<vmem>>)
      %dma_start3A_714 = arith.constant 12 : i32
      %dma_start3A_715 = arith.constant 256 : i32
      %dma_start3A_716 = arith.constant 0 : i32
      %dma_start3A_717 = tpu.memref_slice %arg10[%dma_start3A_715, %dma_start3A_716] : memref<512x128xbf16, #tpu.memory_space<vmem>> -> memref<64x128xbf16, #tpu.memory_space<vmem>>
      %dma_start3A_718 = arith.constant 0 : i32
      %dma_start3A_719 = tpu.memref_slice %arg9[%dma_start3A_714, %dma_start3A_718] : memref<32x64xi32, #tpu.memory_space<vmem>> -> memref<1x64xi32, #tpu.memory_space<vmem>>
      %dma_start3A_720 = tpu.memref_squeeze %dma_start3A_719 : memref<1x64xi32, #tpu.memory_space<vmem>> -> memref<64xi32, #tpu.memory_space<vmem>>
      %dma_start3A_721 = arith.constant 0 : i32
      %dma_start3A_722 = arith.constant 0 : i32
      %dma_start3A_723 = tpu.memref_slice %arg7[%dma_start3A_721, %dma_start3A_722] : memref<10112x128xbf16, #tpu.memory_space<vmem_shared>> -> memref<10112x128xbf16, #tpu.memory_space<vmem_shared>>
      tpu.enqueue_indirect_dma source(%dma_start3A_717 : memref<64x128xbf16, #tpu.memory_space<vmem>>) target(%dma_start3A_723 : memref<10112x128xbf16, #tpu.memory_space<vmem_shared>>) offsets(%dma_start3A_720 : memref<64xi32, #tpu.memory_space<vmem>>) semaphore(%arg12 : memref<!tpu.dma_semaphore, #tpu.memory_space<semaphore_mem>>) {add = true}
      %dma_wait3A_724 = arith.constant 12 : i32
      %dma_wait3A_725 = arith.constant 256 : i32
      %dma_wait3A_726 = arith.constant 0 : i32
      %dma_wait3A_727 = tpu.memref_slice %arg10[%dma_wait3A_725, %dma_wait3A_726] : memref<512x128xbf16, #tpu.memory_space<vmem>> -> memref<64x128xbf16, #tpu.memory_space<vmem>>
      %dma_wait3A_728 = arith.constant 0 : i32
      %dma_wait3A_729 = tpu.memref_slice %arg9[%dma_wait3A_724, %dma_wait3A_728] : memref<32x64xi32, #tpu.memory_space<vmem>> -> memref<1x64xi32, #tpu.memory_space<vmem>>
      %dma_wait3A_730 = tpu.memref_squeeze %dma_wait3A_729 : memref<1x64xi32, #tpu.memory_space<vmem>> -> memref<64xi32, #tpu.memory_space<vmem>>
      %dma_wait3A_731 = arith.constant 0 : i32
      %dma_wait3A_732 = arith.constant 0 : i32
      %dma_wait3A_733 = tpu.memref_slice %arg7[%dma_wait3A_731, %dma_wait3A_732] : memref<10112x128xbf16, #tpu.memory_space<vmem_shared>> -> memref<10112x128xbf16, #tpu.memory_space<vmem_shared>>
      tpu.wait_indirect_dma semaphore(%arg12 : memref<!tpu.dma_semaphore, #tpu.memory_space<semaphore_mem>>) src(%dma_wait3A_727 : memref<64x128xbf16, #tpu.memory_space<vmem>>) dst(%dma_wait3A_733 : memref<10112x128xbf16, #tpu.memory_space<vmem_shared>>)
      %dma_start3A_734 = arith.constant 20 : i32
      %dma_start3A_735 = arith.constant 256 : i32
      %dma_start3A_736 = arith.constant 0 : i32
      %dma_start3A_737 = tpu.memref_slice %arg10[%dma_start3A_735, %dma_start3A_736] : memref<512x128xbf16, #tpu.memory_space<vmem>> -> memref<64x128xbf16, #tpu.memory_space<vmem>>
      %dma_start3A_738 = arith.constant 0 : i32
      %dma_start3A_739 = tpu.memref_slice %arg8[%dma_start3A_734, %dma_start3A_738] : memref<32x64xi32, #tpu.memory_space<vmem>> -> memref<1x64xi32, #tpu.memory_space<vmem>>
      %dma_start3A_740 = tpu.memref_squeeze %dma_start3A_739 : memref<1x64xi32, #tpu.memory_space<vmem>> -> memref<64xi32, #tpu.memory_space<vmem>>
      %dma_start3A_741 = arith.constant 0 : i32
      %dma_start3A_742 = arith.constant 0 : i32
      %dma_start3A_743 = tpu.memref_slice %arg2[%arg0, %dma_start3A_741, %dma_start3A_742] : memref<2x10112x128xbf16, #tpu.memory_space<hbm>> -> memref<1x10112x128xbf16, #tpu.memory_space<hbm>>
      %dma_start3A_744 = tpu.memref_squeeze %dma_start3A_743 : memref<1x10112x128xbf16, #tpu.memory_space<hbm>> -> memref<10112x128xbf16, #tpu.memory_space<hbm>>
      %dma_start3A_745 = arith.constant 0 : i32
      %dma_start3A_746 = arith.constant 0 : i32
      %dma_start3A_747 = tpu.memref_slice %dma_start3A_744[%dma_start3A_745, %dma_start3A_746] : memref<10112x128xbf16, #tpu.memory_space<hbm>> -> memref<10112x128xbf16, #tpu.memory_space<hbm>>
      tpu.enqueue_indirect_dma source(%dma_start3A_747 : memref<10112x128xbf16, #tpu.memory_space<hbm>>) target(%dma_start3A_737 : memref<64x128xbf16, #tpu.memory_space<vmem>>) offsets(%dma_start3A_740 : memref<64xi32, #tpu.memory_space<vmem>>) semaphore(%arg11 : memref<!tpu.dma_semaphore, #tpu.memory_space<semaphore_mem>>)
      %dma_wait3A_748 = arith.constant 13 : i32
      %dma_wait3A_749 = arith.constant 320 : i32
      %dma_wait3A_750 = arith.constant 0 : i32
      %dma_wait3A_751 = tpu.memref_slice %arg10[%dma_wait3A_749, %dma_wait3A_750] : memref<512x128xbf16, #tpu.memory_space<vmem>> -> memref<64x128xbf16, #tpu.memory_space<vmem>>
      %dma_wait3A_752 = arith.constant 0 : i32
      %dma_wait3A_753 = tpu.memref_slice %arg8[%dma_wait3A_748, %dma_wait3A_752] : memref<32x64xi32, #tpu.memory_space<vmem>> -> memref<1x64xi32, #tpu.memory_space<vmem>>
      %dma_wait3A_754 = tpu.memref_squeeze %dma_wait3A_753 : memref<1x64xi32, #tpu.memory_space<vmem>> -> memref<64xi32, #tpu.memory_space<vmem>>
      %dma_wait3A_755 = arith.constant 0 : i32
      %dma_wait3A_756 = arith.constant 0 : i32
      %dma_wait3A_757 = tpu.memref_slice %arg2[%arg0, %dma_wait3A_755, %dma_wait3A_756] : memref<2x10112x128xbf16, #tpu.memory_space<hbm>> -> memref<1x10112x128xbf16, #tpu.memory_space<hbm>>
      %dma_wait3A_758 = tpu.memref_squeeze %dma_wait3A_757 : memref<1x10112x128xbf16, #tpu.memory_space<hbm>> -> memref<10112x128xbf16, #tpu.memory_space<hbm>>
      %dma_wait3A_759 = arith.constant 0 : i32
      %dma_wait3A_760 = arith.constant 0 : i32
      %dma_wait3A_761 = tpu.memref_slice %dma_wait3A_758[%dma_wait3A_759, %dma_wait3A_760] : memref<10112x128xbf16, #tpu.memory_space<hbm>> -> memref<10112x128xbf16, #tpu.memory_space<hbm>>
      tpu.wait_indirect_dma semaphore(%arg11 : memref<!tpu.dma_semaphore, #tpu.memory_space<semaphore_mem>>) src(%dma_wait3A_761 : memref<10112x128xbf16, #tpu.memory_space<hbm>>) dst(%dma_wait3A_751 : memref<64x128xbf16, #tpu.memory_space<vmem>>)
      %dma_start3A_762 = arith.constant 13 : i32
      %dma_start3A_763 = arith.constant 320 : i32
      %dma_start3A_764 = arith.constant 0 : i32
      %dma_start3A_765 = tpu.memref_slice %arg10[%dma_start3A_763, %dma_start3A_764] : memref<512x128xbf16, #tpu.memory_space<vmem>> -> memref<64x128xbf16, #tpu.memory_space<vmem>>
      %dma_start3A_766 = arith.constant 0 : i32
      %dma_start3A_767 = tpu.memref_slice %arg9[%dma_start3A_762, %dma_start3A_766] : memref<32x64xi32, #tpu.memory_space<vmem>> -> memref<1x64xi32, #tpu.memory_space<vmem>>
      %dma_start3A_768 = tpu.memref_squeeze %dma_start3A_767 : memref<1x64xi32, #tpu.memory_space<vmem>> -> memref<64xi32, #tpu.memory_space<vmem>>
      %dma_start3A_769 = arith.constant 0 : i32
      %dma_start3A_770 = arith.constant 0 : i32
      %dma_start3A_771 = tpu.memref_slice %arg7[%dma_start3A_769, %dma_start3A_770] : memref<10112x128xbf16, #tpu.memory_space<vmem_shared>> -> memref<10112x128xbf16, #tpu.memory_space<vmem_shared>>
      tpu.enqueue_indirect_dma source(%dma_start3A_765 : memref<64x128xbf16, #tpu.memory_space<vmem>>) target(%dma_start3A_771 : memref<10112x128xbf16, #tpu.memory_space<vmem_shared>>) offsets(%dma_start3A_768 : memref<64xi32, #tpu.memory_space<vmem>>) semaphore(%arg12 : memref<!tpu.dma_semaphore, #tpu.memory_space<semaphore_mem>>) {add = true}
      %dma_wait3A_772 = arith.constant 13 : i32
      %dma_wait3A_773 = arith.constant 320 : i32
      %dma_wait3A_774 = arith.constant 0 : i32
      %dma_wait3A_775 = tpu.memref_slice %arg10[%dma_wait3A_773, %dma_wait3A_774] : memref<512x128xbf16, #tpu.memory_space<vmem>> -> memref<64x128xbf16, #tpu.memory_space<vmem>>
      %dma_wait3A_776 = arith.constant 0 : i32
      %dma_wait3A_777 = tpu.memref_slice %arg9[%dma_wait3A_772, %dma_wait3A_776] : memref<32x64xi32, #tpu.memory_space<vmem>> -> memref<1x64xi32, #tpu.memory_space<vmem>>
      %dma_wait3A_778 = tpu.memref_squeeze %dma_wait3A_777 : memref<1x64xi32, #tpu.memory_space<vmem>> -> memref<64xi32, #tpu.memory_space<vmem>>
      %dma_wait3A_779 = arith.constant 0 : i32
      %dma_wait3A_780 = arith.constant 0 : i32
      %dma_wait3A_781 = tpu.memref_slice %arg7[%dma_wait3A_779, %dma_wait3A_780] : memref<10112x128xbf16, #tpu.memory_space<vmem_shared>> -> memref<10112x128xbf16, #tpu.memory_space<vmem_shared>>
      tpu.wait_indirect_dma semaphore(%arg12 : memref<!tpu.dma_semaphore, #tpu.memory_space<semaphore_mem>>) src(%dma_wait3A_775 : memref<64x128xbf16, #tpu.memory_space<vmem>>) dst(%dma_wait3A_781 : memref<10112x128xbf16, #tpu.memory_space<vmem_shared>>)
      %dma_start3A_782 = arith.constant 21 : i32
      %dma_start3A_783 = arith.constant 320 : i32
      %dma_start3A_784 = arith.constant 0 : i32
      %dma_start3A_785 = tpu.memref_slice %arg10[%dma_start3A_783, %dma_start3A_784] : memref<512x128xbf16, #tpu.memory_space<vmem>> -> memref<64x128xbf16, #tpu.memory_space<vmem>>
      %dma_start3A_786 = arith.constant 0 : i32
      %dma_start3A_787 = tpu.memref_slice %arg8[%dma_start3A_782, %dma_start3A_786] : memref<32x64xi32, #tpu.memory_space<vmem>> -> memref<1x64xi32, #tpu.memory_space<vmem>>
      %dma_start3A_788 = tpu.memref_squeeze %dma_start3A_787 : memref<1x64xi32, #tpu.memory_space<vmem>> -> memref<64xi32, #tpu.memory_space<vmem>>
      %dma_start3A_789 = arith.constant 0 : i32
      %dma_start3A_790 = arith.constant 0 : i32
      %dma_start3A_791 = tpu.memref_slice %arg2[%arg0, %dma_start3A_789, %dma_start3A_790] : memref<2x10112x128xbf16, #tpu.memory_space<hbm>> -> memref<1x10112x128xbf16, #tpu.memory_space<hbm>>
      %dma_start3A_792 = tpu.memref_squeeze %dma_start3A_791 : memref<1x10112x128xbf16, #tpu.memory_space<hbm>> -> memref<10112x128xbf16, #tpu.memory_space<hbm>>
      %dma_start3A_793 = arith.constant 0 : i32
      %dma_start3A_794 = arith.constant 0 : i32
      %dma_start3A_795 = tpu.memref_slice %dma_start3A_792[%dma_start3A_793, %dma_start3A_794] : memref<10112x128xbf16, #tpu.memory_space<hbm>> -> memref<10112x128xbf16, #tpu.memory_space<hbm>>
      tpu.enqueue_indirect_dma source(%dma_start3A_795 : memref<10112x128xbf16, #tpu.memory_space<hbm>>) target(%dma_start3A_785 : memref<64x128xbf16, #tpu.memory_space<vmem>>) offsets(%dma_start3A_788 : memref<64xi32, #tpu.memory_space<vmem>>) semaphore(%arg11 : memref<!tpu.dma_semaphore, #tpu.memory_space<semaphore_mem>>)
      %dma_wait3A_796 = arith.constant 14 : i32
      %dma_wait3A_797 = arith.constant 384 : i32
      %dma_wait3A_798 = arith.constant 0 : i32
      %dma_wait3A_799 = tpu.memref_slice %arg10[%dma_wait3A_797, %dma_wait3A_798] : memref<512x128xbf16, #tpu.memory_space<vmem>> -> memref<64x128xbf16, #tpu.memory_space<vmem>>
      %dma_wait3A_800 = arith.constant 0 : i32
      %dma_wait3A_801 = tpu.memref_slice %arg8[%dma_wait3A_796, %dma_wait3A_800] : memref<32x64xi32, #tpu.memory_space<vmem>> -> memref<1x64xi32, #tpu.memory_space<vmem>>
      %dma_wait3A_802 = tpu.memref_squeeze %dma_wait3A_801 : memref<1x64xi32, #tpu.memory_space<vmem>> -> memref<64xi32, #tpu.memory_space<vmem>>
      %dma_wait3A_803 = arith.constant 0 : i32
      %dma_wait3A_804 = arith.constant 0 : i32
      %dma_wait3A_805 = tpu.memref_slice %arg2[%arg0, %dma_wait3A_803, %dma_wait3A_804] : memref<2x10112x128xbf16, #tpu.memory_space<hbm>> -> memref<1x10112x128xbf16, #tpu.memory_space<hbm>>
      %dma_wait3A_806 = tpu.memref_squeeze %dma_wait3A_805 : memref<1x10112x128xbf16, #tpu.memory_space<hbm>> -> memref<10112x128xbf16, #tpu.memory_space<hbm>>
      %dma_wait3A_807 = arith.constant 0 : i32
      %dma_wait3A_808 = arith.constant 0 : i32
      %dma_wait3A_809 = tpu.memref_slice %dma_wait3A_806[%dma_wait3A_807, %dma_wait3A_808] : memref<10112x128xbf16, #tpu.memory_space<hbm>> -> memref<10112x128xbf16, #tpu.memory_space<hbm>>
      tpu.wait_indirect_dma semaphore(%arg11 : memref<!tpu.dma_semaphore, #tpu.memory_space<semaphore_mem>>) src(%dma_wait3A_809 : memref<10112x128xbf16, #tpu.memory_space<hbm>>) dst(%dma_wait3A_799 : memref<64x128xbf16, #tpu.memory_space<vmem>>)
      %dma_start3A_810 = arith.constant 14 : i32
      %dma_start3A_811 = arith.constant 384 : i32
      %dma_start3A_812 = arith.constant 0 : i32
      %dma_start3A_813 = tpu.memref_slice %arg10[%dma_start3A_811, %dma_start3A_812] : memref<512x128xbf16, #tpu.memory_space<vmem>> -> memref<64x128xbf16, #tpu.memory_space<vmem>>
      %dma_start3A_814 = arith.constant 0 : i32
      %dma_start3A_815 = tpu.memref_slice %arg9[%dma_start3A_810, %dma_start3A_814] : memref<32x64xi32, #tpu.memory_space<vmem>> -> memref<1x64xi32, #tpu.memory_space<vmem>>
      %dma_start3A_816 = tpu.memref_squeeze %dma_start3A_815 : memref<1x64xi32, #tpu.memory_space<vmem>> -> memref<64xi32, #tpu.memory_space<vmem>>
      %dma_start3A_817 = arith.constant 0 : i32
      %dma_start3A_818 = arith.constant 0 : i32
      %dma_start3A_819 = tpu.memref_slice %arg7[%dma_start3A_817, %dma_start3A_818] : memref<10112x128xbf16, #tpu.memory_space<vmem_shared>> -> memref<10112x128xbf16, #tpu.memory_space<vmem_shared>>
      tpu.enqueue_indirect_dma source(%dma_start3A_813 : memref<64x128xbf16, #tpu.memory_space<vmem>>) target(%dma_start3A_819 : memref<10112x128xbf16, #tpu.memory_space<vmem_shared>>) offsets(%dma_start3A_816 : memref<64xi32, #tpu.memory_space<vmem>>) semaphore(%arg12 : memref<!tpu.dma_semaphore, #tpu.memory_space<semaphore_mem>>) {add = true}
      %dma_wait3A_820 = arith.constant 14 : i32
      %dma_wait3A_821 = arith.constant 384 : i32
      %dma_wait3A_822 = arith.constant 0 : i32
      %dma_wait3A_823 = tpu.memref_slice %arg10[%dma_wait3A_821, %dma_wait3A_822] : memref<512x128xbf16, #tpu.memory_space<vmem>> -> memref<64x128xbf16, #tpu.memory_space<vmem>>
      %dma_wait3A_824 = arith.constant 0 : i32
      %dma_wait3A_825 = tpu.memref_slice %arg9[%dma_wait3A_820, %dma_wait3A_824] : memref<32x64xi32, #tpu.memory_space<vmem>> -> memref<1x64xi32, #tpu.memory_space<vmem>>
      %dma_wait3A_826 = tpu.memref_squeeze %dma_wait3A_825 : memref<1x64xi32, #tpu.memory_space<vmem>> -> memref<64xi32, #tpu.memory_space<vmem>>
      %dma_wait3A_827 = arith.constant 0 : i32
      %dma_wait3A_828 = arith.constant 0 : i32
      %dma_wait3A_829 = tpu.memref_slice %arg7[%dma_wait3A_827, %dma_wait3A_828] : memref<10112x128xbf16, #tpu.memory_space<vmem_shared>> -> memref<10112x128xbf16, #tpu.memory_space<vmem_shared>>
      tpu.wait_indirect_dma semaphore(%arg12 : memref<!tpu.dma_semaphore, #tpu.memory_space<semaphore_mem>>) src(%dma_wait3A_823 : memref<64x128xbf16, #tpu.memory_space<vmem>>) dst(%dma_wait3A_829 : memref<10112x128xbf16, #tpu.memory_space<vmem_shared>>)
      %dma_start3A_830 = arith.constant 22 : i32
      %dma_start3A_831 = arith.constant 384 : i32
      %dma_start3A_832 = arith.constant 0 : i32
      %dma_start3A_833 = tpu.memref_slice %arg10[%dma_start3A_831, %dma_start3A_832] : memref<512x128xbf16, #tpu.memory_space<vmem>> -> memref<64x128xbf16, #tpu.memory_space<vmem>>
      %dma_start3A_834 = arith.constant 0 : i32
      %dma_start3A_835 = tpu.memref_slice %arg8[%dma_start3A_830, %dma_start3A_834] : memref<32x64xi32, #tpu.memory_space<vmem>> -> memref<1x64xi32, #tpu.memory_space<vmem>>
      %dma_start3A_836 = tpu.memref_squeeze %dma_start3A_835 : memref<1x64xi32, #tpu.memory_space<vmem>> -> memref<64xi32, #tpu.memory_space<vmem>>
      %dma_start3A_837 = arith.constant 0 : i32
      %dma_start3A_838 = arith.constant 0 : i32
      %dma_start3A_839 = tpu.memref_slice %arg2[%arg0, %dma_start3A_837, %dma_start3A_838] : memref<2x10112x128xbf16, #tpu.memory_space<hbm>> -> memref<1x10112x128xbf16, #tpu.memory_space<hbm>>
      %dma_start3A_840 = tpu.memref_squeeze %dma_start3A_839 : memref<1x10112x128xbf16, #tpu.memory_space<hbm>> -> memref<10112x128xbf16, #tpu.memory_space<hbm>>
      %dma_start3A_841 = arith.constant 0 : i32
      %dma_start3A_842 = arith.constant 0 : i32
      %dma_start3A_843 = tpu.memref_slice %dma_start3A_840[%dma_start3A_841, %dma_start3A_842] : memref<10112x128xbf16, #tpu.memory_space<hbm>> -> memref<10112x128xbf16, #tpu.memory_space<hbm>>
      tpu.enqueue_indirect_dma source(%dma_start3A_843 : memref<10112x128xbf16, #tpu.memory_space<hbm>>) target(%dma_start3A_833 : memref<64x128xbf16, #tpu.memory_space<vmem>>) offsets(%dma_start3A_836 : memref<64xi32, #tpu.memory_space<vmem>>) semaphore(%arg11 : memref<!tpu.dma_semaphore, #tpu.memory_space<semaphore_mem>>)
      %dma_wait3A_844 = arith.constant 15 : i32
      %dma_wait3A_845 = arith.constant 448 : i32
      %dma_wait3A_846 = arith.constant 0 : i32
      %dma_wait3A_847 = tpu.memref_slice %arg10[%dma_wait3A_845, %dma_wait3A_846] : memref<512x128xbf16, #tpu.memory_space<vmem>> -> memref<64x128xbf16, #tpu.memory_space<vmem>>
      %dma_wait3A_848 = arith.constant 0 : i32
      %dma_wait3A_849 = tpu.memref_slice %arg8[%dma_wait3A_844, %dma_wait3A_848] : memref<32x64xi32, #tpu.memory_space<vmem>> -> memref<1x64xi32, #tpu.memory_space<vmem>>
      %dma_wait3A_850 = tpu.memref_squeeze %dma_wait3A_849 : memref<1x64xi32, #tpu.memory_space<vmem>> -> memref<64xi32, #tpu.memory_space<vmem>>
      %dma_wait3A_851 = arith.constant 0 : i32
      %dma_wait3A_852 = arith.constant 0 : i32
      %dma_wait3A_853 = tpu.memref_slice %arg2[%arg0, %dma_wait3A_851, %dma_wait3A_852] : memref<2x10112x128xbf16, #tpu.memory_space<hbm>> -> memref<1x10112x128xbf16, #tpu.memory_space<hbm>>
      %dma_wait3A_854 = tpu.memref_squeeze %dma_wait3A_853 : memref<1x10112x128xbf16, #tpu.memory_space<hbm>> -> memref<10112x128xbf16, #tpu.memory_space<hbm>>
      %dma_wait3A_855 = arith.constant 0 : i32
      %dma_wait3A_856 = arith.constant 0 : i32
      %dma_wait3A_857 = tpu.memref_slice %dma_wait3A_854[%dma_wait3A_855, %dma_wait3A_856] : memref<10112x128xbf16, #tpu.memory_space<hbm>> -> memref<10112x128xbf16, #tpu.memory_space<hbm>>
      tpu.wait_indirect_dma semaphore(%arg11 : memref<!tpu.dma_semaphore, #tpu.memory_space<semaphore_mem>>) src(%dma_wait3A_857 : memref<10112x128xbf16, #tpu.memory_space<hbm>>) dst(%dma_wait3A_847 : memref<64x128xbf16, #tpu.memory_space<vmem>>)
      %dma_start3A_858 = arith.constant 15 : i32
      %dma_start3A_859 = arith.constant 448 : i32
      %dma_start3A_860 = arith.constant 0 : i32
      %dma_start3A_861 = tpu.memref_slice %arg10[%dma_start3A_859, %dma_start3A_860] : memref<512x128xbf16, #tpu.memory_space<vmem>> -> memref<64x128xbf16, #tpu.memory_space<vmem>>
      %dma_start3A_862 = arith.constant 0 : i32
      %dma_start3A_863 = tpu.memref_slice %arg9[%dma_start3A_858, %dma_start3A_862] : memref<32x64xi32, #tpu.memory_space<vmem>> -> memref<1x64xi32, #tpu.memory_space<vmem>>
      %dma_start3A_864 = tpu.memref_squeeze %dma_start3A_863 : memref<1x64xi32, #tpu.memory_space<vmem>> -> memref<64xi32, #tpu.memory_space<vmem>>
      %dma_start3A_865 = arith.constant 0 : i32
      %dma_start3A_866 = arith.constant 0 : i32
      %dma_start3A_867 = tpu.memref_slice %arg7[%dma_start3A_865, %dma_start3A_866] : memref<10112x128xbf16, #tpu.memory_space<vmem_shared>> -> memref<10112x128xbf16, #tpu.memory_space<vmem_shared>>
      tpu.enqueue_indirect_dma source(%dma_start3A_861 : memref<64x128xbf16, #tpu.memory_space<vmem>>) target(%dma_start3A_867 : memref<10112x128xbf16, #tpu.memory_space<vmem_shared>>) offsets(%dma_start3A_864 : memref<64xi32, #tpu.memory_space<vmem>>) semaphore(%arg12 : memref<!tpu.dma_semaphore, #tpu.memory_space<semaphore_mem>>) {add = true}
      %dma_wait3A_868 = arith.constant 15 : i32
      %dma_wait3A_869 = arith.constant 448 : i32
      %dma_wait3A_870 = arith.constant 0 : i32
      %dma_wait3A_871 = tpu.memref_slice %arg10[%dma_wait3A_869, %dma_wait3A_870] : memref<512x128xbf16, #tpu.memory_space<vmem>> -> memref<64x128xbf16, #tpu.memory_space<vmem>>
      %dma_wait3A_872 = arith.constant 0 : i32
      %dma_wait3A_873 = tpu.memref_slice %arg9[%dma_wait3A_868, %dma_wait3A_872] : memref<32x64xi32, #tpu.memory_space<vmem>> -> memref<1x64xi32, #tpu.memory_space<vmem>>
      %dma_wait3A_874 = tpu.memref_squeeze %dma_wait3A_873 : memref<1x64xi32, #tpu.memory_space<vmem>> -> memref<64xi32, #tpu.memory_space<vmem>>
      %dma_wait3A_875 = arith.constant 0 : i32
      %dma_wait3A_876 = arith.constant 0 : i32
      %dma_wait3A_877 = tpu.memref_slice %arg7[%dma_wait3A_875, %dma_wait3A_876] : memref<10112x128xbf16, #tpu.memory_space<vmem_shared>> -> memref<10112x128xbf16, #tpu.memory_space<vmem_shared>>
      tpu.wait_indirect_dma semaphore(%arg12 : memref<!tpu.dma_semaphore, #tpu.memory_space<semaphore_mem>>) src(%dma_wait3A_871 : memref<64x128xbf16, #tpu.memory_space<vmem>>) dst(%dma_wait3A_877 : memref<10112x128xbf16, #tpu.memory_space<vmem_shared>>)
      %dma_start3A_878 = arith.constant 23 : i32
      %dma_start3A_879 = arith.constant 448 : i32
      %dma_start3A_880 = arith.constant 0 : i32
      %dma_start3A_881 = tpu.memref_slice %arg10[%dma_start3A_879, %dma_start3A_880] : memref<512x128xbf16, #tpu.memory_space<vmem>> -> memref<64x128xbf16, #tpu.memory_space<vmem>>
      %dma_start3A_882 = arith.constant 0 : i32
      %dma_start3A_883 = tpu.memref_slice %arg8[%dma_start3A_878, %dma_start3A_882] : memref<32x64xi32, #tpu.memory_space<vmem>> -> memref<1x64xi32, #tpu.memory_space<vmem>>
      %dma_start3A_884 = tpu.memref_squeeze %dma_start3A_883 : memref<1x64xi32, #tpu.memory_space<vmem>> -> memref<64xi32, #tpu.memory_space<vmem>>
      %dma_start3A_885 = arith.constant 0 : i32
      %dma_start3A_886 = arith.constant 0 : i32
      %dma_start3A_887 = tpu.memref_slice %arg2[%arg0, %dma_start3A_885, %dma_start3A_886] : memref<2x10112x128xbf16, #tpu.memory_space<hbm>> -> memref<1x10112x128xbf16, #tpu.memory_space<hbm>>
      %dma_start3A_888 = tpu.memref_squeeze %dma_start3A_887 : memref<1x10112x128xbf16, #tpu.memory_space<hbm>> -> memref<10112x128xbf16, #tpu.memory_space<hbm>>
      %dma_start3A_889 = arith.constant 0 : i32
      %dma_start3A_890 = arith.constant 0 : i32
      %dma_start3A_891 = tpu.memref_slice %dma_start3A_888[%dma_start3A_889, %dma_start3A_890] : memref<10112x128xbf16, #tpu.memory_space<hbm>> -> memref<10112x128xbf16, #tpu.memory_space<hbm>>
      tpu.enqueue_indirect_dma source(%dma_start3A_891 : memref<10112x128xbf16, #tpu.memory_space<hbm>>) target(%dma_start3A_881 : memref<64x128xbf16, #tpu.memory_space<vmem>>) offsets(%dma_start3A_884 : memref<64xi32, #tpu.memory_space<vmem>>) semaphore(%arg11 : memref<!tpu.dma_semaphore, #tpu.memory_space<semaphore_mem>>)
      %dma_wait3A_892 = arith.constant 16 : i32
      %dma_wait3A_893 = arith.constant 0 : i32
      %dma_wait3A_894 = arith.constant 0 : i32
      %dma_wait3A_895 = tpu.memref_slice %arg10[%dma_wait3A_893, %dma_wait3A_894] : memref<512x128xbf16, #tpu.memory_space<vmem>> -> memref<64x128xbf16, #tpu.memory_space<vmem>>
      %dma_wait3A_896 = arith.constant 0 : i32
      %dma_wait3A_897 = tpu.memref_slice %arg8[%dma_wait3A_892, %dma_wait3A_896] : memref<32x64xi32, #tpu.memory_space<vmem>> -> memref<1x64xi32, #tpu.memory_space<vmem>>
      %dma_wait3A_898 = tpu.memref_squeeze %dma_wait3A_897 : memref<1x64xi32, #tpu.memory_space<vmem>> -> memref<64xi32, #tpu.memory_space<vmem>>
      %dma_wait3A_899 = arith.constant 0 : i32
      %dma_wait3A_900 = arith.constant 0 : i32
      %dma_wait3A_901 = tpu.memref_slice %arg2[%arg0, %dma_wait3A_899, %dma_wait3A_900] : memref<2x10112x128xbf16, #tpu.memory_space<hbm>> -> memref<1x10112x128xbf16, #tpu.memory_space<hbm>>
      %dma_wait3A_902 = tpu.memref_squeeze %dma_wait3A_901 : memref<1x10112x128xbf16, #tpu.memory_space<hbm>> -> memref<10112x128xbf16, #tpu.memory_space<hbm>>
      %dma_wait3A_903 = arith.constant 0 : i32
      %dma_wait3A_904 = arith.constant 0 : i32
      %dma_wait3A_905 = tpu.memref_slice %dma_wait3A_902[%dma_wait3A_903, %dma_wait3A_904] : memref<10112x128xbf16, #tpu.memory_space<hbm>> -> memref<10112x128xbf16, #tpu.memory_space<hbm>>
      tpu.wait_indirect_dma semaphore(%arg11 : memref<!tpu.dma_semaphore, #tpu.memory_space<semaphore_mem>>) src(%dma_wait3A_905 : memref<10112x128xbf16, #tpu.memory_space<hbm>>) dst(%dma_wait3A_895 : memref<64x128xbf16, #tpu.memory_space<vmem>>)
      %dma_start3A_906 = arith.constant 16 : i32
      %dma_start3A_907 = arith.constant 0 : i32
      %dma_start3A_908 = arith.constant 0 : i32
      %dma_start3A_909 = tpu.memref_slice %arg10[%dma_start3A_907, %dma_start3A_908] : memref<512x128xbf16, #tpu.memory_space<vmem>> -> memref<64x128xbf16, #tpu.memory_space<vmem>>
      %dma_start3A_910 = arith.constant 0 : i32
      %dma_start3A_911 = tpu.memref_slice %arg9[%dma_start3A_906, %dma_start3A_910] : memref<32x64xi32, #tpu.memory_space<vmem>> -> memref<1x64xi32, #tpu.memory_space<vmem>>
      %dma_start3A_912 = tpu.memref_squeeze %dma_start3A_911 : memref<1x64xi32, #tpu.memory_space<vmem>> -> memref<64xi32, #tpu.memory_space<vmem>>
      %dma_start3A_913 = arith.constant 0 : i32
      %dma_start3A_914 = arith.constant 0 : i32
      %dma_start3A_915 = tpu.memref_slice %arg7[%dma_start3A_913, %dma_start3A_914] : memref<10112x128xbf16, #tpu.memory_space<vmem_shared>> -> memref<10112x128xbf16, #tpu.memory_space<vmem_shared>>
      tpu.enqueue_indirect_dma source(%dma_start3A_909 : memref<64x128xbf16, #tpu.memory_space<vmem>>) target(%dma_start3A_915 : memref<10112x128xbf16, #tpu.memory_space<vmem_shared>>) offsets(%dma_start3A_912 : memref<64xi32, #tpu.memory_space<vmem>>) semaphore(%arg12 : memref<!tpu.dma_semaphore, #tpu.memory_space<semaphore_mem>>) {add = true}
      %dma_wait3A_916 = arith.constant 16 : i32
      %dma_wait3A_917 = arith.constant 0 : i32
      %dma_wait3A_918 = arith.constant 0 : i32
      %dma_wait3A_919 = tpu.memref_slice %arg10[%dma_wait3A_917, %dma_wait3A_918] : memref<512x128xbf16, #tpu.memory_space<vmem>> -> memref<64x128xbf16, #tpu.memory_space<vmem>>
      %dma_wait3A_920 = arith.constant 0 : i32
      %dma_wait3A_921 = tpu.memref_slice %arg9[%dma_wait3A_916, %dma_wait3A_920] : memref<32x64xi32, #tpu.memory_space<vmem>> -> memref<1x64xi32, #tpu.memory_space<vmem>>
      %dma_wait3A_922 = tpu.memref_squeeze %dma_wait3A_921 : memref<1x64xi32, #tpu.memory_space<vmem>> -> memref<64xi32, #tpu.memory_space<vmem>>
      %dma_wait3A_923 = arith.constant 0 : i32
      %dma_wait3A_924 = arith.constant 0 : i32
      %dma_wait3A_925 = tpu.memref_slice %arg7[%dma_wait3A_923, %dma_wait3A_924] : memref<10112x128xbf16, #tpu.memory_space<vmem_shared>> -> memref<10112x128xbf16, #tpu.memory_space<vmem_shared>>
      tpu.wait_indirect_dma semaphore(%arg12 : memref<!tpu.dma_semaphore, #tpu.memory_space<semaphore_mem>>) src(%dma_wait3A_919 : memref<64x128xbf16, #tpu.memory_space<vmem>>) dst(%dma_wait3A_925 : memref<10112x128xbf16, #tpu.memory_space<vmem_shared>>)
      %dma_start3A_926 = arith.constant 24 : i32
      %dma_start3A_927 = arith.constant 0 : i32
      %dma_start3A_928 = arith.constant 0 : i32
      %dma_start3A_929 = tpu.memref_slice %arg10[%dma_start3A_927, %dma_start3A_928] : memref<512x128xbf16, #tpu.memory_space<vmem>> -> memref<64x128xbf16, #tpu.memory_space<vmem>>
      %dma_start3A_930 = arith.constant 0 : i32
      %dma_start3A_931 = tpu.memref_slice %arg8[%dma_start3A_926, %dma_start3A_930] : memref<32x64xi32, #tpu.memory_space<vmem>> -> memref<1x64xi32, #tpu.memory_space<vmem>>
      %dma_start3A_932 = tpu.memref_squeeze %dma_start3A_931 : memref<1x64xi32, #tpu.memory_space<vmem>> -> memref<64xi32, #tpu.memory_space<vmem>>
      %dma_start3A_933 = arith.constant 0 : i32
      %dma_start3A_934 = arith.constant 0 : i32
      %dma_start3A_935 = tpu.memref_slice %arg2[%arg0, %dma_start3A_933, %dma_start3A_934] : memref<2x10112x128xbf16, #tpu.memory_space<hbm>> -> memref<1x10112x128xbf16, #tpu.memory_space<hbm>>
      %dma_start3A_936 = tpu.memref_squeeze %dma_start3A_935 : memref<1x10112x128xbf16, #tpu.memory_space<hbm>> -> memref<10112x128xbf16, #tpu.memory_space<hbm>>
      %dma_start3A_937 = arith.constant 0 : i32
      %dma_start3A_938 = arith.constant 0 : i32
      %dma_start3A_939 = tpu.memref_slice %dma_start3A_936[%dma_start3A_937, %dma_start3A_938] : memref<10112x128xbf16, #tpu.memory_space<hbm>> -> memref<10112x128xbf16, #tpu.memory_space<hbm>>
      tpu.enqueue_indirect_dma source(%dma_start3A_939 : memref<10112x128xbf16, #tpu.memory_space<hbm>>) target(%dma_start3A_929 : memref<64x128xbf16, #tpu.memory_space<vmem>>) offsets(%dma_start3A_932 : memref<64xi32, #tpu.memory_space<vmem>>) semaphore(%arg11 : memref<!tpu.dma_semaphore, #tpu.memory_space<semaphore_mem>>)
      %dma_wait3A_940 = arith.constant 17 : i32
      %dma_wait3A_941 = arith.constant 64 : i32
      %dma_wait3A_942 = arith.constant 0 : i32
      %dma_wait3A_943 = tpu.memref_slice %arg10[%dma_wait3A_941, %dma_wait3A_942] : memref<512x128xbf16, #tpu.memory_space<vmem>> -> memref<64x128xbf16, #tpu.memory_space<vmem>>
      %dma_wait3A_944 = arith.constant 0 : i32
      %dma_wait3A_945 = tpu.memref_slice %arg8[%dma_wait3A_940, %dma_wait3A_944] : memref<32x64xi32, #tpu.memory_space<vmem>> -> memref<1x64xi32, #tpu.memory_space<vmem>>
      %dma_wait3A_946 = tpu.memref_squeeze %dma_wait3A_945 : memref<1x64xi32, #tpu.memory_space<vmem>> -> memref<64xi32, #tpu.memory_space<vmem>>
      %dma_wait3A_947 = arith.constant 0 : i32
      %dma_wait3A_948 = arith.constant 0 : i32
      %dma_wait3A_949 = tpu.memref_slice %arg2[%arg0, %dma_wait3A_947, %dma_wait3A_948] : memref<2x10112x128xbf16, #tpu.memory_space<hbm>> -> memref<1x10112x128xbf16, #tpu.memory_space<hbm>>
      %dma_wait3A_950 = tpu.memref_squeeze %dma_wait3A_949 : memref<1x10112x128xbf16, #tpu.memory_space<hbm>> -> memref<10112x128xbf16, #tpu.memory_space<hbm>>
      %dma_wait3A_951 = arith.constant 0 : i32
      %dma_wait3A_952 = arith.constant 0 : i32
      %dma_wait3A_953 = tpu.memref_slice %dma_wait3A_950[%dma_wait3A_951, %dma_wait3A_952] : memref<10112x128xbf16, #tpu.memory_space<hbm>> -> memref<10112x128xbf16, #tpu.memory_space<hbm>>
      tpu.wait_indirect_dma semaphore(%arg11 : memref<!tpu.dma_semaphore, #tpu.memory_space<semaphore_mem>>) src(%dma_wait3A_953 : memref<10112x128xbf16, #tpu.memory_space<hbm>>) dst(%dma_wait3A_943 : memref<64x128xbf16, #tpu.memory_space<vmem>>)
      %dma_start3A_954 = arith.constant 17 : i32
      %dma_start3A_955 = arith.constant 64 : i32
      %dma_start3A_956 = arith.constant 0 : i32
      %dma_start3A_957 = tpu.memref_slice %arg10[%dma_start3A_955, %dma_start3A_956] : memref<512x128xbf16, #tpu.memory_space<vmem>> -> memref<64x128xbf16, #tpu.memory_space<vmem>>
      %dma_start3A_958 = arith.constant 0 : i32
      %dma_start3A_959 = tpu.memref_slice %arg9[%dma_start3A_954, %dma_start3A_958] : memref<32x64xi32, #tpu.memory_space<vmem>> -> memref<1x64xi32, #tpu.memory_space<vmem>>
      %dma_start3A_960 = tpu.memref_squeeze %dma_start3A_959 : memref<1x64xi32, #tpu.memory_space<vmem>> -> memref<64xi32, #tpu.memory_space<vmem>>
      %dma_start3A_961 = arith.constant 0 : i32
      %dma_start3A_962 = arith.constant 0 : i32
      %dma_start3A_963 = tpu.memref_slice %arg7[%dma_start3A_961, %dma_start3A_962] : memref<10112x128xbf16, #tpu.memory_space<vmem_shared>> -> memref<10112x128xbf16, #tpu.memory_space<vmem_shared>>
      tpu.enqueue_indirect_dma source(%dma_start3A_957 : memref<64x128xbf16, #tpu.memory_space<vmem>>) target(%dma_start3A_963 : memref<10112x128xbf16, #tpu.memory_space<vmem_shared>>) offsets(%dma_start3A_960 : memref<64xi32, #tpu.memory_space<vmem>>) semaphore(%arg12 : memref<!tpu.dma_semaphore, #tpu.memory_space<semaphore_mem>>) {add = true}
      %dma_wait3A_964 = arith.constant 17 : i32
      %dma_wait3A_965 = arith.constant 64 : i32
      %dma_wait3A_966 = arith.constant 0 : i32
      %dma_wait3A_967 = tpu.memref_slice %arg10[%dma_wait3A_965, %dma_wait3A_966] : memref<512x128xbf16, #tpu.memory_space<vmem>> -> memref<64x128xbf16, #tpu.memory_space<vmem>>
      %dma_wait3A_968 = arith.constant 0 : i32
      %dma_wait3A_969 = tpu.memref_slice %arg9[%dma_wait3A_964, %dma_wait3A_968] : memref<32x64xi32, #tpu.memory_space<vmem>> -> memref<1x64xi32, #tpu.memory_space<vmem>>
      %dma_wait3A_970 = tpu.memref_squeeze %dma_wait3A_969 : memref<1x64xi32, #tpu.memory_space<vmem>> -> memref<64xi32, #tpu.memory_space<vmem>>
      %dma_wait3A_971 = arith.constant 0 : i32
      %dma_wait3A_972 = arith.constant 0 : i32
      %dma_wait3A_973 = tpu.memref_slice %arg7[%dma_wait3A_971, %dma_wait3A_972] : memref<10112x128xbf16, #tpu.memory_space<vmem_shared>> -> memref<10112x128xbf16, #tpu.memory_space<vmem_shared>>
      tpu.wait_indirect_dma semaphore(%arg12 : memref<!tpu.dma_semaphore, #tpu.memory_space<semaphore_mem>>) src(%dma_wait3A_967 : memref<64x128xbf16, #tpu.memory_space<vmem>>) dst(%dma_wait3A_973 : memref<10112x128xbf16, #tpu.memory_space<vmem_shared>>)
      %dma_start3A_974 = arith.constant 25 : i32
      %dma_start3A_975 = arith.constant 64 : i32
      %dma_start3A_976 = arith.constant 0 : i32
      %dma_start3A_977 = tpu.memref_slice %arg10[%dma_start3A_975, %dma_start3A_976] : memref<512x128xbf16, #tpu.memory_space<vmem>> -> memref<64x128xbf16, #tpu.memory_space<vmem>>
      %dma_start3A_978 = arith.constant 0 : i32
      %dma_start3A_979 = tpu.memref_slice %arg8[%dma_start3A_974, %dma_start3A_978] : memref<32x64xi32, #tpu.memory_space<vmem>> -> memref<1x64xi32, #tpu.memory_space<vmem>>
      %dma_start3A_980 = tpu.memref_squeeze %dma_start3A_979 : memref<1x64xi32, #tpu.memory_space<vmem>> -> memref<64xi32, #tpu.memory_space<vmem>>
      %dma_start3A_981 = arith.constant 0 : i32
      %dma_start3A_982 = arith.constant 0 : i32
      %dma_start3A_983 = tpu.memref_slice %arg2[%arg0, %dma_start3A_981, %dma_start3A_982] : memref<2x10112x128xbf16, #tpu.memory_space<hbm>> -> memref<1x10112x128xbf16, #tpu.memory_space<hbm>>
      %dma_start3A_984 = tpu.memref_squeeze %dma_start3A_983 : memref<1x10112x128xbf16, #tpu.memory_space<hbm>> -> memref<10112x128xbf16, #tpu.memory_space<hbm>>
      %dma_start3A_985 = arith.constant 0 : i32
      %dma_start3A_986 = arith.constant 0 : i32
      %dma_start3A_987 = tpu.memref_slice %dma_start3A_984[%dma_start3A_985, %dma_start3A_986] : memref<10112x128xbf16, #tpu.memory_space<hbm>> -> memref<10112x128xbf16, #tpu.memory_space<hbm>>
      tpu.enqueue_indirect_dma source(%dma_start3A_987 : memref<10112x128xbf16, #tpu.memory_space<hbm>>) target(%dma_start3A_977 : memref<64x128xbf16, #tpu.memory_space<vmem>>) offsets(%dma_start3A_980 : memref<64xi32, #tpu.memory_space<vmem>>) semaphore(%arg11 : memref<!tpu.dma_semaphore, #tpu.memory_space<semaphore_mem>>)
      %dma_wait3A_988 = arith.constant 18 : i32
      %dma_wait3A_989 = arith.constant 128 : i32
      %dma_wait3A_990 = arith.constant 0 : i32
      %dma_wait3A_991 = tpu.memref_slice %arg10[%dma_wait3A_989, %dma_wait3A_990] : memref<512x128xbf16, #tpu.memory_space<vmem>> -> memref<64x128xbf16, #tpu.memory_space<vmem>>
      %dma_wait3A_992 = arith.constant 0 : i32
      %dma_wait3A_993 = tpu.memref_slice %arg8[%dma_wait3A_988, %dma_wait3A_992] : memref<32x64xi32, #tpu.memory_space<vmem>> -> memref<1x64xi32, #tpu.memory_space<vmem>>
      %dma_wait3A_994 = tpu.memref_squeeze %dma_wait3A_993 : memref<1x64xi32, #tpu.memory_space<vmem>> -> memref<64xi32, #tpu.memory_space<vmem>>
      %dma_wait3A_995 = arith.constant 0 : i32
      %dma_wait3A_996 = arith.constant 0 : i32
      %dma_wait3A_997 = tpu.memref_slice %arg2[%arg0, %dma_wait3A_995, %dma_wait3A_996] : memref<2x10112x128xbf16, #tpu.memory_space<hbm>> -> memref<1x10112x128xbf16, #tpu.memory_space<hbm>>
      %dma_wait3A_998 = tpu.memref_squeeze %dma_wait3A_997 : memref<1x10112x128xbf16, #tpu.memory_space<hbm>> -> memref<10112x128xbf16, #tpu.memory_space<hbm>>
      %dma_wait3A_999 = arith.constant 0 : i32
      %dma_wait3A_1000 = arith.constant 0 : i32
      %dma_wait3A_1001 = tpu.memref_slice %dma_wait3A_998[%dma_wait3A_999, %dma_wait3A_1000] : memref<10112x128xbf16, #tpu.memory_space<hbm>> -> memref<10112x128xbf16, #tpu.memory_space<hbm>>
      tpu.wait_indirect_dma semaphore(%arg11 : memref<!tpu.dma_semaphore, #tpu.memory_space<semaphore_mem>>) src(%dma_wait3A_1001 : memref<10112x128xbf16, #tpu.memory_space<hbm>>) dst(%dma_wait3A_991 : memref<64x128xbf16, #tpu.memory_space<vmem>>)
      %dma_start3A_1002 = arith.constant 18 : i32
      %dma_start3A_1003 = arith.constant 128 : i32
      %dma_start3A_1004 = arith.constant 0 : i32
      %dma_start3A_1005 = tpu.memref_slice %arg10[%dma_start3A_1003, %dma_start3A_1004] : memref<512x128xbf16, #tpu.memory_space<vmem>> -> memref<64x128xbf16, #tpu.memory_space<vmem>>
      %dma_start3A_1006 = arith.constant 0 : i32
      %dma_start3A_1007 = tpu.memref_slice %arg9[%dma_start3A_1002, %dma_start3A_1006] : memref<32x64xi32, #tpu.memory_space<vmem>> -> memref<1x64xi32, #tpu.memory_space<vmem>>
      %dma_start3A_1008 = tpu.memref_squeeze %dma_start3A_1007 : memref<1x64xi32, #tpu.memory_space<vmem>> -> memref<64xi32, #tpu.memory_space<vmem>>
      %dma_start3A_1009 = arith.constant 0 : i32
      %dma_start3A_1010 = arith.constant 0 : i32
      %dma_start3A_1011 = tpu.memref_slice %arg7[%dma_start3A_1009, %dma_start3A_1010] : memref<10112x128xbf16, #tpu.memory_space<vmem_shared>> -> memref<10112x128xbf16, #tpu.memory_space<vmem_shared>>
      tpu.enqueue_indirect_dma source(%dma_start3A_1005 : memref<64x128xbf16, #tpu.memory_space<vmem>>) target(%dma_start3A_1011 : memref<10112x128xbf16, #tpu.memory_space<vmem_shared>>) offsets(%dma_start3A_1008 : memref<64xi32, #tpu.memory_space<vmem>>) semaphore(%arg12 : memref<!tpu.dma_semaphore, #tpu.memory_space<semaphore_mem>>) {add = true}
      %dma_wait3A_1012 = arith.constant 18 : i32
      %dma_wait3A_1013 = arith.constant 128 : i32
      %dma_wait3A_1014 = arith.constant 0 : i32
      %dma_wait3A_1015 = tpu.memref_slice %arg10[%dma_wait3A_1013, %dma_wait3A_1014] : memref<512x128xbf16, #tpu.memory_space<vmem>> -> memref<64x128xbf16, #tpu.memory_space<vmem>>
      %dma_wait3A_1016 = arith.constant 0 : i32
      %dma_wait3A_1017 = tpu.memref_slice %arg9[%dma_wait3A_1012, %dma_wait3A_1016] : memref<32x64xi32, #tpu.memory_space<vmem>> -> memref<1x64xi32, #tpu.memory_space<vmem>>
      %dma_wait3A_1018 = tpu.memref_squeeze %dma_wait3A_1017 : memref<1x64xi32, #tpu.memory_space<vmem>> -> memref<64xi32, #tpu.memory_space<vmem>>
      %dma_wait3A_1019 = arith.constant 0 : i32
      %dma_wait3A_1020 = arith.constant 0 : i32
      %dma_wait3A_1021 = tpu.memref_slice %arg7[%dma_wait3A_1019, %dma_wait3A_1020] : memref<10112x128xbf16, #tpu.memory_space<vmem_shared>> -> memref<10112x128xbf16, #tpu.memory_space<vmem_shared>>
      tpu.wait_indirect_dma semaphore(%arg12 : memref<!tpu.dma_semaphore, #tpu.memory_space<semaphore_mem>>) src(%dma_wait3A_1015 : memref<64x128xbf16, #tpu.memory_space<vmem>>) dst(%dma_wait3A_1021 : memref<10112x128xbf16, #tpu.memory_space<vmem_shared>>)
      %dma_start3A_1022 = arith.constant 26 : i32
      %dma_start3A_1023 = arith.constant 128 : i32
      %dma_start3A_1024 = arith.constant 0 : i32
      %dma_start3A_1025 = tpu.memref_slice %arg10[%dma_start3A_1023, %dma_start3A_1024] : memref<512x128xbf16, #tpu.memory_space<vmem>> -> memref<64x128xbf16, #tpu.memory_space<vmem>>
      %dma_start3A_1026 = arith.constant 0 : i32
      %dma_start3A_1027 = tpu.memref_slice %arg8[%dma_start3A_1022, %dma_start3A_1026] : memref<32x64xi32, #tpu.memory_space<vmem>> -> memref<1x64xi32, #tpu.memory_space<vmem>>
      %dma_start3A_1028 = tpu.memref_squeeze %dma_start3A_1027 : memref<1x64xi32, #tpu.memory_space<vmem>> -> memref<64xi32, #tpu.memory_space<vmem>>
      %dma_start3A_1029 = arith.constant 0 : i32
      %dma_start3A_1030 = arith.constant 0 : i32
      %dma_start3A_1031 = tpu.memref_slice %arg2[%arg0, %dma_start3A_1029, %dma_start3A_1030] : memref<2x10112x128xbf16, #tpu.memory_space<hbm>> -> memref<1x10112x128xbf16, #tpu.memory_space<hbm>>
      %dma_start3A_1032 = tpu.memref_squeeze %dma_start3A_1031 : memref<1x10112x128xbf16, #tpu.memory_space<hbm>> -> memref<10112x128xbf16, #tpu.memory_space<hbm>>
      %dma_start3A_1033 = arith.constant 0 : i32
      %dma_start3A_1034 = arith.constant 0 : i32
      %dma_start3A_1035 = tpu.memref_slice %dma_start3A_1032[%dma_start3A_1033, %dma_start3A_1034] : memref<10112x128xbf16, #tpu.memory_space<hbm>> -> memref<10112x128xbf16, #tpu.memory_space<hbm>>
      tpu.enqueue_indirect_dma source(%dma_start3A_1035 : memref<10112x128xbf16, #tpu.memory_space<hbm>>) target(%dma_start3A_1025 : memref<64x128xbf16, #tpu.memory_space<vmem>>) offsets(%dma_start3A_1028 : memref<64xi32, #tpu.memory_space<vmem>>) semaphore(%arg11 : memref<!tpu.dma_semaphore, #tpu.memory_space<semaphore_mem>>)
      %dma_wait3A_1036 = arith.constant 19 : i32
      %dma_wait3A_1037 = arith.constant 192 : i32
      %dma_wait3A_1038 = arith.constant 0 : i32
      %dma_wait3A_1039 = tpu.memref_slice %arg10[%dma_wait3A_1037, %dma_wait3A_1038] : memref<512x128xbf16, #tpu.memory_space<vmem>> -> memref<64x128xbf16, #tpu.memory_space<vmem>>
      %dma_wait3A_1040 = arith.constant 0 : i32
      %dma_wait3A_1041 = tpu.memref_slice %arg8[%dma_wait3A_1036, %dma_wait3A_1040] : memref<32x64xi32, #tpu.memory_space<vmem>> -> memref<1x64xi32, #tpu.memory_space<vmem>>
      %dma_wait3A_1042 = tpu.memref_squeeze %dma_wait3A_1041 : memref<1x64xi32, #tpu.memory_space<vmem>> -> memref<64xi32, #tpu.memory_space<vmem>>
      %dma_wait3A_1043 = arith.constant 0 : i32
      %dma_wait3A_1044 = arith.constant 0 : i32
      %dma_wait3A_1045 = tpu.memref_slice %arg2[%arg0, %dma_wait3A_1043, %dma_wait3A_1044] : memref<2x10112x128xbf16, #tpu.memory_space<hbm>> -> memref<1x10112x128xbf16, #tpu.memory_space<hbm>>
      %dma_wait3A_1046 = tpu.memref_squeeze %dma_wait3A_1045 : memref<1x10112x128xbf16, #tpu.memory_space<hbm>> -> memref<10112x128xbf16, #tpu.memory_space<hbm>>
      %dma_wait3A_1047 = arith.constant 0 : i32
      %dma_wait3A_1048 = arith.constant 0 : i32
      %dma_wait3A_1049 = tpu.memref_slice %dma_wait3A_1046[%dma_wait3A_1047, %dma_wait3A_1048] : memref<10112x128xbf16, #tpu.memory_space<hbm>> -> memref<10112x128xbf16, #tpu.memory_space<hbm>>
      tpu.wait_indirect_dma semaphore(%arg11 : memref<!tpu.dma_semaphore, #tpu.memory_space<semaphore_mem>>) src(%dma_wait3A_1049 : memref<10112x128xbf16, #tpu.memory_space<hbm>>) dst(%dma_wait3A_1039 : memref<64x128xbf16, #tpu.memory_space<vmem>>)
      %dma_start3A_1050 = arith.constant 19 : i32
      %dma_start3A_1051 = arith.constant 192 : i32
      %dma_start3A_1052 = arith.constant 0 : i32
      %dma_start3A_1053 = tpu.memref_slice %arg10[%dma_start3A_1051, %dma_start3A_1052] : memref<512x128xbf16, #tpu.memory_space<vmem>> -> memref<64x128xbf16, #tpu.memory_space<vmem>>
      %dma_start3A_1054 = arith.constant 0 : i32
      %dma_start3A_1055 = tpu.memref_slice %arg9[%dma_start3A_1050, %dma_start3A_1054] : memref<32x64xi32, #tpu.memory_space<vmem>> -> memref<1x64xi32, #tpu.memory_space<vmem>>
      %dma_start3A_1056 = tpu.memref_squeeze %dma_start3A_1055 : memref<1x64xi32, #tpu.memory_space<vmem>> -> memref<64xi32, #tpu.memory_space<vmem>>
      %dma_start3A_1057 = arith.constant 0 : i32
      %dma_start3A_1058 = arith.constant 0 : i32
      %dma_start3A_1059 = tpu.memref_slice %arg7[%dma_start3A_1057, %dma_start3A_1058] : memref<10112x128xbf16, #tpu.memory_space<vmem_shared>> -> memref<10112x128xbf16, #tpu.memory_space<vmem_shared>>
      tpu.enqueue_indirect_dma source(%dma_start3A_1053 : memref<64x128xbf16, #tpu.memory_space<vmem>>) target(%dma_start3A_1059 : memref<10112x128xbf16, #tpu.memory_space<vmem_shared>>) offsets(%dma_start3A_1056 : memref<64xi32, #tpu.memory_space<vmem>>) semaphore(%arg12 : memref<!tpu.dma_semaphore, #tpu.memory_space<semaphore_mem>>) {add = true}
      %dma_wait3A_1060 = arith.constant 19 : i32
      %dma_wait3A_1061 = arith.constant 192 : i32
      %dma_wait3A_1062 = arith.constant 0 : i32
      %dma_wait3A_1063 = tpu.memref_slice %arg10[%dma_wait3A_1061, %dma_wait3A_1062] : memref<512x128xbf16, #tpu.memory_space<vmem>> -> memref<64x128xbf16, #tpu.memory_space<vmem>>
      %dma_wait3A_1064 = arith.constant 0 : i32
      %dma_wait3A_1065 = tpu.memref_slice %arg9[%dma_wait3A_1060, %dma_wait3A_1064] : memref<32x64xi32, #tpu.memory_space<vmem>> -> memref<1x64xi32, #tpu.memory_space<vmem>>
      %dma_wait3A_1066 = tpu.memref_squeeze %dma_wait3A_1065 : memref<1x64xi32, #tpu.memory_space<vmem>> -> memref<64xi32, #tpu.memory_space<vmem>>
      %dma_wait3A_1067 = arith.constant 0 : i32
      %dma_wait3A_1068 = arith.constant 0 : i32
      %dma_wait3A_1069 = tpu.memref_slice %arg7[%dma_wait3A_1067, %dma_wait3A_1068] : memref<10112x128xbf16, #tpu.memory_space<vmem_shared>> -> memref<10112x128xbf16, #tpu.memory_space<vmem_shared>>
      tpu.wait_indirect_dma semaphore(%arg12 : memref<!tpu.dma_semaphore, #tpu.memory_space<semaphore_mem>>) src(%dma_wait3A_1063 : memref<64x128xbf16, #tpu.memory_space<vmem>>) dst(%dma_wait3A_1069 : memref<10112x128xbf16, #tpu.memory_space<vmem_shared>>)
      %dma_start3A_1070 = arith.constant 27 : i32
      %dma_start3A_1071 = arith.constant 192 : i32
      %dma_start3A_1072 = arith.constant 0 : i32
      %dma_start3A_1073 = tpu.memref_slice %arg10[%dma_start3A_1071, %dma_start3A_1072] : memref<512x128xbf16, #tpu.memory_space<vmem>> -> memref<64x128xbf16, #tpu.memory_space<vmem>>
      %dma_start3A_1074 = arith.constant 0 : i32
      %dma_start3A_1075 = tpu.memref_slice %arg8[%dma_start3A_1070, %dma_start3A_1074] : memref<32x64xi32, #tpu.memory_space<vmem>> -> memref<1x64xi32, #tpu.memory_space<vmem>>
      %dma_start3A_1076 = tpu.memref_squeeze %dma_start3A_1075 : memref<1x64xi32, #tpu.memory_space<vmem>> -> memref<64xi32, #tpu.memory_space<vmem>>
      %dma_start3A_1077 = arith.constant 0 : i32
      %dma_start3A_1078 = arith.constant 0 : i32
      %dma_start3A_1079 = tpu.memref_slice %arg2[%arg0, %dma_start3A_1077, %dma_start3A_1078] : memref<2x10112x128xbf16, #tpu.memory_space<hbm>> -> memref<1x10112x128xbf16, #tpu.memory_space<hbm>>
      %dma_start3A_1080 = tpu.memref_squeeze %dma_start3A_1079 : memref<1x10112x128xbf16, #tpu.memory_space<hbm>> -> memref<10112x128xbf16, #tpu.memory_space<hbm>>
      %dma_start3A_1081 = arith.constant 0 : i32
      %dma_start3A_1082 = arith.constant 0 : i32
      %dma_start3A_1083 = tpu.memref_slice %dma_start3A_1080[%dma_start3A_1081, %dma_start3A_1082] : memref<10112x128xbf16, #tpu.memory_space<hbm>> -> memref<10112x128xbf16, #tpu.memory_space<hbm>>
      tpu.enqueue_indirect_dma source(%dma_start3A_1083 : memref<10112x128xbf16, #tpu.memory_space<hbm>>) target(%dma_start3A_1073 : memref<64x128xbf16, #tpu.memory_space<vmem>>) offsets(%dma_start3A_1076 : memref<64xi32, #tpu.memory_space<vmem>>) semaphore(%arg11 : memref<!tpu.dma_semaphore, #tpu.memory_space<semaphore_mem>>)
      %dma_wait3A_1084 = arith.constant 20 : i32
      %dma_wait3A_1085 = arith.constant 256 : i32
      %dma_wait3A_1086 = arith.constant 0 : i32
      %dma_wait3A_1087 = tpu.memref_slice %arg10[%dma_wait3A_1085, %dma_wait3A_1086] : memref<512x128xbf16, #tpu.memory_space<vmem>> -> memref<64x128xbf16, #tpu.memory_space<vmem>>
      %dma_wait3A_1088 = arith.constant 0 : i32
      %dma_wait3A_1089 = tpu.memref_slice %arg8[%dma_wait3A_1084, %dma_wait3A_1088] : memref<32x64xi32, #tpu.memory_space<vmem>> -> memref<1x64xi32, #tpu.memory_space<vmem>>
      %dma_wait3A_1090 = tpu.memref_squeeze %dma_wait3A_1089 : memref<1x64xi32, #tpu.memory_space<vmem>> -> memref<64xi32, #tpu.memory_space<vmem>>
      %dma_wait3A_1091 = arith.constant 0 : i32
      %dma_wait3A_1092 = arith.constant 0 : i32
      %dma_wait3A_1093 = tpu.memref_slice %arg2[%arg0, %dma_wait3A_1091, %dma_wait3A_1092] : memref<2x10112x128xbf16, #tpu.memory_space<hbm>> -> memref<1x10112x128xbf16, #tpu.memory_space<hbm>>
      %dma_wait3A_1094 = tpu.memref_squeeze %dma_wait3A_1093 : memref<1x10112x128xbf16, #tpu.memory_space<hbm>> -> memref<10112x128xbf16, #tpu.memory_space<hbm>>
      %dma_wait3A_1095 = arith.constant 0 : i32
      %dma_wait3A_1096 = arith.constant 0 : i32
      %dma_wait3A_1097 = tpu.memref_slice %dma_wait3A_1094[%dma_wait3A_1095, %dma_wait3A_1096] : memref<10112x128xbf16, #tpu.memory_space<hbm>> -> memref<10112x128xbf16, #tpu.memory_space<hbm>>
      tpu.wait_indirect_dma semaphore(%arg11 : memref<!tpu.dma_semaphore, #tpu.memory_space<semaphore_mem>>) src(%dma_wait3A_1097 : memref<10112x128xbf16, #tpu.memory_space<hbm>>) dst(%dma_wait3A_1087 : memref<64x128xbf16, #tpu.memory_space<vmem>>)
      %dma_start3A_1098 = arith.constant 20 : i32
      %dma_start3A_1099 = arith.constant 256 : i32
      %dma_start3A_1100 = arith.constant 0 : i32
      %dma_start3A_1101 = tpu.memref_slice %arg10[%dma_start3A_1099, %dma_start3A_1100] : memref<512x128xbf16, #tpu.memory_space<vmem>> -> memref<64x128xbf16, #tpu.memory_space<vmem>>
      %dma_start3A_1102 = arith.constant 0 : i32
      %dma_start3A_1103 = tpu.memref_slice %arg9[%dma_start3A_1098, %dma_start3A_1102] : memref<32x64xi32, #tpu.memory_space<vmem>> -> memref<1x64xi32, #tpu.memory_space<vmem>>
      %dma_start3A_1104 = tpu.memref_squeeze %dma_start3A_1103 : memref<1x64xi32, #tpu.memory_space<vmem>> -> memref<64xi32, #tpu.memory_space<vmem>>
      %dma_start3A_1105 = arith.constant 0 : i32
      %dma_start3A_1106 = arith.constant 0 : i32
      %dma_start3A_1107 = tpu.memref_slice %arg7[%dma_start3A_1105, %dma_start3A_1106] : memref<10112x128xbf16, #tpu.memory_space<vmem_shared>> -> memref<10112x128xbf16, #tpu.memory_space<vmem_shared>>
      tpu.enqueue_indirect_dma source(%dma_start3A_1101 : memref<64x128xbf16, #tpu.memory_space<vmem>>) target(%dma_start3A_1107 : memref<10112x128xbf16, #tpu.memory_space<vmem_shared>>) offsets(%dma_start3A_1104 : memref<64xi32, #tpu.memory_space<vmem>>) semaphore(%arg12 : memref<!tpu.dma_semaphore, #tpu.memory_space<semaphore_mem>>) {add = true}
      %dma_wait3A_1108 = arith.constant 20 : i32
      %dma_wait3A_1109 = arith.constant 256 : i32
      %dma_wait3A_1110 = arith.constant 0 : i32
      %dma_wait3A_1111 = tpu.memref_slice %arg10[%dma_wait3A_1109, %dma_wait3A_1110] : memref<512x128xbf16, #tpu.memory_space<vmem>> -> memref<64x128xbf16, #tpu.memory_space<vmem>>
      %dma_wait3A_1112 = arith.constant 0 : i32
      %dma_wait3A_1113 = tpu.memref_slice %arg9[%dma_wait3A_1108, %dma_wait3A_1112] : memref<32x64xi32, #tpu.memory_space<vmem>> -> memref<1x64xi32, #tpu.memory_space<vmem>>
      %dma_wait3A_1114 = tpu.memref_squeeze %dma_wait3A_1113 : memref<1x64xi32, #tpu.memory_space<vmem>> -> memref<64xi32, #tpu.memory_space<vmem>>
      %dma_wait3A_1115 = arith.constant 0 : i32
      %dma_wait3A_1116 = arith.constant 0 : i32
      %dma_wait3A_1117 = tpu.memref_slice %arg7[%dma_wait3A_1115, %dma_wait3A_1116] : memref<10112x128xbf16, #tpu.memory_space<vmem_shared>> -> memref<10112x128xbf16, #tpu.memory_space<vmem_shared>>
      tpu.wait_indirect_dma semaphore(%arg12 : memref<!tpu.dma_semaphore, #tpu.memory_space<semaphore_mem>>) src(%dma_wait3A_1111 : memref<64x128xbf16, #tpu.memory_space<vmem>>) dst(%dma_wait3A_1117 : memref<10112x128xbf16, #tpu.memory_space<vmem_shared>>)
      %dma_start3A_1118 = arith.constant 28 : i32
      %dma_start3A_1119 = arith.constant 256 : i32
      %dma_start3A_1120 = arith.constant 0 : i32
      %dma_start3A_1121 = tpu.memref_slice %arg10[%dma_start3A_1119, %dma_start3A_1120] : memref<512x128xbf16, #tpu.memory_space<vmem>> -> memref<64x128xbf16, #tpu.memory_space<vmem>>
      %dma_start3A_1122 = arith.constant 0 : i32
      %dma_start3A_1123 = tpu.memref_slice %arg8[%dma_start3A_1118, %dma_start3A_1122] : memref<32x64xi32, #tpu.memory_space<vmem>> -> memref<1x64xi32, #tpu.memory_space<vmem>>
      %dma_start3A_1124 = tpu.memref_squeeze %dma_start3A_1123 : memref<1x64xi32, #tpu.memory_space<vmem>> -> memref<64xi32, #tpu.memory_space<vmem>>
      %dma_start3A_1125 = arith.constant 0 : i32
      %dma_start3A_1126 = arith.constant 0 : i32
      %dma_start3A_1127 = tpu.memref_slice %arg2[%arg0, %dma_start3A_1125, %dma_start3A_1126] : memref<2x10112x128xbf16, #tpu.memory_space<hbm>> -> memref<1x10112x128xbf16, #tpu.memory_space<hbm>>
      %dma_start3A_1128 = tpu.memref_squeeze %dma_start3A_1127 : memref<1x10112x128xbf16, #tpu.memory_space<hbm>> -> memref<10112x128xbf16, #tpu.memory_space<hbm>>
      %dma_start3A_1129 = arith.constant 0 : i32
      %dma_start3A_1130 = arith.constant 0 : i32
      %dma_start3A_1131 = tpu.memref_slice %dma_start3A_1128[%dma_start3A_1129, %dma_start3A_1130] : memref<10112x128xbf16, #tpu.memory_space<hbm>> -> memref<10112x128xbf16, #tpu.memory_space<hbm>>
      tpu.enqueue_indirect_dma source(%dma_start3A_1131 : memref<10112x128xbf16, #tpu.memory_space<hbm>>) target(%dma_start3A_1121 : memref<64x128xbf16, #tpu.memory_space<vmem>>) offsets(%dma_start3A_1124 : memref<64xi32, #tpu.memory_space<vmem>>) semaphore(%arg11 : memref<!tpu.dma_semaphore, #tpu.memory_space<semaphore_mem>>)
      %dma_wait3A_1132 = arith.constant 21 : i32
      %dma_wait3A_1133 = arith.constant 320 : i32
      %dma_wait3A_1134 = arith.constant 0 : i32
      %dma_wait3A_1135 = tpu.memref_slice %arg10[%dma_wait3A_1133, %dma_wait3A_1134] : memref<512x128xbf16, #tpu.memory_space<vmem>> -> memref<64x128xbf16, #tpu.memory_space<vmem>>
      %dma_wait3A_1136 = arith.constant 0 : i32
      %dma_wait3A_1137 = tpu.memref_slice %arg8[%dma_wait3A_1132, %dma_wait3A_1136] : memref<32x64xi32, #tpu.memory_space<vmem>> -> memref<1x64xi32, #tpu.memory_space<vmem>>
      %dma_wait3A_1138 = tpu.memref_squeeze %dma_wait3A_1137 : memref<1x64xi32, #tpu.memory_space<vmem>> -> memref<64xi32, #tpu.memory_space<vmem>>
      %dma_wait3A_1139 = arith.constant 0 : i32
      %dma_wait3A_1140 = arith.constant 0 : i32
      %dma_wait3A_1141 = tpu.memref_slice %arg2[%arg0, %dma_wait3A_1139, %dma_wait3A_1140] : memref<2x10112x128xbf16, #tpu.memory_space<hbm>> -> memref<1x10112x128xbf16, #tpu.memory_space<hbm>>
      %dma_wait3A_1142 = tpu.memref_squeeze %dma_wait3A_1141 : memref<1x10112x128xbf16, #tpu.memory_space<hbm>> -> memref<10112x128xbf16, #tpu.memory_space<hbm>>
      %dma_wait3A_1143 = arith.constant 0 : i32
      %dma_wait3A_1144 = arith.constant 0 : i32
      %dma_wait3A_1145 = tpu.memref_slice %dma_wait3A_1142[%dma_wait3A_1143, %dma_wait3A_1144] : memref<10112x128xbf16, #tpu.memory_space<hbm>> -> memref<10112x128xbf16, #tpu.memory_space<hbm>>
      tpu.wait_indirect_dma semaphore(%arg11 : memref<!tpu.dma_semaphore, #tpu.memory_space<semaphore_mem>>) src(%dma_wait3A_1145 : memref<10112x128xbf16, #tpu.memory_space<hbm>>) dst(%dma_wait3A_1135 : memref<64x128xbf16, #tpu.memory_space<vmem>>)
      %dma_start3A_1146 = arith.constant 21 : i32
      %dma_start3A_1147 = arith.constant 320 : i32
      %dma_start3A_1148 = arith.constant 0 : i32
      %dma_start3A_1149 = tpu.memref_slice %arg10[%dma_start3A_1147, %dma_start3A_1148] : memref<512x128xbf16, #tpu.memory_space<vmem>> -> memref<64x128xbf16, #tpu.memory_space<vmem>>
      %dma_start3A_1150 = arith.constant 0 : i32
      %dma_start3A_1151 = tpu.memref_slice %arg9[%dma_start3A_1146, %dma_start3A_1150] : memref<32x64xi32, #tpu.memory_space<vmem>> -> memref<1x64xi32, #tpu.memory_space<vmem>>
      %dma_start3A_1152 = tpu.memref_squeeze %dma_start3A_1151 : memref<1x64xi32, #tpu.memory_space<vmem>> -> memref<64xi32, #tpu.memory_space<vmem>>
      %dma_start3A_1153 = arith.constant 0 : i32
      %dma_start3A_1154 = arith.constant 0 : i32
      %dma_start3A_1155 = tpu.memref_slice %arg7[%dma_start3A_1153, %dma_start3A_1154] : memref<10112x128xbf16, #tpu.memory_space<vmem_shared>> -> memref<10112x128xbf16, #tpu.memory_space<vmem_shared>>
      tpu.enqueue_indirect_dma source(%dma_start3A_1149 : memref<64x128xbf16, #tpu.memory_space<vmem>>) target(%dma_start3A_1155 : memref<10112x128xbf16, #tpu.memory_space<vmem_shared>>) offsets(%dma_start3A_1152 : memref<64xi32, #tpu.memory_space<vmem>>) semaphore(%arg12 : memref<!tpu.dma_semaphore, #tpu.memory_space<semaphore_mem>>) {add = true}
      %dma_wait3A_1156 = arith.constant 21 : i32
      %dma_wait3A_1157 = arith.constant 320 : i32
      %dma_wait3A_1158 = arith.constant 0 : i32
      %dma_wait3A_1159 = tpu.memref_slice %arg10[%dma_wait3A_1157, %dma_wait3A_1158] : memref<512x128xbf16, #tpu.memory_space<vmem>> -> memref<64x128xbf16, #tpu.memory_space<vmem>>
      %dma_wait3A_1160 = arith.constant 0 : i32
      %dma_wait3A_1161 = tpu.memref_slice %arg9[%dma_wait3A_1156, %dma_wait3A_1160] : memref<32x64xi32, #tpu.memory_space<vmem>> -> memref<1x64xi32, #tpu.memory_space<vmem>>
      %dma_wait3A_1162 = tpu.memref_squeeze %dma_wait3A_1161 : memref<1x64xi32, #tpu.memory_space<vmem>> -> memref<64xi32, #tpu.memory_space<vmem>>
      %dma_wait3A_1163 = arith.constant 0 : i32
      %dma_wait3A_1164 = arith.constant 0 : i32
      %dma_wait3A_1165 = tpu.memref_slice %arg7[%dma_wait3A_1163, %dma_wait3A_1164] : memref<10112x128xbf16, #tpu.memory_space<vmem_shared>> -> memref<10112x128xbf16, #tpu.memory_space<vmem_shared>>
      tpu.wait_indirect_dma semaphore(%arg12 : memref<!tpu.dma_semaphore, #tpu.memory_space<semaphore_mem>>) src(%dma_wait3A_1159 : memref<64x128xbf16, #tpu.memory_space<vmem>>) dst(%dma_wait3A_1165 : memref<10112x128xbf16, #tpu.memory_space<vmem_shared>>)
      %dma_start3A_1166 = arith.constant 29 : i32
      %dma_start3A_1167 = arith.constant 320 : i32
      %dma_start3A_1168 = arith.constant 0 : i32
      %dma_start3A_1169 = tpu.memref_slice %arg10[%dma_start3A_1167, %dma_start3A_1168] : memref<512x128xbf16, #tpu.memory_space<vmem>> -> memref<64x128xbf16, #tpu.memory_space<vmem>>
      %dma_start3A_1170 = arith.constant 0 : i32
      %dma_start3A_1171 = tpu.memref_slice %arg8[%dma_start3A_1166, %dma_start3A_1170] : memref<32x64xi32, #tpu.memory_space<vmem>> -> memref<1x64xi32, #tpu.memory_space<vmem>>
      %dma_start3A_1172 = tpu.memref_squeeze %dma_start3A_1171 : memref<1x64xi32, #tpu.memory_space<vmem>> -> memref<64xi32, #tpu.memory_space<vmem>>
      %dma_start3A_1173 = arith.constant 0 : i32
      %dma_start3A_1174 = arith.constant 0 : i32
      %dma_start3A_1175 = tpu.memref_slice %arg2[%arg0, %dma_start3A_1173, %dma_start3A_1174] : memref<2x10112x128xbf16, #tpu.memory_space<hbm>> -> memref<1x10112x128xbf16, #tpu.memory_space<hbm>>
      %dma_start3A_1176 = tpu.memref_squeeze %dma_start3A_1175 : memref<1x10112x128xbf16, #tpu.memory_space<hbm>> -> memref<10112x128xbf16, #tpu.memory_space<hbm>>
      %dma_start3A_1177 = arith.constant 0 : i32
      %dma_start3A_1178 = arith.constant 0 : i32
      %dma_start3A_1179 = tpu.memref_slice %dma_start3A_1176[%dma_start3A_1177, %dma_start3A_1178] : memref<10112x128xbf16, #tpu.memory_space<hbm>> -> memref<10112x128xbf16, #tpu.memory_space<hbm>>
      tpu.enqueue_indirect_dma source(%dma_start3A_1179 : memref<10112x128xbf16, #tpu.memory_space<hbm>>) target(%dma_start3A_1169 : memref<64x128xbf16, #tpu.memory_space<vmem>>) offsets(%dma_start3A_1172 : memref<64xi32, #tpu.memory_space<vmem>>) semaphore(%arg11 : memref<!tpu.dma_semaphore, #tpu.memory_space<semaphore_mem>>)
      %dma_wait3A_1180 = arith.constant 22 : i32
      %dma_wait3A_1181 = arith.constant 384 : i32
      %dma_wait3A_1182 = arith.constant 0 : i32
      %dma_wait3A_1183 = tpu.memref_slice %arg10[%dma_wait3A_1181, %dma_wait3A_1182] : memref<512x128xbf16, #tpu.memory_space<vmem>> -> memref<64x128xbf16, #tpu.memory_space<vmem>>
      %dma_wait3A_1184 = arith.constant 0 : i32
      %dma_wait3A_1185 = tpu.memref_slice %arg8[%dma_wait3A_1180, %dma_wait3A_1184] : memref<32x64xi32, #tpu.memory_space<vmem>> -> memref<1x64xi32, #tpu.memory_space<vmem>>
      %dma_wait3A_1186 = tpu.memref_squeeze %dma_wait3A_1185 : memref<1x64xi32, #tpu.memory_space<vmem>> -> memref<64xi32, #tpu.memory_space<vmem>>
      %dma_wait3A_1187 = arith.constant 0 : i32
      %dma_wait3A_1188 = arith.constant 0 : i32
      %dma_wait3A_1189 = tpu.memref_slice %arg2[%arg0, %dma_wait3A_1187, %dma_wait3A_1188] : memref<2x10112x128xbf16, #tpu.memory_space<hbm>> -> memref<1x10112x128xbf16, #tpu.memory_space<hbm>>
      %dma_wait3A_1190 = tpu.memref_squeeze %dma_wait3A_1189 : memref<1x10112x128xbf16, #tpu.memory_space<hbm>> -> memref<10112x128xbf16, #tpu.memory_space<hbm>>
      %dma_wait3A_1191 = arith.constant 0 : i32
      %dma_wait3A_1192 = arith.constant 0 : i32
      %dma_wait3A_1193 = tpu.memref_slice %dma_wait3A_1190[%dma_wait3A_1191, %dma_wait3A_1192] : memref<10112x128xbf16, #tpu.memory_space<hbm>> -> memref<10112x128xbf16, #tpu.memory_space<hbm>>
      tpu.wait_indirect_dma semaphore(%arg11 : memref<!tpu.dma_semaphore, #tpu.memory_space<semaphore_mem>>) src(%dma_wait3A_1193 : memref<10112x128xbf16, #tpu.memory_space<hbm>>) dst(%dma_wait3A_1183 : memref<64x128xbf16, #tpu.memory_space<vmem>>)
      %dma_start3A_1194 = arith.constant 22 : i32
      %dma_start3A_1195 = arith.constant 384 : i32
      %dma_start3A_1196 = arith.constant 0 : i32
      %dma_start3A_1197 = tpu.memref_slice %arg10[%dma_start3A_1195, %dma_start3A_1196] : memref<512x128xbf16, #tpu.memory_space<vmem>> -> memref<64x128xbf16, #tpu.memory_space<vmem>>
      %dma_start3A_1198 = arith.constant 0 : i32
      %dma_start3A_1199 = tpu.memref_slice %arg9[%dma_start3A_1194, %dma_start3A_1198] : memref<32x64xi32, #tpu.memory_space<vmem>> -> memref<1x64xi32, #tpu.memory_space<vmem>>
      %dma_start3A_1200 = tpu.memref_squeeze %dma_start3A_1199 : memref<1x64xi32, #tpu.memory_space<vmem>> -> memref<64xi32, #tpu.memory_space<vmem>>
      %dma_start3A_1201 = arith.constant 0 : i32
      %dma_start3A_1202 = arith.constant 0 : i32
      %dma_start3A_1203 = tpu.memref_slice %arg7[%dma_start3A_1201, %dma_start3A_1202] : memref<10112x128xbf16, #tpu.memory_space<vmem_shared>> -> memref<10112x128xbf16, #tpu.memory_space<vmem_shared>>
      tpu.enqueue_indirect_dma source(%dma_start3A_1197 : memref<64x128xbf16, #tpu.memory_space<vmem>>) target(%dma_start3A_1203 : memref<10112x128xbf16, #tpu.memory_space<vmem_shared>>) offsets(%dma_start3A_1200 : memref<64xi32, #tpu.memory_space<vmem>>) semaphore(%arg12 : memref<!tpu.dma_semaphore, #tpu.memory_space<semaphore_mem>>) {add = true}
      %dma_wait3A_1204 = arith.constant 22 : i32
      %dma_wait3A_1205 = arith.constant 384 : i32
      %dma_wait3A_1206 = arith.constant 0 : i32
      %dma_wait3A_1207 = tpu.memref_slice %arg10[%dma_wait3A_1205, %dma_wait3A_1206] : memref<512x128xbf16, #tpu.memory_space<vmem>> -> memref<64x128xbf16, #tpu.memory_space<vmem>>
      %dma_wait3A_1208 = arith.constant 0 : i32
      %dma_wait3A_1209 = tpu.memref_slice %arg9[%dma_wait3A_1204, %dma_wait3A_1208] : memref<32x64xi32, #tpu.memory_space<vmem>> -> memref<1x64xi32, #tpu.memory_space<vmem>>
      %dma_wait3A_1210 = tpu.memref_squeeze %dma_wait3A_1209 : memref<1x64xi32, #tpu.memory_space<vmem>> -> memref<64xi32, #tpu.memory_space<vmem>>
      %dma_wait3A_1211 = arith.constant 0 : i32
      %dma_wait3A_1212 = arith.constant 0 : i32
      %dma_wait3A_1213 = tpu.memref_slice %arg7[%dma_wait3A_1211, %dma_wait3A_1212] : memref<10112x128xbf16, #tpu.memory_space<vmem_shared>> -> memref<10112x128xbf16, #tpu.memory_space<vmem_shared>>
      tpu.wait_indirect_dma semaphore(%arg12 : memref<!tpu.dma_semaphore, #tpu.memory_space<semaphore_mem>>) src(%dma_wait3A_1207 : memref<64x128xbf16, #tpu.memory_space<vmem>>) dst(%dma_wait3A_1213 : memref<10112x128xbf16, #tpu.memory_space<vmem_shared>>)
      %dma_start3A_1214 = arith.constant 30 : i32
      %dma_start3A_1215 = arith.constant 384 : i32
      %dma_start3A_1216 = arith.constant 0 : i32
      %dma_start3A_1217 = tpu.memref_slice %arg10[%dma_start3A_1215, %dma_start3A_1216] : memref<512x128xbf16, #tpu.memory_space<vmem>> -> memref<64x128xbf16, #tpu.memory_space<vmem>>
      %dma_start3A_1218 = arith.constant 0 : i32
      %dma_start3A_1219 = tpu.memref_slice %arg8[%dma_start3A_1214, %dma_start3A_1218] : memref<32x64xi32, #tpu.memory_space<vmem>> -> memref<1x64xi32, #tpu.memory_space<vmem>>
      %dma_start3A_1220 = tpu.memref_squeeze %dma_start3A_1219 : memref<1x64xi32, #tpu.memory_space<vmem>> -> memref<64xi32, #tpu.memory_space<vmem>>
      %dma_start3A_1221 = arith.constant 0 : i32
      %dma_start3A_1222 = arith.constant 0 : i32
      %dma_start3A_1223 = tpu.memref_slice %arg2[%arg0, %dma_start3A_1221, %dma_start3A_1222] : memref<2x10112x128xbf16, #tpu.memory_space<hbm>> -> memref<1x10112x128xbf16, #tpu.memory_space<hbm>>
      %dma_start3A_1224 = tpu.memref_squeeze %dma_start3A_1223 : memref<1x10112x128xbf16, #tpu.memory_space<hbm>> -> memref<10112x128xbf16, #tpu.memory_space<hbm>>
      %dma_start3A_1225 = arith.constant 0 : i32
      %dma_start3A_1226 = arith.constant 0 : i32
      %dma_start3A_1227 = tpu.memref_slice %dma_start3A_1224[%dma_start3A_1225, %dma_start3A_1226] : memref<10112x128xbf16, #tpu.memory_space<hbm>> -> memref<10112x128xbf16, #tpu.memory_space<hbm>>
      tpu.enqueue_indirect_dma source(%dma_start3A_1227 : memref<10112x128xbf16, #tpu.memory_space<hbm>>) target(%dma_start3A_1217 : memref<64x128xbf16, #tpu.memory_space<vmem>>) offsets(%dma_start3A_1220 : memref<64xi32, #tpu.memory_space<vmem>>) semaphore(%arg11 : memref<!tpu.dma_semaphore, #tpu.memory_space<semaphore_mem>>)
      %dma_wait3A_1228 = arith.constant 23 : i32
      %dma_wait3A_1229 = arith.constant 448 : i32
      %dma_wait3A_1230 = arith.constant 0 : i32
      %dma_wait3A_1231 = tpu.memref_slice %arg10[%dma_wait3A_1229, %dma_wait3A_1230] : memref<512x128xbf16, #tpu.memory_space<vmem>> -> memref<64x128xbf16, #tpu.memory_space<vmem>>
      %dma_wait3A_1232 = arith.constant 0 : i32
      %dma_wait3A_1233 = tpu.memref_slice %arg8[%dma_wait3A_1228, %dma_wait3A_1232] : memref<32x64xi32, #tpu.memory_space<vmem>> -> memref<1x64xi32, #tpu.memory_space<vmem>>
      %dma_wait3A_1234 = tpu.memref_squeeze %dma_wait3A_1233 : memref<1x64xi32, #tpu.memory_space<vmem>> -> memref<64xi32, #tpu.memory_space<vmem>>
      %dma_wait3A_1235 = arith.constant 0 : i32
      %dma_wait3A_1236 = arith.constant 0 : i32
      %dma_wait3A_1237 = tpu.memref_slice %arg2[%arg0, %dma_wait3A_1235, %dma_wait3A_1236] : memref<2x10112x128xbf16, #tpu.memory_space<hbm>> -> memref<1x10112x128xbf16, #tpu.memory_space<hbm>>
      %dma_wait3A_1238 = tpu.memref_squeeze %dma_wait3A_1237 : memref<1x10112x128xbf16, #tpu.memory_space<hbm>> -> memref<10112x128xbf16, #tpu.memory_space<hbm>>
      %dma_wait3A_1239 = arith.constant 0 : i32
      %dma_wait3A_1240 = arith.constant 0 : i32
      %dma_wait3A_1241 = tpu.memref_slice %dma_wait3A_1238[%dma_wait3A_1239, %dma_wait3A_1240] : memref<10112x128xbf16, #tpu.memory_space<hbm>> -> memref<10112x128xbf16, #tpu.memory_space<hbm>>
      tpu.wait_indirect_dma semaphore(%arg11 : memref<!tpu.dma_semaphore, #tpu.memory_space<semaphore_mem>>) src(%dma_wait3A_1241 : memref<10112x128xbf16, #tpu.memory_space<hbm>>) dst(%dma_wait3A_1231 : memref<64x128xbf16, #tpu.memory_space<vmem>>)
      %dma_start3A_1242 = arith.constant 23 : i32
      %dma_start3A_1243 = arith.constant 448 : i32
      %dma_start3A_1244 = arith.constant 0 : i32
      %dma_start3A_1245 = tpu.memref_slice %arg10[%dma_start3A_1243, %dma_start3A_1244] : memref<512x128xbf16, #tpu.memory_space<vmem>> -> memref<64x128xbf16, #tpu.memory_space<vmem>>
      %dma_start3A_1246 = arith.constant 0 : i32
      %dma_start3A_1247 = tpu.memref_slice %arg9[%dma_start3A_1242, %dma_start3A_1246] : memref<32x64xi32, #tpu.memory_space<vmem>> -> memref<1x64xi32, #tpu.memory_space<vmem>>
      %dma_start3A_1248 = tpu.memref_squeeze %dma_start3A_1247 : memref<1x64xi32, #tpu.memory_space<vmem>> -> memref<64xi32, #tpu.memory_space<vmem>>
      %dma_start3A_1249 = arith.constant 0 : i32
      %dma_start3A_1250 = arith.constant 0 : i32
      %dma_start3A_1251 = tpu.memref_slice %arg7[%dma_start3A_1249, %dma_start3A_1250] : memref<10112x128xbf16, #tpu.memory_space<vmem_shared>> -> memref<10112x128xbf16, #tpu.memory_space<vmem_shared>>
      tpu.enqueue_indirect_dma source(%dma_start3A_1245 : memref<64x128xbf16, #tpu.memory_space<vmem>>) target(%dma_start3A_1251 : memref<10112x128xbf16, #tpu.memory_space<vmem_shared>>) offsets(%dma_start3A_1248 : memref<64xi32, #tpu.memory_space<vmem>>) semaphore(%arg12 : memref<!tpu.dma_semaphore, #tpu.memory_space<semaphore_mem>>) {add = true}
      %dma_wait3A_1252 = arith.constant 23 : i32
      %dma_wait3A_1253 = arith.constant 448 : i32
      %dma_wait3A_1254 = arith.constant 0 : i32
      %dma_wait3A_1255 = tpu.memref_slice %arg10[%dma_wait3A_1253, %dma_wait3A_1254] : memref<512x128xbf16, #tpu.memory_space<vmem>> -> memref<64x128xbf16, #tpu.memory_space<vmem>>
      %dma_wait3A_1256 = arith.constant 0 : i32
      %dma_wait3A_1257 = tpu.memref_slice %arg9[%dma_wait3A_1252, %dma_wait3A_1256] : memref<32x64xi32, #tpu.memory_space<vmem>> -> memref<1x64xi32, #tpu.memory_space<vmem>>
      %dma_wait3A_1258 = tpu.memref_squeeze %dma_wait3A_1257 : memref<1x64xi32, #tpu.memory_space<vmem>> -> memref<64xi32, #tpu.memory_space<vmem>>
      %dma_wait3A_1259 = arith.constant 0 : i32
      %dma_wait3A_1260 = arith.constant 0 : i32
      %dma_wait3A_1261 = tpu.memref_slice %arg7[%dma_wait3A_1259, %dma_wait3A_1260] : memref<10112x128xbf16, #tpu.memory_space<vmem_shared>> -> memref<10112x128xbf16, #tpu.memory_space<vmem_shared>>
      tpu.wait_indirect_dma semaphore(%arg12 : memref<!tpu.dma_semaphore, #tpu.memory_space<semaphore_mem>>) src(%dma_wait3A_1255 : memref<64x128xbf16, #tpu.memory_space<vmem>>) dst(%dma_wait3A_1261 : memref<10112x128xbf16, #tpu.memory_space<vmem_shared>>)
      %dma_start3A_1262 = arith.constant 31 : i32
      %dma_start3A_1263 = arith.constant 448 : i32
      %dma_start3A_1264 = arith.constant 0 : i32
      %dma_start3A_1265 = tpu.memref_slice %arg10[%dma_start3A_1263, %dma_start3A_1264] : memref<512x128xbf16, #tpu.memory_space<vmem>> -> memref<64x128xbf16, #tpu.memory_space<vmem>>
      %dma_start3A_1266 = arith.constant 0 : i32
      %dma_start3A_1267 = tpu.memref_slice %arg8[%dma_start3A_1262, %dma_start3A_1266] : memref<32x64xi32, #tpu.memory_space<vmem>> -> memref<1x64xi32, #tpu.memory_space<vmem>>
      %dma_start3A_1268 = tpu.memref_squeeze %dma_start3A_1267 : memref<1x64xi32, #tpu.memory_space<vmem>> -> memref<64xi32, #tpu.memory_space<vmem>>
      %dma_start3A_1269 = arith.constant 0 : i32
      %dma_start3A_1270 = arith.constant 0 : i32
      %dma_start3A_1271 = tpu.memref_slice %arg2[%arg0, %dma_start3A_1269, %dma_start3A_1270] : memref<2x10112x128xbf16, #tpu.memory_space<hbm>> -> memref<1x10112x128xbf16, #tpu.memory_space<hbm>>
      %dma_start3A_1272 = tpu.memref_squeeze %dma_start3A_1271 : memref<1x10112x128xbf16, #tpu.memory_space<hbm>> -> memref<10112x128xbf16, #tpu.memory_space<hbm>>
      %dma_start3A_1273 = arith.constant 0 : i32
      %dma_start3A_1274 = arith.constant 0 : i32
      %dma_start3A_1275 = tpu.memref_slice %dma_start3A_1272[%dma_start3A_1273, %dma_start3A_1274] : memref<10112x128xbf16, #tpu.memory_space<hbm>> -> memref<10112x128xbf16, #tpu.memory_space<hbm>>
      tpu.enqueue_indirect_dma source(%dma_start3A_1275 : memref<10112x128xbf16, #tpu.memory_space<hbm>>) target(%dma_start3A_1265 : memref<64x128xbf16, #tpu.memory_space<vmem>>) offsets(%dma_start3A_1268 : memref<64xi32, #tpu.memory_space<vmem>>) semaphore(%arg11 : memref<!tpu.dma_semaphore, #tpu.memory_space<semaphore_mem>>)
      %dma_wait3A_1276 = arith.constant 24 : i32
      %dma_wait3A_1277 = arith.constant 0 : i32
      %dma_wait3A_1278 = arith.constant 0 : i32
      %dma_wait3A_1279 = tpu.memref_slice %arg10[%dma_wait3A_1277, %dma_wait3A_1278] : memref<512x128xbf16, #tpu.memory_space<vmem>> -> memref<64x128xbf16, #tpu.memory_space<vmem>>
      %dma_wait3A_1280 = arith.constant 0 : i32
      %dma_wait3A_1281 = tpu.memref_slice %arg8[%dma_wait3A_1276, %dma_wait3A_1280] : memref<32x64xi32, #tpu.memory_space<vmem>> -> memref<1x64xi32, #tpu.memory_space<vmem>>
      %dma_wait3A_1282 = tpu.memref_squeeze %dma_wait3A_1281 : memref<1x64xi32, #tpu.memory_space<vmem>> -> memref<64xi32, #tpu.memory_space<vmem>>
      %dma_wait3A_1283 = arith.constant 0 : i32
      %dma_wait3A_1284 = arith.constant 0 : i32
      %dma_wait3A_1285 = tpu.memref_slice %arg2[%arg0, %dma_wait3A_1283, %dma_wait3A_1284] : memref<2x10112x128xbf16, #tpu.memory_space<hbm>> -> memref<1x10112x128xbf16, #tpu.memory_space<hbm>>
      %dma_wait3A_1286 = tpu.memref_squeeze %dma_wait3A_1285 : memref<1x10112x128xbf16, #tpu.memory_space<hbm>> -> memref<10112x128xbf16, #tpu.memory_space<hbm>>
      %dma_wait3A_1287 = arith.constant 0 : i32
      %dma_wait3A_1288 = arith.constant 0 : i32
      %dma_wait3A_1289 = tpu.memref_slice %dma_wait3A_1286[%dma_wait3A_1287, %dma_wait3A_1288] : memref<10112x128xbf16, #tpu.memory_space<hbm>> -> memref<10112x128xbf16, #tpu.memory_space<hbm>>
      tpu.wait_indirect_dma semaphore(%arg11 : memref<!tpu.dma_semaphore, #tpu.memory_space<semaphore_mem>>) src(%dma_wait3A_1289 : memref<10112x128xbf16, #tpu.memory_space<hbm>>) dst(%dma_wait3A_1279 : memref<64x128xbf16, #tpu.memory_space<vmem>>)
      %dma_start3A_1290 = arith.constant 24 : i32
      %dma_start3A_1291 = arith.constant 0 : i32
      %dma_start3A_1292 = arith.constant 0 : i32
      %dma_start3A_1293 = tpu.memref_slice %arg10[%dma_start3A_1291, %dma_start3A_1292] : memref<512x128xbf16, #tpu.memory_space<vmem>> -> memref<64x128xbf16, #tpu.memory_space<vmem>>
      %dma_start3A_1294 = arith.constant 0 : i32
      %dma_start3A_1295 = tpu.memref_slice %arg9[%dma_start3A_1290, %dma_start3A_1294] : memref<32x64xi32, #tpu.memory_space<vmem>> -> memref<1x64xi32, #tpu.memory_space<vmem>>
      %dma_start3A_1296 = tpu.memref_squeeze %dma_start3A_1295 : memref<1x64xi32, #tpu.memory_space<vmem>> -> memref<64xi32, #tpu.memory_space<vmem>>
      %dma_start3A_1297 = arith.constant 0 : i32
      %dma_start3A_1298 = arith.constant 0 : i32
      %dma_start3A_1299 = tpu.memref_slice %arg7[%dma_start3A_1297, %dma_start3A_1298] : memref<10112x128xbf16, #tpu.memory_space<vmem_shared>> -> memref<10112x128xbf16, #tpu.memory_space<vmem_shared>>
      tpu.enqueue_indirect_dma source(%dma_start3A_1293 : memref<64x128xbf16, #tpu.memory_space<vmem>>) target(%dma_start3A_1299 : memref<10112x128xbf16, #tpu.memory_space<vmem_shared>>) offsets(%dma_start3A_1296 : memref<64xi32, #tpu.memory_space<vmem>>) semaphore(%arg12 : memref<!tpu.dma_semaphore, #tpu.memory_space<semaphore_mem>>) {add = true}
      %dma_wait3A_1300 = arith.constant 25 : i32
      %dma_wait3A_1301 = arith.constant 64 : i32
      %dma_wait3A_1302 = arith.constant 0 : i32
      %dma_wait3A_1303 = tpu.memref_slice %arg10[%dma_wait3A_1301, %dma_wait3A_1302] : memref<512x128xbf16, #tpu.memory_space<vmem>> -> memref<64x128xbf16, #tpu.memory_space<vmem>>
      %dma_wait3A_1304 = arith.constant 0 : i32
      %dma_wait3A_1305 = tpu.memref_slice %arg8[%dma_wait3A_1300, %dma_wait3A_1304] : memref<32x64xi32, #tpu.memory_space<vmem>> -> memref<1x64xi32, #tpu.memory_space<vmem>>
      %dma_wait3A_1306 = tpu.memref_squeeze %dma_wait3A_1305 : memref<1x64xi32, #tpu.memory_space<vmem>> -> memref<64xi32, #tpu.memory_space<vmem>>
      %dma_wait3A_1307 = arith.constant 0 : i32
      %dma_wait3A_1308 = arith.constant 0 : i32
      %dma_wait3A_1309 = tpu.memref_slice %arg2[%arg0, %dma_wait3A_1307, %dma_wait3A_1308] : memref<2x10112x128xbf16, #tpu.memory_space<hbm>> -> memref<1x10112x128xbf16, #tpu.memory_space<hbm>>
      %dma_wait3A_1310 = tpu.memref_squeeze %dma_wait3A_1309 : memref<1x10112x128xbf16, #tpu.memory_space<hbm>> -> memref<10112x128xbf16, #tpu.memory_space<hbm>>
      %dma_wait3A_1311 = arith.constant 0 : i32
      %dma_wait3A_1312 = arith.constant 0 : i32
      %dma_wait3A_1313 = tpu.memref_slice %dma_wait3A_1310[%dma_wait3A_1311, %dma_wait3A_1312] : memref<10112x128xbf16, #tpu.memory_space<hbm>> -> memref<10112x128xbf16, #tpu.memory_space<hbm>>
      tpu.wait_indirect_dma semaphore(%arg11 : memref<!tpu.dma_semaphore, #tpu.memory_space<semaphore_mem>>) src(%dma_wait3A_1313 : memref<10112x128xbf16, #tpu.memory_space<hbm>>) dst(%dma_wait3A_1303 : memref<64x128xbf16, #tpu.memory_space<vmem>>)
      %dma_start3A_1314 = arith.constant 25 : i32
      %dma_start3A_1315 = arith.constant 64 : i32
      %dma_start3A_1316 = arith.constant 0 : i32
      %dma_start3A_1317 = tpu.memref_slice %arg10[%dma_start3A_1315, %dma_start3A_1316] : memref<512x128xbf16, #tpu.memory_space<vmem>> -> memref<64x128xbf16, #tpu.memory_space<vmem>>
      %dma_start3A_1318 = arith.constant 0 : i32
      %dma_start3A_1319 = tpu.memref_slice %arg9[%dma_start3A_1314, %dma_start3A_1318] : memref<32x64xi32, #tpu.memory_space<vmem>> -> memref<1x64xi32, #tpu.memory_space<vmem>>
      %dma_start3A_1320 = tpu.memref_squeeze %dma_start3A_1319 : memref<1x64xi32, #tpu.memory_space<vmem>> -> memref<64xi32, #tpu.memory_space<vmem>>
      %dma_start3A_1321 = arith.constant 0 : i32
      %dma_start3A_1322 = arith.constant 0 : i32
      %dma_start3A_1323 = tpu.memref_slice %arg7[%dma_start3A_1321, %dma_start3A_1322] : memref<10112x128xbf16, #tpu.memory_space<vmem_shared>> -> memref<10112x128xbf16, #tpu.memory_space<vmem_shared>>
      tpu.enqueue_indirect_dma source(%dma_start3A_1317 : memref<64x128xbf16, #tpu.memory_space<vmem>>) target(%dma_start3A_1323 : memref<10112x128xbf16, #tpu.memory_space<vmem_shared>>) offsets(%dma_start3A_1320 : memref<64xi32, #tpu.memory_space<vmem>>) semaphore(%arg12 : memref<!tpu.dma_semaphore, #tpu.memory_space<semaphore_mem>>) {add = true}
      %dma_wait3A_1324 = arith.constant 26 : i32
      %dma_wait3A_1325 = arith.constant 128 : i32
      %dma_wait3A_1326 = arith.constant 0 : i32
      %dma_wait3A_1327 = tpu.memref_slice %arg10[%dma_wait3A_1325, %dma_wait3A_1326] : memref<512x128xbf16, #tpu.memory_space<vmem>> -> memref<64x128xbf16, #tpu.memory_space<vmem>>
      %dma_wait3A_1328 = arith.constant 0 : i32
      %dma_wait3A_1329 = tpu.memref_slice %arg8[%dma_wait3A_1324, %dma_wait3A_1328] : memref<32x64xi32, #tpu.memory_space<vmem>> -> memref<1x64xi32, #tpu.memory_space<vmem>>
      %dma_wait3A_1330 = tpu.memref_squeeze %dma_wait3A_1329 : memref<1x64xi32, #tpu.memory_space<vmem>> -> memref<64xi32, #tpu.memory_space<vmem>>
      %dma_wait3A_1331 = arith.constant 0 : i32
      %dma_wait3A_1332 = arith.constant 0 : i32
      %dma_wait3A_1333 = tpu.memref_slice %arg2[%arg0, %dma_wait3A_1331, %dma_wait3A_1332] : memref<2x10112x128xbf16, #tpu.memory_space<hbm>> -> memref<1x10112x128xbf16, #tpu.memory_space<hbm>>
      %dma_wait3A_1334 = tpu.memref_squeeze %dma_wait3A_1333 : memref<1x10112x128xbf16, #tpu.memory_space<hbm>> -> memref<10112x128xbf16, #tpu.memory_space<hbm>>
      %dma_wait3A_1335 = arith.constant 0 : i32
      %dma_wait3A_1336 = arith.constant 0 : i32
      %dma_wait3A_1337 = tpu.memref_slice %dma_wait3A_1334[%dma_wait3A_1335, %dma_wait3A_1336] : memref<10112x128xbf16, #tpu.memory_space<hbm>> -> memref<10112x128xbf16, #tpu.memory_space<hbm>>
      tpu.wait_indirect_dma semaphore(%arg11 : memref<!tpu.dma_semaphore, #tpu.memory_space<semaphore_mem>>) src(%dma_wait3A_1337 : memref<10112x128xbf16, #tpu.memory_space<hbm>>) dst(%dma_wait3A_1327 : memref<64x128xbf16, #tpu.memory_space<vmem>>)
      %dma_start3A_1338 = arith.constant 26 : i32
      %dma_start3A_1339 = arith.constant 128 : i32
      %dma_start3A_1340 = arith.constant 0 : i32
      %dma_start3A_1341 = tpu.memref_slice %arg10[%dma_start3A_1339, %dma_start3A_1340] : memref<512x128xbf16, #tpu.memory_space<vmem>> -> memref<64x128xbf16, #tpu.memory_space<vmem>>
      %dma_start3A_1342 = arith.constant 0 : i32
      %dma_start3A_1343 = tpu.memref_slice %arg9[%dma_start3A_1338, %dma_start3A_1342] : memref<32x64xi32, #tpu.memory_space<vmem>> -> memref<1x64xi32, #tpu.memory_space<vmem>>
      %dma_start3A_1344 = tpu.memref_squeeze %dma_start3A_1343 : memref<1x64xi32, #tpu.memory_space<vmem>> -> memref<64xi32, #tpu.memory_space<vmem>>
      %dma_start3A_1345 = arith.constant 0 : i32
      %dma_start3A_1346 = arith.constant 0 : i32
      %dma_start3A_1347 = tpu.memref_slice %arg7[%dma_start3A_1345, %dma_start3A_1346] : memref<10112x128xbf16, #tpu.memory_space<vmem_shared>> -> memref<10112x128xbf16, #tpu.memory_space<vmem_shared>>
      tpu.enqueue_indirect_dma source(%dma_start3A_1341 : memref<64x128xbf16, #tpu.memory_space<vmem>>) target(%dma_start3A_1347 : memref<10112x128xbf16, #tpu.memory_space<vmem_shared>>) offsets(%dma_start3A_1344 : memref<64xi32, #tpu.memory_space<vmem>>) semaphore(%arg12 : memref<!tpu.dma_semaphore, #tpu.memory_space<semaphore_mem>>) {add = true}
      %dma_wait3A_1348 = arith.constant 27 : i32
      %dma_wait3A_1349 = arith.constant 192 : i32
      %dma_wait3A_1350 = arith.constant 0 : i32
      %dma_wait3A_1351 = tpu.memref_slice %arg10[%dma_wait3A_1349, %dma_wait3A_1350] : memref<512x128xbf16, #tpu.memory_space<vmem>> -> memref<64x128xbf16, #tpu.memory_space<vmem>>
      %dma_wait3A_1352 = arith.constant 0 : i32
      %dma_wait3A_1353 = tpu.memref_slice %arg8[%dma_wait3A_1348, %dma_wait3A_1352] : memref<32x64xi32, #tpu.memory_space<vmem>> -> memref<1x64xi32, #tpu.memory_space<vmem>>
      %dma_wait3A_1354 = tpu.memref_squeeze %dma_wait3A_1353 : memref<1x64xi32, #tpu.memory_space<vmem>> -> memref<64xi32, #tpu.memory_space<vmem>>
      %dma_wait3A_1355 = arith.constant 0 : i32
      %dma_wait3A_1356 = arith.constant 0 : i32
      %dma_wait3A_1357 = tpu.memref_slice %arg2[%arg0, %dma_wait3A_1355, %dma_wait3A_1356] : memref<2x10112x128xbf16, #tpu.memory_space<hbm>> -> memref<1x10112x128xbf16, #tpu.memory_space<hbm>>
      %dma_wait3A_1358 = tpu.memref_squeeze %dma_wait3A_1357 : memref<1x10112x128xbf16, #tpu.memory_space<hbm>> -> memref<10112x128xbf16, #tpu.memory_space<hbm>>
      %dma_wait3A_1359 = arith.constant 0 : i32
      %dma_wait3A_1360 = arith.constant 0 : i32
      %dma_wait3A_1361 = tpu.memref_slice %dma_wait3A_1358[%dma_wait3A_1359, %dma_wait3A_1360] : memref<10112x128xbf16, #tpu.memory_space<hbm>> -> memref<10112x128xbf16, #tpu.memory_space<hbm>>
      tpu.wait_indirect_dma semaphore(%arg11 : memref<!tpu.dma_semaphore, #tpu.memory_space<semaphore_mem>>) src(%dma_wait3A_1361 : memref<10112x128xbf16, #tpu.memory_space<hbm>>) dst(%dma_wait3A_1351 : memref<64x128xbf16, #tpu.memory_space<vmem>>)
      %dma_start3A_1362 = arith.constant 27 : i32
      %dma_start3A_1363 = arith.constant 192 : i32
      %dma_start3A_1364 = arith.constant 0 : i32
      %dma_start3A_1365 = tpu.memref_slice %arg10[%dma_start3A_1363, %dma_start3A_1364] : memref<512x128xbf16, #tpu.memory_space<vmem>> -> memref<64x128xbf16, #tpu.memory_space<vmem>>
      %dma_start3A_1366 = arith.constant 0 : i32
      %dma_start3A_1367 = tpu.memref_slice %arg9[%dma_start3A_1362, %dma_start3A_1366] : memref<32x64xi32, #tpu.memory_space<vmem>> -> memref<1x64xi32, #tpu.memory_space<vmem>>
      %dma_start3A_1368 = tpu.memref_squeeze %dma_start3A_1367 : memref<1x64xi32, #tpu.memory_space<vmem>> -> memref<64xi32, #tpu.memory_space<vmem>>
      %dma_start3A_1369 = arith.constant 0 : i32
      %dma_start3A_1370 = arith.constant 0 : i32
      %dma_start3A_1371 = tpu.memref_slice %arg7[%dma_start3A_1369, %dma_start3A_1370] : memref<10112x128xbf16, #tpu.memory_space<vmem_shared>> -> memref<10112x128xbf16, #tpu.memory_space<vmem_shared>>
      tpu.enqueue_indirect_dma source(%dma_start3A_1365 : memref<64x128xbf16, #tpu.memory_space<vmem>>) target(%dma_start3A_1371 : memref<10112x128xbf16, #tpu.memory_space<vmem_shared>>) offsets(%dma_start3A_1368 : memref<64xi32, #tpu.memory_space<vmem>>) semaphore(%arg12 : memref<!tpu.dma_semaphore, #tpu.memory_space<semaphore_mem>>) {add = true}
      %dma_wait3A_1372 = arith.constant 28 : i32
      %dma_wait3A_1373 = arith.constant 256 : i32
      %dma_wait3A_1374 = arith.constant 0 : i32
      %dma_wait3A_1375 = tpu.memref_slice %arg10[%dma_wait3A_1373, %dma_wait3A_1374] : memref<512x128xbf16, #tpu.memory_space<vmem>> -> memref<64x128xbf16, #tpu.memory_space<vmem>>
      %dma_wait3A_1376 = arith.constant 0 : i32
      %dma_wait3A_1377 = tpu.memref_slice %arg8[%dma_wait3A_1372, %dma_wait3A_1376] : memref<32x64xi32, #tpu.memory_space<vmem>> -> memref<1x64xi32, #tpu.memory_space<vmem>>
      %dma_wait3A_1378 = tpu.memref_squeeze %dma_wait3A_1377 : memref<1x64xi32, #tpu.memory_space<vmem>> -> memref<64xi32, #tpu.memory_space<vmem>>
      %dma_wait3A_1379 = arith.constant 0 : i32
      %dma_wait3A_1380 = arith.constant 0 : i32
      %dma_wait3A_1381 = tpu.memref_slice %arg2[%arg0, %dma_wait3A_1379, %dma_wait3A_1380] : memref<2x10112x128xbf16, #tpu.memory_space<hbm>> -> memref<1x10112x128xbf16, #tpu.memory_space<hbm>>
      %dma_wait3A_1382 = tpu.memref_squeeze %dma_wait3A_1381 : memref<1x10112x128xbf16, #tpu.memory_space<hbm>> -> memref<10112x128xbf16, #tpu.memory_space<hbm>>
      %dma_wait3A_1383 = arith.constant 0 : i32
      %dma_wait3A_1384 = arith.constant 0 : i32
      %dma_wait3A_1385 = tpu.memref_slice %dma_wait3A_1382[%dma_wait3A_1383, %dma_wait3A_1384] : memref<10112x128xbf16, #tpu.memory_space<hbm>> -> memref<10112x128xbf16, #tpu.memory_space<hbm>>
      tpu.wait_indirect_dma semaphore(%arg11 : memref<!tpu.dma_semaphore, #tpu.memory_space<semaphore_mem>>) src(%dma_wait3A_1385 : memref<10112x128xbf16, #tpu.memory_space<hbm>>) dst(%dma_wait3A_1375 : memref<64x128xbf16, #tpu.memory_space<vmem>>)
      %dma_start3A_1386 = arith.constant 28 : i32
      %dma_start3A_1387 = arith.constant 256 : i32
      %dma_start3A_1388 = arith.constant 0 : i32
      %dma_start3A_1389 = tpu.memref_slice %arg10[%dma_start3A_1387, %dma_start3A_1388] : memref<512x128xbf16, #tpu.memory_space<vmem>> -> memref<64x128xbf16, #tpu.memory_space<vmem>>
      %dma_start3A_1390 = arith.constant 0 : i32
      %dma_start3A_1391 = tpu.memref_slice %arg9[%dma_start3A_1386, %dma_start3A_1390] : memref<32x64xi32, #tpu.memory_space<vmem>> -> memref<1x64xi32, #tpu.memory_space<vmem>>
      %dma_start3A_1392 = tpu.memref_squeeze %dma_start3A_1391 : memref<1x64xi32, #tpu.memory_space<vmem>> -> memref<64xi32, #tpu.memory_space<vmem>>
      %dma_start3A_1393 = arith.constant 0 : i32
      %dma_start3A_1394 = arith.constant 0 : i32
      %dma_start3A_1395 = tpu.memref_slice %arg7[%dma_start3A_1393, %dma_start3A_1394] : memref<10112x128xbf16, #tpu.memory_space<vmem_shared>> -> memref<10112x128xbf16, #tpu.memory_space<vmem_shared>>
      tpu.enqueue_indirect_dma source(%dma_start3A_1389 : memref<64x128xbf16, #tpu.memory_space<vmem>>) target(%dma_start3A_1395 : memref<10112x128xbf16, #tpu.memory_space<vmem_shared>>) offsets(%dma_start3A_1392 : memref<64xi32, #tpu.memory_space<vmem>>) semaphore(%arg12 : memref<!tpu.dma_semaphore, #tpu.memory_space<semaphore_mem>>) {add = true}
      %dma_wait3A_1396 = arith.constant 29 : i32
      %dma_wait3A_1397 = arith.constant 320 : i32
      %dma_wait3A_1398 = arith.constant 0 : i32
      %dma_wait3A_1399 = tpu.memref_slice %arg10[%dma_wait3A_1397, %dma_wait3A_1398] : memref<512x128xbf16, #tpu.memory_space<vmem>> -> memref<64x128xbf16, #tpu.memory_space<vmem>>
      %dma_wait3A_1400 = arith.constant 0 : i32
      %dma_wait3A_1401 = tpu.memref_slice %arg8[%dma_wait3A_1396, %dma_wait3A_1400] : memref<32x64xi32, #tpu.memory_space<vmem>> -> memref<1x64xi32, #tpu.memory_space<vmem>>
      %dma_wait3A_1402 = tpu.memref_squeeze %dma_wait3A_1401 : memref<1x64xi32, #tpu.memory_space<vmem>> -> memref<64xi32, #tpu.memory_space<vmem>>
      %dma_wait3A_1403 = arith.constant 0 : i32
      %dma_wait3A_1404 = arith.constant 0 : i32
      %dma_wait3A_1405 = tpu.memref_slice %arg2[%arg0, %dma_wait3A_1403, %dma_wait3A_1404] : memref<2x10112x128xbf16, #tpu.memory_space<hbm>> -> memref<1x10112x128xbf16, #tpu.memory_space<hbm>>
      %dma_wait3A_1406 = tpu.memref_squeeze %dma_wait3A_1405 : memref<1x10112x128xbf16, #tpu.memory_space<hbm>> -> memref<10112x128xbf16, #tpu.memory_space<hbm>>
      %dma_wait3A_1407 = arith.constant 0 : i32
      %dma_wait3A_1408 = arith.constant 0 : i32
      %dma_wait3A_1409 = tpu.memref_slice %dma_wait3A_1406[%dma_wait3A_1407, %dma_wait3A_1408] : memref<10112x128xbf16, #tpu.memory_space<hbm>> -> memref<10112x128xbf16, #tpu.memory_space<hbm>>
      tpu.wait_indirect_dma semaphore(%arg11 : memref<!tpu.dma_semaphore, #tpu.memory_space<semaphore_mem>>) src(%dma_wait3A_1409 : memref<10112x128xbf16, #tpu.memory_space<hbm>>) dst(%dma_wait3A_1399 : memref<64x128xbf16, #tpu.memory_space<vmem>>)
      %dma_start3A_1410 = arith.constant 29 : i32
      %dma_start3A_1411 = arith.constant 320 : i32
      %dma_start3A_1412 = arith.constant 0 : i32
      %dma_start3A_1413 = tpu.memref_slice %arg10[%dma_start3A_1411, %dma_start3A_1412] : memref<512x128xbf16, #tpu.memory_space<vmem>> -> memref<64x128xbf16, #tpu.memory_space<vmem>>
      %dma_start3A_1414 = arith.constant 0 : i32
      %dma_start3A_1415 = tpu.memref_slice %arg9[%dma_start3A_1410, %dma_start3A_1414] : memref<32x64xi32, #tpu.memory_space<vmem>> -> memref<1x64xi32, #tpu.memory_space<vmem>>
      %dma_start3A_1416 = tpu.memref_squeeze %dma_start3A_1415 : memref<1x64xi32, #tpu.memory_space<vmem>> -> memref<64xi32, #tpu.memory_space<vmem>>
      %dma_start3A_1417 = arith.constant 0 : i32
      %dma_start3A_1418 = arith.constant 0 : i32
      %dma_start3A_1419 = tpu.memref_slice %arg7[%dma_start3A_1417, %dma_start3A_1418] : memref<10112x128xbf16, #tpu.memory_space<vmem_shared>> -> memref<10112x128xbf16, #tpu.memory_space<vmem_shared>>
      tpu.enqueue_indirect_dma source(%dma_start3A_1413 : memref<64x128xbf16, #tpu.memory_space<vmem>>) target(%dma_start3A_1419 : memref<10112x128xbf16, #tpu.memory_space<vmem_shared>>) offsets(%dma_start3A_1416 : memref<64xi32, #tpu.memory_space<vmem>>) semaphore(%arg12 : memref<!tpu.dma_semaphore, #tpu.memory_space<semaphore_mem>>) {add = true}
      %dma_wait3A_1420 = arith.constant 30 : i32
      %dma_wait3A_1421 = arith.constant 384 : i32
      %dma_wait3A_1422 = arith.constant 0 : i32
      %dma_wait3A_1423 = tpu.memref_slice %arg10[%dma_wait3A_1421, %dma_wait3A_1422] : memref<512x128xbf16, #tpu.memory_space<vmem>> -> memref<64x128xbf16, #tpu.memory_space<vmem>>
      %dma_wait3A_1424 = arith.constant 0 : i32
      %dma_wait3A_1425 = tpu.memref_slice %arg8[%dma_wait3A_1420, %dma_wait3A_1424] : memref<32x64xi32, #tpu.memory_space<vmem>> -> memref<1x64xi32, #tpu.memory_space<vmem>>
      %dma_wait3A_1426 = tpu.memref_squeeze %dma_wait3A_1425 : memref<1x64xi32, #tpu.memory_space<vmem>> -> memref<64xi32, #tpu.memory_space<vmem>>
      %dma_wait3A_1427 = arith.constant 0 : i32
      %dma_wait3A_1428 = arith.constant 0 : i32
      %dma_wait3A_1429 = tpu.memref_slice %arg2[%arg0, %dma_wait3A_1427, %dma_wait3A_1428] : memref<2x10112x128xbf16, #tpu.memory_space<hbm>> -> memref<1x10112x128xbf16, #tpu.memory_space<hbm>>
      %dma_wait3A_1430 = tpu.memref_squeeze %dma_wait3A_1429 : memref<1x10112x128xbf16, #tpu.memory_space<hbm>> -> memref<10112x128xbf16, #tpu.memory_space<hbm>>
      %dma_wait3A_1431 = arith.constant 0 : i32
      %dma_wait3A_1432 = arith.constant 0 : i32
      %dma_wait3A_1433 = tpu.memref_slice %dma_wait3A_1430[%dma_wait3A_1431, %dma_wait3A_1432] : memref<10112x128xbf16, #tpu.memory_space<hbm>> -> memref<10112x128xbf16, #tpu.memory_space<hbm>>
      tpu.wait_indirect_dma semaphore(%arg11 : memref<!tpu.dma_semaphore, #tpu.memory_space<semaphore_mem>>) src(%dma_wait3A_1433 : memref<10112x128xbf16, #tpu.memory_space<hbm>>) dst(%dma_wait3A_1423 : memref<64x128xbf16, #tpu.memory_space<vmem>>)
      %dma_start3A_1434 = arith.constant 30 : i32
      %dma_start3A_1435 = arith.constant 384 : i32
      %dma_start3A_1436 = arith.constant 0 : i32
      %dma_start3A_1437 = tpu.memref_slice %arg10[%dma_start3A_1435, %dma_start3A_1436] : memref<512x128xbf16, #tpu.memory_space<vmem>> -> memref<64x128xbf16, #tpu.memory_space<vmem>>
      %dma_start3A_1438 = arith.constant 0 : i32
      %dma_start3A_1439 = tpu.memref_slice %arg9[%dma_start3A_1434, %dma_start3A_1438] : memref<32x64xi32, #tpu.memory_space<vmem>> -> memref<1x64xi32, #tpu.memory_space<vmem>>
      %dma_start3A_1440 = tpu.memref_squeeze %dma_start3A_1439 : memref<1x64xi32, #tpu.memory_space<vmem>> -> memref<64xi32, #tpu.memory_space<vmem>>
      %dma_start3A_1441 = arith.constant 0 : i32
      %dma_start3A_1442 = arith.constant 0 : i32
      %dma_start3A_1443 = tpu.memref_slice %arg7[%dma_start3A_1441, %dma_start3A_1442] : memref<10112x128xbf16, #tpu.memory_space<vmem_shared>> -> memref<10112x128xbf16, #tpu.memory_space<vmem_shared>>
      tpu.enqueue_indirect_dma source(%dma_start3A_1437 : memref<64x128xbf16, #tpu.memory_space<vmem>>) target(%dma_start3A_1443 : memref<10112x128xbf16, #tpu.memory_space<vmem_shared>>) offsets(%dma_start3A_1440 : memref<64xi32, #tpu.memory_space<vmem>>) semaphore(%arg12 : memref<!tpu.dma_semaphore, #tpu.memory_space<semaphore_mem>>) {add = true}
      %dma_wait3A_1444 = arith.constant 31 : i32
      %dma_wait3A_1445 = arith.constant 448 : i32
      %dma_wait3A_1446 = arith.constant 0 : i32
      %dma_wait3A_1447 = tpu.memref_slice %arg10[%dma_wait3A_1445, %dma_wait3A_1446] : memref<512x128xbf16, #tpu.memory_space<vmem>> -> memref<64x128xbf16, #tpu.memory_space<vmem>>
      %dma_wait3A_1448 = arith.constant 0 : i32
      %dma_wait3A_1449 = tpu.memref_slice %arg8[%dma_wait3A_1444, %dma_wait3A_1448] : memref<32x64xi32, #tpu.memory_space<vmem>> -> memref<1x64xi32, #tpu.memory_space<vmem>>
      %dma_wait3A_1450 = tpu.memref_squeeze %dma_wait3A_1449 : memref<1x64xi32, #tpu.memory_space<vmem>> -> memref<64xi32, #tpu.memory_space<vmem>>
      %dma_wait3A_1451 = arith.constant 0 : i32
      %dma_wait3A_1452 = arith.constant 0 : i32
      %dma_wait3A_1453 = tpu.memref_slice %arg2[%arg0, %dma_wait3A_1451, %dma_wait3A_1452] : memref<2x10112x128xbf16, #tpu.memory_space<hbm>> -> memref<1x10112x128xbf16, #tpu.memory_space<hbm>>
      %dma_wait3A_1454 = tpu.memref_squeeze %dma_wait3A_1453 : memref<1x10112x128xbf16, #tpu.memory_space<hbm>> -> memref<10112x128xbf16, #tpu.memory_space<hbm>>
      %dma_wait3A_1455 = arith.constant 0 : i32
      %dma_wait3A_1456 = arith.constant 0 : i32
      %dma_wait3A_1457 = tpu.memref_slice %dma_wait3A_1454[%dma_wait3A_1455, %dma_wait3A_1456] : memref<10112x128xbf16, #tpu.memory_space<hbm>> -> memref<10112x128xbf16, #tpu.memory_space<hbm>>
      tpu.wait_indirect_dma semaphore(%arg11 : memref<!tpu.dma_semaphore, #tpu.memory_space<semaphore_mem>>) src(%dma_wait3A_1457 : memref<10112x128xbf16, #tpu.memory_space<hbm>>) dst(%dma_wait3A_1447 : memref<64x128xbf16, #tpu.memory_space<vmem>>)
      %dma_start3A_1458 = arith.constant 31 : i32
      %dma_start3A_1459 = arith.constant 448 : i32
      %dma_start3A_1460 = arith.constant 0 : i32
      %dma_start3A_1461 = tpu.memref_slice %arg10[%dma_start3A_1459, %dma_start3A_1460] : memref<512x128xbf16, #tpu.memory_space<vmem>> -> memref<64x128xbf16, #tpu.memory_space<vmem>>
      %dma_start3A_1462 = arith.constant 0 : i32
      %dma_start3A_1463 = tpu.memref_slice %arg9[%dma_start3A_1458, %dma_start3A_1462] : memref<32x64xi32, #tpu.memory_space<vmem>> -> memref<1x64xi32, #tpu.memory_space<vmem>>
      %dma_start3A_1464 = tpu.memref_squeeze %dma_start3A_1463 : memref<1x64xi32, #tpu.memory_space<vmem>> -> memref<64xi32, #tpu.memory_space<vmem>>
      %dma_start3A_1465 = arith.constant 0 : i32
      %dma_start3A_1466 = arith.constant 0 : i32
      %dma_start3A_1467 = tpu.memref_slice %arg7[%dma_start3A_1465, %dma_start3A_1466] : memref<10112x128xbf16, #tpu.memory_space<vmem_shared>> -> memref<10112x128xbf16, #tpu.memory_space<vmem_shared>>
      tpu.enqueue_indirect_dma source(%dma_start3A_1461 : memref<64x128xbf16, #tpu.memory_space<vmem>>) target(%dma_start3A_1467 : memref<10112x128xbf16, #tpu.memory_space<vmem_shared>>) offsets(%dma_start3A_1464 : memref<64xi32, #tpu.memory_space<vmem>>) semaphore(%arg12 : memref<!tpu.dma_semaphore, #tpu.memory_space<semaphore_mem>>) {add = true}
      %dma_wait3A_1468 = arith.constant 24 : i32
      %dma_wait3A_1469 = arith.constant 0 : i32
      %dma_wait3A_1470 = arith.constant 0 : i32
      %dma_wait3A_1471 = tpu.memref_slice %arg10[%dma_wait3A_1469, %dma_wait3A_1470] : memref<512x128xbf16, #tpu.memory_space<vmem>> -> memref<64x128xbf16, #tpu.memory_space<vmem>>
      %dma_wait3A_1472 = arith.constant 0 : i32
      %dma_wait3A_1473 = tpu.memref_slice %arg9[%dma_wait3A_1468, %dma_wait3A_1472] : memref<32x64xi32, #tpu.memory_space<vmem>> -> memref<1x64xi32, #tpu.memory_space<vmem>>
      %dma_wait3A_1474 = tpu.memref_squeeze %dma_wait3A_1473 : memref<1x64xi32, #tpu.memory_space<vmem>> -> memref<64xi32, #tpu.memory_space<vmem>>
      %dma_wait3A_1475 = arith.constant 0 : i32
      %dma_wait3A_1476 = arith.constant 0 : i32
      %dma_wait3A_1477 = tpu.memref_slice %arg7[%dma_wait3A_1475, %dma_wait3A_1476] : memref<10112x128xbf16, #tpu.memory_space<vmem_shared>> -> memref<10112x128xbf16, #tpu.memory_space<vmem_shared>>
      tpu.wait_indirect_dma semaphore(%arg12 : memref<!tpu.dma_semaphore, #tpu.memory_space<semaphore_mem>>) src(%dma_wait3A_1471 : memref<64x128xbf16, #tpu.memory_space<vmem>>) dst(%dma_wait3A_1477 : memref<10112x128xbf16, #tpu.memory_space<vmem_shared>>)
      %dma_wait3A_1478 = arith.constant 25 : i32
      %dma_wait3A_1479 = arith.constant 64 : i32
      %dma_wait3A_1480 = arith.constant 0 : i32
      %dma_wait3A_1481 = tpu.memref_slice %arg10[%dma_wait3A_1479, %dma_wait3A_1480] : memref<512x128xbf16, #tpu.memory_space<vmem>> -> memref<64x128xbf16, #tpu.memory_space<vmem>>
      %dma_wait3A_1482 = arith.constant 0 : i32
      %dma_wait3A_1483 = tpu.memref_slice %arg9[%dma_wait3A_1478, %dma_wait3A_1482] : memref<32x64xi32, #tpu.memory_space<vmem>> -> memref<1x64xi32, #tpu.memory_space<vmem>>
      %dma_wait3A_1484 = tpu.memref_squeeze %dma_wait3A_1483 : memref<1x64xi32, #tpu.memory_space<vmem>> -> memref<64xi32, #tpu.memory_space<vmem>>
      %dma_wait3A_1485 = arith.constant 0 : i32
      %dma_wait3A_1486 = arith.constant 0 : i32
      %dma_wait3A_1487 = tpu.memref_slice %arg7[%dma_wait3A_1485, %dma_wait3A_1486] : memref<10112x128xbf16, #tpu.memory_space<vmem_shared>> -> memref<10112x128xbf16, #tpu.memory_space<vmem_shared>>
      tpu.wait_indirect_dma semaphore(%arg12 : memref<!tpu.dma_semaphore, #tpu.memory_space<semaphore_mem>>) src(%dma_wait3A_1481 : memref<64x128xbf16, #tpu.memory_space<vmem>>) dst(%dma_wait3A_1487 : memref<10112x128xbf16, #tpu.memory_space<vmem_shared>>)
      %dma_wait3A_1488 = arith.constant 26 : i32
      %dma_wait3A_1489 = arith.constant 128 : i32
      %dma_wait3A_1490 = arith.constant 0 : i32
      %dma_wait3A_1491 = tpu.memref_slice %arg10[%dma_wait3A_1489, %dma_wait3A_1490] : memref<512x128xbf16, #tpu.memory_space<vmem>> -> memref<64x128xbf16, #tpu.memory_space<vmem>>
      %dma_wait3A_1492 = arith.constant 0 : i32
      %dma_wait3A_1493 = tpu.memref_slice %arg9[%dma_wait3A_1488, %dma_wait3A_1492] : memref<32x64xi32, #tpu.memory_space<vmem>> -> memref<1x64xi32, #tpu.memory_space<vmem>>
      %dma_wait3A_1494 = tpu.memref_squeeze %dma_wait3A_1493 : memref<1x64xi32, #tpu.memory_space<vmem>> -> memref<64xi32, #tpu.memory_space<vmem>>
      %dma_wait3A_1495 = arith.constant 0 : i32
      %dma_wait3A_1496 = arith.constant 0 : i32
      %dma_wait3A_1497 = tpu.memref_slice %arg7[%dma_wait3A_1495, %dma_wait3A_1496] : memref<10112x128xbf16, #tpu.memory_space<vmem_shared>> -> memref<10112x128xbf16, #tpu.memory_space<vmem_shared>>
      tpu.wait_indirect_dma semaphore(%arg12 : memref<!tpu.dma_semaphore, #tpu.memory_space<semaphore_mem>>) src(%dma_wait3A_1491 : memref<64x128xbf16, #tpu.memory_space<vmem>>) dst(%dma_wait3A_1497 : memref<10112x128xbf16, #tpu.memory_space<vmem_shared>>)
      %dma_wait3A_1498 = arith.constant 27 : i32
      %dma_wait3A_1499 = arith.constant 192 : i32
      %dma_wait3A_1500 = arith.constant 0 : i32
      %dma_wait3A_1501 = tpu.memref_slice %arg10[%dma_wait3A_1499, %dma_wait3A_1500] : memref<512x128xbf16, #tpu.memory_space<vmem>> -> memref<64x128xbf16, #tpu.memory_space<vmem>>
      %dma_wait3A_1502 = arith.constant 0 : i32
      %dma_wait3A_1503 = tpu.memref_slice %arg9[%dma_wait3A_1498, %dma_wait3A_1502] : memref<32x64xi32, #tpu.memory_space<vmem>> -> memref<1x64xi32, #tpu.memory_space<vmem>>
      %dma_wait3A_1504 = tpu.memref_squeeze %dma_wait3A_1503 : memref<1x64xi32, #tpu.memory_space<vmem>> -> memref<64xi32, #tpu.memory_space<vmem>>
      %dma_wait3A_1505 = arith.constant 0 : i32
      %dma_wait3A_1506 = arith.constant 0 : i32
      %dma_wait3A_1507 = tpu.memref_slice %arg7[%dma_wait3A_1505, %dma_wait3A_1506] : memref<10112x128xbf16, #tpu.memory_space<vmem_shared>> -> memref<10112x128xbf16, #tpu.memory_space<vmem_shared>>
      tpu.wait_indirect_dma semaphore(%arg12 : memref<!tpu.dma_semaphore, #tpu.memory_space<semaphore_mem>>) src(%dma_wait3A_1501 : memref<64x128xbf16, #tpu.memory_space<vmem>>) dst(%dma_wait3A_1507 : memref<10112x128xbf16, #tpu.memory_space<vmem_shared>>)
      %dma_wait3A_1508 = arith.constant 28 : i32
      %dma_wait3A_1509 = arith.constant 256 : i32
      %dma_wait3A_1510 = arith.constant 0 : i32
      %dma_wait3A_1511 = tpu.memref_slice %arg10[%dma_wait3A_1509, %dma_wait3A_1510] : memref<512x128xbf16, #tpu.memory_space<vmem>> -> memref<64x128xbf16, #tpu.memory_space<vmem>>
      %dma_wait3A_1512 = arith.constant 0 : i32
      %dma_wait3A_1513 = tpu.memref_slice %arg9[%dma_wait3A_1508, %dma_wait3A_1512] : memref<32x64xi32, #tpu.memory_space<vmem>> -> memref<1x64xi32, #tpu.memory_space<vmem>>
      %dma_wait3A_1514 = tpu.memref_squeeze %dma_wait3A_1513 : memref<1x64xi32, #tpu.memory_space<vmem>> -> memref<64xi32, #tpu.memory_space<vmem>>
      %dma_wait3A_1515 = arith.constant 0 : i32
      %dma_wait3A_1516 = arith.constant 0 : i32
      %dma_wait3A_1517 = tpu.memref_slice %arg7[%dma_wait3A_1515, %dma_wait3A_1516] : memref<10112x128xbf16, #tpu.memory_space<vmem_shared>> -> memref<10112x128xbf16, #tpu.memory_space<vmem_shared>>
      tpu.wait_indirect_dma semaphore(%arg12 : memref<!tpu.dma_semaphore, #tpu.memory_space<semaphore_mem>>) src(%dma_wait3A_1511 : memref<64x128xbf16, #tpu.memory_space<vmem>>) dst(%dma_wait3A_1517 : memref<10112x128xbf16, #tpu.memory_space<vmem_shared>>)
      %dma_wait3A_1518 = arith.constant 29 : i32
      %dma_wait3A_1519 = arith.constant 320 : i32
      %dma_wait3A_1520 = arith.constant 0 : i32
      %dma_wait3A_1521 = tpu.memref_slice %arg10[%dma_wait3A_1519, %dma_wait3A_1520] : memref<512x128xbf16, #tpu.memory_space<vmem>> -> memref<64x128xbf16, #tpu.memory_space<vmem>>
      %dma_wait3A_1522 = arith.constant 0 : i32
      %dma_wait3A_1523 = tpu.memref_slice %arg9[%dma_wait3A_1518, %dma_wait3A_1522] : memref<32x64xi32, #tpu.memory_space<vmem>> -> memref<1x64xi32, #tpu.memory_space<vmem>>
      %dma_wait3A_1524 = tpu.memref_squeeze %dma_wait3A_1523 : memref<1x64xi32, #tpu.memory_space<vmem>> -> memref<64xi32, #tpu.memory_space<vmem>>
      %dma_wait3A_1525 = arith.constant 0 : i32
      %dma_wait3A_1526 = arith.constant 0 : i32
      %dma_wait3A_1527 = tpu.memref_slice %arg7[%dma_wait3A_1525, %dma_wait3A_1526] : memref<10112x128xbf16, #tpu.memory_space<vmem_shared>> -> memref<10112x128xbf16, #tpu.memory_space<vmem_shared>>
      tpu.wait_indirect_dma semaphore(%arg12 : memref<!tpu.dma_semaphore, #tpu.memory_space<semaphore_mem>>) src(%dma_wait3A_1521 : memref<64x128xbf16, #tpu.memory_space<vmem>>) dst(%dma_wait3A_1527 : memref<10112x128xbf16, #tpu.memory_space<vmem_shared>>)
      %dma_wait3A_1528 = arith.constant 30 : i32
      %dma_wait3A_1529 = arith.constant 384 : i32
      %dma_wait3A_1530 = arith.constant 0 : i32
      %dma_wait3A_1531 = tpu.memref_slice %arg10[%dma_wait3A_1529, %dma_wait3A_1530] : memref<512x128xbf16, #tpu.memory_space<vmem>> -> memref<64x128xbf16, #tpu.memory_space<vmem>>
      %dma_wait3A_1532 = arith.constant 0 : i32
      %dma_wait3A_1533 = tpu.memref_slice %arg9[%dma_wait3A_1528, %dma_wait3A_1532] : memref<32x64xi32, #tpu.memory_space<vmem>> -> memref<1x64xi32, #tpu.memory_space<vmem>>
      %dma_wait3A_1534 = tpu.memref_squeeze %dma_wait3A_1533 : memref<1x64xi32, #tpu.memory_space<vmem>> -> memref<64xi32, #tpu.memory_space<vmem>>
      %dma_wait3A_1535 = arith.constant 0 : i32
      %dma_wait3A_1536 = arith.constant 0 : i32
      %dma_wait3A_1537 = tpu.memref_slice %arg7[%dma_wait3A_1535, %dma_wait3A_1536] : memref<10112x128xbf16, #tpu.memory_space<vmem_shared>> -> memref<10112x128xbf16, #tpu.memory_space<vmem_shared>>
      tpu.wait_indirect_dma semaphore(%arg12 : memref<!tpu.dma_semaphore, #tpu.memory_space<semaphore_mem>>) src(%dma_wait3A_1531 : memref<64x128xbf16, #tpu.memory_space<vmem>>) dst(%dma_wait3A_1537 : memref<10112x128xbf16, #tpu.memory_space<vmem_shared>>)
      %dma_wait3A_1538 = arith.constant 31 : i32
      %dma_wait3A_1539 = arith.constant 448 : i32
      %dma_wait3A_1540 = arith.constant 0 : i32
      %dma_wait3A_1541 = tpu.memref_slice %arg10[%dma_wait3A_1539, %dma_wait3A_1540] : memref<512x128xbf16, #tpu.memory_space<vmem>> -> memref<64x128xbf16, #tpu.memory_space<vmem>>
      %dma_wait3A_1542 = arith.constant 0 : i32
      %dma_wait3A_1543 = tpu.memref_slice %arg9[%dma_wait3A_1538, %dma_wait3A_1542] : memref<32x64xi32, #tpu.memory_space<vmem>> -> memref<1x64xi32, #tpu.memory_space<vmem>>
      %dma_wait3A_1544 = tpu.memref_squeeze %dma_wait3A_1543 : memref<1x64xi32, #tpu.memory_space<vmem>> -> memref<64xi32, #tpu.memory_space<vmem>>
      %dma_wait3A_1545 = arith.constant 0 : i32
      %dma_wait3A_1546 = arith.constant 0 : i32
      %dma_wait3A_1547 = tpu.memref_slice %arg7[%dma_wait3A_1545, %dma_wait3A_1546] : memref<10112x128xbf16, #tpu.memory_space<vmem_shared>> -> memref<10112x128xbf16, #tpu.memory_space<vmem_shared>>
      tpu.wait_indirect_dma semaphore(%arg12 : memref<!tpu.dma_semaphore, #tpu.memory_space<semaphore_mem>>) src(%dma_wait3A_1541 : memref<64x128xbf16, #tpu.memory_space<vmem>>) dst(%dma_wait3A_1547 : memref<10112x128xbf16, #tpu.memory_space<vmem_shared>>)
    }
    %scan3A_4 = arith.constant 10 : i32
    %barrier3A_5 = arith.constant 0 : index
    tpu.barrier barrier_id(%barrier3A_5)
    %mul3A_6 = arith.constant 632 : i32
    %mul3A_7 = arith.muli %arg1, %mul3A_6 : i32
    %mul3A_8 = arith.constant 632 : i32
    %mul3A_9 = arith.muli %arg1, %mul3A_8 : i32
    "tpu.region"() ({
      %run_scoped3A = tpu.sem_alloc : memref<!tpu.dma_semaphore, #tpu.memory_space<semaphore_mem>>
      %dma_start3A = arith.constant 0 : i32
      %dma_start3A_10 = tpu.memref_slice %arg6[%arg0, %mul3A_9, %dma_start3A] : memref<2x10112x128xbf16, #tpu.memory_space<hbm>> -> memref<1x632x128xbf16, #tpu.memory_space<hbm>>
      %dma_start3A_11 = tpu.memref_squeeze %dma_start3A_10 : memref<1x632x128xbf16, #tpu.memory_space<hbm>> -> memref<632x128xbf16, #tpu.memory_space<hbm>>
      %dma_start3A_12 = arith.constant 0 : i32
      %dma_start3A_13 = tpu.memref_slice %arg7[%mul3A_7, %dma_start3A_12] : memref<10112x128xbf16, #tpu.memory_space<vmem_shared>> -> memref<632x128xbf16, #tpu.memory_space<vmem_shared>>
      tpu.enqueue_dma source(%dma_start3A_13 : memref<632x128xbf16, #tpu.memory_space<vmem_shared>>) target(%dma_start3A_11 : memref<632x128xbf16, #tpu.memory_space<hbm>>) target_semaphore(%run_scoped3A : memref<!tpu.dma_semaphore, #tpu.memory_space<semaphore_mem>>)
      %dma_wait3A = arith.constant 0 : i32
      %dma_wait3A_14 = tpu.memref_slice %arg6[%arg0, %mul3A_9, %dma_wait3A] : memref<2x10112x128xbf16, #tpu.memory_space<hbm>> -> memref<1x632x128xbf16, #tpu.memory_space<hbm>>
      %dma_wait3A_15 = tpu.memref_squeeze %dma_wait3A_14 : memref<1x632x128xbf16, #tpu.memory_space<hbm>> -> memref<632x128xbf16, #tpu.memory_space<hbm>>
      %dma_wait3A_16 = arith.constant 0 : i32
      %dma_wait3A_17 = tpu.memref_slice %arg7[%mul3A_7, %dma_wait3A_16] : memref<10112x128xbf16, #tpu.memory_space<vmem_shared>> -> memref<632x128xbf16, #tpu.memory_space<vmem_shared>>
      tpu.wait_dma2 semaphore(%run_scoped3A : memref<!tpu.dma_semaphore, #tpu.memory_space<semaphore_mem>>) src(%dma_wait3A_17 : memref<632x128xbf16, #tpu.memory_space<vmem_shared>>) dst(%dma_wait3A_15 : memref<632x128xbf16, #tpu.memory_space<hbm>>)
      tpu.yield
    }) : () -> ()
    return
  }
}

module attributes {stable_mosaic.version = 14 : i64} {
  func.func @_xw_body(%arg0: i32, %arg1: memref<2528x128xf32, #tpu.memory_space<vmem>>, %arg2: memref<2528x128xf32, #tpu.memory_space<vmem>>, %arg3: memref<128x128xf32, #tpu.memory_space<vmem>>, %arg4: memref<128x128xf32, #tpu.memory_space<vmem>>, %arg5: memref<2528x128xf32, #tpu.memory_space<vmem>>, %arg6: memref<2528x128xf32, #tpu.memory_space<vmem>>) attributes {dimension_semantics = [#tpu.dimension_semantics<arbitrary>], iteration_bounds = array<i64: 4>, scalar_prefetch = 0 : i64, scratch_operands = 0 : i64, tpu.core_type = #tpu.core_type<tc>, window_params = [{transform_indices = @transform_0, window_bounds = array<i64: 2528, 128>}, {transform_indices = @transform_1, window_bounds = array<i64: 2528, 128>}, {pipeline_mode = #tpu.pipeline_mode<synchronous>, transform_indices = @transform_2, window_bounds = array<i64: 128, 128>}, {pipeline_mode = #tpu.pipeline_mode<synchronous>, transform_indices = @transform_3, window_bounds = array<i64: 128, 128>}, {transform_indices = @transform_4, window_bounds = array<i64: 2528, 128>}, {transform_indices = @transform_5, window_bounds = array<i64: 2528, 128>}]} {
    %get3A = arith.constant 0 : index
    %get3A_0 = arith.constant 0 : index
    %get3A_1 = vector.load %arg1[%get3A, %get3A_0] : memref<2528x128xf32, #tpu.memory_space<vmem>>, vector<2528x128xf32>
    %get3A_2 = arith.constant 0 : index
    %get3A_3 = arith.constant 0 : index
    %get3A_4 = vector.load %arg3[%get3A_2, %get3A_3] : memref<128x128xf32, #tpu.memory_space<vmem>>, vector<128x128xf32>
    %dot_general3A = arith.constant dense<0.000000e+00> : vector<2528x128xf32>
    %dot_general3A_5 = tpu.matmul %get3A_1, %get3A_4, %dot_general3A {dimension_numbers = #tpu.dot_dimension_numbers<[1], [0], [0], [1], [0, 0, 1, 1], [], []>, transpose_lhs_hint = false} : vector<2528x128xf32>, vector<128x128xf32>, vector<2528x128xf32> -> vector<2528x128xf32>
    %swap3A = arith.constant 0 : index
    %swap3A_6 = arith.constant 0 : index
    %swap3A_7 = vector.load %arg5[%swap3A, %swap3A_6] : memref<2528x128xf32, #tpu.memory_space<vmem>>, vector<2528x128xf32>
    tpu.vector_store %arg5[%swap3A, %swap3A_6], %dot_general3A_5 {strides = array<i32>} : memref<2528x128xf32, #tpu.memory_space<vmem>>, vector<2528x128xf32>,
    %get3A_8 = arith.constant 0 : index
    %get3A_9 = arith.constant 0 : index
    %get3A_10 = vector.load %arg2[%get3A_8, %get3A_9] : memref<2528x128xf32, #tpu.memory_space<vmem>>, vector<2528x128xf32>
    %get3A_11 = arith.constant 0 : index
    %get3A_12 = arith.constant 0 : index
    %get3A_13 = vector.load %arg4[%get3A_11, %get3A_12] : memref<128x128xf32, #tpu.memory_space<vmem>>, vector<128x128xf32>
    %dot_general3A_14 = arith.constant dense<0.000000e+00> : vector<2528x128xf32>
    %dot_general3A_15 = tpu.matmul %get3A_10, %get3A_13, %dot_general3A_14 {dimension_numbers = #tpu.dot_dimension_numbers<[1], [0], [0], [1], [0, 0, 1, 1], [], []>, transpose_lhs_hint = false} : vector<2528x128xf32>, vector<128x128xf32>, vector<2528x128xf32> -> vector<2528x128xf32>
    %swap3A_16 = arith.constant 0 : index
    %swap3A_17 = arith.constant 0 : index
    %swap3A_18 = vector.load %arg6[%swap3A_16, %swap3A_17] : memref<2528x128xf32, #tpu.memory_space<vmem>>, vector<2528x128xf32>
    tpu.vector_store %arg6[%swap3A_16, %swap3A_17], %dot_general3A_15 {strides = array<i32>} : memref<2528x128xf32, #tpu.memory_space<vmem>>, vector<2528x128xf32>,
    return
  }
  func.func @transform_0(%arg0: i32) -> (i32, i32) {
    %c0_i32 = arith.constant 0 : i32
    %c0_i32_0 = arith.constant 0 : i32
    return %arg0, %c0_i32 : i32, i32
  }
  func.func @transform_1(%arg0: i32) -> (i32, i32) {
    %c0_i32 = arith.constant 0 : i32
    %c0_i32_0 = arith.constant 0 : i32
    return %arg0, %c0_i32 : i32, i32
  }
  func.func @transform_2(%arg0: i32) -> (i32, i32) {
    %c0_i32 = arith.constant 0 : i32
    %c0_i32_0 = arith.constant 0 : i32
    %c0_i32_1 = arith.constant 0 : i32
    return %c0_i32, %c0_i32_0 : i32, i32
  }
  func.func @transform_3(%arg0: i32) -> (i32, i32) {
    %c0_i32 = arith.constant 0 : i32
    %c0_i32_0 = arith.constant 0 : i32
    %c0_i32_1 = arith.constant 0 : i32
    return %c0_i32, %c0_i32_0 : i32, i32
  }
  func.func @transform_4(%arg0: i32) -> (i32, i32) {
    %c0_i32 = arith.constant 0 : i32
    %c0_i32_0 = arith.constant 0 : i32
    return %arg0, %c0_i32 : i32, i32
  }
  func.func @transform_5(%arg0: i32) -> (i32, i32) {
    %c0_i32 = arith.constant 0 : i32
    %c0_i32_0 = arith.constant 0 : i32
    return %arg0, %c0_i32 : i32, i32
  }
}

module attributes {stable_mosaic.version = 14 : i64} {
  func.func @_scale_body(%arg0: i32, %arg1: memref<2528x128xf32, #tpu.memory_space<vmem>>, %arg2: memref<2528x128xf32, #tpu.memory_space<vmem>>, %arg3: memref<2528x16xf32, #tpu.memory_space<vmem>>, %arg4: memref<2528x16xf32, #tpu.memory_space<vmem>>, %arg5: memref<2528x128xf32, #tpu.memory_space<vmem>>, %arg6: memref<2528x128xf32, #tpu.memory_space<vmem>>, %arg7: memref<2x2528x128xbf16, #tpu.memory_space<vmem>>) attributes {dimension_semantics = [#tpu.dimension_semantics<arbitrary>], iteration_bounds = array<i64: 4>, scalar_prefetch = 0 : i64, scratch_operands = 0 : i64, tpu.core_type = #tpu.core_type<tc>, window_params = [{transform_indices = @transform_0, window_bounds = array<i64: 2528, 128>}, {transform_indices = @transform_1, window_bounds = array<i64: 2528, 128>}, {transform_indices = @transform_2, window_bounds = array<i64: 2528, 16>}, {transform_indices = @transform_3, window_bounds = array<i64: 2528, 16>}, {transform_indices = @transform_4, window_bounds = array<i64: 2528, 128>}, {transform_indices = @transform_5, window_bounds = array<i64: 2528, 128>}, {transform_indices = @transform_6, window_bounds = array<i64: 2, 2528, 128>}]} {
    %get3A = arith.constant 0 : index
    %get3A_0 = arith.constant 0 : index
    %get3A_1 = vector.load %arg3[%get3A, %get3A_0] : memref<2528x16xf32, #tpu.memory_space<vmem>>, vector<2528x16xf32>
    %slice3A = vector.extract_strided_slice %get3A_1 {offsets = [0, 0], sizes = [2528, 1], strides = [1, 1]} : vector<2528x16xf32> to vector<2528x1xf32>
    %add3A = arith.constant 1.000000e+00 : f32
    %add3A_2 = vector.broadcast %add3A : f32 to vector<2528x1xf32>
    %add3A_3 = arith.addf %slice3A, %add3A_2 : vector<2528x1xf32>
    %rsqrt3A = math.rsqrt %add3A_3 : vector<2528x1xf32>
    %get3A_4 = arith.constant 0 : index
    %get3A_5 = arith.constant 0 : index
    %get3A_6 = vector.load %arg4[%get3A_4, %get3A_5] : memref<2528x16xf32, #tpu.memory_space<vmem>>, vector<2528x16xf32>
    %slice3A_7 = vector.extract_strided_slice %get3A_6 {offsets = [0, 0], sizes = [2528, 1], strides = [1, 1]} : vector<2528x16xf32> to vector<2528x1xf32>
    %add3A_8 = arith.constant 1.000000e+00 : f32
    %add3A_9 = vector.broadcast %add3A_8 : f32 to vector<2528x1xf32>
    %add3A_10 = arith.addf %slice3A_7, %add3A_9 : vector<2528x1xf32>
    %rsqrt3A_11 = math.rsqrt %add3A_10 : vector<2528x1xf32>
    %get3A_12 = arith.constant 0 : index
    %get3A_13 = arith.constant 0 : index
    %get3A_14 = vector.load %arg1[%get3A_12, %get3A_13] : memref<2528x128xf32, #tpu.memory_space<vmem>>, vector<2528x128xf32>
    %mul3A = vector.broadcast %rsqrt3A : vector<2528x1xf32> to vector<2528x128xf32>
    %mul3A_15 = arith.mulf %get3A_14, %mul3A : vector<2528x128xf32>
    %get3A_16 = arith.constant 0 : index
    %get3A_17 = arith.constant 0 : index
    %get3A_18 = vector.load %arg2[%get3A_16, %get3A_17] : memref<2528x128xf32, #tpu.memory_space<vmem>>, vector<2528x128xf32>
    %mul3A_19 = vector.broadcast %rsqrt3A_11 : vector<2528x1xf32> to vector<2528x128xf32>
    %mul3A_20 = arith.mulf %get3A_18, %mul3A_19 : vector<2528x128xf32>
    %swap3A = arith.constant 0 : index
    %swap3A_21 = arith.constant 0 : index
    %swap3A_22 = vector.load %arg5[%swap3A, %swap3A_21] : memref<2528x128xf32, #tpu.memory_space<vmem>>, vector<2528x128xf32>
    tpu.vector_store %arg5[%swap3A, %swap3A_21], %mul3A_15 {strides = array<i32>} : memref<2528x128xf32, #tpu.memory_space<vmem>>, vector<2528x128xf32>,
    %swap3A_23 = arith.constant 0 : index
    %swap3A_24 = arith.constant 0 : index
    %swap3A_25 = vector.load %arg6[%swap3A_23, %swap3A_24] : memref<2528x128xf32, #tpu.memory_space<vmem>>, vector<2528x128xf32>
    tpu.vector_store %arg6[%swap3A_23, %swap3A_24], %mul3A_20 {strides = array<i32>} : memref<2528x128xf32, #tpu.memory_space<vmem>>, vector<2528x128xf32>,
    %convert_element_type3A = arith.truncf %mul3A_15 : vector<2528x128xf32> to vector<2528x128xbf16>
    %swap3A_26 = arith.constant 0 : index
    %swap3A_27 = arith.constant 0 : index
    %swap3A_28 = arith.constant 0 : index
    %swap3A_29 = vector.load %arg7[%swap3A_26, %swap3A_27, %swap3A_28] : memref<2x2528x128xbf16, #tpu.memory_space<vmem>>, vector<1x2528x128xbf16>
    %swap3A_30 = vector.shape_cast %swap3A_29 : vector<1x2528x128xbf16> to vector<2528x128xbf16>
    %swap3A_31 = vector.shape_cast %convert_element_type3A : vector<2528x128xbf16> to vector<1x2528x128xbf16>
    tpu.vector_store %arg7[%swap3A_26, %swap3A_27, %swap3A_28], %swap3A_31 {strides = array<i32>} : memref<2x2528x128xbf16, #tpu.memory_space<vmem>>, vector<1x2528x128xbf16>,
    %convert_element_type3A_32 = arith.truncf %mul3A_20 : vector<2528x128xf32> to vector<2528x128xbf16>
    %swap3A_33 = arith.constant 1 : index
    %swap3A_34 = arith.constant 0 : index
    %swap3A_35 = arith.constant 0 : index
    %swap3A_36 = vector.load %arg7[%swap3A_33, %swap3A_34, %swap3A_35] : memref<2x2528x128xbf16, #tpu.memory_space<vmem>>, vector<1x2528x128xbf16>
    %swap3A_37 = vector.shape_cast %swap3A_36 : vector<1x2528x128xbf16> to vector<2528x128xbf16>
    %swap3A_38 = vector.shape_cast %convert_element_type3A_32 : vector<2528x128xbf16> to vector<1x2528x128xbf16>
    tpu.vector_store %arg7[%swap3A_33, %swap3A_34, %swap3A_35], %swap3A_38 {strides = array<i32>} : memref<2x2528x128xbf16, #tpu.memory_space<vmem>>, vector<1x2528x128xbf16>,
    return
  }
  func.func @transform_0(%arg0: i32) -> (i32, i32) {
    %c0_i32 = arith.constant 0 : i32
    %c0_i32_0 = arith.constant 0 : i32
    return %arg0, %c0_i32 : i32, i32
  }
  func.func @transform_1(%arg0: i32) -> (i32, i32) {
    %c0_i32 = arith.constant 0 : i32
    %c0_i32_0 = arith.constant 0 : i32
    return %arg0, %c0_i32 : i32, i32
  }
  func.func @transform_2(%arg0: i32) -> (i32, i32) {
    %c0_i32 = arith.constant 0 : i32
    %c0_i32_0 = arith.constant 0 : i32
    return %arg0, %c0_i32 : i32, i32
  }
  func.func @transform_3(%arg0: i32) -> (i32, i32) {
    %c0_i32 = arith.constant 0 : i32
    %c0_i32_0 = arith.constant 0 : i32
    return %arg0, %c0_i32 : i32, i32
  }
  func.func @transform_4(%arg0: i32) -> (i32, i32) {
    %c0_i32 = arith.constant 0 : i32
    %c0_i32_0 = arith.constant 0 : i32
    return %arg0, %c0_i32 : i32, i32
  }
  func.func @transform_5(%arg0: i32) -> (i32, i32) {
    %c0_i32 = arith.constant 0 : i32
    %c0_i32_0 = arith.constant 0 : i32
    return %arg0, %c0_i32 : i32, i32
  }
  func.func @transform_6(%arg0: i32) -> (i32, i32, i32) {
    %c0_i32 = arith.constant 0 : i32
    %c0_i32_0 = arith.constant 0 : i32
    %c0_i32_1 = arith.constant 0 : i32
    return %c0_i32, %arg0, %c0_i32_0 : i32, i32, i32
  }
}

module attributes {stable_mosaic.version = 14 : i64} {
  func.func @_final_body(%arg0: i32, %arg1: memref<2528x128xbf16, #tpu.memory_space<vmem>>, %arg2: memref<2528x128xf32, #tpu.memory_space<vmem>>, %arg3: memref<2528x16xf32, #tpu.memory_space<vmem>>, %arg4: memref<1x128xf32, #tpu.memory_space<vmem>>, %arg5: memref<2528x128xbf16, #tpu.memory_space<vmem>>, %arg6: memref<2528x128xf32, #tpu.memory_space<vmem>>, %arg7: memref<2528x16xf32, #tpu.memory_space<vmem>>, %arg8: memref<1x128xf32, #tpu.memory_space<vmem>>, %arg9: memref<128x128xf32, #tpu.memory_space<vmem>>, %arg10: memref<1x128xf32, #tpu.memory_space<vmem>>, %arg11: memref<2528x128xf32, #tpu.memory_space<vmem>>, %arg12: memref<2528x128xf32, #tpu.memory_space<vmem>>) attributes {dimension_semantics = [#tpu.dimension_semantics<arbitrary>], iteration_bounds = array<i64: 4>, scalar_prefetch = 0 : i64, scratch_operands = 0 : i64, tpu.core_type = #tpu.core_type<tc>, window_params = [{transform_indices = @transform_0, window_bounds = array<i64: 2528, 128>}, {transform_indices = @transform_1, window_bounds = array<i64: 2528, 128>}, {transform_indices = @transform_2, window_bounds = array<i64: 2528, 16>}, {pipeline_mode = #tpu.pipeline_mode<synchronous>, transform_indices = @transform_3, window_bounds = array<i64: 1, 128>}, {transform_indices = @transform_4, window_bounds = array<i64: 2528, 128>}, {transform_indices = @transform_5, window_bounds = array<i64: 2528, 128>}, {transform_indices = @transform_6, window_bounds = array<i64: 2528, 16>}, {pipeline_mode = #tpu.pipeline_mode<synchronous>, transform_indices = @transform_7, window_bounds = array<i64: 1, 128>}, {pipeline_mode = #tpu.pipeline_mode<synchronous>, transform_indices = @transform_8, window_bounds = array<i64: 128, 128>}, {pipeline_mode = #tpu.pipeline_mode<synchronous>, transform_indices = @transform_9, window_bounds = array<i64: 1, 128>}, {transform_indices = @transform_10, window_bounds = array<i64: 2528, 128>}, {transform_indices = @transform_11, window_bounds = array<i64: 2528, 128>}]} {
    %get3A = arith.constant 0 : index
    %get3A_0 = arith.constant 0 : index
    %get3A_1 = vector.load %arg3[%get3A, %get3A_0] : memref<2528x16xf32, #tpu.memory_space<vmem>>, vector<2528x16xf32>
    %slice3A = vector.extract_strided_slice %get3A_1 {offsets = [0, 0], sizes = [2528, 1], strides = [1, 1]} : vector<2528x16xf32> to vector<2528x1xf32>
    %add3A = arith.constant 1.000000e+00 : f32
    %add3A_2 = vector.broadcast %add3A : f32 to vector<2528x1xf32>
    %add3A_3 = arith.addf %slice3A, %add3A_2 : vector<2528x1xf32>
    %rsqrt3A = math.rsqrt %add3A_3 : vector<2528x1xf32>
    %get3A_4 = arith.constant 0 : index
    %get3A_5 = arith.constant 0 : index
    %get3A_6 = vector.load %arg1[%get3A_4, %get3A_5] : memref<2528x128xbf16, #tpu.memory_space<vmem>>, vector<2528x128xbf16>
    %convert_element_type3A = arith.extf %get3A_6 : vector<2528x128xbf16> to vector<2528x128xf32>
    %get3A_7 = arith.constant 0 : index
    %get3A_8 = arith.constant 0 : index
    %get3A_9 = vector.load %arg2[%get3A_7, %get3A_8] : memref<2528x128xf32, #tpu.memory_space<vmem>>, vector<2528x128xf32>
    %add3A_10 = arith.addf %convert_element_type3A, %get3A_9 : vector<2528x128xf32>
    %mul3A = vector.broadcast %rsqrt3A : vector<2528x1xf32> to vector<2528x128xf32>
    %mul3A_11 = arith.mulf %add3A_10, %mul3A : vector<2528x128xf32>
    %get3A_12 = arith.constant 0 : index
    %get3A_13 = arith.constant 0 : index
    %get3A_14 = vector.load %arg4[%get3A_12, %get3A_13] : memref<1x128xf32, #tpu.memory_space<vmem>>, vector<1x128xf32>
    %add3A_15 = vector.broadcast %get3A_14 : vector<1x128xf32> to vector<2528x128xf32>
    %add3A_16 = arith.addf %mul3A_11, %add3A_15 : vector<2528x128xf32>
    %max3A = arith.constant 0.000000e+00 : f32
    %max3A_17 = vector.broadcast %max3A : f32 to vector<2528x128xf32>
    %max3A_18 = arith.maximumf %add3A_16, %max3A_17 : vector<2528x128xf32>
    %get3A_19 = arith.constant 0 : index
    %get3A_20 = arith.constant 0 : index
    %get3A_21 = vector.load %arg9[%get3A_19, %get3A_20] : memref<128x128xf32, #tpu.memory_space<vmem>>, vector<128x128xf32>
    %dot_general3A = arith.constant dense<0.000000e+00> : vector<2528x128xf32>
    %dot_general3A_22 = tpu.matmul %max3A_18, %get3A_21, %dot_general3A {dimension_numbers = #tpu.dot_dimension_numbers<[1], [0], [0], [1], [0, 0, 1, 1], [], []>, transpose_lhs_hint = false} : vector<2528x128xf32>, vector<128x128xf32>, vector<2528x128xf32> -> vector<2528x128xf32>
    %get3A_23 = arith.constant 0 : index
    %get3A_24 = arith.constant 0 : index
    %get3A_25 = vector.load %arg10[%get3A_23, %get3A_24] : memref<1x128xf32, #tpu.memory_space<vmem>>, vector<1x128xf32>
    %add3A_26 = vector.broadcast %get3A_25 : vector<1x128xf32> to vector<2528x128xf32>
    %add3A_27 = arith.addf %dot_general3A_22, %add3A_26 : vector<2528x128xf32>
    %swap3A = arith.constant 0 : index
    %swap3A_28 = arith.constant 0 : index
    %swap3A_29 = vector.load %arg11[%swap3A, %swap3A_28] : memref<2528x128xf32, #tpu.memory_space<vmem>>, vector<2528x128xf32>
    tpu.vector_store %arg11[%swap3A, %swap3A_28], %add3A_27 {strides = array<i32>} : memref<2528x128xf32, #tpu.memory_space<vmem>>, vector<2528x128xf32>,
    %get3A_30 = arith.constant 0 : index
    %get3A_31 = arith.constant 0 : index
    %get3A_32 = vector.load %arg7[%get3A_30, %get3A_31] : memref<2528x16xf32, #tpu.memory_space<vmem>>, vector<2528x16xf32>
    %slice3A_33 = vector.extract_strided_slice %get3A_32 {offsets = [0, 0], sizes = [2528, 1], strides = [1, 1]} : vector<2528x16xf32> to vector<2528x1xf32>
    %add3A_34 = arith.constant 1.000000e+00 : f32
    %add3A_35 = vector.broadcast %add3A_34 : f32 to vector<2528x1xf32>
    %add3A_36 = arith.addf %slice3A_33, %add3A_35 : vector<2528x1xf32>
    %rsqrt3A_37 = math.rsqrt %add3A_36 : vector<2528x1xf32>
    %get3A_38 = arith.constant 0 : index
    %get3A_39 = arith.constant 0 : index
    %get3A_40 = vector.load %arg5[%get3A_38, %get3A_39] : memref<2528x128xbf16, #tpu.memory_space<vmem>>, vector<2528x128xbf16>
    %convert_element_type3A_41 = arith.extf %get3A_40 : vector<2528x128xbf16> to vector<2528x128xf32>
    %get3A_42 = arith.constant 0 : index
    %get3A_43 = arith.constant 0 : index
    %get3A_44 = vector.load %arg6[%get3A_42, %get3A_43] : memref<2528x128xf32, #tpu.memory_space<vmem>>, vector<2528x128xf32>
    %add3A_45 = arith.addf %convert_element_type3A_41, %get3A_44 : vector<2528x128xf32>
    %mul3A_46 = vector.broadcast %rsqrt3A_37 : vector<2528x1xf32> to vector<2528x128xf32>
    %mul3A_47 = arith.mulf %add3A_45, %mul3A_46 : vector<2528x128xf32>
    %get3A_48 = arith.constant 0 : index
    %get3A_49 = arith.constant 0 : index
    %get3A_50 = vector.load %arg8[%get3A_48, %get3A_49] : memref<1x128xf32, #tpu.memory_space<vmem>>, vector<1x128xf32>
    %add3A_51 = vector.broadcast %get3A_50 : vector<1x128xf32> to vector<2528x128xf32>
    %add3A_52 = arith.addf %mul3A_47, %add3A_51 : vector<2528x128xf32>
    %max3A_53 = arith.constant 0.000000e+00 : f32
    %max3A_54 = vector.broadcast %max3A_53 : f32 to vector<2528x128xf32>
    %max3A_55 = arith.maximumf %add3A_52, %max3A_54 : vector<2528x128xf32>
    %get3A_56 = arith.constant 0 : index
    %get3A_57 = arith.constant 0 : index
    %get3A_58 = vector.load %arg9[%get3A_56, %get3A_57] : memref<128x128xf32, #tpu.memory_space<vmem>>, vector<128x128xf32>
    %dot_general3A_59 = arith.constant dense<0.000000e+00> : vector<2528x128xf32>
    %dot_general3A_60 = tpu.matmul %max3A_55, %get3A_58, %dot_general3A_59 {dimension_numbers = #tpu.dot_dimension_numbers<[1], [0], [0], [1], [0, 0, 1, 1], [], []>, transpose_lhs_hint = false} : vector<2528x128xf32>, vector<128x128xf32>, vector<2528x128xf32> -> vector<2528x128xf32>
    %get3A_61 = arith.constant 0 : index
    %get3A_62 = arith.constant 0 : index
    %get3A_63 = vector.load %arg10[%get3A_61, %get3A_62] : memref<1x128xf32, #tpu.memory_space<vmem>>, vector<1x128xf32>
    %add3A_64 = vector.broadcast %get3A_63 : vector<1x128xf32> to vector<2528x128xf32>
    %add3A_65 = arith.addf %dot_general3A_60, %add3A_64 : vector<2528x128xf32>
    %swap3A_66 = arith.constant 0 : index
    %swap3A_67 = arith.constant 0 : index
    %swap3A_68 = vector.load %arg12[%swap3A_66, %swap3A_67] : memref<2528x128xf32, #tpu.memory_space<vmem>>, vector<2528x128xf32>
    tpu.vector_store %arg12[%swap3A_66, %swap3A_67], %add3A_65 {strides = array<i32>} : memref<2528x128xf32, #tpu.memory_space<vmem>>, vector<2528x128xf32>,
    return
  }
  func.func @transform_0(%arg0: i32) -> (i32, i32) {
    %c0_i32 = arith.constant 0 : i32
    %c0_i32_0 = arith.constant 0 : i32
    return %arg0, %c0_i32 : i32, i32
  }
  func.func @transform_1(%arg0: i32) -> (i32, i32) {
    %c0_i32 = arith.constant 0 : i32
    %c0_i32_0 = arith.constant 0 : i32
    return %arg0, %c0_i32 : i32, i32
  }
  func.func @transform_2(%arg0: i32) -> (i32, i32) {
    %c0_i32 = arith.constant 0 : i32
    %c0_i32_0 = arith.constant 0 : i32
    return %arg0, %c0_i32 : i32, i32
  }
  func.func @transform_3(%arg0: i32) -> (i32, i32) {
    %c0_i32 = arith.constant 0 : i32
    %c0_i32_0 = arith.constant 0 : i32
    %c0_i32_1 = arith.constant 0 : i32
    return %c0_i32, %c0_i32_0 : i32, i32
  }
  func.func @transform_4(%arg0: i32) -> (i32, i32) {
    %c0_i32 = arith.constant 0 : i32
    %c0_i32_0 = arith.constant 0 : i32
    return %arg0, %c0_i32 : i32, i32
  }
  func.func @transform_5(%arg0: i32) -> (i32, i32) {
    %c0_i32 = arith.constant 0 : i32
    %c0_i32_0 = arith.constant 0 : i32
    return %arg0, %c0_i32 : i32, i32
  }
  func.func @transform_6(%arg0: i32) -> (i32, i32) {
    %c0_i32 = arith.constant 0 : i32
    %c0_i32_0 = arith.constant 0 : i32
    return %arg0, %c0_i32 : i32, i32
  }
  func.func @transform_7(%arg0: i32) -> (i32, i32) {
    %c0_i32 = arith.constant 0 : i32
    %c0_i32_0 = arith.constant 0 : i32
    %c0_i32_1 = arith.constant 0 : i32
    return %c0_i32, %c0_i32_0 : i32, i32
  }
  func.func @transform_8(%arg0: i32) -> (i32, i32) {
    %c0_i32 = arith.constant 0 : i32
    %c0_i32_0 = arith.constant 0 : i32
    %c0_i32_1 = arith.constant 0 : i32
    return %c0_i32, %c0_i32_0 : i32, i32
  }
  func.func @transform_9(%arg0: i32) -> (i32, i32) {
    %c0_i32 = arith.constant 0 : i32
    %c0_i32_0 = arith.constant 0 : i32
    %c0_i32_1 = arith.constant 0 : i32
    return %c0_i32, %c0_i32_0 : i32, i32
  }
  func.func @transform_10(%arg0: i32) -> (i32, i32) {
    %c0_i32 = arith.constant 0 : i32
    %c0_i32_0 = arith.constant 0 : i32
    return %arg0, %c0_i32 : i32, i32
  }
  func.func @transform_11(%arg0: i32) -> (i32, i32) {
    %c0_i32 = arith.constant 0 : i32
    %c0_i32_0 = arith.constant 0 : i32
    return %arg0, %c0_i32 : i32, i32
  }
}

</mosaic_0001>

<sc_bundles>
// kernel: kernel.10.cloned.1.call-start
scs
__scs_entry_jumppad:
0x0: {  	(pc) =	sbr.rel $0x88, $3  }
0x1: {  	(tag) =	ssettag $0x0;
	lr =	simm.s32 $0x1  }
0x2: {  	[smem:$0x3F97] =	sst lr;
	_ =	strace $0xD0000000  }
0x3: {  	_ = 	snop  }
0x4: {  	_ = 	snop  }
0x5: {  	_ = 	snop  }
0x6: {  	_ = 	snop  }
0x7: {  	_ = 	snop  }
__scs_overlays_trampoline_lowered:
0x8: {  	[smem:$0x3FA6] =	sst s0  }
0x9: {  	[smem:$0x3FA7] =	sst s1  }
0xa: {  	[smem:$0x3FA8] =	sst s2  }
0xb: {  	[smem:$0x3FA9] =	sst s3  }
0xc: {  	[smem:$0x3FAA] =	sst s4  }
0xd: {  	[smem:$0x3FAB] =	sst s5  }
0xe: {  	[smem:$0x3FAC] =	sst s6  }
0xf: {  	[smem:$0x3FAD] =	sst s7  }
0x10: {  	[smem:$0x3FAE] =	sst s8  }
0x11: {  	[smem:$0x3FAF] =	sst s9;
	s0 =	simm.s32 @!p0 $0x0  }
0x12: {  	s1 =	sld [smem:$0x3F95];
	s0 =	simm.s32 @p0 $0x1  }
0x13: {  	[smem:$0x3FB0] =	sst s0;
	s0 =	simm.s32 @!p1 $0x0  }
0x14: {  	s2 =	sld [smem:$0x3F94];
	s0 =	simm.s32 @p1 $0x1  }
0x15: {  	[smem:$0x3FB1] =	sst s0;
	s0 =	simm.s32 @!p2 $0x0  }
0x16: {  	s3 =	sld [smem:$0x3FDB];
	s0 =	simm.s32 @p2 $0x1  }
0x17: {  	s4 =	simm.s32 $0x1BF5;
	[smem:$0x3FB3] =	sst s0  }
0x18: {  	s0 =	sld [smem:$0x3F96];
	_ =	swait.ge [sflag:s4], $0x0  }
0x19: {  	s7 =	sld [smem:$0x3F97]  }
0x1a: {  	s8 =	sadd.s32 $0xFFFFE003, lr  }
0x1b: {  	s9 =	sadd.s32 $0xFFFFFEF7, lr;
	s5 =	simm.s32 $0xFFFFFFFF;
	p2 =	slt.u32 s8, $0xFFFFF086  }
0x1c: {  	p1 =	slt.u32 s9, $0xF7A;
	s5 =	simm.s32 @!p2 $0x0  }
0x1d: {  	s5 =	simm.s32 @p1 $0x1;
	p0 =	seq.s32 s7, s2  }
0x1e: {  	s7 =	smul.u32 @!p0 $0xF7A, s2;
	p2 =	seq.s32 @!p0 s5, $0x0  }
0x1f: {  	s9 =	smul.u32 $0xF7A, s1;
	s8 =	simm.s32 @!p0 $0x1BF5;
	p2 =	por !p2, p0  }
0x20: {  	[sflag:s8] =	ssyncset.s32 @!p0 $0xFFFFF086;
	s6 =	sadd.s32 @!p0 s3, s7;
	s7 =	simm.s32 @!p0 $0x108  }
0x21: {  	s3 =	sadd.s32 s3, s9;
	s6 =	sadd.s32 @!p0 $0x88, s6;
	s7 =	simm.s32 @p2 $0x1082  }
0x22: {  	[simem:s7], [sflag:s8] =	dma.local @!p0 [hbm:s6], $0xF7A  }
0x23: {  	s9 =	sor.u32 $0xD0000000, s2;
	s6 =	simm.s32 $0x108;
	_ =	swait.ge @!p0 [sflag:s8], $0x0  }
0x24: {  	s3 =	sadd.s32 $0x88, s3;
	s6 =	simm.s32 @!p1 $0x1082;
	[sflag:s4] =	ssyncset.s32 $0xFFFFF086  }
0x25: {  	[simem:s6], [sflag:s4] =	dma.local [hbm:s3], $0xF7A  }
0x26: {  	[smem:$0x3F97] =	sst s1;
	(tag) =	ssettag s2;
	_ =	strace s9  }
0x27: {  	s1 =	sld [smem:$0x3FA7]  }
0x28: {  	s2 =	sld [smem:$0x3FA8]  }
0x29: {  	s4 =	sld [smem:$0x3FAA]  }
0x2a: {  	p0 =	seq.s32 s5, $0x0;
	s5 =	sld [smem:$0x3FAB]  }
0x2b: {  	s6 =	sld [smem:$0x3FAC]  }
0x2c: {  	s7 =	sld [smem:$0x3FAD]  }
0x2d: {  	s3 =	simm.s32 $0x108;
	s8 =	sld [smem:$0x3FAE]  }
0x2e: {  	s3 =	simm.s32 @!p0 $0x1082;
	s9 =	sld [smem:$0x3FAF]  }
0x2f: {  	lr =	sadd.s32 s0, s3;
	s0 =	sld [smem:$0x3FA6]  }
0x30: {  	s3 =	sld [smem:$0x3FA9]  }
0x31: {  	[smem:$0x3FB2] =	sst s10  }
0x32: {  	s10 =	sld [smem:$0x3FB0];
	_ =	sdelay $0x3  }
0x33: {  	p0 =	seq.s32 s10, $0x1;
	s10 =	sld [smem:$0x3FB2];
	_ =	sdelay $0x3  }
0x34: {  	[smem:$0x3FB2] =	sst s10  }
0x35: {  	s10 =	sld [smem:$0x3FB1];
	_ =	sdelay $0x3  }
0x36: {  	p1 =	seq.s32 s10, $0x1;
	s10 =	sld [smem:$0x3FB2];
	_ =	sdelay $0x3  }
0x37: {  	[smem:$0x3FB2] =	sst s10  }
0x38: {  	s10 =	sld [smem:$0x3FB3]  }
0x39: {  	_ = 	snop;
	(pc) =	sbr.ind lr, $3  }
0x3a: {  	_ = 	snop  }
0x3b: {  	_ = 	snop  }
0x3c: {  	p2 =	seq.s32 s10, $0x1;
	s10 =	sld [smem:$0x3FB2]  }
0x3d: {  	_ =	shalt  }
0x3e: {  	_ =	shalt  }
0x3f: {  	_ =	shalt  }
0x40: {  	_ =	shalt  }
0x41: {  	_ =	shalt  }
0x42: {  	_ =	shalt  }
0x43: {  	_ =	shalt  }
0x44: {  	_ =	shalt  }
0x45: {  	_ =	shalt  }
0x46: {  	_ =	shalt  }
0x47: {  	_ =	shalt  }
0x48: {  	_ =	shalt  }
0x49: {  	_ =	shalt  }
0x4a: {  	_ =	shalt  }
0x4b: {  	_ =	shalt  }
0x4c: {  	_ =	shalt  }
0x4d: {  	_ =	shalt  }
0x4e: {  	_ =	shalt  }
0x4f: {  	_ =	shalt  }
0x50: {  	_ =	shalt  }
0x51: {  	_ =	shalt  }
0x52: {  	_ =	shalt  }
0x53: {  	_ =	shalt  }
0x54: {  	_ =	shalt  }
0x55: {  	_ =	shalt  }
0x56: {  	_ =	shalt  }
0x57: {  	_ =	shalt  }
0x58: {  	_ =	shalt  }
0x59: {  	_ =	shalt  }
0x5a: {  	_ =	shalt  }
0x5b: {  	_ =	shalt  }
0x5c: {  	_ =	shalt  }
0x5d: {  	_ =	shalt  }
0x5e: {  	_ =	shalt  }
0x5f: {  	_ =	shalt  }
0x60: {  	_ =	shalt  }
0x61: {  	_ =	shalt  }
0x62: {  	_ =	shalt  }
0x63: {  	_ =	shalt  }
0x64: {  	_ =	shalt  }
0x65: {  	_ =	shalt  }
0x66: {  	_ =	shalt  }
0x67: {  	_ =	shalt  }
0x68: {  	_ =	shalt  }
0x69: {  	_ =	shalt  }
0x6a: {  	_ =	shalt  }
0x6b: {  	_ =	shalt  }
0x6c: {  	_ =	shalt  }
0x6d: {  	_ =	shalt  }
0x6e: {  	_ =	shalt  }
0x6f: {  	_ =	shalt  }
0x70: {  	_ =	shalt  }
0x71: {  	_ =	shalt  }
0x72: {  	_ =	shalt  }
0x73: {  	_ =	shalt  }
0x74: {  	_ =	shalt  }
0x75: {  	_ =	shalt  }
0x76: {  	_ =	shalt  }
0x77: {  	_ =	shalt  }
0x78: {  	_ =	shalt  }
0x79: {  	_ =	shalt  }
0x7a: {  	_ =	shalt  }
0x7b: {  	_ =	shalt  }
0x7c: {  	_ =	shalt  }
0x7d: {  	_ =	shalt  }
0x7e: {  	_ =	shalt  }
0x7f: {  	_ =	shalt  }
0x80: {  	_ =	shalt  }
0x81: {  	_ =	shalt  }
0x82: {  	_ =	shalt  }
0x83: {  	_ =	shalt  }
0x84: {  	_ =	shalt  }
0x85: {  	_ =	shalt  }
0x86: {  	_ =	shalt  }
0x87: {  	_ =	shalt  }
.Lfunc_end0:
.L_simem_size_0:
called_computation.1_lowered:
.L_overlay_start_0:
0x88: {  	s2 =	sld [smem:$0x3FD9]  }
0x89: {  	s3 =	sld [smem:$0x3FFE];
	_ =	sdelay $0x1  }
0x8a: {  	s1 =	srdreg.scid  }
0x8b: {  	s0 =	sand.u32 $0x1, s1  }
0x8c: {  	s14 =	sshll.u32 s0, $0xA;
	s2 =	sadd.s32 s3, s2  }
0x8d: {  	s2 =	sadd.s32 s2, s14  }
0x8e: {  	[smem:$0x3FBE] =	sst s2  }
0x8f: {  	_ = 	snop  }
0x90: {  	s2 =	sld [smem:$0x3FD0];
	_ =	sdelay $0x2  }
0x91: {  	s15 =	simm.s32 $0xA;
	s4 =	simm.s32 $0x10  }
0x92: {  	[smem:s4], [sflag:s15] =	dma.local [hbm:s2], $0x1  }
0x93: {  	_ =	swait.eq [sflag:s15], $0x1  }
0x94: {  	[sflag:s15] =	ssyncset.done $0x0  }
0x95: {  	s16 =	sld [smem:$0x10];
	[sflag:s15] =	ssyncadd.s32 $0xFFFFFFFF  }
0x96: {  	s17 =	sld [smem:$0x11];
	(tm) =	ssettm $0x1  }
0x97: {  	s18 =	sld [smem:$0x3FFB];
	_ =	sdelay $0x3  }
0x98: {  	_ =	strace s18  }
0x99: {  	s4 =	sld [smem:$0x3FFC];
	_ =	sdelay $0x3  }
0x9a: {  	_ =	strace s4  }
0x9b: {  	s4 =	sld [smem:$0x3FFD];
	_ =	sdelay $0x3  }
0x9c: {  	_ =	strace s4  }
0x9d: {  	_ =	strace $0x8FFFFFFF  }
0x9e: {  	s19 =	sld [smem:$0x3FDB];
	_ =	sdelay $0x1  }
0x9f: {  	s5 =	simm.s32 $_scs_section_size  }
0xa0: {  	s6 =	simm.s32 $_size__tile_overlayer_lowered;
	s7 =	simm.s32 $_tile_overlayer_lowered  }
0xa1: {  	s22 =	simm.s32 $0x1BFF;
	s21 =	sshll.u32 s7, $0x1;
	s4 =	sadd.s32 s5, s19  }
0xa2: {  	s8 =	simm.s32 $0x0;
	s20 =	sshll.u32 s6, $0x1;
	s6 =	sadd.s32 s21, s4  }
0xa3: {  	[timem:s8], [sflag:s22] =	dma.local [hbm:s6], s20  }
0xa4: {  	_ =	swait.ge [sflag:s22], s20  }
0xa5: {  	s5 =	ssub.s32 $0x0, s20;
	[sflag:s22] =	ssyncset.done $0x0  }
0xa6: {  	[sflag:s22] =	ssyncadd.s32 s5;
	_ =	sdelay $0x1  }
0xa7: {  	s23 =	simm.s32 $0x1B8B  }
0xa8: {  	_ =	swait.ge [sflag:s23], $0x1  }
0xa9: {  	[sflag:s23] =	ssyncset.done $0x0  }
0xaa: {  	s25 =	simm.s32 $0x1B8E;
	s24 =	sld [smem:$0x3FFE];
	[sflag:s23] =	ssyncadd.s32 $0xFFFFFFFF  }
0xab: {  	s26 =	simm.s32 $execute0_lowered;
	[smem:$0x3FD2] =	sst s25  }
0xac: {  	s6 =	sshll.u32 s26, $0x1;
	_ =	strace $0x80000049;
	[dreg:$0x1] =	wrdreg $0xFFFFFFFF  }
0xad: {  	s28 =	simm.s32 $_size_execute0_lowered;
	s4 =	sadd.s32 s4, s6;
	[dreg:$0x0] =	wrdreg $0x0  }
0xae: {  	s6 =	sshll.u32 s28, $0x1;
	[dreg:$0x2] =	wrdreg s4  }
0xaf: {  	[dreg:$0x3] =	wrdreg s6  }
0xb0: {  	[dreg:$0x4] =	wrdreg $0xC0  }
0xb1: {  	_ =	task [dreg:s8], $0x5FFFF  }
0xb2: {  	[dreg:$0x1] =	wrdreg $0xFFFFFFFF  }
0xb3: {  	[dreg:$0x0] =	wrdreg $0x60  }
0xb4: {  	[dreg:$0x2] =	wrdreg s24  }
0xb5: {  	[dreg:$0x3] =	wrdreg s16  }
0xb6: {  	[dreg:$0x4] =	wrdreg s17  }
0xb7: {  	[dreg:$0x5] =	wrdreg $0x0  }
0xb8: {  	[dreg:$0x6] =	wrdreg $0x9  }
0xb9: {  	_ =	task.clear_ibuf [dreg:s8], $0x7FFFF;
	_ =	strace $0x90000049  }
0xba: {  	s29 =	simm.s32 $0x9;
	_ =	strace $0x8000004B  }
0xbb: {  	_ =	swait.ge [sflag:s29], $0x1  }
0xbc: {  	[sflag:s29] =	ssyncadd.s32 $0xFFFFFFFF  }
0xbd: {  	_ =	strace $0x9000004B  }
0xbe: {  	_ =	sfence  }
0xbf: {  	s30 =	sld [smem:$0x0];
	_ =	sdelay $0x2  }
0xc0: {  	s31 =	sshll.u32 s1, $0xD;
	s1 =	sshrl.u32 s1, $0x2  }
0xc1: {  	s3 =	sand.u32 $0x4000, s31;
	s1 =	sadd.s32 s1, s30  }
0xc2: {  	s0 =	sor.u32 s3, s0;
	s1 =	sshll.u32 s1, $0x11  }
0xc3: {  	s0 =	sor.u32 s1, s0  }
0xc4: {  	s0 =	sadd.s32 $0x8F2B, s0  }
0xc5: {  	[sflag:s0] =	ssyncadd.remote.s32 $0x1  }
0xc6: {  	_ =	sfence.sel $0xFFFF  }
0xc7: {  	[dreg:$0x0] =	wrdreg $0xFFFFFFFF;
	(pc) =	sbr.abs _section_cstart, $3  }
0xc8: {  	[dreg:$0x1] =	wrdreg $0xFFFFFFFF  }
0xc9: {  	_ =	task.clear_ibuf [dreg:s8], $0x2FFFF;
	_ =	strace $0x9FFFFFFF  }
0xca: {  	(tm) =	ssettm $0x7FFFFFFF  }
0xcb: {  	_ =	shalt  }
tec
execute0_lowered:
.L_overlay_start_1:
0x0: {  	(tag) =	ssettag $0x1  }
0x1: {  	s0 =	rddreg [dreg:$0x0]  }
0x2: {  	s4 =	rddreg [dreg:$0x1]  }
0x3: {  	s6 =	rddreg [dreg:$0x2]  }
0x4: {  	s2 =	rddreg [dreg:$0x3];
	s3 =	simm.s32 $0x0  }
0x5: {  	s25 =	simm.s32 $0x9E40;
	[smem:$0x7FF] =	sst s3  }
0x6: {  	s26 =	simm.s32 $0x9E80;
	_ =	strace $0x8000004A;
	[dreg:$0x7] =	wrdreg s25  }
0x7: {  	s9 =	simm.s32 $0x9F80;
	[dreg:$0x8] =	wrdreg s26  }
0x8: {  	s10 =	simm.s32 $0x9FC0;
	[dreg:$0xc] =	wrdreg s9  }
0x9: {  	s11 =	simm.s32 $0xA000;
	[dreg:$0xd] =	wrdreg s10  }
0xa: {  	s12 =	simm.s32 $0xA640;
	[dreg:$0xe] =	wrdreg s11  }
0xb: {  	s13 =	simm.s32 $0xA040;
	[dreg:$0xf] =	wrdreg s12  }
0xc: {  	s14 =	simm.s32 $0xA680;
	[dreg:$0x10] =	wrdreg s13  }
0xd: {  	s15 =	simm.s32 $0xA080;
	[dreg:$0x11] =	wrdreg s14  }
0xe: {  	s16 =	simm.s32 $0xA6C0;
	[dreg:$0x12] =	wrdreg s15  }
0xf: {  	s17 =	simm.s32 $0xA0C0;
	[dreg:$0x13] =	wrdreg s16  }
0x10: {  	s18 =	simm.s32 $0xA700;
	[dreg:$0x14] =	wrdreg s17  }
0x11: {  	s19 =	simm.s32 $0xA100;
	[dreg:$0x15] =	wrdreg s18  }
0x12: {  	s20 =	simm.s32 $0xA740;
	[dreg:$0x16] =	wrdreg s19  }
0x13: {  	s21 =	simm.s32 $0xA140;
	[dreg:$0x17] =	wrdreg s20  }
0x14: {  	s23 =	simm.s32 $0xA780;
	[dreg:$0x18] =	wrdreg s21  }
0x15: {  	s24 =	simm.s32 $0xA180;
	[dreg:$0x19] =	wrdreg s23  }
0x16: {  	[dreg:$0x1a] =	wrdreg s24;
	s25 =	simm.s32 $0xA7C0  }
0x17: {  	s1 =	srdreg.scid;
	s10 =	simm.s32 $0xA1C0;
	[dreg:$0x1b] =	wrdreg s25  }
0x18: {  	s8 =	stileid.u32;
	s9 =	sadd.s32 $0xC400, s0;
	[dreg:$0x1c] =	wrdreg s10  }
0x19: {  	s28 =	simm.s32 $0xAC40;
	s12 =	simm.s32 $0xA800;
	[smem:$0x7DE] =	sst s9  }
0x1a: {  	s29 =	simm.s32 $0xAC80;
	s13 =	simm.s32 $0xA200;
	[dreg:$0x1d] =	wrdreg s12  }
0x1b: {  	s30 =	simm.s32 $0xACC0;
	s14 =	simm.s32 $0xA840;
	[dreg:$0x1e] =	wrdreg s13  }
0x1c: {  	s31 =	simm.s32 $0xAD00;
	s15 =	simm.s32 $0xA240;
	[dreg:$0x1f] =	wrdreg s14  }
0x1d: {  	s1 =	sand.u32 $0x1, s1;
	s16 =	simm.s32 $0xA880;
	[smem:$0x7DF] =	sst s15  }
0x1e: {  	s7 =	smul.u32 $0x5000, s8;
	s17 =	simm.s32 $0xA280;
	[smem:$0x7E0] =	sst s16  }
0x1f: {  	s5 =	smul.u32 $0x50000, s1;
	s19 =	simm.s32 $0xA8C0;
	[smem:$0x7E1] =	sst s17  }
0x20: {  	s22 =	smul.u32 $0x13C00, s1;
	s20 =	simm.s32 $0xA2C0;
	[smem:$0x7E2] =	sst s19  }
0x21: {  	s26 =	smul.u32 $0x13C00, s8;
	s21 =	simm.s32 $0xA900;
	[smem:$0x7E3] =	sst s20  }
0x22: {  	s11 =	smul.u32 $0x13C000, s1;
	s23 =	simm.s32 $0xA300;
	[smem:$0x7E4] =	sst s21  }
0x23: {  	s1 =	ssub.s32 $0x2, s1;
	[smem:$0x7E5] =	sst s23;
	s25 =	simm.s32 $0xA940  }
0x24: {  	s24 =	sshll.u32 s8, $0x6;
	s9 =	simm.s32 $0xA980;
	[smem:$0x7E6] =	sst s25  }
0x25: {  	s18 =	sshrl.u32 s1, $0x1;
	s10 =	simm.s32 $0xA380;
	[smem:$0x7E9] =	sst s9  }
0x26: {  	s8 =	sor.u32 $0x1C03, s24;
	s12 =	simm.s32 $0xA3C0;
	[smem:$0x7EB] =	sst s10  }
0x27: {  	s13 =	simm.s32 $0xAA00;
	s14 =	simm.s32 $0xA400;
	[smem:$0x7ED] =	sst s12  }
0x28: {  	s15 =	simm.s32 $0xAA40;
	s16 =	simm.s32 $0xA440;
	[smem:$0x7EE] =	sst s13  }
0x29: {  	s17 =	simm.s32 $0xAA80;
	s19 =	simm.s32 $0xAAC0;
	[smem:$0x7EF] =	sst s14  }
0x2a: {  	s20 =	simm.s32 $0xA4C0;
	s21 =	simm.s32 $0xAB00;
	[smem:$0x7F0] =	sst s15  }
0x2b: {  	s23 =	simm.s32 $0xAB40;
	s24 =	simm.s32 $0xA540;
	[smem:$0x7F1] =	sst s16  }
0x2c: {  	s5 =	sadd.s32 s7, s5;
	s7 =	simm.s32 $0x9F40;
	[smem:$0x7F2] =	sst s17  }
0x2d: {  	s1 =	ssub.s32 s1, s18;
	s10 =	simm.s32 $0x3;
	[smem:$0x7F4] =	sst s19  }
0x2e: {  	s12 =	simm.s32 $0xA600;
	s13 =	simm.s32 $0x40;
	[smem:$0x7F5] =	sst s20  }
0x2f: {  	s14 =	simm.s32 $0xAE00;
	s15 =	simm.s32 $0xBE00;
	[smem:$0x7F6] =	sst s21  }
0x30: {  	s18 =	simm.s32 $0xA480;
	s16 =	simm.s32 $0xCE00;
	[smem:$0x7F8] =	sst s23  }
0x31: {  	s17 =	simm.s32 $0xDE00;
	s19 =	simm.s32 $0xFE00;
	[smem:$0x7F9] =	sst s24  }
0x32: {  	s20 =	simm.s32 $0x10E00;
	s21 =	simm.s32 $0x11E00;
	[smem:$0x7FC] =	sst s8  }
0x33: {  	s25 =	simm.s32 $0xAB80;
	s23 =	simm.s32 $0x2;
	[dreg:$0xb] =	wrdreg s7  }
0x34: {  	s24 =	simm.s32 $0xABC0;
	s9 =	simm.s32 $0x0;
	[smem:$0x7F3] =	sst s18  }
0x35: {  	s5 =	sshrl.u32 s5, $0x3;
	s1 =	smax.u32 s1, $0x1;
	[smem:$0x7FA] =	sst s25  }
0x36: {  	s7 =	sadd.s32 s26, s11;
	s11 =	simm.s32 $0xA9C0;
	[smem:$0x7EA] =	sst s1  }
0x37: {  	s18 =	simm.s32 $0xEE00;
	s6 =	sadd.s32 s5, s6;
	[smem:$0x7EC] =	sst s11  }
0x38: {  	s25 =	simm.s32 $0xA5C0;
	s4 =	sadd.s32 s5, s4;
	[dreg:$0x5] =	wrdreg s6  }
0x39: {  	s5 =	simm.s32 $0x9EC0;
	s7 =	sshrl.u32 s7, $0x4;
	[dreg:$0x6] =	wrdreg s4  }
0x3a: {  	s11 =	simm.s32 $0x9E00;
	s1 =	simm.s32 $0xAD40;
	[dreg:$0x9] =	wrdreg s5  }
0x3b: {  	s6 =	simm.s32 $0x9F00;
	s5 =	sadd.s32 s22, s0;
	s0 =	sadd.s32 s7, s0  }
0x3c: {  	[dreg:$0xa] =	wrdreg s6;
	s6 =	sshrl.u32 s26, $0x1;
	s26 =	simm.s32 $0xA340  }
0x3d: {  	s4 =	simm.s32 $0xADC0;
	s0 =	sadd.s32 $0xAB800, s0;
	[smem:$0x7E7] =	sst s26  }
0x3e: {  	s22 =	sadd.s32 s6, s2;
	[smem:$0x7E8] =	sst s0;
	s26 =	simm.s32 $0xA580  }
0x3f: {  	s7 =	sshrl.u32 s22, $0x3;
	s22 =	simm.s32 $0xA500;
	[smem:$0x7FB] =	sst s26  }
0x40: {  	s6 =	sadd.s32 $0x84000, s5;
	s0 =	simm.s32 $0xAD80;
	[smem:$0x7F7] =	sst s22  }
0x41: {  	s26 =	simm.s32 $0xAC00;
	s22 =	simm.s32 $0x1;
	[smem:$0x7FD] =	sst s7  }
.LBB2_1:
0x42: {  	s5 =	sld [smem:$0x7DE];
	_ =	sdelay $0x1  }
0x43: {  	[smem:$0x7DD] =	sst s9  }
0x44: {  	[spmem:s7], [sflag:s8] =	dma.local [hbm:s5], $0x13C0  }
0x45: {  	_ =	swait.ge [sflag:s10], $0x13C0  }
0x46: {  	[sflag:s10] =	ssyncset.done $0x0  }
0x47: {  	[sflag:s10] =	ssyncadd.s32 $0xFFFFEC40  }
0x48: {  	[bflag:$0x0] =	sbarrier.arrive $0xFFFF  }
0x49: {  	s7 =	rddreg [dreg:$0x6]  }
0x4a: {  	s5 =	sadd.s32 $0x0, s7  }
0x4b: {  	[tilespmem:s11], [sflag:$0x3] =	stream.linear.gather [hbm4b:s5+s3], $0x800, $0x38;
	[tilespmem:$0x12E00] =	vst v63  }
0x4c: {  	_ =	swait.ge [sflag:s10], $0x800  }
0x4d: {  	s8 =	rddreg [dreg:$0x5];
	[sflag:s10] =	ssyncset.done $0x0  }
0x4e: {  	[sflag:s10] =	ssyncadd.s32 $0xFFFFF800;
	s5 =	sadd.s32 $0x0, s8  }
0x4f: {  	[tilespmem:s12], [sflag:$0x3] =	stream.linear.gather [hbm4b:s5+s3], $0x800, $0x38;
	[tilespmem:$0x12E00] =	vst v63  }
0x50: {  	_ =	swait.ge [sflag:s10], $0x800  }
0x51: {  	[sflag:s10] =	ssyncset.done $0x0  }
0x52: {  	[sflag:s10] =	ssyncadd.s32 $0xFFFFF800  }
0x53: {  	[tilespmem:s14], [sflag:$0x1] =	stream.indirect.gather [hbm4b:s6+s13], $0x40, s11, s13, $0xb8;
	[tilespmem:$0x12E00] =	vst v63  }
0x54: {  	s9 =	rddreg [dreg:$0x7]  }
0x55: {  	[tilespmem:s15], [sflag:$0x1] =	stream.indirect.gather [hbm4b:s6+s13], $0x40, s9, s13, $0xb8;
	[tilespmem:$0x12E00] =	vst v63  }
0x56: {  	s7 =	rddreg [dreg:$0x8]  }
0x57: {  	[tilespmem:s16], [sflag:$0x1] =	stream.indirect.gather [hbm4b:s6+s13], $0x40, s7, s13, $0xb8;
	[tilespmem:$0x12E00] =	vst v63  }
0x58: {  	s9 =	rddreg [dreg:$0x9]  }
0x59: {  	[tilespmem:s17], [sflag:$0x1] =	stream.indirect.gather [hbm4b:s6+s13], $0x40, s9, s13, $0xb8;
	[tilespmem:$0x12E00] =	vst v63  }
0x5a: {  	s7 =	rddreg [dreg:$0xa]  }
0x5b: {  	[tilespmem:s18], [sflag:$0x1] =	stream.indirect.gather [hbm4b:s6+s13], $0x40, s7, s13, $0xb8;
	[tilespmem:$0x12E00] =	vst v63  }
0x5c: {  	s9 =	rddreg [dreg:$0xb]  }
0x5d: {  	[tilespmem:s19], [sflag:$0x1] =	stream.indirect.gather [hbm4b:s6+s13], $0x40, s9, s13, $0xb8;
	[tilespmem:$0x12E00] =	vst v63  }
0x5e: {  	s7 =	rddreg [dreg:$0xc]  }
0x5f: {  	[tilespmem:s20], [sflag:$0x1] =	stream.indirect.gather [hbm4b:s6+s13], $0x40, s7, s13, $0xb8;
	[tilespmem:$0x12E00] =	vst v63  }
0x60: {  	s9 =	rddreg [dreg:$0xd]  }
0x61: {  	[tilespmem:s21], [sflag:$0x1] =	stream.indirect.gather [hbm4b:s6+s13], $0x40, s9, s13, $0xb8;
	[tilespmem:$0x12E00] =	vst v63  }
0x62: {  	_ =	swait.ge [sflag:s22], $0x1000  }
0x63: {  	[sflag:s22] =	ssyncset.done $0x0  }
0x64: {  	[sflag:s22] =	ssyncadd.s32 $0xFFFFF000  }
0x65: {  	[spmem:s2] =	stream.indirect.scatter.add.bf16 [tilespmem:s14], [sflag:$0x2], $0x40, s12, s13, $0xb8;
	[tilespmem:$0x12E00] =	vst v63  }
0x66: {  	_ =	swait.ge [sflag:s23], $0x1000  }
0x67: {  	[sflag:s23] =	ssyncset.done $0x0  }
0x68: {  	s7 =	rddreg [dreg:$0xe];
	[sflag:s23] =	ssyncadd.s32 $0xFFFFF000  }
0x69: {  	[tilespmem:s14], [sflag:$0x1] =	stream.indirect.gather [hbm4b:s6+s13], $0x40, s7, s13, $0xb8;
	[tilespmem:$0x12E00] =	vst v63  }
0x6a: {  	_ =	swait.ge [sflag:s22], $0x1000  }
0x6b: {  	[sflag:s22] =	ssyncset.done $0x0  }
0x6c: {  	s8 =	rddreg [dreg:$0xf];
	[sflag:s22] =	ssyncadd.s32 $0xFFFFF000  }
0x6d: {  	[spmem:s2] =	stream.indirect.scatter.add.bf16 [tilespmem:s15], [sflag:$0x2], $0x40, s8, s13, $0xb8;
	[tilespmem:$0x12E00] =	vst v63  }
0x6e: {  	_ =	swait.ge [sflag:s23], $0x1000  }
0x6f: {  	[sflag:s23] =	ssyncset.done $0x0  }
0x70: {  	s9 =	rddreg [dreg:$0x10];
	[sflag:s23] =	ssyncadd.s32 $0xFFFFF000  }
0x71: {  	[tilespmem:s15], [sflag:$0x1] =	stream.indirect.gather [hbm4b:s6+s13], $0x40, s9, s13, $0xb8;
	[tilespmem:$0x12E00] =	vst v63  }
0x72: {  	_ =	swait.ge [sflag:s22], $0x1000  }
0x73: {  	[sflag:s22] =	ssyncset.done $0x0  }
0x74: {  	s7 =	rddreg [dreg:$0x11];
	[sflag:s22] =	ssyncadd.s32 $0xFFFFF000  }
0x75: {  	[spmem:s2] =	stream.indirect.scatter.add.bf16 [tilespmem:s16], [sflag:$0x2], $0x40, s7, s13, $0xb8;
	[tilespmem:$0x12E00] =	vst v63  }
0x76: {  	_ =	swait.ge [sflag:s23], $0x1000  }
0x77: {  	[sflag:s23] =	ssyncset.done $0x0  }
0x78: {  	s8 =	rddreg [dreg:$0x12];
	[sflag:s23] =	ssyncadd.s32 $0xFFFFF000  }
0x79: {  	[tilespmem:s16], [sflag:$0x1] =	stream.indirect.gather [hbm4b:s6+s13], $0x40, s8, s13, $0xb8;
	[tilespmem:$0x12E00] =	vst v63  }
0x7a: {  	_ =	swait.ge [sflag:s22], $0x1000  }
0x7b: {  	[sflag:s22] =	ssyncset.done $0x0  }
0x7c: {  	s9 =	rddreg [dreg:$0x13];
	[sflag:s22] =	ssyncadd.s32 $0xFFFFF000  }
0x7d: {  	[spmem:s2] =	stream.indirect.scatter.add.bf16 [tilespmem:s17], [sflag:$0x2], $0x40, s9, s13, $0xb8;
	[tilespmem:$0x12E00] =	vst v63  }
0x7e: {  	_ =	swait.ge [sflag:s23], $0x1000  }
0x7f: {  	[sflag:s23] =	ssyncset.done $0x0  }
0x80: {  	s7 =	rddreg [dreg:$0x14];
	[sflag:s23] =	ssyncadd.s32 $0xFFFFF000  }
0x81: {  	[tilespmem:s17], [sflag:$0x1] =	stream.indirect.gather [hbm4b:s6+s13], $0x40, s7, s13, $0xb8;
	[tilespmem:$0x12E00] =	vst v63  }
0x82: {  	_ =	swait.ge [sflag:s22], $0x1000  }
0x83: {  	[sflag:s22] =	ssyncset.done $0x0  }
0x84: {  	s8 =	rddreg [dreg:$0x15];
	[sflag:s22] =	ssyncadd.s32 $0xFFFFF000  }
0x85: {  	[spmem:s2] =	stream.indirect.scatter.add.bf16 [tilespmem:s18], [sflag:$0x2], $0x40, s8, s13, $0xb8;
	[tilespmem:$0x12E00] =	vst v63  }
0x86: {  	_ =	swait.ge [sflag:s23], $0x1000  }
0x87: {  	[sflag:s23] =	ssyncset.done $0x0  }
0x88: {  	s9 =	rddreg [dreg:$0x16];
	[sflag:s23] =	ssyncadd.s32 $0xFFFFF000  }
0x89: {  	[tilespmem:s18], [sflag:$0x1] =	stream.indirect.gather [hbm4b:s6+s13], $0x40, s9, s13, $0xb8;
	[tilespmem:$0x12E00] =	vst v63  }
0x8a: {  	_ =	swait.ge [sflag:s22], $0x1000  }
0x8b: {  	[sflag:s22] =	ssyncset.done $0x0  }
0x8c: {  	s7 =	rddreg [dreg:$0x17];
	[sflag:s22] =	ssyncadd.s32 $0xFFFFF000  }
0x8d: {  	[spmem:s2] =	stream.indirect.scatter.add.bf16 [tilespmem:s19], [sflag:$0x2], $0x40, s7, s13, $0xb8;
	[tilespmem:$0x12E00] =	vst v63  }
0x8e: {  	_ =	swait.ge [sflag:s23], $0x1000  }
0x8f: {  	[sflag:s23] =	ssyncset.done $0x0  }
0x90: {  	s8 =	rddreg [dreg:$0x18];
	[sflag:s23] =	ssyncadd.s32 $0xFFFFF000  }
0x91: {  	[tilespmem:s19], [sflag:$0x1] =	stream.indirect.gather [hbm4b:s6+s13], $0x40, s8, s13, $0xb8;
	[tilespmem:$0x12E00] =	vst v63  }
0x92: {  	_ =	swait.ge [sflag:s22], $0x1000  }
0x93: {  	[sflag:s22] =	ssyncset.done $0x0  }
0x94: {  	s9 =	rddreg [dreg:$0x19];
	[sflag:s22] =	ssyncadd.s32 $0xFFFFF000  }
0x95: {  	[spmem:s2] =	stream.indirect.scatter.add.bf16 [tilespmem:s20], [sflag:$0x2], $0x40, s9, s13, $0xb8;
	[tilespmem:$0x12E00] =	vst v63  }
0x96: {  	_ =	swait.ge [sflag:s23], $0x1000  }
0x97: {  	[sflag:s23] =	ssyncset.done $0x0  }
0x98: {  	s7 =	rddreg [dreg:$0x1a];
	[sflag:s23] =	ssyncadd.s32 $0xFFFFF000  }
0x99: {  	[tilespmem:s20], [sflag:$0x1] =	stream.indirect.gather [hbm4b:s6+s13], $0x40, s7, s13, $0xb8;
	[tilespmem:$0x12E00] =	vst v63  }
0x9a: {  	_ =	swait.ge [sflag:s22], $0x1000  }
0x9b: {  	[sflag:s22] =	ssyncset.done $0x0  }
0x9c: {  	s8 =	rddreg [dreg:$0x1b];
	[sflag:s22] =	ssyncadd.s32 $0xFFFFF000  }
0x9d: {  	[spmem:s2] =	stream.indirect.scatter.add.bf16 [tilespmem:s21], [sflag:$0x2], $0x40, s8, s13, $0xb8;
	[tilespmem:$0x12E00] =	vst v63  }
0x9e: {  	_ =	swait.ge [sflag:s23], $0x1000  }
0x9f: {  	[sflag:s23] =	ssyncset.done $0x0  }
0xa0: {  	s9 =	rddreg [dreg:$0x1c];
	[sflag:s23] =	ssyncadd.s32 $0xFFFFF000  }
0xa1: {  	[tilespmem:s21], [sflag:$0x1] =	stream.indirect.gather [hbm4b:s6+s13], $0x40, s9, s13, $0xb8;
	[tilespmem:$0x12E00] =	vst v63  }
0xa2: {  	_ =	swait.ge [sflag:s22], $0x1000  }
0xa3: {  	[sflag:s22] =	ssyncset.done $0x0  }
0xa4: {  	s7 =	rddreg [dreg:$0x1d];
	[sflag:s22] =	ssyncadd.s32 $0xFFFFF000  }
0xa5: {  	[spmem:s2] =	stream.indirect.scatter.add.bf16 [tilespmem:s14], [sflag:$0x2], $0x40, s7, s13, $0xb8;
	[tilespmem:$0x12E00] =	vst v63  }
0xa6: {  	_ =	swait.ge [sflag:s23], $0x1000  }
0xa7: {  	[sflag:s23] =	ssyncset.done $0x0  }
0xa8: {  	s8 =	rddreg [dreg:$0x1e];
	[sflag:s23] =	ssyncadd.s32 $0xFFFFF000  }
0xa9: {  	[tilespmem:s14], [sflag:$0x1] =	stream.indirect.gather [hbm4b:s6+s13], $0x40, s8, s13, $0xb8;
	[tilespmem:$0x12E00] =	vst v63  }
0xaa: {  	_ =	swait.ge [sflag:s22], $0x1000  }
0xab: {  	[sflag:s22] =	ssyncset.done $0x0  }
0xac: {  	s9 =	rddreg [dreg:$0x1f];
	[sflag:s22] =	ssyncadd.s32 $0xFFFFF000  }
0xad: {  	[spmem:s2] =	stream.indirect.scatter.add.bf16 [tilespmem:s15], [sflag:$0x2], $0x40, s9, s13, $0xb8;
	[tilespmem:$0x12E00] =	vst v63  }
0xae: {  	_ =	swait.ge [sflag:s23], $0x1000  }
0xaf: {  	s7 =	sld [smem:$0x7DF]  }
0xb0: {  	[sflag:s23] =	ssyncset.done $0x0  }
0xb1: {  	[sflag:s23] =	ssyncadd.s32 $0xFFFFF000  }
0xb2: {  	[tilespmem:s15], [sflag:$0x1] =	stream.indirect.gather [hbm4b:s6+s13], $0x40, s7, s13, $0xb8;
	[tilespmem:$0x12E00] =	vst v63  }
0xb3: {  	_ =	swait.ge [sflag:s22], $0x1000  }
0xb4: {  	s8 =	sld [smem:$0x7E0]  }
0xb5: {  	[sflag:s22] =	ssyncset.done $0x0  }
0xb6: {  	[sflag:s22] =	ssyncadd.s32 $0xFFFFF000  }
0xb7: {  	[spmem:s2] =	stream.indirect.scatter.add.bf16 [tilespmem:s16], [sflag:$0x2], $0x40, s8, s13, $0xb8;
	[tilespmem:$0x12E00] =	vst v63  }
0xb8: {  	_ =	swait.ge [sflag:s23], $0x1000  }
0xb9: {  	s9 =	sld [smem:$0x7E1]  }
0xba: {  	[sflag:s23] =	ssyncset.done $0x0  }
0xbb: {  	[sflag:s23] =	ssyncadd.s32 $0xFFFFF000  }
0xbc: {  	[tilespmem:s16], [sflag:$0x1] =	stream.indirect.gather [hbm4b:s6+s13], $0x40, s9, s13, $0xb8;
	[tilespmem:$0x12E00] =	vst v63  }
0xbd: {  	_ =	swait.ge [sflag:s22], $0x1000  }
0xbe: {  	s7 =	sld [smem:$0x7E2]  }
0xbf: {  	[sflag:s22] =	ssyncset.done $0x0  }
0xc0: {  	[sflag:s22] =	ssyncadd.s32 $0xFFFFF000  }
0xc1: {  	[spmem:s2] =	stream.indirect.scatter.add.bf16 [tilespmem:s17], [sflag:$0x2], $0x40, s7, s13, $0xb8;
	[tilespmem:$0x12E00] =	vst v63  }
0xc2: {  	_ =	swait.ge [sflag:s23], $0x1000  }
0xc3: {  	s8 =	sld [smem:$0x7E3]  }
0xc4: {  	[sflag:s23] =	ssyncset.done $0x0  }
0xc5: {  	[sflag:s23] =	ssyncadd.s32 $0xFFFFF000  }
0xc6: {  	[tilespmem:s17], [sflag:$0x1] =	stream.indirect.gather [hbm4b:s6+s13], $0x40, s8, s13, $0xb8;
	[tilespmem:$0x12E00] =	vst v63  }
0xc7: {  	_ =	swait.ge [sflag:s22], $0x1000  }
0xc8: {  	s9 =	sld [smem:$0x7E4]  }
0xc9: {  	[sflag:s22] =	ssyncset.done $0x0  }
0xca: {  	[sflag:s22] =	ssyncadd.s32 $0xFFFFF000  }
0xcb: {  	[spmem:s2] =	stream.indirect.scatter.add.bf16 [tilespmem:s18], [sflag:$0x2], $0x40, s9, s13, $0xb8;
	[tilespmem:$0x12E00] =	vst v63  }
0xcc: {  	_ =	swait.ge [sflag:s23], $0x1000  }
0xcd: {  	s7 =	sld [smem:$0x7E5]  }
0xce: {  	[sflag:s23] =	ssyncset.done $0x0  }
0xcf: {  	[sflag:s23] =	ssyncadd.s32 $0xFFFFF000  }
0xd0: {  	[tilespmem:s18], [sflag:$0x1] =	stream.indirect.gather [hbm4b:s6+s13], $0x40, s7, s13, $0xb8;
	[tilespmem:$0x12E00] =	vst v63  }
0xd1: {  	_ =	swait.ge [sflag:s22], $0x1000  }
0xd2: {  	s8 =	sld [smem:$0x7E6]  }
0xd3: {  	[sflag:s22] =	ssyncset.done $0x0  }
0xd4: {  	[sflag:s22] =	ssyncadd.s32 $0xFFFFF000  }
0xd5: {  	[spmem:s2] =	stream.indirect.scatter.add.bf16 [tilespmem:s19], [sflag:$0x2], $0x40, s8, s13, $0xb8;
	[tilespmem:$0x12E00] =	vst v63  }
0xd6: {  	_ =	swait.ge [sflag:s23], $0x1000  }
0xd7: {  	s9 =	sld [smem:$0x7E7]  }
0xd8: {  	[sflag:s23] =	ssyncset.done $0x0  }
0xd9: {  	[sflag:s23] =	ssyncadd.s32 $0xFFFFF000  }
0xda: {  	[tilespmem:s19], [sflag:$0x1] =	stream.indirect.gather [hbm4b:s6+s13], $0x40, s9, s13, $0xb8;
	[tilespmem:$0x12E00] =	vst v63  }
0xdb: {  	_ =	swait.ge [sflag:s22], $0x1000  }
0xdc: {  	s7 =	sld [smem:$0x7E9]  }
0xdd: {  	[sflag:s22] =	ssyncset.done $0x0  }
0xde: {  	[sflag:s22] =	ssyncadd.s32 $0xFFFFF000  }
0xdf: {  	[spmem:s2] =	stream.indirect.scatter.add.bf16 [tilespmem:s20], [sflag:$0x2], $0x40, s7, s13, $0xb8;
	[tilespmem:$0x12E00] =	vst v63  }
0xe0: {  	_ =	swait.ge [sflag:s23], $0x1000  }
0xe1: {  	s8 =	sld [smem:$0x7EB]  }
0xe2: {  	[sflag:s23] =	ssyncset.done $0x0  }
0xe3: {  	[sflag:s23] =	ssyncadd.s32 $0xFFFFF000  }
0xe4: {  	[tilespmem:s20], [sflag:$0x1] =	stream.indirect.gather [hbm4b:s6+s13], $0x40, s8, s13, $0xb8;
	[tilespmem:$0x12E00] =	vst v63  }
0xe5: {  	_ =	swait.ge [sflag:s22], $0x1000  }
0xe6: {  	s9 =	sld [smem:$0x7EC]  }
0xe7: {  	[sflag:s22] =	ssyncset.done $0x0  }
0xe8: {  	[sflag:s22] =	ssyncadd.s32 $0xFFFFF000  }
0xe9: {  	[spmem:s2] =	stream.indirect.scatter.add.bf16 [tilespmem:s21], [sflag:$0x2], $0x40, s9, s13, $0xb8;
	[tilespmem:$0x12E00] =	vst v63  }
0xea: {  	_ =	swait.ge [sflag:s23], $0x1000  }
0xeb: {  	s7 =	sld [smem:$0x7ED]  }
0xec: {  	[sflag:s23] =	ssyncset.done $0x0  }
0xed: {  	[sflag:s23] =	ssyncadd.s32 $0xFFFFF000  }
0xee: {  	[tilespmem:s21], [sflag:$0x1] =	stream.indirect.gather [hbm4b:s6+s13], $0x40, s7, s13, $0xb8;
	[tilespmem:$0x12E00] =	vst v63  }
0xef: {  	_ =	swait.ge [sflag:s22], $0x1000  }
0xf0: {  	s8 =	sld [smem:$0x7EE]  }
0xf1: {  	[sflag:s22] =	ssyncset.done $0x0  }
0xf2: {  	[sflag:s22] =	ssyncadd.s32 $0xFFFFF000  }
0xf3: {  	[spmem:s2] =	stream.indirect.scatter.add.bf16 [tilespmem:s14], [sflag:$0x2], $0x40, s8, s13, $0xb8;
	[tilespmem:$0x12E00] =	vst v63  }
0xf4: {  	_ =	swait.ge [sflag:s23], $0x1000  }
0xf5: {  	s9 =	sld [smem:$0x7EF]  }
0xf6: {  	[sflag:s23] =	ssyncset.done $0x0  }
0xf7: {  	[sflag:s23] =	ssyncadd.s32 $0xFFFFF000  }
0xf8: {  	[tilespmem:s14], [sflag:$0x1] =	stream.indirect.gather [hbm4b:s6+s13], $0x40, s9, s13, $0xb8;
	[tilespmem:$0x12E00] =	vst v63  }
0xf9: {  	_ =	swait.ge [sflag:s22], $0x1000  }
0xfa: {  	s7 =	sld [smem:$0x7F0]  }
0xfb: {  	[sflag:s22] =	ssyncset.done $0x0  }
0xfc: {  	[sflag:s22] =	ssyncadd.s32 $0xFFFFF000  }
0xfd: {  	[spmem:s2] =	stream.indirect.scatter.add.bf16 [tilespmem:s15], [sflag:$0x2], $0x40, s7, s13, $0xb8;
	[tilespmem:$0x12E00] =	vst v63  }
0xfe: {  	_ =	swait.ge [sflag:s23], $0x1000  }
0xff: {  	s8 =	sld [smem:$0x7F1]  }
0x100: {  	[sflag:s23] =	ssyncset.done $0x0  }
0x101: {  	[sflag:s23] =	ssyncadd.s32 $0xFFFFF000  }
0x102: {  	[tilespmem:s15], [sflag:$0x1] =	stream.indirect.gather [hbm4b:s6+s13], $0x40, s8, s13, $0xb8;
	[tilespmem:$0x12E00] =	vst v63  }
0x103: {  	_ =	swait.ge [sflag:s22], $0x1000  }
0x104: {  	s9 =	sld [smem:$0x7F2]  }
0x105: {  	[sflag:s22] =	ssyncset.done $0x0  }
0x106: {  	[sflag:s22] =	ssyncadd.s32 $0xFFFFF000  }
0x107: {  	[spmem:s2] =	stream.indirect.scatter.add.bf16 [tilespmem:s16], [sflag:$0x2], $0x40, s9, s13, $0xb8;
	[tilespmem:$0x12E00] =	vst v63  }
0x108: {  	_ =	swait.ge [sflag:s23], $0x1000  }
0x109: {  	s7 =	sld [smem:$0x7F3]  }
0x10a: {  	[sflag:s23] =	ssyncset.done $0x0  }
0x10b: {  	[sflag:s23] =	ssyncadd.s32 $0xFFFFF000  }
0x10c: {  	[tilespmem:s16], [sflag:$0x1] =	stream.indirect.gather [hbm4b:s6+s13], $0x40, s7, s13, $0xb8;
	[tilespmem:$0x12E00] =	vst v63  }
0x10d: {  	_ =	swait.ge [sflag:s22], $0x1000  }
0x10e: {  	s8 =	sld [smem:$0x7F4]  }
0x10f: {  	[sflag:s22] =	ssyncset.done $0x0  }
0x110: {  	[sflag:s22] =	ssyncadd.s32 $0xFFFFF000  }
0x111: {  	[spmem:s2] =	stream.indirect.scatter.add.bf16 [tilespmem:s17], [sflag:$0x2], $0x40, s8, s13, $0xb8;
	[tilespmem:$0x12E00] =	vst v63  }
0x112: {  	_ =	swait.ge [sflag:s23], $0x1000  }
0x113: {  	s9 =	sld [smem:$0x7F5]  }
0x114: {  	[sflag:s23] =	ssyncset.done $0x0  }
0x115: {  	[sflag:s23] =	ssyncadd.s32 $0xFFFFF000  }
0x116: {  	[tilespmem:s17], [sflag:$0x1] =	stream.indirect.gather [hbm4b:s6+s13], $0x40, s9, s13, $0xb8;
	[tilespmem:$0x12E00] =	vst v63  }
0x117: {  	_ =	swait.ge [sflag:s22], $0x1000  }
0x118: {  	s7 =	sld [smem:$0x7F6]  }
0x119: {  	[sflag:s22] =	ssyncset.done $0x0  }
0x11a: {  	[sflag:s22] =	ssyncadd.s32 $0xFFFFF000  }
0x11b: {  	[spmem:s2] =	stream.indirect.scatter.add.bf16 [tilespmem:s18], [sflag:$0x2], $0x40, s7, s13, $0xb8;
	[tilespmem:$0x12E00] =	vst v63  }
0x11c: {  	_ =	swait.ge [sflag:s23], $0x1000  }
0x11d: {  	s8 =	sld [smem:$0x7F7]  }
0x11e: {  	[sflag:s23] =	ssyncset.done $0x0  }
0x11f: {  	[sflag:s23] =	ssyncadd.s32 $0xFFFFF000  }
0x120: {  	[tilespmem:s18], [sflag:$0x1] =	stream.indirect.gather [hbm4b:s6+s13], $0x40, s8, s13, $0xb8;
	[tilespmem:$0x12E00] =	vst v63  }
0x121: {  	_ =	swait.ge [sflag:s22], $0x1000  }
0x122: {  	s9 =	sld [smem:$0x7F8]  }
0x123: {  	[sflag:s22] =	ssyncset.done $0x0  }
0x124: {  	[sflag:s22] =	ssyncadd.s32 $0xFFFFF000  }
0x125: {  	[spmem:s2] =	stream.indirect.scatter.add.bf16 [tilespmem:s19], [sflag:$0x2], $0x40, s9, s13, $0xb8;
	[tilespmem:$0x12E00] =	vst v63  }
0x126: {  	_ =	swait.ge [sflag:s23], $0x1000  }
0x127: {  	s7 =	sld [smem:$0x7F9]  }
0x128: {  	[sflag:s23] =	ssyncset.done $0x0  }
0x129: {  	[sflag:s23] =	ssyncadd.s32 $0xFFFFF000  }
0x12a: {  	[tilespmem:s19], [sflag:$0x1] =	stream.indirect.gather [hbm4b:s6+s13], $0x40, s7, s13, $0xb8;
	[tilespmem:$0x12E00] =	vst v63  }
0x12b: {  	_ =	swait.ge [sflag:s22], $0x1000  }
0x12c: {  	s8 =	sld [smem:$0x7FA]  }
0x12d: {  	[sflag:s22] =	ssyncset.done $0x0  }
0x12e: {  	[sflag:s22] =	ssyncadd.s32 $0xFFFFF000  }
0x12f: {  	[spmem:s2] =	stream.indirect.scatter.add.bf16 [tilespmem:s20], [sflag:$0x2], $0x40, s8, s13, $0xb8;
	[tilespmem:$0x12E00] =	vst v63  }
0x130: {  	_ =	swait.ge [sflag:s23], $0x1000  }
0x131: {  	s9 =	sld [smem:$0x7FB]  }
0x132: {  	[sflag:s23] =	ssyncset.done $0x0  }
0x133: {  	[sflag:s23] =	ssyncadd.s32 $0xFFFFF000  }
0x134: {  	[tilespmem:s20], [sflag:$0x1] =	stream.indirect.gather [hbm4b:s6+s13], $0x40, s9, s13, $0xb8;
	[tilespmem:$0x12E00] =	vst v63  }
0x135: {  	_ =	swait.ge [sflag:s22], $0x1000  }
0x136: {  	[sflag:s22] =	ssyncset.done $0x0  }
0x137: {  	[sflag:s22] =	ssyncadd.s32 $0xFFFFF000  }
0x138: {  	[spmem:s2] =	stream.indirect.scatter.add.bf16 [tilespmem:s21], [sflag:$0x2], $0x40, s24, s13, $0xb8;
	[tilespmem:$0x12E00] =	vst v63  }
0x139: {  	_ =	swait.ge [sflag:s23], $0x1000  }
0x13a: {  	[sflag:s23] =	ssyncset.done $0x0  }
0x13b: {  	[sflag:s23] =	ssyncadd.s32 $0xFFFFF000  }
0x13c: {  	[tilespmem:s21], [sflag:$0x1] =	stream.indirect.gather [hbm4b:s6+s13], $0x40, s25, s13, $0xb8;
	[tilespmem:$0x12E00] =	vst v63  }
0x13d: {  	_ =	swait.ge [sflag:s22], $0x1000  }
0x13e: {  	[sflag:s22] =	ssyncset.done $0x0  }
0x13f: {  	[sflag:s22] =	ssyncadd.s32 $0xFFFFF000  }
0x140: {  	[spmem:s2] =	stream.indirect.scatter.add.bf16 [tilespmem:s14], [sflag:$0x2], $0x40, s26, s13, $0xb8;
	[tilespmem:$0x12E00] =	vst v63  }
0x141: {  	_ =	swait.ge [sflag:s22], $0x1000  }
0x142: {  	[sflag:s22] =	ssyncset.done $0x0  }
0x143: {  	[sflag:s22] =	ssyncadd.s32 $0xFFFFF000  }
0x144: {  	[spmem:s2] =	stream.indirect.scatter.add.bf16 [tilespmem:s15], [sflag:$0x2], $0x40, s28, s13, $0xb8;
	[tilespmem:$0x12E00] =	vst v63  }
0x145: {  	_ =	swait.ge [sflag:s22], $0x1000  }
0x146: {  	[sflag:s22] =	ssyncset.done $0x0  }
0x147: {  	[sflag:s22] =	ssyncadd.s32 $0xFFFFF000  }
0x148: {  	[spmem:s2] =	stream.indirect.scatter.add.bf16 [tilespmem:s16], [sflag:$0x2], $0x40, s29, s13, $0xb8;
	[tilespmem:$0x12E00] =	vst v63  }
0x149: {  	_ =	swait.ge [sflag:s22], $0x1000  }
0x14a: {  	[sflag:s22] =	ssyncset.done $0x0  }
0x14b: {  	[sflag:s22] =	ssyncadd.s32 $0xFFFFF000  }
0x14c: {  	[spmem:s2] =	stream.indirect.scatter.add.bf16 [tilespmem:s17], [sflag:$0x2], $0x40, s30, s13, $0xb8;
	[tilespmem:$0x12E00] =	vst v63  }
0x14d: {  	_ =	swait.ge [sflag:s22], $0x1000  }
0x14e: {  	[sflag:s22] =	ssyncset.done $0x0  }
0x14f: {  	[sflag:s22] =	ssyncadd.s32 $0xFFFFF000  }
0x150: {  	[spmem:s2] =	stream.indirect.scatter.add.bf16 [tilespmem:s18], [sflag:$0x2], $0x40, s31, s13, $0xb8;
	[tilespmem:$0x12E00] =	vst v63  }
0x151: {  	_ =	swait.ge [sflag:s22], $0x1000  }
0x152: {  	[sflag:s22] =	ssyncset.done $0x0  }
0x153: {  	[sflag:s22] =	ssyncadd.s32 $0xFFFFF000  }
0x154: {  	[spmem:s2] =	stream.indirect.scatter.add.bf16 [tilespmem:s19], [sflag:$0x2], $0x40, s1, s13, $0xb8;
	[tilespmem:$0x12E00] =	vst v63  }
0x155: {  	_ =	swait.ge [sflag:s22], $0x1000  }
0x156: {  	[sflag:s22] =	ssyncset.done $0x0  }
0x157: {  	[sflag:s22] =	ssyncadd.s32 $0xFFFFF000  }
0x158: {  	[spmem:s2] =	stream.indirect.scatter.add.bf16 [tilespmem:s20], [sflag:$0x2], $0x40, s0, s13, $0xb8;
	[tilespmem:$0x12E00] =	vst v63  }
0x159: {  	_ =	swait.ge [sflag:s22], $0x1000  }
0x15a: {  	[sflag:s22] =	ssyncset.done $0x0  }
0x15b: {  	[sflag:s22] =	ssyncadd.s32 $0xFFFFF000  }
0x15c: {  	[spmem:s2] =	stream.indirect.scatter.add.bf16 [tilespmem:s21], [sflag:$0x2], $0x40, s4, s13, $0xb8;
	[tilespmem:$0x12E00] =	vst v63  }
0x15d: {  	_ =	swait.ge [sflag:s23], $0x1000  }
0x15e: {  	[sflag:s23] =	ssyncset.done $0x0  }
0x15f: {  	[sflag:s23] =	ssyncadd.s32 $0xFFFFF000  }
0x160: {  	_ =	swait.ge [sflag:s23], $0x1000  }
0x161: {  	[sflag:s23] =	ssyncset.done $0x0  }
0x162: {  	[sflag:s23] =	ssyncadd.s32 $0xFFFFF000  }
0x163: {  	_ =	swait.ge [sflag:s23], $0x1000  }
0x164: {  	[sflag:s23] =	ssyncset.done $0x0  }
0x165: {  	[sflag:s23] =	ssyncadd.s32 $0xFFFFF000  }
0x166: {  	_ =	swait.ge [sflag:s23], $0x1000  }
0x167: {  	[sflag:s23] =	ssyncset.done $0x0  }
0x168: {  	[sflag:s23] =	ssyncadd.s32 $0xFFFFF000  }
0x169: {  	_ =	swait.ge [sflag:s23], $0x1000  }
0x16a: {  	[sflag:s23] =	ssyncset.done $0x0  }
0x16b: {  	[sflag:s23] =	ssyncadd.s32 $0xFFFFF000  }
0x16c: {  	_ =	swait.ge [sflag:s23], $0x1000  }
0x16d: {  	[sflag:s23] =	ssyncset.done $0x0  }
0x16e: {  	[sflag:s23] =	ssyncadd.s32 $0xFFFFF000  }
0x16f: {  	_ =	swait.ge [sflag:s23], $0x1000  }
0x170: {  	[sflag:s23] =	ssyncset.done $0x0  }
0x171: {  	[sflag:s23] =	ssyncadd.s32 $0xFFFFF000  }
0x172: {  	s5 =	simm.s32 $0x200;
	_ =	swait.ge [sflag:s23], $0x1000  }
0x173: {  	s8 =	simm.s32 $0x100;
	s9 =	rddreg [dreg:$0x6];
	[sflag:s23] =	ssyncset.done $0x0  }
.LBB2_2:
0x174: {  	[sflag:s23] =	ssyncadd.s32 $0xFFFFF000;
	s9 =	sadd.s32 s8, s9  }
0x175: {  	[tilespmem:s11], [sflag:$0x3] =	stream.linear.gather [hbm4b:s9+s3], $0x800, $0x38;
	[tilespmem:$0x12E00] =	vst v63  }
0x176: {  	_ =	swait.ge [sflag:s10], $0x800  }
0x177: {  	s9 =	rddreg [dreg:$0x5];
	[sflag:s10] =	ssyncset.done $0x0  }
0x178: {  	[sflag:s10] =	ssyncadd.s32 $0xFFFFF800;
	s9 =	sadd.s32 s8, s9  }
0x179: {  	[tilespmem:s12], [sflag:$0x3] =	stream.linear.gather [hbm4b:s9+s3], $0x800, $0x38;
	[tilespmem:$0x12E00] =	vst v63  }
0x17a: {  	_ =	swait.ge [sflag:s10], $0x800  }
0x17b: {  	[sflag:s10] =	ssyncset.done $0x0  }
0x17c: {  	s7 =	smov.u32 s5;
	[sflag:s10] =	ssyncadd.s32 $0xFFFFF800  }
0x17d: {  	[tilespmem:s14], [sflag:$0x1] =	stream.indirect.gather [hbm4b:s6+s13], $0x40, s11, s13, $0xb8;
	[tilespmem:$0x12E00] =	vst v63  }
0x17e: {  	s8 =	smov.u32 s7;
	s7 =	rddreg [dreg:$0x7]  }
0x17f: {  	[tilespmem:s15], [sflag:$0x1] =	stream.indirect.gather [hbm4b:s6+s13], $0x40, s7, s13, $0xb8;
	[tilespmem:$0x12E00] =	vst v63  }
0x180: {  	s9 =	rddreg [dreg:$0x8]  }
0x181: {  	[tilespmem:s16], [sflag:$0x1] =	stream.indirect.gather [hbm4b:s6+s13], $0x40, s9, s13, $0xb8;
	[tilespmem:$0x12E00] =	vst v63  }
0x182: {  	s7 =	rddreg [dreg:$0x9]  }
0x183: {  	[tilespmem:s17], [sflag:$0x1] =	stream.indirect.gather [hbm4b:s6+s13], $0x40, s7, s13, $0xb8;
	[tilespmem:$0x12E00] =	vst v63  }
0x184: {  	s9 =	rddreg [dreg:$0xa]  }
0x185: {  	[tilespmem:s18], [sflag:$0x1] =	stream.indirect.gather [hbm4b:s6+s13], $0x40, s9, s13, $0xb8;
	[tilespmem:$0x12E00] =	vst v63  }
0x186: {  	s7 =	rddreg [dreg:$0xb]  }
0x187: {  	[tilespmem:s19], [sflag:$0x1] =	stream.indirect.gather [hbm4b:s6+s13], $0x40, s7, s13, $0xb8;
	[tilespmem:$0x12E00] =	vst v63  }
0x188: {  	s9 =	rddreg [dreg:$0xc]  }
0x189: {  	[tilespmem:s20], [sflag:$0x1] =	stream.indirect.gather [hbm4b:s6+s13], $0x40, s9, s13, $0xb8;
	[tilespmem:$0x12E00] =	vst v63  }
0x18a: {  	s7 =	rddreg [dreg:$0xd]  }
0x18b: {  	[tilespmem:s21], [sflag:$0x1] =	stream.indirect.gather [hbm4b:s6+s13], $0x40, s7, s13, $0xb8;
	[tilespmem:$0x12E00] =	vst v63  }
0x18c: {  	_ =	swait.ge [sflag:s22], $0x1000  }
0x18d: {  	[sflag:s22] =	ssyncset.done $0x0  }
0x18e: {  	[sflag:s22] =	ssyncadd.s32 $0xFFFFF000  }
0x18f: {  	[spmem:s2] =	stream.indirect.scatter.add.bf16 [tilespmem:s14], [sflag:$0x2], $0x40, s12, s13, $0xb8;
	[tilespmem:$0x12E00] =	vst v63  }
0x190: {  	_ =	swait.ge [sflag:s23], $0x1000  }
0x191: {  	[sflag:s23] =	ssyncset.done $0x0  }
0x192: {  	s9 =	rddreg [dreg:$0xe];
	[sflag:s23] =	ssyncadd.s32 $0xFFFFF000  }
0x193: {  	[tilespmem:s14], [sflag:$0x1] =	stream.indirect.gather [hbm4b:s6+s13], $0x40, s9, s13, $0xb8;
	[tilespmem:$0x12E00] =	vst v63  }
0x194: {  	_ =	swait.ge [sflag:s22], $0x1000  }
0x195: {  	[sflag:s22] =	ssyncset.done $0x0  }
0x196: {  	s9 =	rddreg [dreg:$0xf];
	[sflag:s22] =	ssyncadd.s32 $0xFFFFF000  }
0x197: {  	[spmem:s2] =	stream.indirect.scatter.add.bf16 [tilespmem:s15], [sflag:$0x2], $0x40, s9, s13, $0xb8;
	[tilespmem:$0x12E00] =	vst v63  }
0x198: {  	_ =	swait.ge [sflag:s23], $0x1000  }
0x199: {  	[sflag:s23] =	ssyncset.done $0x0  }
0x19a: {  	s9 =	rddreg [dreg:$0x10];
	[sflag:s23] =	ssyncadd.s32 $0xFFFFF000  }
0x19b: {  	[tilespmem:s15], [sflag:$0x1] =	stream.indirect.gather [hbm4b:s6+s13], $0x40, s9, s13, $0xb8;
	[tilespmem:$0x12E00] =	vst v63  }
0x19c: {  	_ =	swait.ge [sflag:s22], $0x1000  }
0x19d: {  	[sflag:s22] =	ssyncset.done $0x0  }
0x19e: {  	s9 =	rddreg [dreg:$0x11];
	[sflag:s22] =	ssyncadd.s32 $0xFFFFF000  }
0x19f: {  	[spmem:s2] =	stream.indirect.scatter.add.bf16 [tilespmem:s16], [sflag:$0x2], $0x40, s9, s13, $0xb8;
	[tilespmem:$0x12E00] =	vst v63  }
0x1a0: {  	_ =	swait.ge [sflag:s23], $0x1000  }
0x1a1: {  	[sflag:s23] =	ssyncset.done $0x0  }
0x1a2: {  	s9 =	rddreg [dreg:$0x12];
	[sflag:s23] =	ssyncadd.s32 $0xFFFFF000  }
0x1a3: {  	[tilespmem:s16], [sflag:$0x1] =	stream.indirect.gather [hbm4b:s6+s13], $0x40, s9, s13, $0xb8;
	[tilespmem:$0x12E00] =	vst v63  }
0x1a4: {  	_ =	swait.ge [sflag:s22], $0x1000  }
0x1a5: {  	[sflag:s22] =	ssyncset.done $0x0  }
0x1a6: {  	s9 =	rddreg [dreg:$0x13];
	[sflag:s22] =	ssyncadd.s32 $0xFFFFF000  }
0x1a7: {  	[spmem:s2] =	stream.indirect.scatter.add.bf16 [tilespmem:s17], [sflag:$0x2], $0x40, s9, s13, $0xb8;
	[tilespmem:$0x12E00] =	vst v63  }
0x1a8: {  	_ =	swait.ge [sflag:s23], $0x1000  }
0x1a9: {  	[sflag:s23] =	ssyncset.done $0x0  }
0x1aa: {  	s9 =	rddreg [dreg:$0x14];
	[sflag:s23] =	ssyncadd.s32 $0xFFFFF000  }
0x1ab: {  	[tilespmem:s17], [sflag:$0x1] =	stream.indirect.gather [hbm4b:s6+s13], $0x40, s9, s13, $0xb8;
	[tilespmem:$0x12E00] =	vst v63  }
0x1ac: {  	_ =	swait.ge [sflag:s22], $0x1000  }
0x1ad: {  	[sflag:s22] =	ssyncset.done $0x0  }
0x1ae: {  	s9 =	rddreg [dreg:$0x15];
	[sflag:s22] =	ssyncadd.s32 $0xFFFFF000  }
0x1af: {  	[spmem:s2] =	stream.indirect.scatter.add.bf16 [tilespmem:s18], [sflag:$0x2], $0x40, s9, s13, $0xb8;
	[tilespmem:$0x12E00] =	vst v63  }
0x1b0: {  	_ =	swait.ge [sflag:s23], $0x1000  }
0x1b1: {  	[sflag:s23] =	ssyncset.done $0x0  }
0x1b2: {  	s9 =	rddreg [dreg:$0x16];
	[sflag:s23] =	ssyncadd.s32 $0xFFFFF000  }
0x1b3: {  	[tilespmem:s18], [sflag:$0x1] =	stream.indirect.gather [hbm4b:s6+s13], $0x40, s9, s13, $0xb8;
	[tilespmem:$0x12E00] =	vst v63  }
0x1b4: {  	_ =	swait.ge [sflag:s22], $0x1000  }
0x1b5: {  	[sflag:s22] =	ssyncset.done $0x0  }
0x1b6: {  	s9 =	rddreg [dreg:$0x17];
	[sflag:s22] =	ssyncadd.s32 $0xFFFFF000  }
0x1b7: {  	[spmem:s2] =	stream.indirect.scatter.add.bf16 [tilespmem:s19], [sflag:$0x2], $0x40, s9, s13, $0xb8;
	[tilespmem:$0x12E00] =	vst v63  }
0x1b8: {  	_ =	swait.ge [sflag:s23], $0x1000  }
0x1b9: {  	[sflag:s23] =	ssyncset.done $0x0  }
0x1ba: {  	s9 =	rddreg [dreg:$0x18];
	[sflag:s23] =	ssyncadd.s32 $0xFFFFF000  }
0x1bb: {  	[tilespmem:s19], [sflag:$0x1] =	stream.indirect.gather [hbm4b:s6+s13], $0x40, s9, s13, $0xb8;
	[tilespmem:$0x12E00] =	vst v63  }
0x1bc: {  	_ =	swait.ge [sflag:s22], $0x1000  }
0x1bd: {  	[sflag:s22] =	ssyncset.done $0x0  }
0x1be: {  	s9 =	rddreg [dreg:$0x19];
	[sflag:s22] =	ssyncadd.s32 $0xFFFFF000  }
0x1bf: {  	[spmem:s2] =	stream.indirect.scatter.add.bf16 [tilespmem:s20], [sflag:$0x2], $0x40, s9, s13, $0xb8;
	[tilespmem:$0x12E00] =	vst v63  }
0x1c0: {  	_ =	swait.ge [sflag:s23], $0x1000  }
0x1c1: {  	[sflag:s23] =	ssyncset.done $0x0  }
0x1c2: {  	s9 =	rddreg [dreg:$0x1a];
	[sflag:s23] =	ssyncadd.s32 $0xFFFFF000  }
0x1c3: {  	[tilespmem:s20], [sflag:$0x1] =	stream.indirect.gather [hbm4b:s6+s13], $0x40, s9, s13, $0xb8;
	[tilespmem:$0x12E00] =	vst v63  }
0x1c4: {  	_ =	swait.ge [sflag:s22], $0x1000  }
0x1c5: {  	[sflag:s22] =	ssyncset.done $0x0  }
0x1c6: {  	s9 =	rddreg [dreg:$0x1b];
	[sflag:s22] =	ssyncadd.s32 $0xFFFFF000  }
0x1c7: {  	[spmem:s2] =	stream.indirect.scatter.add.bf16 [tilespmem:s21], [sflag:$0x2], $0x40, s9, s13, $0xb8;
	[tilespmem:$0x12E00] =	vst v63  }
0x1c8: {  	_ =	swait.ge [sflag:s23], $0x1000  }
0x1c9: {  	[sflag:s23] =	ssyncset.done $0x0  }
0x1ca: {  	s9 =	rddreg [dreg:$0x1c];
	[sflag:s23] =	ssyncadd.s32 $0xFFFFF000  }
0x1cb: {  	[tilespmem:s21], [sflag:$0x1] =	stream.indirect.gather [hbm4b:s6+s13], $0x40, s9, s13, $0xb8;
	[tilespmem:$0x12E00] =	vst v63  }
0x1cc: {  	_ =	swait.ge [sflag:s22], $0x1000  }
0x1cd: {  	[sflag:s22] =	ssyncset.done $0x0  }
0x1ce: {  	s9 =	rddreg [dreg:$0x1d];
	[sflag:s22] =	ssyncadd.s32 $0xFFFFF000  }
0x1cf: {  	[spmem:s2] =	stream.indirect.scatter.add.bf16 [tilespmem:s14], [sflag:$0x2], $0x40, s9, s13, $0xb8;
	[tilespmem:$0x12E00] =	vst v63  }
0x1d0: {  	_ =	swait.ge [sflag:s23], $0x1000  }
0x1d1: {  	[sflag:s23] =	ssyncset.done $0x0  }
0x1d2: {  	s9 =	rddreg [dreg:$0x1e];
	[sflag:s23] =	ssyncadd.s32 $0xFFFFF000  }
0x1d3: {  	[tilespmem:s14], [sflag:$0x1] =	stream.indirect.gather [hbm4b:s6+s13], $0x40, s9, s13, $0xb8;
	[tilespmem:$0x12E00] =	vst v63  }
0x1d4: {  	_ =	swait.ge [sflag:s22], $0x1000  }
0x1d5: {  	[sflag:s22] =	ssyncset.done $0x0  }
0x1d6: {  	s9 =	rddreg [dreg:$0x1f];
	[sflag:s22] =	ssyncadd.s32 $0xFFFFF000  }
0x1d7: {  	[spmem:s2] =	stream.indirect.scatter.add.bf16 [tilespmem:s15], [sflag:$0x2], $0x40, s9, s13, $0xb8;
	[tilespmem:$0x12E00] =	vst v63  }
0x1d8: {  	_ =	swait.ge [sflag:s23], $0x1000  }
0x1d9: {  	s9 =	sld [smem:$0x7DF]  }
0x1da: {  	[sflag:s23] =	ssyncset.done $0x0  }
0x1db: {  	[sflag:s23] =	ssyncadd.s32 $0xFFFFF000  }
0x1dc: {  	[tilespmem:s15], [sflag:$0x1] =	stream.indirect.gather [hbm4b:s6+s13], $0x40, s9, s13, $0xb8;
	[tilespmem:$0x12E00] =	vst v63  }
0x1dd: {  	_ =	swait.ge [sflag:s22], $0x1000  }
0x1de: {  	s9 =	sld [smem:$0x7E0]  }
0x1df: {  	[sflag:s22] =	ssyncset.done $0x0  }
0x1e0: {  	[sflag:s22] =	ssyncadd.s32 $0xFFFFF000  }
0x1e1: {  	[spmem:s2] =	stream.indirect.scatter.add.bf16 [tilespmem:s16], [sflag:$0x2], $0x40, s9, s13, $0xb8;
	[tilespmem:$0x12E00] =	vst v63  }
0x1e2: {  	_ =	swait.ge [sflag:s23], $0x1000  }
0x1e3: {  	s9 =	sld [smem:$0x7E1]  }
0x1e4: {  	[sflag:s23] =	ssyncset.done $0x0  }
0x1e5: {  	[sflag:s23] =	ssyncadd.s32 $0xFFFFF000  }
0x1e6: {  	[tilespmem:s16], [sflag:$0x1] =	stream.indirect.gather [hbm4b:s6+s13], $0x40, s9, s13, $0xb8;
	[tilespmem:$0x12E00] =	vst v63  }
0x1e7: {  	_ =	swait.ge [sflag:s22], $0x1000  }
0x1e8: {  	s9 =	sld [smem:$0x7E2]  }
0x1e9: {  	[sflag:s22] =	ssyncset.done $0x0  }
0x1ea: {  	[sflag:s22] =	ssyncadd.s32 $0xFFFFF000  }
0x1eb: {  	[spmem:s2] =	stream.indirect.scatter.add.bf16 [tilespmem:s17], [sflag:$0x2], $0x40, s9, s13, $0xb8;
	[tilespmem:$0x12E00] =	vst v63  }
0x1ec: {  	_ =	swait.ge [sflag:s23], $0x1000  }
0x1ed: {  	s9 =	sld [smem:$0x7E3]  }
0x1ee: {  	[sflag:s23] =	ssyncset.done $0x0  }
0x1ef: {  	[sflag:s23] =	ssyncadd.s32 $0xFFFFF000  }
0x1f0: {  	[tilespmem:s17], [sflag:$0x1] =	stream.indirect.gather [hbm4b:s6+s13], $0x40, s9, s13, $0xb8;
	[tilespmem:$0x12E00] =	vst v63  }
0x1f1: {  	_ =	swait.ge [sflag:s22], $0x1000  }
0x1f2: {  	s9 =	sld [smem:$0x7E4]  }
0x1f3: {  	[sflag:s22] =	ssyncset.done $0x0  }
0x1f4: {  	[sflag:s22] =	ssyncadd.s32 $0xFFFFF000  }
0x1f5: {  	[spmem:s2] =	stream.indirect.scatter.add.bf16 [tilespmem:s18], [sflag:$0x2], $0x40, s9, s13, $0xb8;
	[tilespmem:$0x12E00] =	vst v63  }
0x1f6: {  	_ =	swait.ge [sflag:s23], $0x1000  }
0x1f7: {  	s9 =	sld [smem:$0x7E5]  }
0x1f8: {  	[sflag:s23] =	ssyncset.done $0x0  }
0x1f9: {  	[sflag:s23] =	ssyncadd.s32 $0xFFFFF000  }
0x1fa: {  	[tilespmem:s18], [sflag:$0x1] =	stream.indirect.gather [hbm4b:s6+s13], $0x40, s9, s13, $0xb8;
	[tilespmem:$0x12E00] =	vst v63  }
0x1fb: {  	_ =	swait.ge [sflag:s22], $0x1000  }
0x1fc: {  	s9 =	sld [smem:$0x7E6]  }
0x1fd: {  	[sflag:s22] =	ssyncset.done $0x0  }
0x1fe: {  	[sflag:s22] =	ssyncadd.s32 $0xFFFFF000  }
0x1ff: {  	[spmem:s2] =	stream.indirect.scatter.add.bf16 [tilespmem:s19], [sflag:$0x2], $0x40, s9, s13, $0xb8;
	[tilespmem:$0x12E00] =	vst v63  }
0x200: {  	_ =	swait.ge [sflag:s23], $0x1000  }
0x201: {  	s9 =	sld [smem:$0x7E7]  }
0x202: {  	[sflag:s23] =	ssyncset.done $0x0  }
0x203: {  	[sflag:s23] =	ssyncadd.s32 $0xFFFFF000  }
0x204: {  	[tilespmem:s19], [sflag:$0x1] =	stream.indirect.gather [hbm4b:s6+s13], $0x40, s9, s13, $0xb8;
	[tilespmem:$0x12E00] =	vst v63  }
0x205: {  	_ =	swait.ge [sflag:s22], $0x1000  }
0x206: {  	s9 =	sld [smem:$0x7E9]  }
0x207: {  	[sflag:s22] =	ssyncset.done $0x0  }
0x208: {  	[sflag:s22] =	ssyncadd.s32 $0xFFFFF000  }
0x209: {  	[spmem:s2] =	stream.indirect.scatter.add.bf16 [tilespmem:s20], [sflag:$0x2], $0x40, s9, s13, $0xb8;
	[tilespmem:$0x12E00] =	vst v63  }
0x20a: {  	_ =	swait.ge [sflag:s23], $0x1000  }
0x20b: {  	s9 =	sld [smem:$0x7EB]  }
0x20c: {  	[sflag:s23] =	ssyncset.done $0x0  }
0x20d: {  	[sflag:s23] =	ssyncadd.s32 $0xFFFFF000  }
0x20e: {  	[tilespmem:s20], [sflag:$0x1] =	stream.indirect.gather [hbm4b:s6+s13], $0x40, s9, s13, $0xb8;
	[tilespmem:$0x12E00] =	vst v63  }
0x20f: {  	_ =	swait.ge [sflag:s22], $0x1000  }
0x210: {  	s9 =	sld [smem:$0x7EC]  }
0x211: {  	[sflag:s22] =	ssyncset.done $0x0  }
0x212: {  	[sflag:s22] =	ssyncadd.s32 $0xFFFFF000  }
0x213: {  	[spmem:s2] =	stream.indirect.scatter.add.bf16 [tilespmem:s21], [sflag:$0x2], $0x40, s9, s13, $0xb8;
	[tilespmem:$0x12E00] =	vst v63  }
0x214: {  	_ =	swait.ge [sflag:s23], $0x1000  }
0x215: {  	s9 =	sld [smem:$0x7ED]  }
0x216: {  	[sflag:s23] =	ssyncset.done $0x0  }
0x217: {  	[sflag:s23] =	ssyncadd.s32 $0xFFFFF000  }
0x218: {  	[tilespmem:s21], [sflag:$0x1] =	stream.indirect.gather [hbm4b:s6+s13], $0x40, s9, s13, $0xb8;
	[tilespmem:$0x12E00] =	vst v63  }
0x219: {  	_ =	swait.ge [sflag:s22], $0x1000  }
0x21a: {  	s9 =	sld [smem:$0x7EE]  }
0x21b: {  	[sflag:s22] =	ssyncset.done $0x0  }
0x21c: {  	[sflag:s22] =	ssyncadd.s32 $0xFFFFF000  }
0x21d: {  	[spmem:s2] =	stream.indirect.scatter.add.bf16 [tilespmem:s14], [sflag:$0x2], $0x40, s9, s13, $0xb8;
	[tilespmem:$0x12E00] =	vst v63  }
0x21e: {  	_ =	swait.ge [sflag:s23], $0x1000  }
0x21f: {  	s9 =	sld [smem:$0x7EF]  }
0x220: {  	[sflag:s23] =	ssyncset.done $0x0  }
0x221: {  	[sflag:s23] =	ssyncadd.s32 $0xFFFFF000  }
0x222: {  	[tilespmem:s14], [sflag:$0x1] =	stream.indirect.gather [hbm4b:s6+s13], $0x40, s9, s13, $0xb8;
	[tilespmem:$0x12E00] =	vst v63  }
0x223: {  	_ =	swait.ge [sflag:s22], $0x1000  }
0x224: {  	s9 =	sld [smem:$0x7F0]  }
0x225: {  	[sflag:s22] =	ssyncset.done $0x0  }
0x226: {  	[sflag:s22] =	ssyncadd.s32 $0xFFFFF000  }
0x227: {  	[spmem:s2] =	stream.indirect.scatter.add.bf16 [tilespmem:s15], [sflag:$0x2], $0x40, s9, s13, $0xb8;
	[tilespmem:$0x12E00] =	vst v63  }
0x228: {  	_ =	swait.ge [sflag:s23], $0x1000  }
0x229: {  	s9 =	sld [smem:$0x7F1]  }
0x22a: {  	[sflag:s23] =	ssyncset.done $0x0  }
0x22b: {  	[sflag:s23] =	ssyncadd.s32 $0xFFFFF000  }
0x22c: {  	[tilespmem:s15], [sflag:$0x1] =	stream.indirect.gather [hbm4b:s6+s13], $0x40, s9, s13, $0xb8;
	[tilespmem:$0x12E00] =	vst v63  }
0x22d: {  	_ =	swait.ge [sflag:s22], $0x1000  }
0x22e: {  	s9 =	sld [smem:$0x7F2]  }
0x22f: {  	[sflag:s22] =	ssyncset.done $0x0  }
0x230: {  	[sflag:s22] =	ssyncadd.s32 $0xFFFFF000  }
0x231: {  	[spmem:s2] =	stream.indirect.scatter.add.bf16 [tilespmem:s16], [sflag:$0x2], $0x40, s9, s13, $0xb8;
	[tilespmem:$0x12E00] =	vst v63  }
0x232: {  	_ =	swait.ge [sflag:s23], $0x1000  }
0x233: {  	s9 =	sld [smem:$0x7F3]  }
0x234: {  	[sflag:s23] =	ssyncset.done $0x0  }
0x235: {  	[sflag:s23] =	ssyncadd.s32 $0xFFFFF000  }
0x236: {  	[tilespmem:s16], [sflag:$0x1] =	stream.indirect.gather [hbm4b:s6+s13], $0x40, s9, s13, $0xb8;
	[tilespmem:$0x12E00] =	vst v63  }
0x237: {  	_ =	swait.ge [sflag:s22], $0x1000  }
0x238: {  	s9 =	sld [smem:$0x7F4]  }
0x239: {  	[sflag:s22] =	ssyncset.done $0x0  }
0x23a: {  	[sflag:s22] =	ssyncadd.s32 $0xFFFFF000  }
0x23b: {  	[spmem:s2] =	stream.indirect.scatter.add.bf16 [tilespmem:s17], [sflag:$0x2], $0x40, s9, s13, $0xb8;
	[tilespmem:$0x12E00] =	vst v63  }
0x23c: {  	_ =	swait.ge [sflag:s23], $0x1000  }
0x23d: {  	s9 =	sld [smem:$0x7F5]  }
0x23e: {  	[sflag:s23] =	ssyncset.done $0x0  }
0x23f: {  	[sflag:s23] =	ssyncadd.s32 $0xFFFFF000  }
0x240: {  	[tilespmem:s17], [sflag:$0x1] =	stream.indirect.gather [hbm4b:s6+s13], $0x40, s9, s13, $0xb8;
	[tilespmem:$0x12E00] =	vst v63  }
0x241: {  	_ =	swait.ge [sflag:s22], $0x1000  }
0x242: {  	s9 =	sld [smem:$0x7F6]  }
0x243: {  	[sflag:s22] =	ssyncset.done $0x0  }
0x244: {  	[sflag:s22] =	ssyncadd.s32 $0xFFFFF000  }
0x245: {  	[spmem:s2] =	stream.indirect.scatter.add.bf16 [tilespmem:s18], [sflag:$0x2], $0x40, s9, s13, $0xb8;
	[tilespmem:$0x12E00] =	vst v63  }
0x246: {  	_ =	swait.ge [sflag:s23], $0x1000  }
0x247: {  	s9 =	sld [smem:$0x7F7]  }
0x248: {  	[sflag:s23] =	ssyncset.done $0x0  }
0x249: {  	[sflag:s23] =	ssyncadd.s32 $0xFFFFF000  }
0x24a: {  	[tilespmem:s18], [sflag:$0x1] =	stream.indirect.gather [hbm4b:s6+s13], $0x40, s9, s13, $0xb8;
	[tilespmem:$0x12E00] =	vst v63  }
0x24b: {  	_ =	swait.ge [sflag:s22], $0x1000  }
0x24c: {  	s9 =	sld [smem:$0x7F8]  }
0x24d: {  	[sflag:s22] =	ssyncset.done $0x0  }
0x24e: {  	[sflag:s22] =	ssyncadd.s32 $0xFFFFF000  }
0x24f: {  	[spmem:s2] =	stream.indirect.scatter.add.bf16 [tilespmem:s19], [sflag:$0x2], $0x40, s9, s13, $0xb8;
	[tilespmem:$0x12E00] =	vst v63  }
0x250: {  	_ =	swait.ge [sflag:s23], $0x1000  }
0x251: {  	s9 =	sld [smem:$0x7F9]  }
0x252: {  	[sflag:s23] =	ssyncset.done $0x0  }
0x253: {  	[sflag:s23] =	ssyncadd.s32 $0xFFFFF000  }
0x254: {  	[tilespmem:s19], [sflag:$0x1] =	stream.indirect.gather [hbm4b:s6+s13], $0x40, s9, s13, $0xb8;
	[tilespmem:$0x12E00] =	vst v63  }
0x255: {  	_ =	swait.ge [sflag:s22], $0x1000  }
0x256: {  	s9 =	sld [smem:$0x7FA]  }
0x257: {  	[sflag:s22] =	ssyncset.done $0x0  }
0x258: {  	[sflag:s22] =	ssyncadd.s32 $0xFFFFF000  }
0x259: {  	[spmem:s2] =	stream.indirect.scatter.add.bf16 [tilespmem:s20], [sflag:$0x2], $0x40, s9, s13, $0xb8;
	[tilespmem:$0x12E00] =	vst v63  }
0x25a: {  	_ =	swait.ge [sflag:s23], $0x1000  }
0x25b: {  	s9 =	sld [smem:$0x7FB]  }
0x25c: {  	[sflag:s23] =	ssyncset.done $0x0  }
0x25d: {  	[sflag:s23] =	ssyncadd.s32 $0xFFFFF000  }
0x25e: {  	[tilespmem:s20], [sflag:$0x1] =	stream.indirect.gather [hbm4b:s6+s13], $0x40, s9, s13, $0xb8;
	[tilespmem:$0x12E00] =	vst v63  }
0x25f: {  	_ =	swait.ge [sflag:s22], $0x1000  }
0x260: {  	[sflag:s22] =	ssyncset.done $0x0  }
0x261: {  	[sflag:s22] =	ssyncadd.s32 $0xFFFFF000  }
0x262: {  	[spmem:s2] =	stream.indirect.scatter.add.bf16 [tilespmem:s21], [sflag:$0x2], $0x40, s24, s13, $0xb8;
	[tilespmem:$0x12E00] =	vst v63  }
0x263: {  	_ =	swait.ge [sflag:s23], $0x1000  }
0x264: {  	[sflag:s23] =	ssyncset.done $0x0  }
0x265: {  	[sflag:s23] =	ssyncadd.s32 $0xFFFFF000  }
0x266: {  	[tilespmem:s21], [sflag:$0x1] =	stream.indirect.gather [hbm4b:s6+s13], $0x40, s25, s13, $0xb8;
	[tilespmem:$0x12E00] =	vst v63  }
0x267: {  	_ =	swait.ge [sflag:s22], $0x1000  }
0x268: {  	[sflag:s22] =	ssyncset.done $0x0  }
0x269: {  	[sflag:s22] =	ssyncadd.s32 $0xFFFFF000  }
0x26a: {  	[spmem:s2] =	stream.indirect.scatter.add.bf16 [tilespmem:s14], [sflag:$0x2], $0x40, s26, s13, $0xb8;
	[tilespmem:$0x12E00] =	vst v63  }
0x26b: {  	_ =	swait.ge [sflag:s22], $0x1000  }
0x26c: {  	[sflag:s22] =	ssyncset.done $0x0  }
0x26d: {  	[sflag:s22] =	ssyncadd.s32 $0xFFFFF000  }
0x26e: {  	[spmem:s2] =	stream.indirect.scatter.add.bf16 [tilespmem:s15], [sflag:$0x2], $0x40, s28, s13, $0xb8;
	[tilespmem:$0x12E00] =	vst v63  }
0x26f: {  	_ =	swait.ge [sflag:s22], $0x1000  }
0x270: {  	[sflag:s22] =	ssyncset.done $0x0  }
0x271: {  	[sflag:s22] =	ssyncadd.s32 $0xFFFFF000  }
0x272: {  	[spmem:s2] =	stream.indirect.scatter.add.bf16 [tilespmem:s16], [sflag:$0x2], $0x40, s29, s13, $0xb8;
	[tilespmem:$0x12E00] =	vst v63  }
0x273: {  	_ =	swait.ge [sflag:s22], $0x1000  }
0x274: {  	[sflag:s22] =	ssyncset.done $0x0  }
0x275: {  	[sflag:s22] =	ssyncadd.s32 $0xFFFFF000  }
0x276: {  	[spmem:s2] =	stream.indirect.scatter.add.bf16 [tilespmem:s17], [sflag:$0x2], $0x40, s30, s13, $0xb8;
	[tilespmem:$0x12E00] =	vst v63  }
0x277: {  	_ =	swait.ge [sflag:s22], $0x1000  }
0x278: {  	[sflag:s22] =	ssyncset.done $0x0  }
0x279: {  	[sflag:s22] =	ssyncadd.s32 $0xFFFFF000  }
0x27a: {  	[spmem:s2] =	stream.indirect.scatter.add.bf16 [tilespmem:s18], [sflag:$0x2], $0x40, s31, s13, $0xb8;
	[tilespmem:$0x12E00] =	vst v63  }
0x27b: {  	_ =	swait.ge [sflag:s22], $0x1000  }
0x27c: {  	[sflag:s22] =	ssyncset.done $0x0  }
0x27d: {  	[sflag:s22] =	ssyncadd.s32 $0xFFFFF000  }
0x27e: {  	[spmem:s2] =	stream.indirect.scatter.add.bf16 [tilespmem:s19], [sflag:$0x2], $0x40, s1, s13, $0xb8;
	[tilespmem:$0x12E00] =	vst v63  }
0x27f: {  	_ =	swait.ge [sflag:s22], $0x1000  }
0x280: {  	[sflag:s22] =	ssyncset.done $0x0  }
0x281: {  	[sflag:s22] =	ssyncadd.s32 $0xFFFFF000  }
0x282: {  	[spmem:s2] =	stream.indirect.scatter.add.bf16 [tilespmem:s20], [sflag:$0x2], $0x40, s0, s13, $0xb8;
	[tilespmem:$0x12E00] =	vst v63  }
0x283: {  	_ =	swait.ge [sflag:s22], $0x1000  }
0x284: {  	[sflag:s22] =	ssyncset.done $0x0  }
0x285: {  	[sflag:s22] =	ssyncadd.s32 $0xFFFFF000  }
0x286: {  	[spmem:s2] =	stream.indirect.scatter.add.bf16 [tilespmem:s21], [sflag:$0x2], $0x40, s4, s13, $0xb8;
	[tilespmem:$0x12E00] =	vst v63  }
0x287: {  	_ =	swait.ge [sflag:s23], $0x1000  }
0x288: {  	[sflag:s23] =	ssyncset.done $0x0  }
0x289: {  	[sflag:s23] =	ssyncadd.s32 $0xFFFFF000  }
0x28a: {  	_ =	swait.ge [sflag:s23], $0x1000  }
0x28b: {  	[sflag:s23] =	ssyncset.done $0x0  }
0x28c: {  	[sflag:s23] =	ssyncadd.s32 $0xFFFFF000  }
0x28d: {  	_ =	swait.ge [sflag:s23], $0x1000  }
0x28e: {  	[sflag:s23] =	ssyncset.done $0x0  }
0x28f: {  	[sflag:s23] =	ssyncadd.s32 $0xFFFFF000  }
0x290: {  	_ =	swait.ge [sflag:s23], $0x1000  }
0x291: {  	[sflag:s23] =	ssyncset.done $0x0  }
0x292: {  	[sflag:s23] =	ssyncadd.s32 $0xFFFFF000  }
0x293: {  	_ =	swait.ge [sflag:s23], $0x1000  }
0x294: {  	[sflag:s23] =	ssyncset.done $0x0  }
0x295: {  	[sflag:s23] =	ssyncadd.s32 $0xFFFFF000  }
0x296: {  	_ =	swait.ge [sflag:s23], $0x1000  }
0x297: {  	[sflag:s23] =	ssyncset.done $0x0  }
0x298: {  	p0 =	sne.s32 s5, $0x900;
	[sflag:s23] =	ssyncadd.s32 $0xFFFFF000  }
.Ltmp0:
0x299: {  	_ =	swait.ge [sflag:s23], $0x1000;
	(pc) =	sbr.rel @p0 .LBB2_2-.Ltmp0, $4  }
0x29a: {  	[sflag:s23] =	ssyncset.done $0x0  }
0x29b: {  	[sflag:s23] =	ssyncadd.s32 $0xFFFFF000  }
0x29c: {  	_ =	swait.ge [sflag:s23], $0x1000  }
0x29d: {  	s5 =	sadd.s32 $0x100, s5;
	s9 =	rddreg [dreg:$0x6];
	[sflag:s23] =	ssyncset.done $0x0  }
0x29e: {  	[sflag:s23] =	ssyncadd.s32 $0xFFFFF000;
	s5 =	sadd.s32 s8, s9  }
0x29f: {  	[tilespmem:s11], [sflag:$0x3] =	stream.linear.gather [hbm4b:s5+s3], $0x800, $0x38;
	[tilespmem:$0x12E00] =	vst v63  }
0x2a0: {  	_ =	swait.ge [sflag:s10], $0x800  }
0x2a1: {  	s7 =	rddreg [dreg:$0x5];
	[sflag:s10] =	ssyncset.done $0x0  }
0x2a2: {  	[sflag:s10] =	ssyncadd.s32 $0xFFFFF800;
	s5 =	sadd.s32 s8, s7  }
0x2a3: {  	[tilespmem:s12], [sflag:$0x3] =	stream.linear.gather [hbm4b:s5+s3], $0x800, $0x38;
	[tilespmem:$0x12E00] =	vst v63  }
0x2a4: {  	_ =	swait.ge [sflag:s10], $0x800  }
0x2a5: {  	[sflag:s10] =	ssyncset.done $0x0  }
0x2a6: {  	[sflag:s10] =	ssyncadd.s32 $0xFFFFF800  }
0x2a7: {  	[tilespmem:s14], [sflag:$0x1] =	stream.indirect.gather [hbm4b:s6+s13], $0x40, s11, s13, $0xb8;
	[tilespmem:$0x12E00] =	vst v63  }
0x2a8: {  	s9 =	rddreg [dreg:$0x7]  }
0x2a9: {  	[tilespmem:s15], [sflag:$0x1] =	stream.indirect.gather [hbm4b:s6+s13], $0x40, s9, s13, $0xb8;
	[tilespmem:$0x12E00] =	vst v63  }
0x2aa: {  	s7 =	rddreg [dreg:$0x8]  }
0x2ab: {  	[tilespmem:s16], [sflag:$0x1] =	stream.indirect.gather [hbm4b:s6+s13], $0x40, s7, s13, $0xb8;
	[tilespmem:$0x12E00] =	vst v63  }
0x2ac: {  	s8 =	rddreg [dreg:$0x9]  }
0x2ad: {  	[tilespmem:s17], [sflag:$0x1] =	stream.indirect.gather [hbm4b:s6+s13], $0x40, s8, s13, $0xb8;
	[tilespmem:$0x12E00] =	vst v63  }
0x2ae: {  	s9 =	rddreg [dreg:$0xa]  }
0x2af: {  	[tilespmem:s18], [sflag:$0x1] =	stream.indirect.gather [hbm4b:s6+s13], $0x40, s9, s13, $0xb8;
	[tilespmem:$0x12E00] =	vst v63  }
0x2b0: {  	s8 =	rddreg [dreg:$0xb]  }
0x2b1: {  	[tilespmem:s19], [sflag:$0x1] =	stream.indirect.gather [hbm4b:s6+s13], $0x40, s8, s13, $0xb8;
	[tilespmem:$0x12E00] =	vst v63  }
0x2b2: {  	s9 =	rddreg [dreg:$0xc]  }
0x2b3: {  	[tilespmem:s20], [sflag:$0x1] =	stream.indirect.gather [hbm4b:s6+s13], $0x40, s9, s13, $0xb8;
	[tilespmem:$0x12E00] =	vst v63  }
0x2b4: {  	s8 =	rddreg [dreg:$0xd]  }
0x2b5: {  	[tilespmem:s21], [sflag:$0x1] =	stream.indirect.gather [hbm4b:s6+s13], $0x40, s8, s13, $0xb8;
	[tilespmem:$0x12E00] =	vst v63  }
0x2b6: {  	_ =	swait.ge [sflag:s22], $0x1000  }
0x2b7: {  	[sflag:s22] =	ssyncset.done $0x0  }
0x2b8: {  	[sflag:s22] =	ssyncadd.s32 $0xFFFFF000  }
0x2b9: {  	[spmem:s2] =	stream.indirect.scatter.add.bf16 [tilespmem:s14], [sflag:$0x2], $0x40, s12, s13, $0xb8;
	[tilespmem:$0x12E00] =	vst v63  }
0x2ba: {  	_ =	swait.ge [sflag:s23], $0x1000  }
0x2bb: {  	[sflag:s23] =	ssyncset.done $0x0  }
0x2bc: {  	s9 =	rddreg [dreg:$0xe];
	[sflag:s23] =	ssyncadd.s32 $0xFFFFF000  }
0x2bd: {  	[tilespmem:s14], [sflag:$0x1] =	stream.indirect.gather [hbm4b:s6+s13], $0x40, s9, s13, $0xb8;
	[tilespmem:$0x12E00] =	vst v63  }
0x2be: {  	_ =	swait.ge [sflag:s22], $0x1000  }
0x2bf: {  	[sflag:s22] =	ssyncset.done $0x0  }
0x2c0: {  	s7 =	rddreg [dreg:$0xf];
	[sflag:s22] =	ssyncadd.s32 $0xFFFFF000  }
0x2c1: {  	[spmem:s2] =	stream.indirect.scatter.add.bf16 [tilespmem:s15], [sflag:$0x2], $0x40, s7, s13, $0xb8;
	[tilespmem:$0x12E00] =	vst v63  }
0x2c2: {  	_ =	swait.ge [sflag:s23], $0x1000  }
0x2c3: {  	[sflag:s23] =	ssyncset.done $0x0  }
0x2c4: {  	s8 =	rddreg [dreg:$0x10];
	[sflag:s23] =	ssyncadd.s32 $0xFFFFF000  }
0x2c5: {  	[tilespmem:s15], [sflag:$0x1] =	stream.indirect.gather [hbm4b:s6+s13], $0x40, s8, s13, $0xb8;
	[tilespmem:$0x12E00] =	vst v63  }
0x2c6: {  	_ =	swait.ge [sflag:s22], $0x1000  }
0x2c7: {  	[sflag:s22] =	ssyncset.done $0x0  }
0x2c8: {  	s9 =	rddreg [dreg:$0x11];
	[sflag:s22] =	ssyncadd.s32 $0xFFFFF000  }
0x2c9: {  	[spmem:s2] =	stream.indirect.scatter.add.bf16 [tilespmem:s16], [sflag:$0x2], $0x40, s9, s13, $0xb8;
	[tilespmem:$0x12E00] =	vst v63  }
0x2ca: {  	_ =	swait.ge [sflag:s23], $0x1000  }
0x2cb: {  	[sflag:s23] =	ssyncset.done $0x0  }
0x2cc: {  	s7 =	rddreg [dreg:$0x12];
	[sflag:s23] =	ssyncadd.s32 $0xFFFFF000  }
0x2cd: {  	[tilespmem:s16], [sflag:$0x1] =	stream.indirect.gather [hbm4b:s6+s13], $0x40, s7, s13, $0xb8;
	[tilespmem:$0x12E00] =	vst v63  }
0x2ce: {  	_ =	swait.ge [sflag:s22], $0x1000  }
0x2cf: {  	[sflag:s22] =	ssyncset.done $0x0  }
0x2d0: {  	s8 =	rddreg [dreg:$0x13];
	[sflag:s22] =	ssyncadd.s32 $0xFFFFF000  }
0x2d1: {  	[spmem:s2] =	stream.indirect.scatter.add.bf16 [tilespmem:s17], [sflag:$0x2], $0x40, s8, s13, $0xb8;
	[tilespmem:$0x12E00] =	vst v63  }
0x2d2: {  	_ =	swait.ge [sflag:s23], $0x1000  }
0x2d3: {  	[sflag:s23] =	ssyncset.done $0x0  }
0x2d4: {  	s9 =	rddreg [dreg:$0x14];
	[sflag:s23] =	ssyncadd.s32 $0xFFFFF000  }
0x2d5: {  	[tilespmem:s17], [sflag:$0x1] =	stream.indirect.gather [hbm4b:s6+s13], $0x40, s9, s13, $0xb8;
	[tilespmem:$0x12E00] =	vst v63  }
0x2d6: {  	_ =	swait.ge [sflag:s22], $0x1000  }
0x2d7: {  	[sflag:s22] =	ssyncset.done $0x0  }
0x2d8: {  	s7 =	rddreg [dreg:$0x15];
	[sflag:s22] =	ssyncadd.s32 $0xFFFFF000  }
0x2d9: {  	[spmem:s2] =	stream.indirect.scatter.add.bf16 [tilespmem:s18], [sflag:$0x2], $0x40, s7, s13, $0xb8;
	[tilespmem:$0x12E00] =	vst v63  }
0x2da: {  	_ =	swait.ge [sflag:s23], $0x1000  }
0x2db: {  	[sflag:s23] =	ssyncset.done $0x0  }
0x2dc: {  	s8 =	rddreg [dreg:$0x16];
	[sflag:s23] =	ssyncadd.s32 $0xFFFFF000  }
0x2dd: {  	[tilespmem:s18], [sflag:$0x1] =	stream.indirect.gather [hbm4b:s6+s13], $0x40, s8, s13, $0xb8;
	[tilespmem:$0x12E00] =	vst v63  }
0x2de: {  	_ =	swait.ge [sflag:s22], $0x1000  }
0x2df: {  	[sflag:s22] =	ssyncset.done $0x0  }
0x2e0: {  	s9 =	rddreg [dreg:$0x17];
	[sflag:s22] =	ssyncadd.s32 $0xFFFFF000  }
0x2e1: {  	[spmem:s2] =	stream.indirect.scatter.add.bf16 [tilespmem:s19], [sflag:$0x2], $0x40, s9, s13, $0xb8;
	[tilespmem:$0x12E00] =	vst v63  }
0x2e2: {  	_ =	swait.ge [sflag:s23], $0x1000  }
0x2e3: {  	[sflag:s23] =	ssyncset.done $0x0  }
0x2e4: {  	s7 =	rddreg [dreg:$0x18];
	[sflag:s23] =	ssyncadd.s32 $0xFFFFF000  }
0x2e5: {  	[tilespmem:s19], [sflag:$0x1] =	stream.indirect.gather [hbm4b:s6+s13], $0x40, s7, s13, $0xb8;
	[tilespmem:$0x12E00] =	vst v63  }
0x2e6: {  	_ =	swait.ge [sflag:s22], $0x1000  }
0x2e7: {  	[sflag:s22] =	ssyncset.done $0x0  }
0x2e8: {  	s8 =	rddreg [dreg:$0x19];
	[sflag:s22] =	ssyncadd.s32 $0xFFFFF000  }
0x2e9: {  	[spmem:s2] =	stream.indirect.scatter.add.bf16 [tilespmem:s20], [sflag:$0x2], $0x40, s8, s13, $0xb8;
	[tilespmem:$0x12E00] =	vst v63  }
0x2ea: {  	_ =	swait.ge [sflag:s23], $0x1000  }
0x2eb: {  	[sflag:s23] =	ssyncset.done $0x0  }
0x2ec: {  	s9 =	rddreg [dreg:$0x1a];
	[sflag:s23] =	ssyncadd.s32 $0xFFFFF000  }
0x2ed: {  	[tilespmem:s20], [sflag:$0x1] =	stream.indirect.gather [hbm4b:s6+s13], $0x40, s9, s13, $0xb8;
	[tilespmem:$0x12E00] =	vst v63  }
0x2ee: {  	_ =	swait.ge [sflag:s22], $0x1000  }
0x2ef: {  	[sflag:s22] =	ssyncset.done $0x0  }
0x2f0: {  	s7 =	rddreg [dreg:$0x1b];
	[sflag:s22] =	ssyncadd.s32 $0xFFFFF000  }
0x2f1: {  	[spmem:s2] =	stream.indirect.scatter.add.bf16 [tilespmem:s21], [sflag:$0x2], $0x40, s7, s13, $0xb8;
	[tilespmem:$0x12E00] =	vst v63  }
0x2f2: {  	_ =	swait.ge [sflag:s23], $0x1000  }
0x2f3: {  	[sflag:s23] =	ssyncset.done $0x0  }
0x2f4: {  	s8 =	rddreg [dreg:$0x1c];
	[sflag:s23] =	ssyncadd.s32 $0xFFFFF000  }
0x2f5: {  	[tilespmem:s21], [sflag:$0x1] =	stream.indirect.gather [hbm4b:s6+s13], $0x40, s8, s13, $0xb8;
	[tilespmem:$0x12E00] =	vst v63  }
0x2f6: {  	_ =	swait.ge [sflag:s22], $0x1000  }
0x2f7: {  	[sflag:s22] =	ssyncset.done $0x0  }
0x2f8: {  	s9 =	rddreg [dreg:$0x1d];
	[sflag:s22] =	ssyncadd.s32 $0xFFFFF000  }
0x2f9: {  	[spmem:s2] =	stream.indirect.scatter.add.bf16 [tilespmem:s14], [sflag:$0x2], $0x40, s9, s13, $0xb8;
	[tilespmem:$0x12E00] =	vst v63  }
0x2fa: {  	_ =	swait.ge [sflag:s23], $0x1000  }
0x2fb: {  	[sflag:s23] =	ssyncset.done $0x0  }
0x2fc: {  	s7 =	rddreg [dreg:$0x1e];
	[sflag:s23] =	ssyncadd.s32 $0xFFFFF000  }
0x2fd: {  	[tilespmem:s14], [sflag:$0x1] =	stream.indirect.gather [hbm4b:s6+s13], $0x40, s7, s13, $0xb8;
	[tilespmem:$0x12E00] =	vst v63  }
0x2fe: {  	_ =	swait.ge [sflag:s22], $0x1000  }
0x2ff: {  	[sflag:s22] =	ssyncset.done $0x0  }
0x300: {  	s8 =	rddreg [dreg:$0x1f];
	[sflag:s22] =	ssyncadd.s32 $0xFFFFF000  }
0x301: {  	[spmem:s2] =	stream.indirect.scatter.add.bf16 [tilespmem:s15], [sflag:$0x2], $0x40, s8, s13, $0xb8;
	[tilespmem:$0x12E00] =	vst v63  }
0x302: {  	_ =	swait.ge [sflag:s23], $0x1000  }
0x303: {  	s9 =	sld [smem:$0x7DF]  }
0x304: {  	[sflag:s23] =	ssyncset.done $0x0  }
0x305: {  	[sflag:s23] =	ssyncadd.s32 $0xFFFFF000  }
0x306: {  	[tilespmem:s15], [sflag:$0x1] =	stream.indirect.gather [hbm4b:s6+s13], $0x40, s9, s13, $0xb8;
	[tilespmem:$0x12E00] =	vst v63  }
0x307: {  	_ =	swait.ge [sflag:s22], $0x1000  }
0x308: {  	s7 =	sld [smem:$0x7E0]  }
0x309: {  	[sflag:s22] =	ssyncset.done $0x0  }
0x30a: {  	[sflag:s22] =	ssyncadd.s32 $0xFFFFF000  }
0x30b: {  	[spmem:s2] =	stream.indirect.scatter.add.bf16 [tilespmem:s16], [sflag:$0x2], $0x40, s7, s13, $0xb8;
	[tilespmem:$0x12E00] =	vst v63  }
0x30c: {  	_ =	swait.ge [sflag:s23], $0x1000  }
0x30d: {  	s8 =	sld [smem:$0x7E1]  }
0x30e: {  	[sflag:s23] =	ssyncset.done $0x0  }
0x30f: {  	[sflag:s23] =	ssyncadd.s32 $0xFFFFF000  }
0x310: {  	[tilespmem:s16], [sflag:$0x1] =	stream.indirect.gather [hbm4b:s6+s13], $0x40, s8, s13, $0xb8;
	[tilespmem:$0x12E00] =	vst v63  }
0x311: {  	_ =	swait.ge [sflag:s22], $0x1000  }
0x312: {  	s9 =	sld [smem:$0x7E2]  }
0x313: {  	[sflag:s22] =	ssyncset.done $0x0  }
0x314: {  	[sflag:s22] =	ssyncadd.s32 $0xFFFFF000  }
0x315: {  	[spmem:s2] =	stream.indirect.scatter.add.bf16 [tilespmem:s17], [sflag:$0x2], $0x40, s9, s13, $0xb8;
	[tilespmem:$0x12E00] =	vst v63  }
0x316: {  	_ =	swait.ge [sflag:s23], $0x1000  }
0x317: {  	s7 =	sld [smem:$0x7E3]  }
0x318: {  	[sflag:s23] =	ssyncset.done $0x0  }
0x319: {  	[sflag:s23] =	ssyncadd.s32 $0xFFFFF000  }
0x31a: {  	[tilespmem:s17], [sflag:$0x1] =	stream.indirect.gather [hbm4b:s6+s13], $0x40, s7, s13, $0xb8;
	[tilespmem:$0x12E00] =	vst v63  }
0x31b: {  	_ =	swait.ge [sflag:s22], $0x1000  }
0x31c: {  	s8 =	sld [smem:$0x7E4]  }
0x31d: {  	[sflag:s22] =	ssyncset.done $0x0  }
0x31e: {  	[sflag:s22] =	ssyncadd.s32 $0xFFFFF000  }
0x31f: {  	[spmem:s2] =	stream.indirect.scatter.add.bf16 [tilespmem:s18], [sflag:$0x2], $0x40, s8, s13, $0xb8;
	[tilespmem:$0x12E00] =	vst v63  }
0x320: {  	_ =	swait.ge [sflag:s23], $0x1000  }
0x321: {  	s9 =	sld [smem:$0x7E5]  }
0x322: {  	[sflag:s23] =	ssyncset.done $0x0  }
0x323: {  	[sflag:s23] =	ssyncadd.s32 $0xFFFFF000  }
0x324: {  	[tilespmem:s18], [sflag:$0x1] =	stream.indirect.gather [hbm4b:s6+s13], $0x40, s9, s13, $0xb8;
	[tilespmem:$0x12E00] =	vst v63  }
0x325: {  	_ =	swait.ge [sflag:s22], $0x1000  }
0x326: {  	s7 =	sld [smem:$0x7E6]  }
0x327: {  	[sflag:s22] =	ssyncset.done $0x0  }
0x328: {  	[sflag:s22] =	ssyncadd.s32 $0xFFFFF000  }
0x329: {  	[spmem:s2] =	stream.indirect.scatter.add.bf16 [tilespmem:s19], [sflag:$0x2], $0x40, s7, s13, $0xb8;
	[tilespmem:$0x12E00] =	vst v63  }
0x32a: {  	_ =	swait.ge [sflag:s23], $0x1000  }
0x32b: {  	s8 =	sld [smem:$0x7E7]  }
0x32c: {  	[sflag:s23] =	ssyncset.done $0x0  }
0x32d: {  	[sflag:s23] =	ssyncadd.s32 $0xFFFFF000  }
0x32e: {  	[tilespmem:s19], [sflag:$0x1] =	stream.indirect.gather [hbm4b:s6+s13], $0x40, s8, s13, $0xb8;
	[tilespmem:$0x12E00] =	vst v63  }
0x32f: {  	_ =	swait.ge [sflag:s22], $0x1000  }
0x330: {  	s9 =	sld [smem:$0x7E9]  }
0x331: {  	[sflag:s22] =	ssyncset.done $0x0  }
0x332: {  	[sflag:s22] =	ssyncadd.s32 $0xFFFFF000  }
0x333: {  	[spmem:s2] =	stream.indirect.scatter.add.bf16 [tilespmem:s20], [sflag:$0x2], $0x40, s9, s13, $0xb8;
	[tilespmem:$0x12E00] =	vst v63  }
0x334: {  	_ =	swait.ge [sflag:s23], $0x1000  }
0x335: {  	s7 =	sld [smem:$0x7EB]  }
0x336: {  	[sflag:s23] =	ssyncset.done $0x0  }
0x337: {  	[sflag:s23] =	ssyncadd.s32 $0xFFFFF000  }
0x338: {  	[tilespmem:s20], [sflag:$0x1] =	stream.indirect.gather [hbm4b:s6+s13], $0x40, s7, s13, $0xb8;
	[tilespmem:$0x12E00] =	vst v63  }
0x339: {  	_ =	swait.ge [sflag:s22], $0x1000  }
0x33a: {  	s8 =	sld [smem:$0x7EC]  }
0x33b: {  	[sflag:s22] =	ssyncset.done $0x0  }
0x33c: {  	[sflag:s22] =	ssyncadd.s32 $0xFFFFF000  }
0x33d: {  	[spmem:s2] =	stream.indirect.scatter.add.bf16 [tilespmem:s21], [sflag:$0x2], $0x40, s8, s13, $0xb8;
	[tilespmem:$0x12E00] =	vst v63  }
0x33e: {  	_ =	swait.ge [sflag:s23], $0x1000  }
0x33f: {  	s9 =	sld [smem:$0x7ED]  }
0x340: {  	[sflag:s23] =	ssyncset.done $0x0  }
0x341: {  	[sflag:s23] =	ssyncadd.s32 $0xFFFFF000  }
0x342: {  	[tilespmem:s21], [sflag:$0x1] =	stream.indirect.gather [hbm4b:s6+s13], $0x40, s9, s13, $0xb8;
	[tilespmem:$0x12E00] =	vst v63  }
0x343: {  	_ =	swait.ge [sflag:s22], $0x1000  }
0x344: {  	s7 =	sld [smem:$0x7EE]  }
0x345: {  	[sflag:s22] =	ssyncset.done $0x0  }
0x346: {  	[sflag:s22] =	ssyncadd.s32 $0xFFFFF000  }
0x347: {  	[spmem:s2] =	stream.indirect.scatter.add.bf16 [tilespmem:s14], [sflag:$0x2], $0x40, s7, s13, $0xb8;
	[tilespmem:$0x12E00] =	vst v63  }
0x348: {  	_ =	swait.ge [sflag:s23], $0x1000  }
0x349: {  	s8 =	sld [smem:$0x7EF]  }
0x34a: {  	[sflag:s23] =	ssyncset.done $0x0  }
0x34b: {  	[sflag:s23] =	ssyncadd.s32 $0xFFFFF000  }
0x34c: {  	[tilespmem:s14], [sflag:$0x1] =	stream.indirect.gather [hbm4b:s6+s13], $0x40, s8, s13, $0xb8;
	[tilespmem:$0x12E00] =	vst v63  }
0x34d: {  	_ =	swait.ge [sflag:s22], $0x1000  }
0x34e: {  	s9 =	sld [smem:$0x7F0]  }
0x34f: {  	[sflag:s22] =	ssyncset.done $0x0  }
0x350: {  	[sflag:s22] =	ssyncadd.s32 $0xFFFFF000  }
0x351: {  	[spmem:s2] =	stream.indirect.scatter.add.bf16 [tilespmem:s15], [sflag:$0x2], $0x40, s9, s13, $0xb8;
	[tilespmem:$0x12E00] =	vst v63  }
0x352: {  	_ =	swait.ge [sflag:s23], $0x1000  }
0x353: {  	s7 =	sld [smem:$0x7F1]  }
0x354: {  	[sflag:s23] =	ssyncset.done $0x0  }
0x355: {  	[sflag:s23] =	ssyncadd.s32 $0xFFFFF000  }
0x356: {  	[tilespmem:s15], [sflag:$0x1] =	stream.indirect.gather [hbm4b:s6+s13], $0x40, s7, s13, $0xb8;
	[tilespmem:$0x12E00] =	vst v63  }
0x357: {  	_ =	swait.ge [sflag:s22], $0x1000  }
0x358: {  	s8 =	sld [smem:$0x7F2]  }
0x359: {  	[sflag:s22] =	ssyncset.done $0x0  }
0x35a: {  	[sflag:s22] =	ssyncadd.s32 $0xFFFFF000  }
0x35b: {  	[spmem:s2] =	stream.indirect.scatter.add.bf16 [tilespmem:s16], [sflag:$0x2], $0x40, s8, s13, $0xb8;
	[tilespmem:$0x12E00] =	vst v63  }
0x35c: {  	_ =	swait.ge [sflag:s23], $0x1000  }
0x35d: {  	s9 =	sld [smem:$0x7F3]  }
0x35e: {  	[sflag:s23] =	ssyncset.done $0x0  }
0x35f: {  	[sflag:s23] =	ssyncadd.s32 $0xFFFFF000  }
0x360: {  	[tilespmem:s16], [sflag:$0x1] =	stream.indirect.gather [hbm4b:s6+s13], $0x40, s9, s13, $0xb8;
	[tilespmem:$0x12E00] =	vst v63  }
0x361: {  	_ =	swait.ge [sflag:s22], $0x1000  }
0x362: {  	s7 =	sld [smem:$0x7F4]  }
0x363: {  	[sflag:s22] =	ssyncset.done $0x0  }
0x364: {  	[sflag:s22] =	ssyncadd.s32 $0xFFFFF000  }
0x365: {  	[spmem:s2] =	stream.indirect.scatter.add.bf16 [tilespmem:s17], [sflag:$0x2], $0x40, s7, s13, $0xb8;
	[tilespmem:$0x12E00] =	vst v63  }
0x366: {  	_ =	swait.ge [sflag:s23], $0x1000  }
0x367: {  	s8 =	sld [smem:$0x7F5]  }
0x368: {  	[sflag:s23] =	ssyncset.done $0x0  }
0x369: {  	[sflag:s23] =	ssyncadd.s32 $0xFFFFF000  }
0x36a: {  	[tilespmem:s17], [sflag:$0x1] =	stream.indirect.gather [hbm4b:s6+s13], $0x40, s8, s13, $0xb8;
	[tilespmem:$0x12E00] =	vst v63  }
0x36b: {  	_ =	swait.ge [sflag:s22], $0x1000  }
0x36c: {  	s9 =	sld [smem:$0x7F6]  }
0x36d: {  	[sflag:s22] =	ssyncset.done $0x0  }
0x36e: {  	[sflag:s22] =	ssyncadd.s32 $0xFFFFF000  }
0x36f: {  	[spmem:s2] =	stream.indirect.scatter.add.bf16 [tilespmem:s18], [sflag:$0x2], $0x40, s9, s13, $0xb8;
	[tilespmem:$0x12E00] =	vst v63  }
0x370: {  	_ =	swait.ge [sflag:s23], $0x1000  }
0x371: {  	s7 =	sld [smem:$0x7F7]  }
0x372: {  	[sflag:s23] =	ssyncset.done $0x0  }
0x373: {  	[sflag:s23] =	ssyncadd.s32 $0xFFFFF000  }
0x374: {  	[tilespmem:s18], [sflag:$0x1] =	stream.indirect.gather [hbm4b:s6+s13], $0x40, s7, s13, $0xb8;
	[tilespmem:$0x12E00] =	vst v63  }
0x375: {  	_ =	swait.ge [sflag:s22], $0x1000  }
0x376: {  	s8 =	sld [smem:$0x7F8]  }
0x377: {  	[sflag:s22] =	ssyncset.done $0x0  }
0x378: {  	[sflag:s22] =	ssyncadd.s32 $0xFFFFF000  }
0x379: {  	[spmem:s2] =	stream.indirect.scatter.add.bf16 [tilespmem:s19], [sflag:$0x2], $0x40, s8, s13, $0xb8;
	[tilespmem:$0x12E00] =	vst v63  }
0x37a: {  	_ =	swait.ge [sflag:s23], $0x1000  }
0x37b: {  	s9 =	sld [smem:$0x7F9]  }
0x37c: {  	[sflag:s23] =	ssyncset.done $0x0  }
0x37d: {  	[sflag:s23] =	ssyncadd.s32 $0xFFFFF000  }
0x37e: {  	[tilespmem:s19], [sflag:$0x1] =	stream.indirect.gather [hbm4b:s6+s13], $0x40, s9, s13, $0xb8;
	[tilespmem:$0x12E00] =	vst v63  }
0x37f: {  	_ =	swait.ge [sflag:s22], $0x1000  }
0x380: {  	s7 =	sld [smem:$0x7FA]  }
0x381: {  	[sflag:s22] =	ssyncset.done $0x0  }
0x382: {  	[sflag:s22] =	ssyncadd.s32 $0xFFFFF000  }
0x383: {  	[spmem:s2] =	stream.indirect.scatter.add.bf16 [tilespmem:s20], [sflag:$0x2], $0x40, s7, s13, $0xb8;
	[tilespmem:$0x12E00] =	vst v63  }
0x384: {  	_ =	swait.ge [sflag:s23], $0x1000  }
0x385: {  	s8 =	sld [smem:$0x7FB]  }
0x386: {  	[sflag:s23] =	ssyncset.done $0x0  }
0x387: {  	[sflag:s23] =	ssyncadd.s32 $0xFFFFF000  }
0x388: {  	[tilespmem:s20], [sflag:$0x1] =	stream.indirect.gather [hbm4b:s6+s13], $0x40, s8, s13, $0xb8;
	[tilespmem:$0x12E00] =	vst v63  }
0x389: {  	_ =	swait.ge [sflag:s22], $0x1000  }
0x38a: {  	[sflag:s22] =	ssyncset.done $0x0  }
0x38b: {  	[sflag:s22] =	ssyncadd.s32 $0xFFFFF000  }
0x38c: {  	[spmem:s2] =	stream.indirect.scatter.add.bf16 [tilespmem:s21], [sflag:$0x2], $0x40, s24, s13, $0xb8;
	[tilespmem:$0x12E00] =	vst v63  }
0x38d: {  	_ =	swait.ge [sflag:s23], $0x1000  }
0x38e: {  	[sflag:s23] =	ssyncset.done $0x0  }
0x38f: {  	[sflag:s23] =	ssyncadd.s32 $0xFFFFF000  }
0x390: {  	[tilespmem:s21], [sflag:$0x1] =	stream.indirect.gather [hbm4b:s6+s13], $0x40, s25, s13, $0xb8;
	[tilespmem:$0x12E00] =	vst v63  }
0x391: {  	_ =	swait.ge [sflag:s22], $0x1000  }
0x392: {  	[sflag:s22] =	ssyncset.done $0x0  }
0x393: {  	[sflag:s22] =	ssyncadd.s32 $0xFFFFF000  }
0x394: {  	[spmem:s2] =	stream.indirect.scatter.add.bf16 [tilespmem:s14], [sflag:$0x2], $0x40, s26, s13, $0xb8;
	[tilespmem:$0x12E00] =	vst v63  }
0x395: {  	_ =	swait.ge [sflag:s22], $0x1000  }
0x396: {  	[sflag:s22] =	ssyncset.done $0x0  }
0x397: {  	[sflag:s22] =	ssyncadd.s32 $0xFFFFF000  }
0x398: {  	[spmem:s2] =	stream.indirect.scatter.add.bf16 [tilespmem:s15], [sflag:$0x2], $0x40, s28, s13, $0xb8;
	[tilespmem:$0x12E00] =	vst v63  }
0x399: {  	_ =	swait.ge [sflag:s22], $0x1000  }
0x39a: {  	[sflag:s22] =	ssyncset.done $0x0  }
0x39b: {  	[sflag:s22] =	ssyncadd.s32 $0xFFFFF000  }
0x39c: {  	[spmem:s2] =	stream.indirect.scatter.add.bf16 [tilespmem:s16], [sflag:$0x2], $0x40, s29, s13, $0xb8;
	[tilespmem:$0x12E00] =	vst v63  }
0x39d: {  	_ =	swait.ge [sflag:s22], $0x1000  }
0x39e: {  	[sflag:s22] =	ssyncset.done $0x0  }
0x39f: {  	[sflag:s22] =	ssyncadd.s32 $0xFFFFF000  }
0x3a0: {  	[spmem:s2] =	stream.indirect.scatter.add.bf16 [tilespmem:s17], [sflag:$0x2], $0x40, s30, s13, $0xb8;
	[tilespmem:$0x12E00] =	vst v63  }
0x3a1: {  	_ =	swait.ge [sflag:s22], $0x1000  }
0x3a2: {  	[sflag:s22] =	ssyncset.done $0x0  }
0x3a3: {  	[sflag:s22] =	ssyncadd.s32 $0xFFFFF000  }
0x3a4: {  	[spmem:s2] =	stream.indirect.scatter.add.bf16 [tilespmem:s18], [sflag:$0x2], $0x40, s31, s13, $0xb8;
	[tilespmem:$0x12E00] =	vst v63  }
0x3a5: {  	_ =	swait.ge [sflag:s22], $0x1000  }
0x3a6: {  	[sflag:s22] =	ssyncset.done $0x0  }
0x3a7: {  	[sflag:s22] =	ssyncadd.s32 $0xFFFFF000  }
0x3a8: {  	[spmem:s2] =	stream.indirect.scatter.add.bf16 [tilespmem:s19], [sflag:$0x2], $0x40, s1, s13, $0xb8;
	[tilespmem:$0x12E00] =	vst v63  }
0x3a9: {  	_ =	swait.ge [sflag:s22], $0x1000  }
0x3aa: {  	[sflag:s22] =	ssyncset.done $0x0  }
0x3ab: {  	[sflag:s22] =	ssyncadd.s32 $0xFFFFF000  }
0x3ac: {  	[spmem:s2] =	stream.indirect.scatter.add.bf16 [tilespmem:s20], [sflag:$0x2], $0x40, s0, s13, $0xb8;
	[tilespmem:$0x12E00] =	vst v63  }
0x3ad: {  	_ =	swait.ge [sflag:s22], $0x1000  }
0x3ae: {  	[sflag:s22] =	ssyncset.done $0x0  }
0x3af: {  	[sflag:s22] =	ssyncadd.s32 $0xFFFFF000  }
0x3b0: {  	[spmem:s2] =	stream.indirect.scatter.add.bf16 [tilespmem:s21], [sflag:$0x2], $0x40, s4, s13, $0xb8;
	[tilespmem:$0x12E00] =	vst v63  }
0x3b1: {  	_ =	swait.ge [sflag:s23], $0x1000  }
0x3b2: {  	[sflag:s23] =	ssyncset.done $0x0  }
0x3b3: {  	[sflag:s23] =	ssyncadd.s32 $0xFFFFF000  }
0x3b4: {  	_ =	swait.ge [sflag:s23], $0x1000  }
0x3b5: {  	[sflag:s23] =	ssyncset.done $0x0  }
0x3b6: {  	[sflag:s23] =	ssyncadd.s32 $0xFFFFF000  }
0x3b7: {  	_ =	swait.ge [sflag:s23], $0x1000  }
0x3b8: {  	[sflag:s23] =	ssyncset.done $0x0  }
0x3b9: {  	[sflag:s23] =	ssyncadd.s32 $0xFFFFF000  }
0x3ba: {  	_ =	swait.ge [sflag:s23], $0x1000  }
0x3bb: {  	[sflag:s23] =	ssyncset.done $0x0  }
0x3bc: {  	[sflag:s23] =	ssyncadd.s32 $0xFFFFF000  }
0x3bd: {  	_ =	swait.ge [sflag:s23], $0x1000  }
0x3be: {  	[sflag:s23] =	ssyncset.done $0x0  }
0x3bf: {  	[sflag:s23] =	ssyncadd.s32 $0xFFFFF000  }
0x3c0: {  	_ =	swait.ge [sflag:s23], $0x1000  }
0x3c1: {  	[sflag:s23] =	ssyncset.done $0x0  }
0x3c2: {  	[sflag:s23] =	ssyncadd.s32 $0xFFFFF000  }
0x3c3: {  	_ =	swait.ge [sflag:s23], $0x1000  }
0x3c4: {  	[sflag:s23] =	ssyncset.done $0x0  }
0x3c5: {  	[sflag:s23] =	ssyncadd.s32 $0xFFFFF000  }
0x3c6: {  	_ =	swait.ge [sflag:s23], $0x1000  }
0x3c7: {  	[sflag:s23] =	ssyncset.done $0x0  }
0x3c8: {  	[sflag:s23] =	ssyncadd.s32 $0xFFFFF000  }
0x3c9: {  	[bflag:$0x0] =	sbarrier.arrive $0xFFFF  }
0x3ca: {  	s8 =	sld [smem:$0x7FC]  }
0x3cb: {  	s9 =	sld [smem:$0x7E8]  }
0x3cc: {  	s7 =	sld [smem:$0x7FD];
	_ =	sdelay $0x2  }
0x3cd: {  	[hbm:s9], [sflag:s8] =	dma.local [spmem:s7], $0x13C0  }
0x3ce: {  	_ =	swait.ge [sflag:s10], $0x13C0  }
0x3cf: {  	s5 =	sld [smem:$0x7DD];
	_ =	sdelay $0x2  }
0x3d0: {  	s9 =	sadd.s32 $0x1, s5;
	s5 =	sld [smem:$0x7EA];
	_ =	sdelay $0x2  }
0x3d1: {  	p0 =	sne.s32 s9, s5  }
.Ltmp1:
0x3d2: {  	_ = 	snop;
	(pc) =	sbr.rel @p0 .LBB2_1-.Ltmp1, $3  }
0x3d3: {  	_ =	sdelay $0x1  }
0x3d4: {  	[sflag:s10] =	ssyncset.done $0x0  }
0x3d5: {  	[sflag:s10] =	ssyncadd.s32 $0xFFFFEC40  }
0x3d6: {  	_ =	sfence.sel $0x180000  }
0x3d7: {  	[bflag:$0x0] =	sbarrier.arrive $0xFFFF  }
0x3d8: {  	_ =	strace $0x9000004A  }
0x3d9: {  	s0 =	stileid.u32;
	[bflag:$0x2] =	sbarrier.arrive $0xFFFF  }
0x3da: {  	p0 =	sne.s32 s0, $0x0;
	s0 =	rddreg [dreg:$0x4]  }
0x3db: {  	s0 =	sadd.s32 @!p0 $0x100000, s0  }
0x3dc: {  	[sflag:s0] =	ssyncadd.tile.s32 @!p0 $0x1;
	_ =	shalt  }
.Lfunc_end2:
_tile_overlayer_lowered:
.L_overlay_start_2:
0x3dd: {  	(tag) =	ssettag $0x2  }
0x3de: {  	s0 =	rddreg [dreg:$0x0];
	s2 =	stileid.u32  }
0x3df: {  	s1 =	rddreg [dreg:$0x1];
	p0 =	sne.s32 s2, $0x0  }
0x3e0: {  	s3 =	rddreg [dreg:$0x2];
	[bflag:$0x3] =	sbarrier.arrive $0xFFFF;
	s2 =	simm.s32 @!p0 $0x1C03  }
0x3e1: {  	[timem:s3], [sflag:s2] =	dma.local @!p0 [hbm:s0], s1  }
0x3e2: {  	s0 =	simm.s32 @!p0 $0x3  }
0x3e3: {  	_ =	swait.ge @!p0 [sflag:s0], s1  }
0x3e4: {  	s1 =	ssub.s32 @!p0 $0x0, s1;
	[sflag:s0] =	ssyncset.done @!p0 $0x0  }
0x3e5: {  	[sflag:s0] =	ssyncadd.s32 @!p0 s1  }
0x3e6: {  	[bflag:$0x3] =	sbarrier.arrive $0xFFFF  }
0x3e7: {  	_ =	shalt  }

// kernel: kernel.7.cloned.1.call-start
scs
__scs_entry_jumppad:
0x0: {  	(pc) =	sbr.rel $0x88, $3  }
0x1: {  	(tag) =	ssettag $0x0;
	lr =	simm.s32 $0x1  }
0x2: {  	[smem:$0x3F97] =	sst lr;
	_ =	strace $0xD0000000  }
0x3: {  	_ = 	snop  }
0x4: {  	_ = 	snop  }
0x5: {  	_ = 	snop  }
0x6: {  	_ = 	snop  }
0x7: {  	_ = 	snop  }
__scs_overlays_trampoline_lowered:
0x8: {  	[smem:$0x3FA6] =	sst s0  }
0x9: {  	[smem:$0x3FA7] =	sst s1  }
0xa: {  	[smem:$0x3FA8] =	sst s2  }
0xb: {  	[smem:$0x3FA9] =	sst s3  }
0xc: {  	[smem:$0x3FAA] =	sst s4  }
0xd: {  	[smem:$0x3FAB] =	sst s5  }
0xe: {  	[smem:$0x3FAC] =	sst s6  }
0xf: {  	[smem:$0x3FAD] =	sst s7  }
0x10: {  	[smem:$0x3FAE] =	sst s8  }
0x11: {  	[smem:$0x3FAF] =	sst s9;
	s0 =	simm.s32 @!p0 $0x0  }
0x12: {  	s1 =	sld [smem:$0x3F95];
	s0 =	simm.s32 @p0 $0x1  }
0x13: {  	[smem:$0x3FB0] =	sst s0;
	s0 =	simm.s32 @!p1 $0x0  }
0x14: {  	s2 =	sld [smem:$0x3F94];
	s0 =	simm.s32 @p1 $0x1  }
0x15: {  	[smem:$0x3FB1] =	sst s0;
	s0 =	simm.s32 @!p2 $0x0  }
0x16: {  	s3 =	sld [smem:$0x3FDB];
	s0 =	simm.s32 @p2 $0x1  }
0x17: {  	s4 =	simm.s32 $0x1BF5;
	[smem:$0x3FB3] =	sst s0  }
0x18: {  	s0 =	sld [smem:$0x3F96];
	_ =	swait.ge [sflag:s4], $0x0  }
0x19: {  	s7 =	sld [smem:$0x3F97]  }
0x1a: {  	s8 =	sadd.s32 $0xFFFFE003, lr  }
0x1b: {  	s9 =	sadd.s32 $0xFFFFFEF7, lr;
	s5 =	simm.s32 $0xFFFFFFFF;
	p2 =	slt.u32 s8, $0xFFFFF086  }
0x1c: {  	p1 =	slt.u32 s9, $0xF7A;
	s5 =	simm.s32 @!p2 $0x0  }
0x1d: {  	s5 =	simm.s32 @p1 $0x1;
	p0 =	seq.s32 s7, s2  }
0x1e: {  	s7 =	smul.u32 @!p0 $0xF7A, s2;
	p2 =	seq.s32 @!p0 s5, $0x0  }
0x1f: {  	s9 =	smul.u32 $0xF7A, s1;
	s8 =	simm.s32 @!p0 $0x1BF5;
	p2 =	por !p2, p0  }
0x20: {  	[sflag:s8] =	ssyncset.s32 @!p0 $0xFFFFF086;
	s6 =	sadd.s32 @!p0 s3, s7;
	s7 =	simm.s32 @!p0 $0x108  }
0x21: {  	s3 =	sadd.s32 s3, s9;
	s6 =	sadd.s32 @!p0 $0x88, s6;
	s7 =	simm.s32 @p2 $0x1082  }
0x22: {  	[simem:s7], [sflag:s8] =	dma.local @!p0 [hbm:s6], $0xF7A  }
0x23: {  	s9 =	sor.u32 $0xD0000000, s2;
	s6 =	simm.s32 $0x108;
	_ =	swait.ge @!p0 [sflag:s8], $0x0  }
0x24: {  	s3 =	sadd.s32 $0x88, s3;
	s6 =	simm.s32 @!p1 $0x1082;
	[sflag:s4] =	ssyncset.s32 $0xFFFFF086  }
0x25: {  	[simem:s6], [sflag:s4] =	dma.local [hbm:s3], $0xF7A  }
0x26: {  	[smem:$0x3F97] =	sst s1;
	(tag) =	ssettag s2;
	_ =	strace s9  }
0x27: {  	s1 =	sld [smem:$0x3FA7]  }
0x28: {  	s2 =	sld [smem:$0x3FA8]  }
0x29: {  	s4 =	sld [smem:$0x3FAA]  }
0x2a: {  	p0 =	seq.s32 s5, $0x0;
	s5 =	sld [smem:$0x3FAB]  }
0x2b: {  	s6 =	sld [smem:$0x3FAC]  }
0x2c: {  	s7 =	sld [smem:$0x3FAD]  }
0x2d: {  	s3 =	simm.s32 $0x108;
	s8 =	sld [smem:$0x3FAE]  }
0x2e: {  	s3 =	simm.s32 @!p0 $0x1082;
	s9 =	sld [smem:$0x3FAF]  }
0x2f: {  	lr =	sadd.s32 s0, s3;
	s0 =	sld [smem:$0x3FA6]  }
0x30: {  	s3 =	sld [smem:$0x3FA9]  }
0x31: {  	[smem:$0x3FB2] =	sst s10  }
0x32: {  	s10 =	sld [smem:$0x3FB0];
	_ =	sdelay $0x3  }
0x33: {  	p0 =	seq.s32 s10, $0x1;
	s10 =	sld [smem:$0x3FB2];
	_ =	sdelay $0x3  }
0x34: {  	[smem:$0x3FB2] =	sst s10  }
0x35: {  	s10 =	sld [smem:$0x3FB1];
	_ =	sdelay $0x3  }
0x36: {  	p1 =	seq.s32 s10, $0x1;
	s10 =	sld [smem:$0x3FB2];
	_ =	sdelay $0x3  }
0x37: {  	[smem:$0x3FB2] =	sst s10  }
0x38: {  	s10 =	sld [smem:$0x3FB3]  }
0x39: {  	_ = 	snop;
	(pc) =	sbr.ind lr, $3  }
0x3a: {  	_ = 	snop  }
0x3b: {  	_ = 	snop  }
0x3c: {  	p2 =	seq.s32 s10, $0x1;
	s10 =	sld [smem:$0x3FB2]  }
0x3d: {  	_ =	shalt  }
0x3e: {  	_ =	shalt  }
0x3f: {  	_ =	shalt  }
0x40: {  	_ =	shalt  }
0x41: {  	_ =	shalt  }
0x42: {  	_ =	shalt  }
0x43: {  	_ =	shalt  }
0x44: {  	_ =	shalt  }
0x45: {  	_ =	shalt  }
0x46: {  	_ =	shalt  }
0x47: {  	_ =	shalt  }
0x48: {  	_ =	shalt  }
0x49: {  	_ =	shalt  }
0x4a: {  	_ =	shalt  }
0x4b: {  	_ =	shalt  }
0x4c: {  	_ =	shalt  }
0x4d: {  	_ =	shalt  }
0x4e: {  	_ =	shalt  }
0x4f: {  	_ =	shalt  }
0x50: {  	_ =	shalt  }
0x51: {  	_ =	shalt  }
0x52: {  	_ =	shalt  }
0x53: {  	_ =	shalt  }
0x54: {  	_ =	shalt  }
0x55: {  	_ =	shalt  }
0x56: {  	_ =	shalt  }
0x57: {  	_ =	shalt  }
0x58: {  	_ =	shalt  }
0x59: {  	_ =	shalt  }
0x5a: {  	_ =	shalt  }
0x5b: {  	_ =	shalt  }
0x5c: {  	_ =	shalt  }
0x5d: {  	_ =	shalt  }
0x5e: {  	_ =	shalt  }
0x5f: {  	_ =	shalt  }
0x60: {  	_ =	shalt  }
0x61: {  	_ =	shalt  }
0x62: {  	_ =	shalt  }
0x63: {  	_ =	shalt  }
0x64: {  	_ =	shalt  }
0x65: {  	_ =	shalt  }
0x66: {  	_ =	shalt  }
0x67: {  	_ =	shalt  }
0x68: {  	_ =	shalt  }
0x69: {  	_ =	shalt  }
0x6a: {  	_ =	shalt  }
0x6b: {  	_ =	shalt  }
0x6c: {  	_ =	shalt  }
0x6d: {  	_ =	shalt  }
0x6e: {  	_ =	shalt  }
0x6f: {  	_ =	shalt  }
0x70: {  	_ =	shalt  }
0x71: {  	_ =	shalt  }
0x72: {  	_ =	shalt  }
0x73: {  	_ =	shalt  }
0x74: {  	_ =	shalt  }
0x75: {  	_ =	shalt  }
0x76: {  	_ =	shalt  }
0x77: {  	_ =	shalt  }
0x78: {  	_ =	shalt  }
0x79: {  	_ =	shalt  }
0x7a: {  	_ =	shalt  }
0x7b: {  	_ =	shalt  }
0x7c: {  	_ =	shalt  }
0x7d: {  	_ =	shalt  }
0x7e: {  	_ =	shalt  }
0x7f: {  	_ =	shalt  }
0x80: {  	_ =	shalt  }
0x81: {  	_ =	shalt  }
0x82: {  	_ =	shalt  }
0x83: {  	_ =	shalt  }
0x84: {  	_ =	shalt  }
0x85: {  	_ =	shalt  }
0x86: {  	_ =	shalt  }
0x87: {  	_ =	shalt  }
.Lfunc_end0:
.L_simem_size_0:
called_computation_lowered:
.L_overlay_start_0:
0x88: {  	s2 =	sld [smem:$0x3FD9]  }
0x89: {  	s3 =	sld [smem:$0x3FFE];
	_ =	sdelay $0x1  }
0x8a: {  	s1 =	srdreg.scid  }
0x8b: {  	s0 =	sand.u32 $0x1, s1  }
0x8c: {  	s14 =	sshll.u32 s0, $0xA;
	s2 =	sadd.s32 s3, s2  }
0x8d: {  	s2 =	sadd.s32 s2, s14  }
0x8e: {  	[smem:$0x3FBE] =	sst s2  }
0x8f: {  	_ = 	snop  }
0x90: {  	s2 =	sld [smem:$0x3FD0];
	_ =	sdelay $0x2  }
0x91: {  	s15 =	simm.s32 $0xA;
	s4 =	simm.s32 $0x10  }
0x92: {  	[smem:s4], [sflag:s15] =	dma.local [hbm:s2], $0x1  }
0x93: {  	_ =	swait.eq [sflag:s15], $0x1  }
0x94: {  	[sflag:s15] =	ssyncset.done $0x0  }
0x95: {  	[sflag:s15] =	ssyncadd.s32 $0xFFFFFFFF  }
0x96: {  	s16 =	sld [smem:$0x11];
	(tm) =	ssettm $0x1  }
0x97: {  	s17 =	sld [smem:$0x3FFB];
	_ =	sdelay $0x3  }
0x98: {  	_ =	strace s17  }
0x99: {  	s3 =	sld [smem:$0x3FFC];
	_ =	sdelay $0x3  }
0x9a: {  	_ =	strace s3  }
0x9b: {  	s3 =	sld [smem:$0x3FFD];
	_ =	sdelay $0x3  }
0x9c: {  	_ =	strace s3  }
0x9d: {  	_ =	strace $0x8FFFFFFF  }
0x9e: {  	s18 =	sld [smem:$0x3FDB];
	_ =	sdelay $0x1  }
0x9f: {  	s19 =	simm.s32 $_scs_section_size  }
0xa0: {  	s5 =	simm.s32 $_size__tile_overlayer_lowered;
	s6 =	simm.s32 $_tile_overlayer_lowered  }
0xa1: {  	s22 =	simm.s32 $0x1BFF;
	s21 =	sshll.u32 s6, $0x1;
	s3 =	sadd.s32 s19, s18  }
0xa2: {  	s7 =	simm.s32 $0x0;
	s20 =	sshll.u32 s5, $0x1;
	s5 =	sadd.s32 s21, s3  }
0xa3: {  	[timem:s7], [sflag:s22] =	dma.local [hbm:s5], s20  }
0xa4: {  	_ =	swait.ge [sflag:s22], s20  }
0xa5: {  	s4 =	ssub.s32 $0x0, s20;
	[sflag:s22] =	ssyncset.done $0x0  }
0xa6: {  	[sflag:s22] =	ssyncadd.s32 s4;
	_ =	sdelay $0x1  }
0xa7: {  	s23 =	simm.s32 $0x1B8B  }
0xa8: {  	_ =	swait.ge [sflag:s23], $0x1  }
0xa9: {  	[sflag:s23] =	ssyncset.done $0x0  }
0xaa: {  	s25 =	simm.s32 $0x1B8E;
	s24 =	sld [smem:$0x3FFE];
	[sflag:s23] =	ssyncadd.s32 $0xFFFFFFFF  }
0xab: {  	s26 =	simm.s32 $execute0_lowered;
	[smem:$0x3FD2] =	sst s25  }
0xac: {  	s5 =	sshll.u32 s26, $0x1;
	_ =	strace $0x80000046;
	[dreg:$0x1] =	wrdreg $0xFFFFFFFF  }
0xad: {  	s28 =	simm.s32 $_size_execute0_lowered;
	s3 =	sadd.s32 s3, s5;
	[dreg:$0x0] =	wrdreg $0x0  }
0xae: {  	s5 =	sshll.u32 s28, $0x1;
	[dreg:$0x2] =	wrdreg s3  }
0xaf: {  	[dreg:$0x3] =	wrdreg s5  }
0xb0: {  	[dreg:$0x4] =	wrdreg $0xC0  }
0xb1: {  	_ =	task [dreg:s7], $0x5FFFF  }
0xb2: {  	[dreg:$0x1] =	wrdreg $0xFFFFFFFF  }
0xb3: {  	[dreg:$0x0] =	wrdreg $0x60  }
0xb4: {  	[dreg:$0x2] =	wrdreg s16  }
0xb5: {  	[dreg:$0x3] =	wrdreg s24  }
0xb6: {  	[dreg:$0x4] =	wrdreg $0x0  }
0xb7: {  	[dreg:$0x5] =	wrdreg $0x9  }
0xb8: {  	_ =	task.clear_ibuf [dreg:s7], $0x6FFFF;
	_ =	strace $0x90000046  }
0xb9: {  	s29 =	simm.s32 $0x9;
	_ =	strace $0x80000048  }
0xba: {  	_ =	swait.ge [sflag:s29], $0x1  }
0xbb: {  	[sflag:s29] =	ssyncadd.s32 $0xFFFFFFFF  }
0xbc: {  	_ =	strace $0x90000048  }
0xbd: {  	_ =	sfence  }
0xbe: {  	s30 =	sld [smem:$0x0];
	_ =	sdelay $0x2  }
0xbf: {  	s31 =	sshll.u32 s1, $0xD;
	s1 =	sshrl.u32 s1, $0x2  }
0xc0: {  	s3 =	sand.u32 $0x4000, s31;
	s1 =	sadd.s32 s1, s30  }
0xc1: {  	s0 =	sor.u32 s3, s0;
	s1 =	sshll.u32 s1, $0x11  }
0xc2: {  	s0 =	sor.u32 s1, s0  }
0xc3: {  	s0 =	sadd.s32 $0x8F2B, s0  }
0xc4: {  	[sflag:s0] =	ssyncadd.remote.s32 $0x1  }
0xc5: {  	_ =	sfence.sel $0xFFFF  }
0xc6: {  	[dreg:$0x0] =	wrdreg $0xFFFFFFFF;
	(pc) =	sbr.abs _section_cstart, $3  }
0xc7: {  	[dreg:$0x1] =	wrdreg $0xFFFFFFFF  }
0xc8: {  	_ =	task.clear_ibuf [dreg:s7], $0x2FFFF;
	_ =	strace $0x9FFFFFFF  }
0xc9: {  	(tm) =	ssettm $0x7FFFFFFF  }
tec
execute0_lowered:
.L_overlay_start_1:
0x0: {  	(tag) =	ssettag $0x1  }
0x1: {  	s0 =	rddreg [dreg:$0x0]  }
0x2: {  	s1 =	srdreg.scid;
	s4 =	rddreg [dreg:$0x1]  }
0x3: {  	s3 =	stileid.u32;
	s2 =	rddreg [dreg:$0x2];
	s8 =	simm.s32 $0x0  }
0x4: {  	s15 =	simm.s32 $0x27C0;
	s17 =	simm.s32 $0x2800;
	s18 =	simm.s32 $0x2840  }
0x5: {  	s20 =	simm.s32 $0x2880;
	s21 =	simm.s32 $0x28C0;
	s22 =	simm.s32 $0x2900  }
0x6: {  	s23 =	simm.s32 $0x2940;
	[smem:$0x7FF] =	sst s8;
	s9 =	sadd.s32 $0x2000, s4  }
0x7: {  	s10 =	simm.s32 $0x2780;
	_ =	strace $0x80000047;
	[dreg:$0xf] =	wrdreg s9  }
0x8: {  	s24 =	simm.s32 $0x2980;
	s11 =	simm.s32 $0x40;
	[dreg:$0x5] =	wrdreg s15  }
0x9: {  	s25 =	simm.s32 $0x29C0;
	s12 =	simm.s32 $0x2F80;
	[dreg:$0x6] =	wrdreg s17  }
0xa: {  	s26 =	simm.s32 $0x2A00;
	s28 =	simm.s32 $0x2DC0;
	[dreg:$0x7] =	wrdreg s18  }
0xb: {  	s29 =	simm.s32 $0x2E00;
	s30 =	simm.s32 $0x2E40;
	[dreg:$0x8] =	wrdreg s20  }
0xc: {  	s31 =	simm.s32 $0x2F40;
	s5 =	smul.u32 $0x2780, s3;
	[dreg:$0x9] =	wrdreg s21  }
0xd: {  	s1 =	sand.u32 $0x1, s1;
	s13 =	smul.u32 $0x5000, s3;
	[dreg:$0xa] =	wrdreg s22  }
0xe: {  	s8 =	simm.s32 $0x0;
	s16 =	sshll.u32 s3, $0x6;
	[dreg:$0xb] =	wrdreg s23  }
0xf: {  	s3 =	simm.s32 $0x0;
	s6 =	smul.u32 $0x27800, s1;
	[dreg:$0xc] =	wrdreg s24  }
0x10: {  	s7 =	smul.u32 $0x50000, s1;
	s1 =	ssub.s32 $0x2, s1;
	[dreg:$0xd] =	wrdreg s25  }
0x11: {  	s9 =	simm.s32 $0x2;
	[dreg:$0xe] =	wrdreg s26;
	s15 =	simm.s32 $0x2AC0  }
0x12: {  	s17 =	simm.s32 $0x2B40;
	s18 =	simm.s32 $0x2B80;
	s20 =	simm.s32 $0x2C00  }
0x13: {  	s21 =	simm.s32 $0x2C40;
	s22 =	simm.s32 $0x2C80;
	s23 =	simm.s32 $0x2CC0  }
0x14: {  	s24 =	simm.s32 $0x2D00;
	s25 =	simm.s32 $0x2D40;
	s26 =	simm.s32 $0x2D80  }
0x15: {  	[dreg:$0x14] =	wrdreg s3;
	s14 =	sshrl.u32 s1, $0x1;
	s6 =	sadd.s32 s5, s6  }
0x16: {  	s7 =	sadd.s32 s13, s7;
	s1 =	ssub.s32 s1, s14;
	s5 =	sadd.s32 s5, s2  }
0x17: {  	s13 =	simm.s32 $0x2A40;
	s14 =	simm.s32 $0x2A80;
	s6 =	sshrl.u32 s6, $0x3  }
0x18: {  	s7 =	sshrl.u32 s7, $0x3;
	s1 =	smax.u32 s1, $0x1;
	s5 =	sshrl.u32 s5, $0x3  }
0x19: {  	s4 =	sadd.s32 s6, s4;
	s0 =	sadd.s32 s7, s0;
	[dreg:$0x12] =	wrdreg s1  }
0x1a: {  	s7 =	sor.u32 $0x1C02, s16;
	s16 =	simm.s32 $0x2B00;
	[dreg:$0x13] =	wrdreg s5  }
0x1b: {  	s1 =	simm.s32 $0x2E80;
	s6 =	simm.s32 $0x1;
	[dreg:$0x4] =	wrdreg s0  }
0x1c: {  	s19 =	sadd.s32 $0x2600, s4;
	s0 =	simm.s32 $0x2EC0;
	[dreg:$0x10] =	wrdreg s7  }
0x1d: {  	v0 =	vimm.f32 $1.000000000e+00;
	s4 =	simm.s32 $0x2F00;
	[dreg:$0x11] =	wrdreg s19;
	s19 =	simm.s32 $0x2BC0  }
.LBB2_1:
0x1e: {  	s3 =	rddreg [dreg:$0xf]  }
0x1f: {  	[spmem:s5], [sflag:s7] =	dma.local [hbm:s3], $0x4F0  }
0x20: {  	_ =	swait.ge [sflag:s9], $0x4F0  }
0x21: {  	[sflag:s9] =	ssyncset.done $0x0  }
0x22: {  	s5 =	simm.s32 $0x40;
	s7 =	simm.s32 $0x0;
	[sflag:s9] =	ssyncadd.s32 $0xFFFFFB10  }
.LBB2_2:
0x23: {  	p0 =	sne.s32 s5, $0xFC0;
	[tilespmem:s7+$0x2F80] =	vst v0;
	s7 =	smov.u32 s5;
	s5 =	sadd.s32 $0x40, s5  }
.Ltmp0:
0x24: {  	(pc) =	sbr.rel @p0 .LBB2_2-.Ltmp0, $2  }
0x25: {  	_ =	sdelay $0x2  }
0x26: {  	s7 =	sshra.s32 s7, $0x2  }
0x27: {  	[tilespmem:s7+$0x2F80] =	vst v0  }
0x28: {  	[bflag:$0x0] =	sbarrier.arrive $0xFFFF  }
0x29: {  	s5 =	rddreg [dreg:$0x4]  }
0x2a: {  	s5 =	sadd.s32 $0x0, s5  }
0x2b: {  	[tilespmem:s10], [sflag:$0x2] =	stream.linear.gather [hbm4b:s5+s8], $0x800, $0x38;
	[tilespmem:$0x3380] =	vst v63  }
0x2c: {  	_ =	swait.ge [sflag:s9], $0x800  }
0x2d: {  	[sflag:s9] =	ssyncset.done $0x0  }
0x2e: {  	[sflag:s9] =	ssyncadd.s32 $0xFFFFF800  }
0x2f: {  	[spmem:s2] =	stream.indirect.scatter.add.f32 [tilespmem:s12], [sflag:$0x1], $0x10, s10, s11, $0xb8;
	[tilespmem:$0x3380] =	vst v63  }
0x30: {  	s7 =	rddreg [dreg:$0x5]  }
0x31: {  	[spmem:s2] =	stream.indirect.scatter.add.f32 [tilespmem:s12], [sflag:$0x1], $0x10, s7, s11, $0xb8;
	[tilespmem:$0x3380] =	vst v63  }
0x32: {  	s8 =	rddreg [dreg:$0x6]  }
0x33: {  	[spmem:s2] =	stream.indirect.scatter.add.f32 [tilespmem:s12], [sflag:$0x1], $0x10, s8, s11, $0xb8;
	[tilespmem:$0x3380] =	vst v63  }
0x34: {  	s3 =	rddreg [dreg:$0x7]  }
0x35: {  	[spmem:s2] =	stream.indirect.scatter.add.f32 [tilespmem:s12], [sflag:$0x1], $0x10, s3, s11, $0xb8;
	[tilespmem:$0x3380] =	vst v63  }
0x36: {  	s8 =	rddreg [dreg:$0x8]  }
0x37: {  	[spmem:s2] =	stream.indirect.scatter.add.f32 [tilespmem:s12], [sflag:$0x1], $0x10, s8, s11, $0xb8;
	[tilespmem:$0x3380] =	vst v63  }
0x38: {  	s3 =	rddreg [dreg:$0x9]  }
0x39: {  	[spmem:s2] =	stream.indirect.scatter.add.f32 [tilespmem:s12], [sflag:$0x1], $0x10, s3, s11, $0xb8;
	[tilespmem:$0x3380] =	vst v63  }
0x3a: {  	s8 =	rddreg [dreg:$0xa]  }
0x3b: {  	[spmem:s2] =	stream.indirect.scatter.add.f32 [tilespmem:s12], [sflag:$0x1], $0x10, s8, s11, $0xb8;
	[tilespmem:$0x3380] =	vst v63  }
0x3c: {  	s3 =	rddreg [dreg:$0xb]  }
0x3d: {  	[spmem:s2] =	stream.indirect.scatter.add.f32 [tilespmem:s12], [sflag:$0x1], $0x10, s3, s11, $0xb8;
	[tilespmem:$0x3380] =	vst v63  }
0x3e: {  	s8 =	rddreg [dreg:$0xc]  }
0x3f: {  	[spmem:s2] =	stream.indirect.scatter.add.f32 [tilespmem:s12], [sflag:$0x1], $0x10, s8, s11, $0xb8;
	[tilespmem:$0x3380] =	vst v63  }
0x40: {  	s3 =	rddreg [dreg:$0xd]  }
0x41: {  	[spmem:s2] =	stream.indirect.scatter.add.f32 [tilespmem:s12], [sflag:$0x1], $0x10, s3, s11, $0xb8;
	[tilespmem:$0x3380] =	vst v63  }
0x42: {  	s8 =	rddreg [dreg:$0xe]  }
0x43: {  	[spmem:s2] =	stream.indirect.scatter.add.f32 [tilespmem:s12], [sflag:$0x1], $0x10, s8, s11, $0xb8;
	[tilespmem:$0x3380] =	vst v63  }
0x44: {  	_ = 	snop  }
0x45: {  	[spmem:s2] =	stream.indirect.scatter.add.f32 [tilespmem:s12], [sflag:$0x1], $0x10, s13, s11, $0xb8;
	[tilespmem:$0x3380] =	vst v63  }
0x46: {  	_ = 	snop  }
0x47: {  	[spmem:s2] =	stream.indirect.scatter.add.f32 [tilespmem:s12], [sflag:$0x1], $0x10, s14, s11, $0xb8;
	[tilespmem:$0x3380] =	vst v63  }
0x48: {  	_ = 	snop  }
0x49: {  	[spmem:s2] =	stream.indirect.scatter.add.f32 [tilespmem:s12], [sflag:$0x1], $0x10, s15, s11, $0xb8;
	[tilespmem:$0x3380] =	vst v63  }
0x4a: {  	_ = 	snop  }
0x4b: {  	[spmem:s2] =	stream.indirect.scatter.add.f32 [tilespmem:s12], [sflag:$0x1], $0x10, s16, s11, $0xb8;
	[tilespmem:$0x3380] =	vst v63  }
0x4c: {  	_ = 	snop  }
0x4d: {  	[spmem:s2] =	stream.indirect.scatter.add.f32 [tilespmem:s12], [sflag:$0x1], $0x10, s17, s11, $0xb8;
	[tilespmem:$0x3380] =	vst v63  }
0x4e: {  	_ = 	snop  }
0x4f: {  	[spmem:s2] =	stream.indirect.scatter.add.f32 [tilespmem:s12], [sflag:$0x1], $0x10, s18, s11, $0xb8;
	[tilespmem:$0x3380] =	vst v63  }
0x50: {  	_ = 	snop  }
0x51: {  	[spmem:s2] =	stream.indirect.scatter.add.f32 [tilespmem:s12], [sflag:$0x1], $0x10, s19, s11, $0xb8;
	[tilespmem:$0x3380] =	vst v63  }
0x52: {  	_ = 	snop  }
0x53: {  	[spmem:s2] =	stream.indirect.scatter.add.f32 [tilespmem:s12], [sflag:$0x1], $0x10, s20, s11, $0xb8;
	[tilespmem:$0x3380] =	vst v63  }
0x54: {  	_ = 	snop  }
0x55: {  	[spmem:s2] =	stream.indirect.scatter.add.f32 [tilespmem:s12], [sflag:$0x1], $0x10, s21, s11, $0xb8;
	[tilespmem:$0x3380] =	vst v63  }
0x56: {  	_ = 	snop  }
0x57: {  	[spmem:s2] =	stream.indirect.scatter.add.f32 [tilespmem:s12], [sflag:$0x1], $0x10, s22, s11, $0xb8;
	[tilespmem:$0x3380] =	vst v63  }
0x58: {  	_ = 	snop  }
0x59: {  	[spmem:s2] =	stream.indirect.scatter.add.f32 [tilespmem:s12], [sflag:$0x1], $0x10, s23, s11, $0xb8;
	[tilespmem:$0x3380] =	vst v63  }
0x5a: {  	_ = 	snop  }
0x5b: {  	[spmem:s2] =	stream.indirect.scatter.add.f32 [tilespmem:s12], [sflag:$0x1], $0x10, s24, s11, $0xb8;
	[tilespmem:$0x3380] =	vst v63  }
0x5c: {  	_ = 	snop  }
0x5d: {  	[spmem:s2] =	stream.indirect.scatter.add.f32 [tilespmem:s12], [sflag:$0x1], $0x10, s25, s11, $0xb8;
	[tilespmem:$0x3380] =	vst v63  }
0x5e: {  	_ = 	snop  }
0x5f: {  	[spmem:s2] =	stream.indirect.scatter.add.f32 [tilespmem:s12], [sflag:$0x1], $0x10, s26, s11, $0xb8;
	[tilespmem:$0x3380] =	vst v63  }
0x60: {  	_ = 	snop  }
0x61: {  	[spmem:s2] =	stream.indirect.scatter.add.f32 [tilespmem:s12], [sflag:$0x1], $0x10, s28, s11, $0xb8;
	[tilespmem:$0x3380] =	vst v63  }
0x62: {  	_ = 	snop  }
0x63: {  	[spmem:s2] =	stream.indirect.scatter.add.f32 [tilespmem:s12], [sflag:$0x1], $0x10, s29, s11, $0xb8;
	[tilespmem:$0x3380] =	vst v63  }
0x64: {  	_ = 	snop  }
0x65: {  	[spmem:s2] =	stream.indirect.scatter.add.f32 [tilespmem:s12], [sflag:$0x1], $0x10, s30, s11, $0xb8;
	[tilespmem:$0x3380] =	vst v63  }
0x66: {  	_ = 	snop  }
0x67: {  	[spmem:s2] =	stream.indirect.scatter.add.f32 [tilespmem:s12], [sflag:$0x1], $0x10, s1, s11, $0xb8;
	[tilespmem:$0x3380] =	vst v63  }
0x68: {  	_ = 	snop  }
0x69: {  	[spmem:s2] =	stream.indirect.scatter.add.f32 [tilespmem:s12], [sflag:$0x1], $0x10, s0, s11, $0xb8;
	[tilespmem:$0x3380] =	vst v63  }
0x6a: {  	_ = 	snop  }
0x6b: {  	[spmem:s2] =	stream.indirect.scatter.add.f32 [tilespmem:s12], [sflag:$0x1], $0x10, s4, s11, $0xb8;
	[tilespmem:$0x3380] =	vst v63  }
0x6c: {  	_ = 	snop  }
0x6d: {  	[spmem:s2] =	stream.indirect.scatter.add.f32 [tilespmem:s12], [sflag:$0x1], $0x10, s31, s11, $0xb8;
	[tilespmem:$0x3380] =	vst v63  }
0x6e: {  	_ =	swait.ge [sflag:s6], $0x400  }
0x6f: {  	[sflag:s6] =	ssyncset.done $0x0  }
0x70: {  	[sflag:s6] =	ssyncadd.s32 $0xFFFFFC00  }
0x71: {  	_ =	swait.ge [sflag:s6], $0x400  }
0x72: {  	[sflag:s6] =	ssyncset.done $0x0  }
0x73: {  	[sflag:s6] =	ssyncadd.s32 $0xFFFFFC00  }
0x74: {  	_ =	swait.ge [sflag:s6], $0x400  }
0x75: {  	[sflag:s6] =	ssyncset.done $0x0  }
0x76: {  	[sflag:s6] =	ssyncadd.s32 $0xFFFFFC00  }
0x77: {  	_ =	swait.ge [sflag:s6], $0x400  }
0x78: {  	[sflag:s6] =	ssyncset.done $0x0  }
0x79: {  	[sflag:s6] =	ssyncadd.s32 $0xFFFFFC00  }
0x7a: {  	_ =	swait.ge [sflag:s6], $0x400  }
0x7b: {  	[sflag:s6] =	ssyncset.done $0x0  }
0x7c: {  	[sflag:s6] =	ssyncadd.s32 $0xFFFFFC00  }
0x7d: {  	_ =	swait.ge [sflag:s6], $0x400  }
0x7e: {  	[sflag:s6] =	ssyncset.done $0x0  }
0x7f: {  	[sflag:s6] =	ssyncadd.s32 $0xFFFFFC00  }
0x80: {  	_ =	swait.ge [sflag:s6], $0x400  }
0x81: {  	[sflag:s6] =	ssyncset.done $0x0  }
0x82: {  	[sflag:s6] =	ssyncadd.s32 $0xFFFFFC00  }
0x83: {  	_ =	swait.ge [sflag:s6], $0x400  }
0x84: {  	[sflag:s6] =	ssyncset.done $0x0  }
0x85: {  	[sflag:s6] =	ssyncadd.s32 $0xFFFFFC00  }
0x86: {  	_ =	swait.ge [sflag:s6], $0x400  }
0x87: {  	[sflag:s6] =	ssyncset.done $0x0  }
0x88: {  	[sflag:s6] =	ssyncadd.s32 $0xFFFFFC00  }
0x89: {  	_ =	swait.ge [sflag:s6], $0x400  }
0x8a: {  	[sflag:s6] =	ssyncset.done $0x0  }
0x8b: {  	[sflag:s6] =	ssyncadd.s32 $0xFFFFFC00  }
0x8c: {  	_ =	swait.ge [sflag:s6], $0x400  }
0x8d: {  	[sflag:s6] =	ssyncset.done $0x0  }
0x8e: {  	[sflag:s6] =	ssyncadd.s32 $0xFFFFFC00  }
0x8f: {  	_ =	swait.ge [sflag:s6], $0x400  }
0x90: {  	[sflag:s6] =	ssyncset.done $0x0  }
0x91: {  	[sflag:s6] =	ssyncadd.s32 $0xFFFFFC00  }
0x92: {  	_ =	swait.ge [sflag:s6], $0x400  }
0x93: {  	[sflag:s6] =	ssyncset.done $0x0  }
0x94: {  	[sflag:s6] =	ssyncadd.s32 $0xFFFFFC00  }
0x95: {  	_ =	swait.ge [sflag:s6], $0x400  }
0x96: {  	[sflag:s6] =	ssyncset.done $0x0  }
0x97: {  	[sflag:s6] =	ssyncadd.s32 $0xFFFFFC00  }
0x98: {  	_ =	swait.ge [sflag:s6], $0x400  }
0x99: {  	[sflag:s6] =	ssyncset.done $0x0  }
0x9a: {  	[sflag:s6] =	ssyncadd.s32 $0xFFFFFC00  }
0x9b: {  	_ =	swait.ge [sflag:s6], $0x400  }
0x9c: {  	[sflag:s6] =	ssyncset.done $0x0  }
0x9d: {  	[sflag:s6] =	ssyncadd.s32 $0xFFFFFC00  }
0x9e: {  	_ =	swait.ge [sflag:s6], $0x400  }
0x9f: {  	[sflag:s6] =	ssyncset.done $0x0  }
0xa0: {  	[sflag:s6] =	ssyncadd.s32 $0xFFFFFC00  }
0xa1: {  	_ =	swait.ge [sflag:s6], $0x400  }
0xa2: {  	[sflag:s6] =	ssyncset.done $0x0  }
0xa3: {  	[sflag:s6] =	ssyncadd.s32 $0xFFFFFC00  }
0xa4: {  	_ =	swait.ge [sflag:s6], $0x400  }
0xa5: {  	[sflag:s6] =	ssyncset.done $0x0  }
0xa6: {  	[sflag:s6] =	ssyncadd.s32 $0xFFFFFC00  }
0xa7: {  	_ =	swait.ge [sflag:s6], $0x400  }
0xa8: {  	[sflag:s6] =	ssyncset.done $0x0  }
0xa9: {  	[sflag:s6] =	ssyncadd.s32 $0xFFFFFC00  }
0xaa: {  	_ =	swait.ge [sflag:s6], $0x400  }
0xab: {  	[sflag:s6] =	ssyncset.done $0x0  }
0xac: {  	[sflag:s6] =	ssyncadd.s32 $0xFFFFFC00  }
0xad: {  	_ =	swait.ge [sflag:s6], $0x400  }
0xae: {  	[sflag:s6] =	ssyncset.done $0x0  }
0xaf: {  	[sflag:s6] =	ssyncadd.s32 $0xFFFFFC00  }
0xb0: {  	_ =	swait.ge [sflag:s6], $0x400  }
0xb1: {  	[sflag:s6] =	ssyncset.done $0x0  }
0xb2: {  	[sflag:s6] =	ssyncadd.s32 $0xFFFFFC00  }
0xb3: {  	_ =	swait.ge [sflag:s6], $0x400  }
0xb4: {  	[sflag:s6] =	ssyncset.done $0x0  }
0xb5: {  	[sflag:s6] =	ssyncadd.s32 $0xFFFFFC00  }
0xb6: {  	_ =	swait.ge [sflag:s6], $0x400  }
0xb7: {  	[sflag:s6] =	ssyncset.done $0x0  }
0xb8: {  	[sflag:s6] =	ssyncadd.s32 $0xFFFFFC00  }
0xb9: {  	_ =	swait.ge [sflag:s6], $0x400  }
0xba: {  	[sflag:s6] =	ssyncset.done $0x0  }
0xbb: {  	[sflag:s6] =	ssyncadd.s32 $0xFFFFFC00  }
0xbc: {  	_ =	swait.ge [sflag:s6], $0x400  }
0xbd: {  	[sflag:s6] =	ssyncset.done $0x0  }
0xbe: {  	[sflag:s6] =	ssyncadd.s32 $0xFFFFFC00  }
0xbf: {  	_ =	swait.ge [sflag:s6], $0x400  }
0xc0: {  	[sflag:s6] =	ssyncset.done $0x0  }
0xc1: {  	s5 =	simm.s32 $0x100;
	s8 =	simm.s32 $0x200;
	[sflag:s6] =	ssyncadd.s32 $0xFFFFFC00  }
0xc2: {  	s13 =	simm.s32 $0x0;
	s14 =	simm.s32 $0x2A40;
	_ =	swait.ge [sflag:s6], $0x400  }
0xc3: {  	s15 =	simm.s32 $0x2A80;
	s16 =	simm.s32 $0x2AC0;
	[sflag:s6] =	ssyncset.done $0x0  }
0xc4: {  	s17 =	simm.s32 $0x2B00;
	s18 =	simm.s32 $0x2B40;
	[sflag:s6] =	ssyncadd.s32 $0xFFFFFC00  }
0xc5: {  	s19 =	simm.s32 $0x2B80;
	s20 =	simm.s32 $0x2BC0;
	_ =	swait.ge [sflag:s6], $0x400  }
0xc6: {  	s21 =	simm.s32 $0x2C00;
	s22 =	simm.s32 $0x2C40;
	[sflag:s6] =	ssyncset.done $0x0  }
0xc7: {  	s23 =	simm.s32 $0x2C80;
	s24 =	simm.s32 $0x2CC0;
	[sflag:s6] =	ssyncadd.s32 $0xFFFFFC00  }
0xc8: {  	s25 =	simm.s32 $0x2D00;
	s26 =	simm.s32 $0x2D40;
	_ =	swait.ge [sflag:s6], $0x400  }
0xc9: {  	s28 =	simm.s32 $0x2D80;
	s29 =	simm.s32 $0x2DC0;
	[sflag:s6] =	ssyncset.done $0x0  }
0xca: {  	s30 =	simm.s32 $0x2E00;
	s1 =	simm.s32 $0x2E80;
	[sflag:s6] =	ssyncadd.s32 $0xFFFFFC00  }
0xcb: {  	s0 =	simm.s32 $0x2EC0;
	s4 =	simm.s32 $0x2F00;
	_ =	swait.ge [sflag:s6], $0x400  }
0xcc: {  	s31 =	simm.s32 $0x2E40;
	s7 =	rddreg [dreg:$0x4];
	[sflag:s6] =	ssyncset.done $0x0  }
.LBB2_4:
0xcd: {  	[sflag:s6] =	ssyncadd.s32 $0xFFFFFC00;
	s7 =	sadd.s32 s5, s7  }
0xce: {  	[tilespmem:s10], [sflag:$0x2] =	stream.linear.gather [hbm4b:s7+s13], $0x800, $0x38;
	[tilespmem:$0x3380] =	vst v63  }
0xcf: {  	_ =	swait.ge [sflag:s9], $0x800  }
0xd0: {  	[sflag:s9] =	ssyncset.done $0x0  }
0xd1: {  	s3 =	smov.u32 s8;
	[sflag:s9] =	ssyncadd.s32 $0xFFFFF800  }
0xd2: {  	[spmem:s2] =	stream.indirect.scatter.add.f32 [tilespmem:s12], [sflag:$0x1], $0x10, s10, s11, $0xb8;
	[tilespmem:$0x3380] =	vst v63  }
0xd3: {  	s5 =	smov.u32 s3;
	s3 =	rddreg [dreg:$0x5]  }
0xd4: {  	[spmem:s2] =	stream.indirect.scatter.add.f32 [tilespmem:s12], [sflag:$0x1], $0x10, s3, s11, $0xb8;
	[tilespmem:$0x3380] =	vst v63  }
0xd5: {  	s7 =	rddreg [dreg:$0x6]  }
0xd6: {  	[spmem:s2] =	stream.indirect.scatter.add.f32 [tilespmem:s12], [sflag:$0x1], $0x10, s7, s11, $0xb8;
	[tilespmem:$0x3380] =	vst v63  }
0xd7: {  	s3 =	rddreg [dreg:$0x7]  }
0xd8: {  	[spmem:s2] =	stream.indirect.scatter.add.f32 [tilespmem:s12], [sflag:$0x1], $0x10, s3, s11, $0xb8;
	[tilespmem:$0x3380] =	vst v63  }
0xd9: {  	s7 =	rddreg [dreg:$0x8]  }
0xda: {  	[spmem:s2] =	stream.indirect.scatter.add.f32 [tilespmem:s12], [sflag:$0x1], $0x10, s7, s11, $0xb8;
	[tilespmem:$0x3380] =	vst v63  }
0xdb: {  	s3 =	rddreg [dreg:$0x9]  }
0xdc: {  	[spmem:s2] =	stream.indirect.scatter.add.f32 [tilespmem:s12], [sflag:$0x1], $0x10, s3, s11, $0xb8;
	[tilespmem:$0x3380] =	vst v63  }
0xdd: {  	s7 =	rddreg [dreg:$0xa]  }
0xde: {  	[spmem:s2] =	stream.indirect.scatter.add.f32 [tilespmem:s12], [sflag:$0x1], $0x10, s7, s11, $0xb8;
	[tilespmem:$0x3380] =	vst v63  }
0xdf: {  	s3 =	rddreg [dreg:$0xb]  }
0xe0: {  	[spmem:s2] =	stream.indirect.scatter.add.f32 [tilespmem:s12], [sflag:$0x1], $0x10, s3, s11, $0xb8;
	[tilespmem:$0x3380] =	vst v63  }
0xe1: {  	s7 =	rddreg [dreg:$0xc]  }
0xe2: {  	[spmem:s2] =	stream.indirect.scatter.add.f32 [tilespmem:s12], [sflag:$0x1], $0x10, s7, s11, $0xb8;
	[tilespmem:$0x3380] =	vst v63  }
0xe3: {  	s3 =	rddreg [dreg:$0xd]  }
0xe4: {  	[spmem:s2] =	stream.indirect.scatter.add.f32 [tilespmem:s12], [sflag:$0x1], $0x10, s3, s11, $0xb8;
	[tilespmem:$0x3380] =	vst v63  }
0xe5: {  	s7 =	rddreg [dreg:$0xe]  }
0xe6: {  	[spmem:s2] =	stream.indirect.scatter.add.f32 [tilespmem:s12], [sflag:$0x1], $0x10, s7, s11, $0xb8;
	[tilespmem:$0x3380] =	vst v63  }
0xe7: {  	_ = 	snop  }
0xe8: {  	[spmem:s2] =	stream.indirect.scatter.add.f32 [tilespmem:s12], [sflag:$0x1], $0x10, s14, s11, $0xb8;
	[tilespmem:$0x3380] =	vst v63  }
0xe9: {  	_ = 	snop  }
0xea: {  	[spmem:s2] =	stream.indirect.scatter.add.f32 [tilespmem:s12], [sflag:$0x1], $0x10, s15, s11, $0xb8;
	[tilespmem:$0x3380] =	vst v63  }
0xeb: {  	_ = 	snop  }
0xec: {  	[spmem:s2] =	stream.indirect.scatter.add.f32 [tilespmem:s12], [sflag:$0x1], $0x10, s16, s11, $0xb8;
	[tilespmem:$0x3380] =	vst v63  }
0xed: {  	_ = 	snop  }
0xee: {  	[spmem:s2] =	stream.indirect.scatter.add.f32 [tilespmem:s12], [sflag:$0x1], $0x10, s17, s11, $0xb8;
	[tilespmem:$0x3380] =	vst v63  }
0xef: {  	_ = 	snop  }
0xf0: {  	[spmem:s2] =	stream.indirect.scatter.add.f32 [tilespmem:s12], [sflag:$0x1], $0x10, s18, s11, $0xb8;
	[tilespmem:$0x3380] =	vst v63  }
0xf1: {  	_ = 	snop  }
0xf2: {  	[spmem:s2] =	stream.indirect.scatter.add.f32 [tilespmem:s12], [sflag:$0x1], $0x10, s19, s11, $0xb8;
	[tilespmem:$0x3380] =	vst v63  }
0xf3: {  	_ = 	snop  }
0xf4: {  	[spmem:s2] =	stream.indirect.scatter.add.f32 [tilespmem:s12], [sflag:$0x1], $0x10, s20, s11, $0xb8;
	[tilespmem:$0x3380] =	vst v63  }
0xf5: {  	_ = 	snop  }
0xf6: {  	[spmem:s2] =	stream.indirect.scatter.add.f32 [tilespmem:s12], [sflag:$0x1], $0x10, s21, s11, $0xb8;
	[tilespmem:$0x3380] =	vst v63  }
0xf7: {  	_ = 	snop  }
0xf8: {  	[spmem:s2] =	stream.indirect.scatter.add.f32 [tilespmem:s12], [sflag:$0x1], $0x10, s22, s11, $0xb8;
	[tilespmem:$0x3380] =	vst v63  }
0xf9: {  	_ = 	snop  }
0xfa: {  	[spmem:s2] =	stream.indirect.scatter.add.f32 [tilespmem:s12], [sflag:$0x1], $0x10, s23, s11, $0xb8;
	[tilespmem:$0x3380] =	vst v63  }
0xfb: {  	_ = 	snop  }
0xfc: {  	[spmem:s2] =	stream.indirect.scatter.add.f32 [tilespmem:s12], [sflag:$0x1], $0x10, s24, s11, $0xb8;
	[tilespmem:$0x3380] =	vst v63  }
0xfd: {  	_ = 	snop  }
0xfe: {  	[spmem:s2] =	stream.indirect.scatter.add.f32 [tilespmem:s12], [sflag:$0x1], $0x10, s25, s11, $0xb8;
	[tilespmem:$0x3380] =	vst v63  }
0xff: {  	_ = 	snop  }
0x100: {  	[spmem:s2] =	stream.indirect.scatter.add.f32 [tilespmem:s12], [sflag:$0x1], $0x10, s26, s11, $0xb8;
	[tilespmem:$0x3380] =	vst v63  }
0x101: {  	_ = 	snop  }
0x102: {  	[spmem:s2] =	stream.indirect.scatter.add.f32 [tilespmem:s12], [sflag:$0x1], $0x10, s28, s11, $0xb8;
	[tilespmem:$0x3380] =	vst v63  }
0x103: {  	_ = 	snop  }
0x104: {  	[spmem:s2] =	stream.indirect.scatter.add.f32 [tilespmem:s12], [sflag:$0x1], $0x10, s29, s11, $0xb8;
	[tilespmem:$0x3380] =	vst v63  }
0x105: {  	_ = 	snop  }
0x106: {  	[spmem:s2] =	stream.indirect.scatter.add.f32 [tilespmem:s12], [sflag:$0x1], $0x10, s30, s11, $0xb8;
	[tilespmem:$0x3380] =	vst v63  }
0x107: {  	_ = 	snop  }
0x108: {  	[spmem:s2] =	stream.indirect.scatter.add.f32 [tilespmem:s12], [sflag:$0x1], $0x10, s31, s11, $0xb8;
	[tilespmem:$0x3380] =	vst v63  }
0x109: {  	_ = 	snop  }
0x10a: {  	[spmem:s2] =	stream.indirect.scatter.add.f32 [tilespmem:s12], [sflag:$0x1], $0x10, s1, s11, $0xb8;
	[tilespmem:$0x3380] =	vst v63  }
0x10b: {  	_ = 	snop  }
0x10c: {  	[spmem:s2] =	stream.indirect.scatter.add.f32 [tilespmem:s12], [sflag:$0x1], $0x10, s0, s11, $0xb8;
	[tilespmem:$0x3380] =	vst v63  }
0x10d: {  	_ = 	snop  }
0x10e: {  	[spmem:s2] =	stream.indirect.scatter.add.f32 [tilespmem:s12], [sflag:$0x1], $0x10, s4, s11, $0xb8;
	[tilespmem:$0x3380] =	vst v63  }
0x10f: {  	s7 =	simm.s32 $0x2F40  }
0x110: {  	[spmem:s2] =	stream.indirect.scatter.add.f32 [tilespmem:s12], [sflag:$0x1], $0x10, s7, s11, $0xb8;
	[tilespmem:$0x3380] =	vst v63  }
0x111: {  	_ =	swait.ge [sflag:s6], $0x400  }
0x112: {  	[sflag:s6] =	ssyncset.done $0x0  }
0x113: {  	[sflag:s6] =	ssyncadd.s32 $0xFFFFFC00  }
0x114: {  	_ =	swait.ge [sflag:s6], $0x400  }
0x115: {  	[sflag:s6] =	ssyncset.done $0x0  }
0x116: {  	[sflag:s6] =	ssyncadd.s32 $0xFFFFFC00  }
0x117: {  	_ =	swait.ge [sflag:s6], $0x400  }
0x118: {  	[sflag:s6] =	ssyncset.done $0x0  }
0x119: {  	[sflag:s6] =	ssyncadd.s32 $0xFFFFFC00  }
0x11a: {  	_ =	swait.ge [sflag:s6], $0x400  }
0x11b: {  	[sflag:s6] =	ssyncset.done $0x0  }
0x11c: {  	[sflag:s6] =	ssyncadd.s32 $0xFFFFFC00  }
0x11d: {  	_ =	swait.ge [sflag:s6], $0x400  }
0x11e: {  	[sflag:s6] =	ssyncset.done $0x0  }
0x11f: {  	[sflag:s6] =	ssyncadd.s32 $0xFFFFFC00  }
0x120: {  	_ =	swait.ge [sflag:s6], $0x400  }
0x121: {  	[sflag:s6] =	ssyncset.done $0x0  }
0x122: {  	[sflag:s6] =	ssyncadd.s32 $0xFFFFFC00  }
0x123: {  	_ =	swait.ge [sflag:s6], $0x400  }
0x124: {  	[sflag:s6] =	ssyncset.done $0x0  }
0x125: {  	[sflag:s6] =	ssyncadd.s32 $0xFFFFFC00  }
0x126: {  	_ =	swait.ge [sflag:s6], $0x400  }
0x127: {  	[sflag:s6] =	ssyncset.done $0x0  }
0x128: {  	[sflag:s6] =	ssyncadd.s32 $0xFFFFFC00  }
0x129: {  	_ =	swait.ge [sflag:s6], $0x400  }
0x12a: {  	[sflag:s6] =	ssyncset.done $0x0  }
0x12b: {  	[sflag:s6] =	ssyncadd.s32 $0xFFFFFC00  }
0x12c: {  	_ =	swait.ge [sflag:s6], $0x400  }
0x12d: {  	[sflag:s6] =	ssyncset.done $0x0  }
0x12e: {  	[sflag:s6] =	ssyncadd.s32 $0xFFFFFC00  }
0x12f: {  	_ =	swait.ge [sflag:s6], $0x400  }
0x130: {  	[sflag:s6] =	ssyncset.done $0x0  }
0x131: {  	[sflag:s6] =	ssyncadd.s32 $0xFFFFFC00  }
0x132: {  	_ =	swait.ge [sflag:s6], $0x400  }
0x133: {  	[sflag:s6] =	ssyncset.done $0x0  }
0x134: {  	[sflag:s6] =	ssyncadd.s32 $0xFFFFFC00  }
0x135: {  	_ =	swait.ge [sflag:s6], $0x400  }
0x136: {  	[sflag:s6] =	ssyncset.done $0x0  }
0x137: {  	[sflag:s6] =	ssyncadd.s32 $0xFFFFFC00  }
0x138: {  	_ =	swait.ge [sflag:s6], $0x400  }
0x139: {  	[sflag:s6] =	ssyncset.done $0x0  }
0x13a: {  	[sflag:s6] =	ssyncadd.s32 $0xFFFFFC00  }
0x13b: {  	_ =	swait.ge [sflag:s6], $0x400  }
0x13c: {  	[sflag:s6] =	ssyncset.done $0x0  }
0x13d: {  	[sflag:s6] =	ssyncadd.s32 $0xFFFFFC00  }
0x13e: {  	_ =	swait.ge [sflag:s6], $0x400  }
0x13f: {  	[sflag:s6] =	ssyncset.done $0x0  }
0x140: {  	[sflag:s6] =	ssyncadd.s32 $0xFFFFFC00  }
0x141: {  	_ =	swait.ge [sflag:s6], $0x400  }
0x142: {  	[sflag:s6] =	ssyncset.done $0x0  }
0x143: {  	[sflag:s6] =	ssyncadd.s32 $0xFFFFFC00  }
0x144: {  	_ =	swait.ge [sflag:s6], $0x400  }
0x145: {  	[sflag:s6] =	ssyncset.done $0x0  }
0x146: {  	[sflag:s6] =	ssyncadd.s32 $0xFFFFFC00  }
0x147: {  	_ =	swait.ge [sflag:s6], $0x400  }
0x148: {  	[sflag:s6] =	ssyncset.done $0x0  }
0x149: {  	[sflag:s6] =	ssyncadd.s32 $0xFFFFFC00  }
0x14a: {  	_ =	swait.ge [sflag:s6], $0x400  }
0x14b: {  	[sflag:s6] =	ssyncset.done $0x0  }
0x14c: {  	[sflag:s6] =	ssyncadd.s32 $0xFFFFFC00  }
0x14d: {  	_ =	swait.ge [sflag:s6], $0x400  }
0x14e: {  	[sflag:s6] =	ssyncset.done $0x0  }
0x14f: {  	[sflag:s6] =	ssyncadd.s32 $0xFFFFFC00  }
0x150: {  	_ =	swait.ge [sflag:s6], $0x400  }
0x151: {  	[sflag:s6] =	ssyncset.done $0x0  }
0x152: {  	[sflag:s6] =	ssyncadd.s32 $0xFFFFFC00  }
0x153: {  	_ =	swait.ge [sflag:s6], $0x400  }
0x154: {  	[sflag:s6] =	ssyncset.done $0x0  }
0x155: {  	[sflag:s6] =	ssyncadd.s32 $0xFFFFFC00  }
0x156: {  	_ =	swait.ge [sflag:s6], $0x400  }
0x157: {  	[sflag:s6] =	ssyncset.done $0x0  }
0x158: {  	[sflag:s6] =	ssyncadd.s32 $0xFFFFFC00  }
0x159: {  	_ =	swait.ge [sflag:s6], $0x400  }
0x15a: {  	[sflag:s6] =	ssyncset.done $0x0  }
0x15b: {  	[sflag:s6] =	ssyncadd.s32 $0xFFFFFC00  }
0x15c: {  	_ =	swait.ge [sflag:s6], $0x400  }
0x15d: {  	[sflag:s6] =	ssyncset.done $0x0  }
0x15e: {  	[sflag:s6] =	ssyncadd.s32 $0xFFFFFC00  }
0x15f: {  	_ =	swait.ge [sflag:s6], $0x400  }
0x160: {  	[sflag:s6] =	ssyncset.done $0x0  }
0x161: {  	[sflag:s6] =	ssyncadd.s32 $0xFFFFFC00  }
0x162: {  	_ =	swait.ge [sflag:s6], $0x400  }
0x163: {  	[sflag:s6] =	ssyncset.done $0x0  }
0x164: {  	[sflag:s6] =	ssyncadd.s32 $0xFFFFFC00  }
0x165: {  	_ =	swait.ge [sflag:s6], $0x400  }
0x166: {  	[sflag:s6] =	ssyncset.done $0x0  }
0x167: {  	[sflag:s6] =	ssyncadd.s32 $0xFFFFFC00  }
0x168: {  	_ =	swait.ge [sflag:s6], $0x400  }
0x169: {  	[sflag:s6] =	ssyncset.done $0x0  }
0x16a: {  	p0 =	sne.s32 s8, $0x900;
	[sflag:s6] =	ssyncadd.s32 $0xFFFFFC00  }
.Ltmp1:
0x16b: {  	_ =	swait.ge [sflag:s6], $0x400;
	(pc) =	sbr.rel @p0 .LBB2_4-.Ltmp1, $4  }
0x16c: {  	[sflag:s6] =	ssyncset.done $0x0  }
0x16d: {  	[sflag:s6] =	ssyncadd.s32 $0xFFFFFC00  }
0x16e: {  	_ =	swait.ge [sflag:s6], $0x400  }
0x16f: {  	s8 =	sadd.s32 $0x100, s8;
	s7 =	rddreg [dreg:$0x4];
	[sflag:s6] =	ssyncset.done $0x0  }
0x170: {  	[sflag:s6] =	ssyncadd.s32 $0xFFFFFC00;
	s3 =	sadd.s32 s5, s7  }
0x171: {  	[tilespmem:s10], [sflag:$0x2] =	stream.linear.gather [hbm4b:s3+s13], $0x800, $0x38;
	[tilespmem:$0x3380] =	vst v63  }
0x172: {  	_ =	swait.ge [sflag:s9], $0x800  }
0x173: {  	[sflag:s9] =	ssyncset.done $0x0  }
0x174: {  	[sflag:s9] =	ssyncadd.s32 $0xFFFFF800  }
0x175: {  	[spmem:s2] =	stream.indirect.scatter.add.f32 [tilespmem:s12], [sflag:$0x1], $0x10, s10, s11, $0xb8;
	[tilespmem:$0x3380] =	vst v63  }
0x176: {  	s5 =	rddreg [dreg:$0x5]  }
0x177: {  	[spmem:s2] =	stream.indirect.scatter.add.f32 [tilespmem:s12], [sflag:$0x1], $0x10, s5, s11, $0xb8;
	[tilespmem:$0x3380] =	vst v63  }
0x178: {  	s7 =	rddreg [dreg:$0x6]  }
0x179: {  	[spmem:s2] =	stream.indirect.scatter.add.f32 [tilespmem:s12], [sflag:$0x1], $0x10, s7, s11, $0xb8;
	[tilespmem:$0x3380] =	vst v63  }
0x17a: {  	s8 =	rddreg [dreg:$0x7]  }
0x17b: {  	[spmem:s2] =	stream.indirect.scatter.add.f32 [tilespmem:s12], [sflag:$0x1], $0x10, s8, s11, $0xb8;
	[tilespmem:$0x3380] =	vst v63  }
0x17c: {  	s13 =	rddreg [dreg:$0x8]  }
0x17d: {  	[spmem:s2] =	stream.indirect.scatter.add.f32 [tilespmem:s12], [sflag:$0x1], $0x10, s13, s11, $0xb8;
	[tilespmem:$0x3380] =	vst v63  }
0x17e: {  	s7 =	rddreg [dreg:$0x9]  }
0x17f: {  	[spmem:s2] =	stream.indirect.scatter.add.f32 [tilespmem:s12], [sflag:$0x1], $0x10, s7, s11, $0xb8;
	[tilespmem:$0x3380] =	vst v63  }
0x180: {  	s8 =	rddreg [dreg:$0xa]  }
0x181: {  	[spmem:s2] =	stream.indirect.scatter.add.f32 [tilespmem:s12], [sflag:$0x1], $0x10, s8, s11, $0xb8;
	[tilespmem:$0x3380] =	vst v63  }
0x182: {  	s13 =	rddreg [dreg:$0xb]  }
0x183: {  	[spmem:s2] =	stream.indirect.scatter.add.f32 [tilespmem:s12], [sflag:$0x1], $0x10, s13, s11, $0xb8;
	[tilespmem:$0x3380] =	vst v63  }
0x184: {  	s7 =	rddreg [dreg:$0xc]  }
0x185: {  	[spmem:s2] =	stream.indirect.scatter.add.f32 [tilespmem:s12], [sflag:$0x1], $0x10, s7, s11, $0xb8;
	[tilespmem:$0x3380] =	vst v63  }
0x186: {  	s8 =	rddreg [dreg:$0xd]  }
0x187: {  	[spmem:s2] =	stream.indirect.scatter.add.f32 [tilespmem:s12], [sflag:$0x1], $0x10, s8, s11, $0xb8;
	[tilespmem:$0x3380] =	vst v63  }
0x188: {  	s13 =	rddreg [dreg:$0xe]  }
0x189: {  	[spmem:s2] =	stream.indirect.scatter.add.f32 [tilespmem:s12], [sflag:$0x1], $0x10, s13, s11, $0xb8;
	[tilespmem:$0x3380] =	vst v63  }
0x18a: {  	_ = 	snop  }
0x18b: {  	[spmem:s2] =	stream.indirect.scatter.add.f32 [tilespmem:s12], [sflag:$0x1], $0x10, s14, s11, $0xb8;
	[tilespmem:$0x3380] =	vst v63  }
0x18c: {  	_ = 	snop  }
0x18d: {  	[spmem:s2] =	stream.indirect.scatter.add.f32 [tilespmem:s12], [sflag:$0x1], $0x10, s15, s11, $0xb8;
	[tilespmem:$0x3380] =	vst v63  }
0x18e: {  	_ = 	snop  }
0x18f: {  	[spmem:s2] =	stream.indirect.scatter.add.f32 [tilespmem:s12], [sflag:$0x1], $0x10, s16, s11, $0xb8;
	[tilespmem:$0x3380] =	vst v63  }
0x190: {  	_ = 	snop  }
0x191: {  	[spmem:s2] =	stream.indirect.scatter.add.f32 [tilespmem:s12], [sflag:$0x1], $0x10, s17, s11, $0xb8;
	[tilespmem:$0x3380] =	vst v63  }
0x192: {  	_ = 	snop  }
0x193: {  	[spmem:s2] =	stream.indirect.scatter.add.f32 [tilespmem:s12], [sflag:$0x1], $0x10, s18, s11, $0xb8;
	[tilespmem:$0x3380] =	vst v63  }
0x194: {  	_ = 	snop  }
0x195: {  	[spmem:s2] =	stream.indirect.scatter.add.f32 [tilespmem:s12], [sflag:$0x1], $0x10, s19, s11, $0xb8;
	[tilespmem:$0x3380] =	vst v63  }
0x196: {  	_ = 	snop  }
0x197: {  	[spmem:s2] =	stream.indirect.scatter.add.f32 [tilespmem:s12], [sflag:$0x1], $0x10, s20, s11, $0xb8;
	[tilespmem:$0x3380] =	vst v63  }
0x198: {  	_ = 	snop  }
0x199: {  	[spmem:s2] =	stream.indirect.scatter.add.f32 [tilespmem:s12], [sflag:$0x1], $0x10, s21, s11, $0xb8;
	[tilespmem:$0x3380] =	vst v63  }
0x19a: {  	_ = 	snop  }
0x19b: {  	[spmem:s2] =	stream.indirect.scatter.add.f32 [tilespmem:s12], [sflag:$0x1], $0x10, s22, s11, $0xb8;
	[tilespmem:$0x3380] =	vst v63  }
0x19c: {  	_ = 	snop  }
0x19d: {  	[spmem:s2] =	stream.indirect.scatter.add.f32 [tilespmem:s12], [sflag:$0x1], $0x10, s23, s11, $0xb8;
	[tilespmem:$0x3380] =	vst v63  }
0x19e: {  	_ = 	snop  }
0x19f: {  	[spmem:s2] =	stream.indirect.scatter.add.f32 [tilespmem:s12], [sflag:$0x1], $0x10, s24, s11, $0xb8;
	[tilespmem:$0x3380] =	vst v63  }
0x1a0: {  	_ = 	snop  }
0x1a1: {  	[spmem:s2] =	stream.indirect.scatter.add.f32 [tilespmem:s12], [sflag:$0x1], $0x10, s25, s11, $0xb8;
	[tilespmem:$0x3380] =	vst v63  }
0x1a2: {  	_ = 	snop  }
0x1a3: {  	[spmem:s2] =	stream.indirect.scatter.add.f32 [tilespmem:s12], [sflag:$0x1], $0x10, s26, s11, $0xb8;
	[tilespmem:$0x3380] =	vst v63  }
0x1a4: {  	_ = 	snop  }
0x1a5: {  	[spmem:s2] =	stream.indirect.scatter.add.f32 [tilespmem:s12], [sflag:$0x1], $0x10, s28, s11, $0xb8;
	[tilespmem:$0x3380] =	vst v63  }
0x1a6: {  	_ = 	snop  }
0x1a7: {  	[spmem:s2] =	stream.indirect.scatter.add.f32 [tilespmem:s12], [sflag:$0x1], $0x10, s29, s11, $0xb8;
	[tilespmem:$0x3380] =	vst v63  }
0x1a8: {  	_ = 	snop  }
0x1a9: {  	[spmem:s2] =	stream.indirect.scatter.add.f32 [tilespmem:s12], [sflag:$0x1], $0x10, s30, s11, $0xb8;
	[tilespmem:$0x3380] =	vst v63  }
0x1aa: {  	_ = 	snop  }
0x1ab: {  	[spmem:s2] =	stream.indirect.scatter.add.f32 [tilespmem:s12], [sflag:$0x1], $0x10, s31, s11, $0xb8;
	[tilespmem:$0x3380] =	vst v63  }
0x1ac: {  	_ = 	snop  }
0x1ad: {  	[spmem:s2] =	stream.indirect.scatter.add.f32 [tilespmem:s12], [sflag:$0x1], $0x10, s1, s11, $0xb8;
	[tilespmem:$0x3380] =	vst v63  }
0x1ae: {  	_ = 	snop  }
0x1af: {  	[spmem:s2] =	stream.indirect.scatter.add.f32 [tilespmem:s12], [sflag:$0x1], $0x10, s0, s11, $0xb8;
	[tilespmem:$0x3380] =	vst v63  }
0x1b0: {  	_ = 	snop  }
0x1b1: {  	[spmem:s2] =	stream.indirect.scatter.add.f32 [tilespmem:s12], [sflag:$0x1], $0x10, s4, s11, $0xb8;
	[tilespmem:$0x3380] =	vst v63  }
0x1b2: {  	s23 =	simm.s32 $0x2F40  }
0x1b3: {  	[spmem:s2] =	stream.indirect.scatter.add.f32 [tilespmem:s12], [sflag:$0x1], $0x10, s23, s11, $0xb8;
	[tilespmem:$0x3380] =	vst v63  }
0x1b4: {  	_ =	swait.ge [sflag:s6], $0x400  }
0x1b5: {  	[sflag:s6] =	ssyncset.done $0x0  }
0x1b6: {  	[sflag:s6] =	ssyncadd.s32 $0xFFFFFC00  }
0x1b7: {  	_ =	swait.ge [sflag:s6], $0x400  }
0x1b8: {  	[sflag:s6] =	ssyncset.done $0x0  }
0x1b9: {  	[sflag:s6] =	ssyncadd.s32 $0xFFFFFC00  }
0x1ba: {  	_ =	swait.ge [sflag:s6], $0x400  }
0x1bb: {  	[sflag:s6] =	ssyncset.done $0x0  }
0x1bc: {  	[sflag:s6] =	ssyncadd.s32 $0xFFFFFC00  }
0x1bd: {  	_ =	swait.ge [sflag:s6], $0x400  }
0x1be: {  	[sflag:s6] =	ssyncset.done $0x0  }
0x1bf: {  	[sflag:s6] =	ssyncadd.s32 $0xFFFFFC00  }
0x1c0: {  	_ =	swait.ge [sflag:s6], $0x400  }
0x1c1: {  	[sflag:s6] =	ssyncset.done $0x0  }
0x1c2: {  	[sflag:s6] =	ssyncadd.s32 $0xFFFFFC00  }
0x1c3: {  	_ =	swait.ge [sflag:s6], $0x400  }
0x1c4: {  	[sflag:s6] =	ssyncset.done $0x0  }
0x1c5: {  	[sflag:s6] =	ssyncadd.s32 $0xFFFFFC00  }
0x1c6: {  	_ =	swait.ge [sflag:s6], $0x400  }
0x1c7: {  	[sflag:s6] =	ssyncset.done $0x0  }
0x1c8: {  	[sflag:s6] =	ssyncadd.s32 $0xFFFFFC00  }
0x1c9: {  	_ =	swait.ge [sflag:s6], $0x400  }
0x1ca: {  	[sflag:s6] =	ssyncset.done $0x0  }
0x1cb: {  	[sflag:s6] =	ssyncadd.s32 $0xFFFFFC00  }
0x1cc: {  	_ =	swait.ge [sflag:s6], $0x400  }
0x1cd: {  	[sflag:s6] =	ssyncset.done $0x0  }
0x1ce: {  	[sflag:s6] =	ssyncadd.s32 $0xFFFFFC00  }
0x1cf: {  	_ =	swait.ge [sflag:s6], $0x400  }
0x1d0: {  	[sflag:s6] =	ssyncset.done $0x0  }
0x1d1: {  	[sflag:s6] =	ssyncadd.s32 $0xFFFFFC00  }
0x1d2: {  	_ =	swait.ge [sflag:s6], $0x400  }
0x1d3: {  	[sflag:s6] =	ssyncset.done $0x0  }
0x1d4: {  	[sflag:s6] =	ssyncadd.s32 $0xFFFFFC00  }
0x1d5: {  	_ =	swait.ge [sflag:s6], $0x400  }
0x1d6: {  	[sflag:s6] =	ssyncset.done $0x0  }
0x1d7: {  	[sflag:s6] =	ssyncadd.s32 $0xFFFFFC00  }
0x1d8: {  	_ =	swait.ge [sflag:s6], $0x400  }
0x1d9: {  	[sflag:s6] =	ssyncset.done $0x0  }
0x1da: {  	[sflag:s6] =	ssyncadd.s32 $0xFFFFFC00  }
0x1db: {  	_ =	swait.ge [sflag:s6], $0x400  }
0x1dc: {  	[sflag:s6] =	ssyncset.done $0x0  }
0x1dd: {  	[sflag:s6] =	ssyncadd.s32 $0xFFFFFC00  }
0x1de: {  	_ =	swait.ge [sflag:s6], $0x400  }
0x1df: {  	[sflag:s6] =	ssyncset.done $0x0  }
0x1e0: {  	[sflag:s6] =	ssyncadd.s32 $0xFFFFFC00  }
0x1e1: {  	_ =	swait.ge [sflag:s6], $0x400  }
0x1e2: {  	[sflag:s6] =	ssyncset.done $0x0  }
0x1e3: {  	[sflag:s6] =	ssyncadd.s32 $0xFFFFFC00  }
0x1e4: {  	_ =	swait.ge [sflag:s6], $0x400  }
0x1e5: {  	[sflag:s6] =	ssyncset.done $0x0  }
0x1e6: {  	[sflag:s6] =	ssyncadd.s32 $0xFFFFFC00  }
0x1e7: {  	_ =	swait.ge [sflag:s6], $0x400  }
0x1e8: {  	[sflag:s6] =	ssyncset.done $0x0  }
0x1e9: {  	[sflag:s6] =	ssyncadd.s32 $0xFFFFFC00  }
0x1ea: {  	_ =	swait.ge [sflag:s6], $0x400  }
0x1eb: {  	[sflag:s6] =	ssyncset.done $0x0  }
0x1ec: {  	[sflag:s6] =	ssyncadd.s32 $0xFFFFFC00  }
0x1ed: {  	_ =	swait.ge [sflag:s6], $0x400  }
0x1ee: {  	[sflag:s6] =	ssyncset.done $0x0  }
0x1ef: {  	[sflag:s6] =	ssyncadd.s32 $0xFFFFFC00  }
0x1f0: {  	_ =	swait.ge [sflag:s6], $0x400  }
0x1f1: {  	[sflag:s6] =	ssyncset.done $0x0  }
0x1f2: {  	[sflag:s6] =	ssyncadd.s32 $0xFFFFFC00  }
0x1f3: {  	_ =	swait.ge [sflag:s6], $0x400  }
0x1f4: {  	[sflag:s6] =	ssyncset.done $0x0  }
0x1f5: {  	[sflag:s6] =	ssyncadd.s32 $0xFFFFFC00  }
0x1f6: {  	_ =	swait.ge [sflag:s6], $0x400  }
0x1f7: {  	[sflag:s6] =	ssyncset.done $0x0  }
0x1f8: {  	[sflag:s6] =	ssyncadd.s32 $0xFFFFFC00  }
0x1f9: {  	_ =	swait.ge [sflag:s6], $0x400  }
0x1fa: {  	[sflag:s6] =	ssyncset.done $0x0  }
0x1fb: {  	[sflag:s6] =	ssyncadd.s32 $0xFFFFFC00  }
0x1fc: {  	_ =	swait.ge [sflag:s6], $0x400  }
0x1fd: {  	[sflag:s6] =	ssyncset.done $0x0  }
0x1fe: {  	[sflag:s6] =	ssyncadd.s32 $0xFFFFFC00  }
0x1ff: {  	_ =	swait.ge [sflag:s6], $0x400  }
0x200: {  	[sflag:s6] =	ssyncset.done $0x0  }
0x201: {  	[sflag:s6] =	ssyncadd.s32 $0xFFFFFC00  }
0x202: {  	_ =	swait.ge [sflag:s6], $0x400  }
0x203: {  	[sflag:s6] =	ssyncset.done $0x0  }
0x204: {  	[sflag:s6] =	ssyncadd.s32 $0xFFFFFC00  }
0x205: {  	_ =	swait.ge [sflag:s6], $0x400  }
0x206: {  	[sflag:s6] =	ssyncset.done $0x0  }
0x207: {  	[sflag:s6] =	ssyncadd.s32 $0xFFFFFC00  }
0x208: {  	_ =	swait.ge [sflag:s6], $0x400  }
0x209: {  	[sflag:s6] =	ssyncset.done $0x0  }
0x20a: {  	[sflag:s6] =	ssyncadd.s32 $0xFFFFFC00  }
0x20b: {  	_ =	swait.ge [sflag:s6], $0x400  }
0x20c: {  	[sflag:s6] =	ssyncset.done $0x0  }
0x20d: {  	[sflag:s6] =	ssyncadd.s32 $0xFFFFFC00  }
0x20e: {  	_ =	swait.ge [sflag:s6], $0x400  }
0x20f: {  	[sflag:s6] =	ssyncset.done $0x0  }
0x210: {  	[sflag:s6] =	ssyncadd.s32 $0xFFFFFC00  }
0x211: {  	_ =	swait.ge [sflag:s6], $0x400  }
0x212: {  	[sflag:s6] =	ssyncset.done $0x0  }
0x213: {  	[sflag:s6] =	ssyncadd.s32 $0xFFFFFC00  }
0x214: {  	[bflag:$0x0] =	sbarrier.arrive $0xFFFF  }
0x215: {  	s7 =	rddreg [dreg:$0x10]  }
0x216: {  	s8 =	simm.s32 $0x0;
	s13 =	simm.s32 $0x2A40;
	s24 =	rddreg [dreg:$0x11]  }
0x217: {  	s14 =	simm.s32 $0x2A80;
	s15 =	simm.s32 $0x2AC0;
	s5 =	rddreg [dreg:$0x13]  }
0x218: {  	[hbm:s24], [sflag:s7] =	dma.local [spmem:s5], $0x4F0  }
0x219: {  	s16 =	simm.s32 $0x2B00;
	s17 =	simm.s32 $0x2B40;
	_ =	swait.ge [sflag:s9], $0x4F0  }
0x21a: {  	s18 =	simm.s32 $0x2B80;
	s19 =	simm.s32 $0x2BC0;
	s25 =	rddreg [dreg:$0x14]  }
0x21b: {  	s20 =	simm.s32 $0x2C00;
	s26 =	rddreg [dreg:$0x12];
	s0 =	sadd.s32 $0x1, s25  }
0x21c: {  	s21 =	simm.s32 $0x2C40;
	s22 =	simm.s32 $0x2C80;
	p0 =	sne.s32 s0, s26  }
.Ltmp2:
0x21d: {  	s28 =	simm.s32 $0x2DC0;
	s29 =	simm.s32 $0x2E00;
	(pc) =	sbr.rel @p0 .LBB2_1-.Ltmp2, $4  }
0x21e: {  	s30 =	simm.s32 $0x2E40;
	s31 =	simm.s32 $0x2F40;
	s1 =	simm.s32 $0x2E80  }
0x21f: {  	s4 =	simm.s32 $0x2F00;
	s23 =	simm.s32 $0x2CC0;
	[sflag:s9] =	ssyncset.done $0x0  }
0x220: {  	s24 =	simm.s32 $0x2D00;
	[sflag:s9] =	ssyncadd.s32 $0xFFFFFB10;
	s25 =	simm.s32 $0x2D40  }
0x221: {  	[dreg:$0x14] =	wrdreg s0;
	s26 =	simm.s32 $0x2D80;
	s0 =	simm.s32 $0x2EC0  }
0x222: {  	_ =	sfence.sel $0x180000  }
0x223: {  	[bflag:$0x0] =	sbarrier.arrive $0xFFFF  }
0x224: {  	_ =	strace $0x90000047  }
0x225: {  	s0 =	stileid.u32;
	[bflag:$0x2] =	sbarrier.arrive $0xFFFF  }
0x226: {  	p0 =	sne.s32 s0, $0x0;
	s0 =	rddreg [dreg:$0x3]  }
0x227: {  	s0 =	sadd.s32 @!p0 $0x100000, s0  }
0x228: {  	[sflag:s0] =	ssyncadd.tile.s32 @!p0 $0x1;
	_ =	shalt  }
.Lfunc_end2:
_tile_overlayer_lowered:
.L_overlay_start_2:
0x229: {  	(tag) =	ssettag $0x2  }
0x22a: {  	s0 =	rddreg [dreg:$0x0];
	s2 =	stileid.u32  }
0x22b: {  	s1 =	rddreg [dreg:$0x1];
	p0 =	sne.s32 s2, $0x0  }
0x22c: {  	s3 =	rddreg [dreg:$0x2];
	[bflag:$0x3] =	sbarrier.arrive $0xFFFF;
	s2 =	simm.s32 @!p0 $0x1C02  }
0x22d: {  	[timem:s3], [sflag:s2] =	dma.local @!p0 [hbm:s0], s1  }
0x22e: {  	s0 =	simm.s32 @!p0 $0x2  }
0x22f: {  	_ =	swait.ge @!p0 [sflag:s0], s1  }
0x230: {  	s1 =	ssub.s32 @!p0 $0x0, s1;
	[sflag:s0] =	ssyncset.done @!p0 $0x0  }
0x231: {  	[sflag:s0] =	ssyncadd.s32 @!p0 s1  }
0x232: {  	[bflag:$0x3] =	sbarrier.arrive $0xFFFF  }
0x233: {  	_ =	shalt  }

</sc_bundles>
